<compile_context>
chip_gen: v7x
topology: tpu7x:2x2x1
jax: 0.10.2.dev20260603
libtpu: 0.0.44.dev20260713+nightly
codegen_flags: <defaults>
</compile_context>

<pallas_src>
import dataclasses
import functools

import jax
import jax.numpy as jnp
from jax import lax
from jax.experimental import pallas as pl
from jax.experimental.pallas import tpu as pltpu
from jax.experimental.pallas import tpu_sc as plsc

_G = 16
_N = 10000
_E = 320000
_H = 128
_PW = 64
_ROW = 80
_NC = 2
_NS = 16
_NW = _NS
_EW = _E // _NW
_CHUNK = 160
_NCHUNK = _EW // _CHUNK
_NP = 10240
_RPT = _NP // _NS
_BLK = 1000
_NBLK = _N // _BLK



def _enc_body(x_ref, w_ref, b_ref, o_ref):
    o_ref[...] = jnp.dot(x_ref[...], w_ref[...],
                         preferred_element_type=jnp.float32) + b_ref[...]


def _encode(x, W, b):
    return pl.pallas_call(
        _enc_body,
        grid=(_NBLK,),
        in_specs=[pl.BlockSpec((_BLK, _H), lambda i: (i, 0)),
                  pl.BlockSpec((_H, _H), lambda i: (0, 0)),
                  pl.BlockSpec((1, _H), lambda i: (0, 0))],
        out_specs=pl.BlockSpec((_BLK, _H), lambda i: (i, 0)),
        out_shape=jax.ShapeDtypeStruct((_N, _H), jnp.float32),
    )(x, W, b.reshape(1, _H))


def _tca_body(h_ref, w_ref, a8_ref, m_ref, ht2_ref, s_ref, ssum_ref):
    i = pl.program_id(0)
    ht = jnp.dot(h_ref[...], w_ref[...], preferred_element_type=jnp.float32)
    ht2_ref[0] = ht[:, :_PW]
    ht2_ref[1] = ht[:, _PW:]
    s8 = lax.dot_general(a8_ref[...], ht, (((1,), (1,)), ((), ())),
                         preferred_element_type=jnp.float32)
    s_ref[0] = s8
    ssum_ref[...] = jnp.dot(ht, m_ref[...],
                            preferred_element_type=jnp.float32)


def _tca(h, W, a8, M):
    return pl.pallas_call(
        _tca_body,
        grid=(_NBLK,),
        in_specs=[pl.BlockSpec((_BLK, _H), lambda i: (i, 0)),
                  pl.BlockSpec((_H, _H), lambda i: (0, 0)),
                  pl.BlockSpec((8, _H), lambda i: (0, 0)),
                  pl.BlockSpec((_H, _H), lambda i: (0, 0))],
        out_specs=[pl.BlockSpec((_NC, _BLK, _PW), lambda i: (0, i, 0)),
                   pl.BlockSpec((1, 8, _BLK), lambda i: (i, 0, 0)),
                   pl.BlockSpec((_BLK, _H), lambda i: (i, 0))],
        out_shape=[jax.ShapeDtypeStruct((_NC, _N, _PW), jnp.float32),
                   jax.ShapeDtypeStruct((_NBLK, 8, _BLK), jnp.float32),
                   jax.ShapeDtypeStruct((_N, _H), jnp.float32)],
    )(h, W, a8, M)


def _tcc_body(p0_ref, p1_ref, ht2_ref, ssum_ref, b_ref, o_ref):
    p0 = p0_ref[...]
    p1 = p1_ref[...]
    numer = jnp.concatenate([p0[:, :_PW], p1[:, :_PW]], axis=1)
    ht = jnp.concatenate([ht2_ref[0], ht2_ref[1]], axis=1)
    den = p0[:, _PW:_PW + 1]
    eas = p0[:, _PW + 1:_PW + 2]
    cn = p0[:, _PW + 2:_PW + 3]
    a = ssum_ref[...] + eas / jnp.maximum(cn, 1.0)
    wself = jnp.exp(jnp.maximum(a, 0.2 * a))
    o_ref[...] = jnp.maximum(
        (numer + wself * ht) / (den + wself) + b_ref[...], 0.0)


def _tcc(p0, p1, ht2, ssum, b):
    return pl.pallas_call(
        _tcc_body,
        grid=(_NBLK,),
        in_specs=[pl.BlockSpec((_BLK, _ROW), lambda i: (i, 0)),
                  pl.BlockSpec((_BLK, _ROW), lambda i: (i, 0)),
                  pl.BlockSpec((_NC, _BLK, _PW), lambda i: (0, i, 0)),
                  pl.BlockSpec((_BLK, _H), lambda i: (i, 0)),
                  pl.BlockSpec((1, _H), lambda i: (0, 0))],
        out_specs=pl.BlockSpec((_BLK, _H), lambda i: (i, 0)),
        out_shape=jax.ShapeDtypeStruct((_N, _H), jnp.float32),
    )(p0, p1, ht2, ssum, b.reshape(1, _H))


def _tcp_body(h_ref, b3_ref, o_ref, pool, cntv):
    i = pl.program_id(0)

    @pl.when(i == 0)
    def _():
        pool[...] = jnp.zeros_like(pool)
        cntv[...] = jnp.zeros_like(cntv)

    b2 = b3_ref[0]
    gids = lax.broadcasted_iota(jnp.int32, (_G, _BLK), 0)
    mask = (jnp.broadcast_to(b2, (_G, _BLK)) == gids).astype(jnp.float32)
    pool[...] += jnp.dot(mask, h_ref[...], preferred_element_type=jnp.float32)
    cntv[...] += jnp.sum(mask, axis=1, keepdims=True) \
        * jnp.ones((1, _H), jnp.float32)

    @pl.when(i == pl.num_programs(0) - 1)
    def _():
        o_ref[...] = pool[...] / jnp.maximum(cntv[...], 1.0)


def _tcp(h, batch3):
    return pl.pallas_call(
        _tcp_body,
        grid=(_NBLK,),
        in_specs=[pl.BlockSpec((_BLK, _H), lambda i: (i, 0)),
                  pl.BlockSpec((1, 1, _BLK), lambda i: (i, 0, 0))],
        out_specs=pl.BlockSpec((_G, _H), lambda i: (0, 0)),
        out_shape=jax.ShapeDtypeStruct((_G, _H), jnp.float32),
        scratch_shapes=[pltpu.VMEM((_G, _H), jnp.float32),
                        pltpu.VMEM((_G, _H), jnp.float32)],
    )(h, batch3)



def _sc_edge_body(ht_hbm, s_hbm, pack_hbm, vv_hbm, out_hbm,
                  ssrc_v, sdst_v, pack_v, vv_v, gbuf, stage,
                  acc, sem, sem2, sem3):
    cid = lax.axis_index("c")
    sid = lax.axis_index("s")

    score_cps = []
    for i in range(_NBLK):
        score_cps.append(pltpu.async_copy(
            s_hbm.at[i, 0], ssrc_v.at[pl.ds(i * _BLK, _BLK)], sem2))
        score_cps.append(pltpu.async_copy(
            s_hbm.at[i, 1], sdst_v.at[pl.ds(i * _BLK, _BLK)], sem2))
    pltpu.sync_copy(vv_hbm, vv_v)
    for cp in score_cps:
        cp.wait()

    z16 = jnp.zeros((16,), jnp.float32)

    @pl.loop(0, 2)
    def _(b):
        @pl.loop(0, _CHUNK)
        def _(r):
            @pl.loop(0, _ROW // 16)
            def _(j):
                stage[b, r, pl.ds(j * 16, 16)] = z16

    @pl.loop(0, _RPT // _CHUNK)
    def _(k):
        pltpu.sync_copy(stage.at[0],
                        acc.at[pl.ds(sid * _RPT + k * _CHUNK, _CHUNK)])

    plsc.subcore_barrier()

    iota16 = lax.iota(jnp.int32, 16)
    vv0 = vv_v[0, :]
    vv1 = vv_v[1, :]
    vv2 = vv_v[2, :]
    vv3 = vv_v[3, :]
    ones16 = jnp.ones((16,), jnp.float32)
    cw = jnp.full((16,), _PW, jnp.int32)
    cea = jnp.full((16,), _PW + 1, jnp.int32)
    cone = jnp.full((16,), _PW + 2, jnp.int32)
    my_ht = ht_hbm.at[cid]

    bf32 = functools.partial(lax.bitcast_convert_type,
                             new_dtype=jnp.float32)
    pltpu.sync_copy(pack_hbm.at[sid, 0], pack_v.at[0])
    pltpu.async_copy(pack_hbm.at[sid, 1], pack_v.at[1], sem2)
    pltpu.async_copy(my_ht.at[pack_v.at[0, 0]], gbuf.at[0], sem)

    @pl.loop(0, _NCHUNK)
    def _(g):
        s0 = lax.rem(g, 5)
        s1 = lax.rem(g + 1, 5)
        s2 = lax.rem(g + 2, 5)
        cb = lax.rem(g, 2)
        nb = lax.rem(g + 1, 2)
        cbs = jnp.broadcast_to(cb, (16,))

        @pl.when(g + 1 < _NCHUNK)
        def _():
            pltpu.make_async_copy(pack_hbm.at[sid, 0], pack_v.at[0],
                                  sem2).wait()
            pltpu.async_copy(my_ht.at[pack_v.at[s1, 0]], gbuf.at[nb], sem)

        @pl.when(g + 2 < _NCHUNK)
        def _():
            pltpu.async_copy(pack_hbm.at[sid, g + 2], pack_v.at[s2], sem2)

        @pl.when(g >= 2)
        def _():
            pltpu.make_async_copy(stage.at[cb], acc.at[pack_v.at[0, 1]],
                                  sem3).wait()

        @pl.loop(0, _CHUNK // 16)
        def _(j):
            s16 = pack_v[s0, 0, pl.ds(j * 16, 16)]
            d16 = pack_v[s0, 1, pl.ds(j * 16, 16)]
            ea16 = (bf32(pack_v[s0, 2, pl.ds(j * 16, 16)]) * vv0
                    + bf32(pack_v[s0, 3, pl.ds(j * 16, 16)]) * vv1
                    + bf32(pack_v[s0, 4, pl.ds(j * 16, 16)]) * vv2
                    + bf32(pack_v[s0, 5, pl.ds(j * 16, 16)]) * vv3)
            a16 = (plsc.load_gather(ssrc_v, [s16])
                   + plsc.load_gather(sdst_v, [d16]) + ea16)
            w16 = jnp.exp(jnp.maximum(a16, a16 * 0.2))
            ridx = j * 16 + iota16
            plsc.store_scatter(stage, [cbs, ridx, cw], w16)
            plsc.store_scatter(stage, [cbs, ridx, cea], ea16)
            plsc.store_scatter(stage, [cbs, ridx, cone], ones16)

        pltpu.make_async_copy(my_ht.at[pack_v.at[s0, 0]], gbuf.at[cb],
                              sem).wait()

        @plsc.parallel_loop(0, _CHUNK, unroll=4)
        def _(r):
            rr = jnp.broadcast_to(r, (16,))
            w16 = plsc.load_gather(stage, [cbs, rr, cw])
            for j in range(_PW // 16):
                stage[cb, r, pl.ds(j * 16, 16)] = \
                    gbuf[cb, r, pl.ds(j * 16, 16)] * w16

        pltpu.async_copy(stage.at[cb], acc.at[pack_v.at[s0, 1]], sem3,
                         add=True)

    pltpu.make_async_copy(stage.at[0], acc.at[pack_v.at[0, 1]], sem3).wait()
    pltpu.make_async_copy(stage.at[1], acc.at[pack_v.at[0, 1]], sem3).wait()

    plsc.subcore_barrier()

    pltpu.sync_copy(acc.at[pl.ds(sid * _RPT, _RPT)],
                    out_hbm.at[cid, pl.ds(sid * _RPT, _RPT)])


def _sc_compiler_params():
    cp = pltpu.CompilerParams()
    fields = pltpu.CompilerParams.__dataclass_fields__
    if "needs_layout_passes" in fields:
        cp = dataclasses.replace(cp, needs_layout_passes=False)
    if "use_tc_tiling_on_sc" in fields:
        cp = dataclasses.replace(cp, use_tc_tiling_on_sc=False)
    return cp


def _sc_edge(ht2, S, pack, vv):
    kern = pl.kernel(
        _sc_edge_body,
        out_type=jax.ShapeDtypeStruct((_NC, _NP, _ROW), jnp.float32),
        mesh=plsc.VectorSubcoreMesh(core_axis_name="c", subcore_axis_name="s"),
        scratch_types=[
            pltpu.VMEM((_N,), jnp.float32),
            pltpu.VMEM((_N,), jnp.float32),
            pltpu.VMEM((5, 6, _CHUNK), jnp.int32),
            pltpu.VMEM((4, 16), jnp.float32),
            pltpu.VMEM((2, _CHUNK, _PW), jnp.float32),
            pltpu.VMEM((2, _CHUNK, _ROW), jnp.float32),
            pltpu.VMEM_SHARED((_NP, _ROW), jnp.float32),
            pltpu.SemaphoreType.DMA,
            pltpu.SemaphoreType.DMA,
            pltpu.SemaphoreType.DMA,
        ],
        compiler_params=_sc_compiler_params(),
    )
    return kern(ht2, S, pack, vv)



def kernel(x, edge_index, edge_attr, batch, W_enc, b_enc, W_lin, att_src,
           att_dst, W_edge, att_edge, b_gat):
    src = edge_index[0].astype(jnp.int32)
    dst = edge_index[1].astype(jnp.int32)
    nl = W_lin.shape[0]

    src_r = src.reshape(_NW, _NCHUNK, 1, _CHUNK)
    dst_r = dst.reshape(_NW, _NCHUNK, 1, _CHUNK)
    eab = lax.bitcast_convert_type(edge_attr, jnp.int32)
    eat_r = eab.T.reshape(4, _NW, _NCHUNK, _CHUNK).transpose(1, 2, 0, 3)
    pack = jnp.concatenate([src_r, dst_r, eat_r], axis=2)
    batch3 = batch.astype(jnp.int32).reshape(_NBLK, 1, _BLK)
    V = jnp.einsum("lch,lh->lc", W_edge, att_edge)

    h = _encode(x, W_enc, b_enc)
    for l in range(nl):
        a8 = jnp.concatenate(
            [att_src[l][None, :], att_dst[l][None, :],
             jnp.zeros((6, _H), jnp.float32)], axis=0)
        M = jnp.broadcast_to((att_src[l] + att_dst[l])[:, None], (_H, _H))
        ht2, S, ssum = _tca(h, W_lin[l], a8, M)
        vv = jnp.broadcast_to(V[l][:, None], (4, 16))
        P = _sc_edge(ht2, S, pack, vv)
        h = _tcc(P[0], P[1], ht2, ssum, b_gat[l])
    return _tcp(h, batch3)

# --- scband reference (transcript-rebuilt; emitter-appended) ---
"""Pipeline reference for scband-protein-gnn-87514253623367 (READ-ONLY COPY).

The authoritative reference and input builder live on the scoring server;
editing this copy changes nothing except your own understanding.
"""

import jax, jax.numpy as jnp
import numpy as np

N = 10000
E = 320000
D_IN = 128
H = 128
D_EDGE = 4
L = 3
G = 16


def setup_inputs(seed: int = 0) -> dict:
    key = jax.random.key(seed)
    ks = jax.random.split(key, 12)
    x = jax.random.normal(ks[0], (N, D_IN), dtype=jnp.float32)
    edge_index = jax.random.randint(ks[1], (2, E), 0, N)
    edge_attr = jax.random.uniform(ks[2], (E, D_EDGE), dtype=jnp.float32)
    batch = jnp.sort(jax.random.randint(ks[3], (N,), 0, G))
    W_enc = jax.random.normal(ks[4], (D_IN, H), dtype=jnp.float32) * 0.05
    b_enc = jnp.zeros((H,), dtype=jnp.float32)
    W_lin = jax.random.normal(ks[5], (L, H, H), dtype=jnp.float32) * 0.05
    att_src = jax.random.normal(ks[6], (L, H), dtype=jnp.float32) * 0.05
    att_dst = jax.random.normal(ks[7], (L, H), dtype=jnp.float32) * 0.05
    W_edge = jax.random.normal(ks[8], (L, D_EDGE, H), dtype=jnp.float32) * 0.05
    att_edge = jax.random.normal(ks[9], (L, H), dtype=jnp.float32) * 0.05
    b_gat = jnp.zeros((L, H), dtype=jnp.float32)
    return {"x": x, "edge_index": edge_index, "edge_attr": edge_attr, "batch": batch,
            "W_enc": W_enc, "b_enc": b_enc, "W_lin": W_lin, "att_src": att_src,
            "att_dst": att_dst, "W_edge": W_edge, "att_edge": att_edge, "b_gat": b_gat}


def gat_layer(h, src, dst, eattr, W, a_s, a_d, We, a_e, b):
    n = h.shape[0]
    e = src.shape[0]
    # add self loops (PyG GATConv default add_self_loops=True, fill_value='mean':
    # self-loop edge attr = mean of edge attrs of incoming edges)
    cnt = jax.ops.segment_sum(jnp.ones((e,), dtype=h.dtype), dst, num_segments=n)
    loop_attr = jax.ops.segment_sum(eattr, dst, num_segments=n) / jnp.maximum(cnt, 1.0)[:, None]
    src_f = jnp.concatenate([src, jnp.arange(n, dtype=src.dtype)])
    dst_f = jnp.concatenate([dst, jnp.arange(n, dtype=dst.dtype)])
    eattr_f = jnp.concatenate([eattr, loop_attr], axis=0)
    ht = h @ W
    et = eattr_f @ We
    alpha = (ht * a_s).sum(-1)[src_f] + (ht * a_d).sum(-1)[dst_f] + (et * a_e).sum(-1)
    alpha = jax.nn.leaky_relu(alpha, 0.2)
    # softmax over edges grouped by destination node
    amax = jax.ops.segment_max(alpha, dst_f, num_segments=n)
    amax = jnp.where(jnp.isfinite(amax), amax, 0.0)
    ex = jnp.exp(alpha - amax[dst_f])
    denom = jax.ops.segment_sum(ex, dst_f, num_segments=n)
    coef = ex / (denom[dst_f] + 1e-16)
    out = jax.ops.segment_sum(coef[:, None] * ht[src_f], dst_f, num_segments=n) + b
    return out


def reference(x, edge_index, edge_attr, batch, W_enc, b_enc, W_lin, att_src, att_dst, W_edge, att_edge, b_gat):
    src, dst = edge_index[0], edge_index[1]
    h = x @ W_enc + b_enc
    for l in range(L):
        h = gat_layer(h, src, dst, edge_attr, W_lin[l], att_src[l], att_dst[l], W_edge[l], att_edge[l], b_gat[l])
        h = jax.nn.relu(h)
    # global mean pool over graphs in the batch
    cnt = jax.ops.segment_sum(jnp.ones((h.shape[0],), dtype=h.dtype), batch, num_segments=G)
    out = jax.ops.segment_sum(h, batch, num_segments=G) / jnp.maximum(cnt, 1.0)[:, None]
    return out

if __name__ == "__main__":
    import jax
    _d = setup_inputs()
    print(jax.jit(kernel)(*tuple(_d.values())))

</pallas_src>

<mosaic_0001>
#map = affine_map<(d0, d1) -> (0, 0, 0)>
#map1 = affine_map<(d0, d1) -> (0, 0, 0, 0)>
#map2 = affine_map<(d0, d1) -> (0, 0)>
module attributes {stable_mosaic.version = 14 : i64} {
  func.func @_sc_edge_body(%arg0: i32, %arg1: i32, %arg2: memref<2x10000x64xf32, #tpu.memory_space<hbm>>, %arg3: memref<10x8x1000xf32, #tpu.memory_space<hbm>>, %arg4: memref<16x125x6x160xi32, #tpu.memory_space<hbm>>, %arg5: memref<4x16xf32, #tpu.memory_space<hbm>>, %arg6: memref<2x10240x80xf32, #tpu.memory_space<hbm>>, %arg7: memref<10000xf32, #tpu.memory_space<vmem>>, %arg8: memref<10000xf32, #tpu.memory_space<vmem>>, %arg9: memref<5x6x160xi32, #tpu.memory_space<vmem>>, %arg10: memref<4x16xf32, #tpu.memory_space<vmem>>, %arg11: memref<2x160x64xf32, #tpu.memory_space<vmem>>, %arg12: memref<2x160x80xf32, #tpu.memory_space<vmem>>, %arg13: memref<10240x80xf32, #tpu.memory_space<vmem_shared>>, %arg14: memref<!tpu.dma_semaphore, #tpu.memory_space<semaphore_mem>>, %arg15: memref<!tpu.dma_semaphore, #tpu.memory_space<semaphore_mem>>, %arg16: memref<!tpu.dma_semaphore, #tpu.memory_space<semaphore_mem>>) attributes {dimension_semantics = [#tpu.dimension_semantics<core_parallel>, #tpu.dimension_semantics<subcore_parallel>], iteration_bounds = array<i64: 2, 16>, scalar_prefetch = 0 : i64, scratch_operands = 10 : i64, tpu.core_type = #tpu.core_type<sc_vector_subcore>, window_params = [{transform_indices = #map}, {transform_indices = #map}, {transform_indices = #map1}, {transform_indices = #map2}, {transform_indices = #map}]} {
    %dma_start3A = arith.constant 0 : i32
    %dma_start3A_0 = arith.constant 0 : i32
    %dma_start3A_1 = arith.constant 0 : i32
    %dma_start3A_2 = tpu.memref_slice %arg7[%dma_start3A_1] : memref<10000xf32, #tpu.memory_space<vmem>> -> memref<1000xf32, #tpu.memory_space<vmem>>
    %dma_start3A_3 = arith.constant 0 : i32
    %dma_start3A_4 = tpu.memref_slice %arg3[%dma_start3A, %dma_start3A_0, %dma_start3A_3] : memref<10x8x1000xf32, #tpu.memory_space<hbm>> -> memref<1x1x1000xf32, #tpu.memory_space<hbm>>
    %dma_start3A_5 = tpu.memref_squeeze %dma_start3A_4 : memref<1x1x1000xf32, #tpu.memory_space<hbm>> -> memref<1000xf32, #tpu.memory_space<hbm>>
    %dma_start3A_6 = arith.constant 0 : i32
    %dma_start3A_7 = tpu.memref_slice %arg7[%dma_start3A_6] : memref<10000xf32, #tpu.memory_space<vmem>> -> memref<1000xf32, #tpu.memory_space<vmem>>
    %dma_start3A_8 = arith.constant 0 : i32
    %dma_start3A_9 = tpu.memref_slice %arg3[%dma_start3A, %dma_start3A_0, %dma_start3A_8] : memref<10x8x1000xf32, #tpu.memory_space<hbm>> -> memref<1x1x1000xf32, #tpu.memory_space<hbm>>
    %dma_start3A_10 = tpu.memref_squeeze %dma_start3A_9 : memref<1x1x1000xf32, #tpu.memory_space<hbm>> -> memref<1000xf32, #tpu.memory_space<hbm>>
    tpu.enqueue_dma source(%dma_start3A_10 : memref<1000xf32, #tpu.memory_space<hbm>>) target(%dma_start3A_7 : memref<1000xf32, #tpu.memory_space<vmem>>) target_semaphore(%arg15 : memref<!tpu.dma_semaphore, #tpu.memory_space<semaphore_mem>>)
    %dma_start3A_11 = arith.constant 0 : i32
    %dma_start3A_12 = arith.constant 1 : i32
    %dma_start3A_13 = arith.constant 0 : i32
    %dma_start3A_14 = tpu.memref_slice %arg8[%dma_start3A_13] : memref<10000xf32, #tpu.memory_space<vmem>> -> memref<1000xf32, #tpu.memory_space<vmem>>
    %dma_start3A_15 = arith.constant 0 : i32
    %dma_start3A_16 = tpu.memref_slice %arg3[%dma_start3A_11, %dma_start3A_12, %dma_start3A_15] : memref<10x8x1000xf32, #tpu.memory_space<hbm>> -> memref<1x1x1000xf32, #tpu.memory_space<hbm>>
    %dma_start3A_17 = tpu.memref_squeeze %dma_start3A_16 : memref<1x1x1000xf32, #tpu.memory_space<hbm>> -> memref<1000xf32, #tpu.memory_space<hbm>>
    %dma_start3A_18 = arith.constant 0 : i32
    %dma_start3A_19 = tpu.memref_slice %arg8[%dma_start3A_18] : memref<10000xf32, #tpu.memory_space<vmem>> -> memref<1000xf32, #tpu.memory_space<vmem>>
    %dma_start3A_20 = arith.constant 0 : i32
    %dma_start3A_21 = tpu.memref_slice %arg3[%dma_start3A_11, %dma_start3A_12, %dma_start3A_20] : memref<10x8x1000xf32, #tpu.memory_space<hbm>> -> memref<1x1x1000xf32, #tpu.memory_space<hbm>>
    %dma_start3A_22 = tpu.memref_squeeze %dma_start3A_21 : memref<1x1x1000xf32, #tpu.memory_space<hbm>> -> memref<1000xf32, #tpu.memory_space<hbm>>
    tpu.enqueue_dma source(%dma_start3A_22 : memref<1000xf32, #tpu.memory_space<hbm>>) target(%dma_start3A_19 : memref<1000xf32, #tpu.memory_space<vmem>>) target_semaphore(%arg15 : memref<!tpu.dma_semaphore, #tpu.memory_space<semaphore_mem>>)
    %dma_start3A_23 = arith.constant 1 : i32
    %dma_start3A_24 = arith.constant 0 : i32
    %dma_start3A_25 = arith.constant 1000 : i32
    %dma_start3A_26 = tpu.memref_slice %arg7[%dma_start3A_25] : memref<10000xf32, #tpu.memory_space<vmem>> -> memref<1000xf32, #tpu.memory_space<vmem>>
    %dma_start3A_27 = arith.constant 0 : i32
    %dma_start3A_28 = tpu.memref_slice %arg3[%dma_start3A_23, %dma_start3A_24, %dma_start3A_27] : memref<10x8x1000xf32, #tpu.memory_space<hbm>> -> memref<1x1x1000xf32, #tpu.memory_space<hbm>>
    %dma_start3A_29 = tpu.memref_squeeze %dma_start3A_28 : memref<1x1x1000xf32, #tpu.memory_space<hbm>> -> memref<1000xf32, #tpu.memory_space<hbm>>
    %dma_start3A_30 = arith.constant 1000 : i32
    %dma_start3A_31 = tpu.memref_slice %arg7[%dma_start3A_30] : memref<10000xf32, #tpu.memory_space<vmem>> -> memref<1000xf32, #tpu.memory_space<vmem>>
    %dma_start3A_32 = arith.constant 0 : i32
    %dma_start3A_33 = tpu.memref_slice %arg3[%dma_start3A_23, %dma_start3A_24, %dma_start3A_32] : memref<10x8x1000xf32, #tpu.memory_space<hbm>> -> memref<1x1x1000xf32, #tpu.memory_space<hbm>>
    %dma_start3A_34 = tpu.memref_squeeze %dma_start3A_33 : memref<1x1x1000xf32, #tpu.memory_space<hbm>> -> memref<1000xf32, #tpu.memory_space<hbm>>
    tpu.enqueue_dma source(%dma_start3A_34 : memref<1000xf32, #tpu.memory_space<hbm>>) target(%dma_start3A_31 : memref<1000xf32, #tpu.memory_space<vmem>>) target_semaphore(%arg15 : memref<!tpu.dma_semaphore, #tpu.memory_space<semaphore_mem>>)
    %dma_start3A_35 = arith.constant 1 : i32
    %dma_start3A_36 = arith.constant 1 : i32
    %dma_start3A_37 = arith.constant 1000 : i32
    %dma_start3A_38 = tpu.memref_slice %arg8[%dma_start3A_37] : memref<10000xf32, #tpu.memory_space<vmem>> -> memref<1000xf32, #tpu.memory_space<vmem>>
    %dma_start3A_39 = arith.constant 0 : i32
    %dma_start3A_40 = tpu.memref_slice %arg3[%dma_start3A_35, %dma_start3A_36, %dma_start3A_39] : memref<10x8x1000xf32, #tpu.memory_space<hbm>> -> memref<1x1x1000xf32, #tpu.memory_space<hbm>>
    %dma_start3A_41 = tpu.memref_squeeze %dma_start3A_40 : memref<1x1x1000xf32, #tpu.memory_space<hbm>> -> memref<1000xf32, #tpu.memory_space<hbm>>
    %dma_start3A_42 = arith.constant 1000 : i32
    %dma_start3A_43 = tpu.memref_slice %arg8[%dma_start3A_42] : memref<10000xf32, #tpu.memory_space<vmem>> -> memref<1000xf32, #tpu.memory_space<vmem>>
    %dma_start3A_44 = arith.constant 0 : i32
    %dma_start3A_45 = tpu.memref_slice %arg3[%dma_start3A_35, %dma_start3A_36, %dma_start3A_44] : memref<10x8x1000xf32, #tpu.memory_space<hbm>> -> memref<1x1x1000xf32, #tpu.memory_space<hbm>>
    %dma_start3A_46 = tpu.memref_squeeze %dma_start3A_45 : memref<1x1x1000xf32, #tpu.memory_space<hbm>> -> memref<1000xf32, #tpu.memory_space<hbm>>
    tpu.enqueue_dma source(%dma_start3A_46 : memref<1000xf32, #tpu.memory_space<hbm>>) target(%dma_start3A_43 : memref<1000xf32, #tpu.memory_space<vmem>>) target_semaphore(%arg15 : memref<!tpu.dma_semaphore, #tpu.memory_space<semaphore_mem>>)
    %dma_start3A_47 = arith.constant 2 : i32
    %dma_start3A_48 = arith.constant 0 : i32
    %dma_start3A_49 = arith.constant 2000 : i32
    %dma_start3A_50 = tpu.memref_slice %arg7[%dma_start3A_49] : memref<10000xf32, #tpu.memory_space<vmem>> -> memref<1000xf32, #tpu.memory_space<vmem>>
    %dma_start3A_51 = arith.constant 0 : i32
    %dma_start3A_52 = tpu.memref_slice %arg3[%dma_start3A_47, %dma_start3A_48, %dma_start3A_51] : memref<10x8x1000xf32, #tpu.memory_space<hbm>> -> memref<1x1x1000xf32, #tpu.memory_space<hbm>>
    %dma_start3A_53 = tpu.memref_squeeze %dma_start3A_52 : memref<1x1x1000xf32, #tpu.memory_space<hbm>> -> memref<1000xf32, #tpu.memory_space<hbm>>
    %dma_start3A_54 = arith.constant 2000 : i32
    %dma_start3A_55 = tpu.memref_slice %arg7[%dma_start3A_54] : memref<10000xf32, #tpu.memory_space<vmem>> -> memref<1000xf32, #tpu.memory_space<vmem>>
    %dma_start3A_56 = arith.constant 0 : i32
    %dma_start3A_57 = tpu.memref_slice %arg3[%dma_start3A_47, %dma_start3A_48, %dma_start3A_56] : memref<10x8x1000xf32, #tpu.memory_space<hbm>> -> memref<1x1x1000xf32, #tpu.memory_space<hbm>>
    %dma_start3A_58 = tpu.memref_squeeze %dma_start3A_57 : memref<1x1x1000xf32, #tpu.memory_space<hbm>> -> memref<1000xf32, #tpu.memory_space<hbm>>
    tpu.enqueue_dma source(%dma_start3A_58 : memref<1000xf32, #tpu.memory_space<hbm>>) target(%dma_start3A_55 : memref<1000xf32, #tpu.memory_space<vmem>>) target_semaphore(%arg15 : memref<!tpu.dma_semaphore, #tpu.memory_space<semaphore_mem>>)
    %dma_start3A_59 = arith.constant 2 : i32
    %dma_start3A_60 = arith.constant 1 : i32
    %dma_start3A_61 = arith.constant 2000 : i32
    %dma_start3A_62 = tpu.memref_slice %arg8[%dma_start3A_61] : memref<10000xf32, #tpu.memory_space<vmem>> -> memref<1000xf32, #tpu.memory_space<vmem>>
    %dma_start3A_63 = arith.constant 0 : i32
    %dma_start3A_64 = tpu.memref_slice %arg3[%dma_start3A_59, %dma_start3A_60, %dma_start3A_63] : memref<10x8x1000xf32, #tpu.memory_space<hbm>> -> memref<1x1x1000xf32, #tpu.memory_space<hbm>>
    %dma_start3A_65 = tpu.memref_squeeze %dma_start3A_64 : memref<1x1x1000xf32, #tpu.memory_space<hbm>> -> memref<1000xf32, #tpu.memory_space<hbm>>
    %dma_start3A_66 = arith.constant 2000 : i32
    %dma_start3A_67 = tpu.memref_slice %arg8[%dma_start3A_66] : memref<10000xf32, #tpu.memory_space<vmem>> -> memref<1000xf32, #tpu.memory_space<vmem>>
    %dma_start3A_68 = arith.constant 0 : i32
    %dma_start3A_69 = tpu.memref_slice %arg3[%dma_start3A_59, %dma_start3A_60, %dma_start3A_68] : memref<10x8x1000xf32, #tpu.memory_space<hbm>> -> memref<1x1x1000xf32, #tpu.memory_space<hbm>>
    %dma_start3A_70 = tpu.memref_squeeze %dma_start3A_69 : memref<1x1x1000xf32, #tpu.memory_space<hbm>> -> memref<1000xf32, #tpu.memory_space<hbm>>
    tpu.enqueue_dma source(%dma_start3A_70 : memref<1000xf32, #tpu.memory_space<hbm>>) target(%dma_start3A_67 : memref<1000xf32, #tpu.memory_space<vmem>>) target_semaphore(%arg15 : memref<!tpu.dma_semaphore, #tpu.memory_space<semaphore_mem>>)
    %dma_start3A_71 = arith.constant 3 : i32
    %dma_start3A_72 = arith.constant 0 : i32
    %dma_start3A_73 = arith.constant 3000 : i32
    %dma_start3A_74 = tpu.memref_slice %arg7[%dma_start3A_73] : memref<10000xf32, #tpu.memory_space<vmem>> -> memref<1000xf32, #tpu.memory_space<vmem>>
    %dma_start3A_75 = arith.constant 0 : i32
    %dma_start3A_76 = tpu.memref_slice %arg3[%dma_start3A_71, %dma_start3A_72, %dma_start3A_75] : memref<10x8x1000xf32, #tpu.memory_space<hbm>> -> memref<1x1x1000xf32, #tpu.memory_space<hbm>>
    %dma_start3A_77 = tpu.memref_squeeze %dma_start3A_76 : memref<1x1x1000xf32, #tpu.memory_space<hbm>> -> memref<1000xf32, #tpu.memory_space<hbm>>
    %dma_start3A_78 = arith.constant 3000 : i32
    %dma_start3A_79 = tpu.memref_slice %arg7[%dma_start3A_78] : memref<10000xf32, #tpu.memory_space<vmem>> -> memref<1000xf32, #tpu.memory_space<vmem>>
    %dma_start3A_80 = arith.constant 0 : i32
    %dma_start3A_81 = tpu.memref_slice %arg3[%dma_start3A_71, %dma_start3A_72, %dma_start3A_80] : memref<10x8x1000xf32, #tpu.memory_space<hbm>> -> memref<1x1x1000xf32, #tpu.memory_space<hbm>>
    %dma_start3A_82 = tpu.memref_squeeze %dma_start3A_81 : memref<1x1x1000xf32, #tpu.memory_space<hbm>> -> memref<1000xf32, #tpu.memory_space<hbm>>
    tpu.enqueue_dma source(%dma_start3A_82 : memref<1000xf32, #tpu.memory_space<hbm>>) target(%dma_start3A_79 : memref<1000xf32, #tpu.memory_space<vmem>>) target_semaphore(%arg15 : memref<!tpu.dma_semaphore, #tpu.memory_space<semaphore_mem>>)
    %dma_start3A_83 = arith.constant 3 : i32
    %dma_start3A_84 = arith.constant 1 : i32
    %dma_start3A_85 = arith.constant 3000 : i32
    %dma_start3A_86 = tpu.memref_slice %arg8[%dma_start3A_85] : memref<10000xf32, #tpu.memory_space<vmem>> -> memref<1000xf32, #tpu.memory_space<vmem>>
    %dma_start3A_87 = arith.constant 0 : i32
    %dma_start3A_88 = tpu.memref_slice %arg3[%dma_start3A_83, %dma_start3A_84, %dma_start3A_87] : memref<10x8x1000xf32, #tpu.memory_space<hbm>> -> memref<1x1x1000xf32, #tpu.memory_space<hbm>>
    %dma_start3A_89 = tpu.memref_squeeze %dma_start3A_88 : memref<1x1x1000xf32, #tpu.memory_space<hbm>> -> memref<1000xf32, #tpu.memory_space<hbm>>
    %dma_start3A_90 = arith.constant 3000 : i32
    %dma_start3A_91 = tpu.memref_slice %arg8[%dma_start3A_90] : memref<10000xf32, #tpu.memory_space<vmem>> -> memref<1000xf32, #tpu.memory_space<vmem>>
    %dma_start3A_92 = arith.constant 0 : i32
    %dma_start3A_93 = tpu.memref_slice %arg3[%dma_start3A_83, %dma_start3A_84, %dma_start3A_92] : memref<10x8x1000xf32, #tpu.memory_space<hbm>> -> memref<1x1x1000xf32, #tpu.memory_space<hbm>>
    %dma_start3A_94 = tpu.memref_squeeze %dma_start3A_93 : memref<1x1x1000xf32, #tpu.memory_space<hbm>> -> memref<1000xf32, #tpu.memory_space<hbm>>
    tpu.enqueue_dma source(%dma_start3A_94 : memref<1000xf32, #tpu.memory_space<hbm>>) target(%dma_start3A_91 : memref<1000xf32, #tpu.memory_space<vmem>>) target_semaphore(%arg15 : memref<!tpu.dma_semaphore, #tpu.memory_space<semaphore_mem>>)
    %dma_start3A_95 = arith.constant 4 : i32
    %dma_start3A_96 = arith.constant 0 : i32
    %dma_start3A_97 = arith.constant 4000 : i32
    %dma_start3A_98 = tpu.memref_slice %arg7[%dma_start3A_97] : memref<10000xf32, #tpu.memory_space<vmem>> -> memref<1000xf32, #tpu.memory_space<vmem>>
    %dma_start3A_99 = arith.constant 0 : i32
    %dma_start3A_100 = tpu.memref_slice %arg3[%dma_start3A_95, %dma_start3A_96, %dma_start3A_99] : memref<10x8x1000xf32, #tpu.memory_space<hbm>> -> memref<1x1x1000xf32, #tpu.memory_space<hbm>>
    %dma_start3A_101 = tpu.memref_squeeze %dma_start3A_100 : memref<1x1x1000xf32, #tpu.memory_space<hbm>> -> memref<1000xf32, #tpu.memory_space<hbm>>
    %dma_start3A_102 = arith.constant 4000 : i32
    %dma_start3A_103 = tpu.memref_slice %arg7[%dma_start3A_102] : memref<10000xf32, #tpu.memory_space<vmem>> -> memref<1000xf32, #tpu.memory_space<vmem>>
    %dma_start3A_104 = arith.constant 0 : i32
    %dma_start3A_105 = tpu.memref_slice %arg3[%dma_start3A_95, %dma_start3A_96, %dma_start3A_104] : memref<10x8x1000xf32, #tpu.memory_space<hbm>> -> memref<1x1x1000xf32, #tpu.memory_space<hbm>>
    %dma_start3A_106 = tpu.memref_squeeze %dma_start3A_105 : memref<1x1x1000xf32, #tpu.memory_space<hbm>> -> memref<1000xf32, #tpu.memory_space<hbm>>
    tpu.enqueue_dma source(%dma_start3A_106 : memref<1000xf32, #tpu.memory_space<hbm>>) target(%dma_start3A_103 : memref<1000xf32, #tpu.memory_space<vmem>>) target_semaphore(%arg15 : memref<!tpu.dma_semaphore, #tpu.memory_space<semaphore_mem>>)
    %dma_start3A_107 = arith.constant 4 : i32
    %dma_start3A_108 = arith.constant 1 : i32
    %dma_start3A_109 = arith.constant 4000 : i32
    %dma_start3A_110 = tpu.memref_slice %arg8[%dma_start3A_109] : memref<10000xf32, #tpu.memory_space<vmem>> -> memref<1000xf32, #tpu.memory_space<vmem>>
    %dma_start3A_111 = arith.constant 0 : i32
    %dma_start3A_112 = tpu.memref_slice %arg3[%dma_start3A_107, %dma_start3A_108, %dma_start3A_111] : memref<10x8x1000xf32, #tpu.memory_space<hbm>> -> memref<1x1x1000xf32, #tpu.memory_space<hbm>>
    %dma_start3A_113 = tpu.memref_squeeze %dma_start3A_112 : memref<1x1x1000xf32, #tpu.memory_space<hbm>> -> memref<1000xf32, #tpu.memory_space<hbm>>
    %dma_start3A_114 = arith.constant 4000 : i32
    %dma_start3A_115 = tpu.memref_slice %arg8[%dma_start3A_114] : memref<10000xf32, #tpu.memory_space<vmem>> -> memref<1000xf32, #tpu.memory_space<vmem>>
    %dma_start3A_116 = arith.constant 0 : i32
    %dma_start3A_117 = tpu.memref_slice %arg3[%dma_start3A_107, %dma_start3A_108, %dma_start3A_116] : memref<10x8x1000xf32, #tpu.memory_space<hbm>> -> memref<1x1x1000xf32, #tpu.memory_space<hbm>>
    %dma_start3A_118 = tpu.memref_squeeze %dma_start3A_117 : memref<1x1x1000xf32, #tpu.memory_space<hbm>> -> memref<1000xf32, #tpu.memory_space<hbm>>
    tpu.enqueue_dma source(%dma_start3A_118 : memref<1000xf32, #tpu.memory_space<hbm>>) target(%dma_start3A_115 : memref<1000xf32, #tpu.memory_space<vmem>>) target_semaphore(%arg15 : memref<!tpu.dma_semaphore, #tpu.memory_space<semaphore_mem>>)
    %dma_start3A_119 = arith.constant 5 : i32
    %dma_start3A_120 = arith.constant 0 : i32
    %dma_start3A_121 = arith.constant 5000 : i32
    %dma_start3A_122 = tpu.memref_slice %arg7[%dma_start3A_121] : memref<10000xf32, #tpu.memory_space<vmem>> -> memref<1000xf32, #tpu.memory_space<vmem>>
    %dma_start3A_123 = arith.constant 0 : i32
    %dma_start3A_124 = tpu.memref_slice %arg3[%dma_start3A_119, %dma_start3A_120, %dma_start3A_123] : memref<10x8x1000xf32, #tpu.memory_space<hbm>> -> memref<1x1x1000xf32, #tpu.memory_space<hbm>>
    %dma_start3A_125 = tpu.memref_squeeze %dma_start3A_124 : memref<1x1x1000xf32, #tpu.memory_space<hbm>> -> memref<1000xf32, #tpu.memory_space<hbm>>
    %dma_start3A_126 = arith.constant 5000 : i32
    %dma_start3A_127 = tpu.memref_slice %arg7[%dma_start3A_126] : memref<10000xf32, #tpu.memory_space<vmem>> -> memref<1000xf32, #tpu.memory_space<vmem>>
    %dma_start3A_128 = arith.constant 0 : i32
    %dma_start3A_129 = tpu.memref_slice %arg3[%dma_start3A_119, %dma_start3A_120, %dma_start3A_128] : memref<10x8x1000xf32, #tpu.memory_space<hbm>> -> memref<1x1x1000xf32, #tpu.memory_space<hbm>>
    %dma_start3A_130 = tpu.memref_squeeze %dma_start3A_129 : memref<1x1x1000xf32, #tpu.memory_space<hbm>> -> memref<1000xf32, #tpu.memory_space<hbm>>
    tpu.enqueue_dma source(%dma_start3A_130 : memref<1000xf32, #tpu.memory_space<hbm>>) target(%dma_start3A_127 : memref<1000xf32, #tpu.memory_space<vmem>>) target_semaphore(%arg15 : memref<!tpu.dma_semaphore, #tpu.memory_space<semaphore_mem>>)
    %dma_start3A_131 = arith.constant 5 : i32
    %dma_start3A_132 = arith.constant 1 : i32
    %dma_start3A_133 = arith.constant 5000 : i32
    %dma_start3A_134 = tpu.memref_slice %arg8[%dma_start3A_133] : memref<10000xf32, #tpu.memory_space<vmem>> -> memref<1000xf32, #tpu.memory_space<vmem>>
    %dma_start3A_135 = arith.constant 0 : i32
    %dma_start3A_136 = tpu.memref_slice %arg3[%dma_start3A_131, %dma_start3A_132, %dma_start3A_135] : memref<10x8x1000xf32, #tpu.memory_space<hbm>> -> memref<1x1x1000xf32, #tpu.memory_space<hbm>>
    %dma_start3A_137 = tpu.memref_squeeze %dma_start3A_136 : memref<1x1x1000xf32, #tpu.memory_space<hbm>> -> memref<1000xf32, #tpu.memory_space<hbm>>
    %dma_start3A_138 = arith.constant 5000 : i32
    %dma_start3A_139 = tpu.memref_slice %arg8[%dma_start3A_138] : memref<10000xf32, #tpu.memory_space<vmem>> -> memref<1000xf32, #tpu.memory_space<vmem>>
    %dma_start3A_140 = arith.constant 0 : i32
    %dma_start3A_141 = tpu.memref_slice %arg3[%dma_start3A_131, %dma_start3A_132, %dma_start3A_140] : memref<10x8x1000xf32, #tpu.memory_space<hbm>> -> memref<1x1x1000xf32, #tpu.memory_space<hbm>>
    %dma_start3A_142 = tpu.memref_squeeze %dma_start3A_141 : memref<1x1x1000xf32, #tpu.memory_space<hbm>> -> memref<1000xf32, #tpu.memory_space<hbm>>
    tpu.enqueue_dma source(%dma_start3A_142 : memref<1000xf32, #tpu.memory_space<hbm>>) target(%dma_start3A_139 : memref<1000xf32, #tpu.memory_space<vmem>>) target_semaphore(%arg15 : memref<!tpu.dma_semaphore, #tpu.memory_space<semaphore_mem>>)
    %dma_start3A_143 = arith.constant 6 : i32
    %dma_start3A_144 = arith.constant 0 : i32
    %dma_start3A_145 = arith.constant 6000 : i32
    %dma_start3A_146 = tpu.memref_slice %arg7[%dma_start3A_145] : memref<10000xf32, #tpu.memory_space<vmem>> -> memref<1000xf32, #tpu.memory_space<vmem>>
    %dma_start3A_147 = arith.constant 0 : i32
    %dma_start3A_148 = tpu.memref_slice %arg3[%dma_start3A_143, %dma_start3A_144, %dma_start3A_147] : memref<10x8x1000xf32, #tpu.memory_space<hbm>> -> memref<1x1x1000xf32, #tpu.memory_space<hbm>>
    %dma_start3A_149 = tpu.memref_squeeze %dma_start3A_148 : memref<1x1x1000xf32, #tpu.memory_space<hbm>> -> memref<1000xf32, #tpu.memory_space<hbm>>
    %dma_start3A_150 = arith.constant 6000 : i32
    %dma_start3A_151 = tpu.memref_slice %arg7[%dma_start3A_150] : memref<10000xf32, #tpu.memory_space<vmem>> -> memref<1000xf32, #tpu.memory_space<vmem>>
    %dma_start3A_152 = arith.constant 0 : i32
    %dma_start3A_153 = tpu.memref_slice %arg3[%dma_start3A_143, %dma_start3A_144, %dma_start3A_152] : memref<10x8x1000xf32, #tpu.memory_space<hbm>> -> memref<1x1x1000xf32, #tpu.memory_space<hbm>>
    %dma_start3A_154 = tpu.memref_squeeze %dma_start3A_153 : memref<1x1x1000xf32, #tpu.memory_space<hbm>> -> memref<1000xf32, #tpu.memory_space<hbm>>
    tpu.enqueue_dma source(%dma_start3A_154 : memref<1000xf32, #tpu.memory_space<hbm>>) target(%dma_start3A_151 : memref<1000xf32, #tpu.memory_space<vmem>>) target_semaphore(%arg15 : memref<!tpu.dma_semaphore, #tpu.memory_space<semaphore_mem>>)
    %dma_start3A_155 = arith.constant 6 : i32
    %dma_start3A_156 = arith.constant 1 : i32
    %dma_start3A_157 = arith.constant 6000 : i32
    %dma_start3A_158 = tpu.memref_slice %arg8[%dma_start3A_157] : memref<10000xf32, #tpu.memory_space<vmem>> -> memref<1000xf32, #tpu.memory_space<vmem>>
    %dma_start3A_159 = arith.constant 0 : i32
    %dma_start3A_160 = tpu.memref_slice %arg3[%dma_start3A_155, %dma_start3A_156, %dma_start3A_159] : memref<10x8x1000xf32, #tpu.memory_space<hbm>> -> memref<1x1x1000xf32, #tpu.memory_space<hbm>>
    %dma_start3A_161 = tpu.memref_squeeze %dma_start3A_160 : memref<1x1x1000xf32, #tpu.memory_space<hbm>> -> memref<1000xf32, #tpu.memory_space<hbm>>
    %dma_start3A_162 = arith.constant 6000 : i32
    %dma_start3A_163 = tpu.memref_slice %arg8[%dma_start3A_162] : memref<10000xf32, #tpu.memory_space<vmem>> -> memref<1000xf32, #tpu.memory_space<vmem>>
    %dma_start3A_164 = arith.constant 0 : i32
    %dma_start3A_165 = tpu.memref_slice %arg3[%dma_start3A_155, %dma_start3A_156, %dma_start3A_164] : memref<10x8x1000xf32, #tpu.memory_space<hbm>> -> memref<1x1x1000xf32, #tpu.memory_space<hbm>>
    %dma_start3A_166 = tpu.memref_squeeze %dma_start3A_165 : memref<1x1x1000xf32, #tpu.memory_space<hbm>> -> memref<1000xf32, #tpu.memory_space<hbm>>
    tpu.enqueue_dma source(%dma_start3A_166 : memref<1000xf32, #tpu.memory_space<hbm>>) target(%dma_start3A_163 : memref<1000xf32, #tpu.memory_space<vmem>>) target_semaphore(%arg15 : memref<!tpu.dma_semaphore, #tpu.memory_space<semaphore_mem>>)
    %dma_start3A_167 = arith.constant 7 : i32
    %dma_start3A_168 = arith.constant 0 : i32
    %dma_start3A_169 = arith.constant 7000 : i32
    %dma_start3A_170 = tpu.memref_slice %arg7[%dma_start3A_169] : memref<10000xf32, #tpu.memory_space<vmem>> -> memref<1000xf32, #tpu.memory_space<vmem>>
    %dma_start3A_171 = arith.constant 0 : i32
    %dma_start3A_172 = tpu.memref_slice %arg3[%dma_start3A_167, %dma_start3A_168, %dma_start3A_171] : memref<10x8x1000xf32, #tpu.memory_space<hbm>> -> memref<1x1x1000xf32, #tpu.memory_space<hbm>>
    %dma_start3A_173 = tpu.memref_squeeze %dma_start3A_172 : memref<1x1x1000xf32, #tpu.memory_space<hbm>> -> memref<1000xf32, #tpu.memory_space<hbm>>
    %dma_start3A_174 = arith.constant 7000 : i32
    %dma_start3A_175 = tpu.memref_slice %arg7[%dma_start3A_174] : memref<10000xf32, #tpu.memory_space<vmem>> -> memref<1000xf32, #tpu.memory_space<vmem>>
    %dma_start3A_176 = arith.constant 0 : i32
    %dma_start3A_177 = tpu.memref_slice %arg3[%dma_start3A_167, %dma_start3A_168, %dma_start3A_176] : memref<10x8x1000xf32, #tpu.memory_space<hbm>> -> memref<1x1x1000xf32, #tpu.memory_space<hbm>>
    %dma_start3A_178 = tpu.memref_squeeze %dma_start3A_177 : memref<1x1x1000xf32, #tpu.memory_space<hbm>> -> memref<1000xf32, #tpu.memory_space<hbm>>
    tpu.enqueue_dma source(%dma_start3A_178 : memref<1000xf32, #tpu.memory_space<hbm>>) target(%dma_start3A_175 : memref<1000xf32, #tpu.memory_space<vmem>>) target_semaphore(%arg15 : memref<!tpu.dma_semaphore, #tpu.memory_space<semaphore_mem>>)
    %dma_start3A_179 = arith.constant 7 : i32
    %dma_start3A_180 = arith.constant 1 : i32
    %dma_start3A_181 = arith.constant 7000 : i32
    %dma_start3A_182 = tpu.memref_slice %arg8[%dma_start3A_181] : memref<10000xf32, #tpu.memory_space<vmem>> -> memref<1000xf32, #tpu.memory_space<vmem>>
    %dma_start3A_183 = arith.constant 0 : i32
    %dma_start3A_184 = tpu.memref_slice %arg3[%dma_start3A_179, %dma_start3A_180, %dma_start3A_183] : memref<10x8x1000xf32, #tpu.memory_space<hbm>> -> memref<1x1x1000xf32, #tpu.memory_space<hbm>>
    %dma_start3A_185 = tpu.memref_squeeze %dma_start3A_184 : memref<1x1x1000xf32, #tpu.memory_space<hbm>> -> memref<1000xf32, #tpu.memory_space<hbm>>
    %dma_start3A_186 = arith.constant 7000 : i32
    %dma_start3A_187 = tpu.memref_slice %arg8[%dma_start3A_186] : memref<10000xf32, #tpu.memory_space<vmem>> -> memref<1000xf32, #tpu.memory_space<vmem>>
    %dma_start3A_188 = arith.constant 0 : i32
    %dma_start3A_189 = tpu.memref_slice %arg3[%dma_start3A_179, %dma_start3A_180, %dma_start3A_188] : memref<10x8x1000xf32, #tpu.memory_space<hbm>> -> memref<1x1x1000xf32, #tpu.memory_space<hbm>>
    %dma_start3A_190 = tpu.memref_squeeze %dma_start3A_189 : memref<1x1x1000xf32, #tpu.memory_space<hbm>> -> memref<1000xf32, #tpu.memory_space<hbm>>
    tpu.enqueue_dma source(%dma_start3A_190 : memref<1000xf32, #tpu.memory_space<hbm>>) target(%dma_start3A_187 : memref<1000xf32, #tpu.memory_space<vmem>>) target_semaphore(%arg15 : memref<!tpu.dma_semaphore, #tpu.memory_space<semaphore_mem>>)
    %dma_start3A_191 = arith.constant 8 : i32
    %dma_start3A_192 = arith.constant 0 : i32
    %dma_start3A_193 = arith.constant 8000 : i32
    %dma_start3A_194 = tpu.memref_slice %arg7[%dma_start3A_193] : memref<10000xf32, #tpu.memory_space<vmem>> -> memref<1000xf32, #tpu.memory_space<vmem>>
    %dma_start3A_195 = arith.constant 0 : i32
    %dma_start3A_196 = tpu.memref_slice %arg3[%dma_start3A_191, %dma_start3A_192, %dma_start3A_195] : memref<10x8x1000xf32, #tpu.memory_space<hbm>> -> memref<1x1x1000xf32, #tpu.memory_space<hbm>>
    %dma_start3A_197 = tpu.memref_squeeze %dma_start3A_196 : memref<1x1x1000xf32, #tpu.memory_space<hbm>> -> memref<1000xf32, #tpu.memory_space<hbm>>
    %dma_start3A_198 = arith.constant 8000 : i32
    %dma_start3A_199 = tpu.memref_slice %arg7[%dma_start3A_198] : memref<10000xf32, #tpu.memory_space<vmem>> -> memref<1000xf32, #tpu.memory_space<vmem>>
    %dma_start3A_200 = arith.constant 0 : i32
    %dma_start3A_201 = tpu.memref_slice %arg3[%dma_start3A_191, %dma_start3A_192, %dma_start3A_200] : memref<10x8x1000xf32, #tpu.memory_space<hbm>> -> memref<1x1x1000xf32, #tpu.memory_space<hbm>>
    %dma_start3A_202 = tpu.memref_squeeze %dma_start3A_201 : memref<1x1x1000xf32, #tpu.memory_space<hbm>> -> memref<1000xf32, #tpu.memory_space<hbm>>
    tpu.enqueue_dma source(%dma_start3A_202 : memref<1000xf32, #tpu.memory_space<hbm>>) target(%dma_start3A_199 : memref<1000xf32, #tpu.memory_space<vmem>>) target_semaphore(%arg15 : memref<!tpu.dma_semaphore, #tpu.memory_space<semaphore_mem>>)
    %dma_start3A_203 = arith.constant 8 : i32
    %dma_start3A_204 = arith.constant 1 : i32
    %dma_start3A_205 = arith.constant 8000 : i32
    %dma_start3A_206 = tpu.memref_slice %arg8[%dma_start3A_205] : memref<10000xf32, #tpu.memory_space<vmem>> -> memref<1000xf32, #tpu.memory_space<vmem>>
    %dma_start3A_207 = arith.constant 0 : i32
    %dma_start3A_208 = tpu.memref_slice %arg3[%dma_start3A_203, %dma_start3A_204, %dma_start3A_207] : memref<10x8x1000xf32, #tpu.memory_space<hbm>> -> memref<1x1x1000xf32, #tpu.memory_space<hbm>>
    %dma_start3A_209 = tpu.memref_squeeze %dma_start3A_208 : memref<1x1x1000xf32, #tpu.memory_space<hbm>> -> memref<1000xf32, #tpu.memory_space<hbm>>
    %dma_start3A_210 = arith.constant 8000 : i32
    %dma_start3A_211 = tpu.memref_slice %arg8[%dma_start3A_210] : memref<10000xf32, #tpu.memory_space<vmem>> -> memref<1000xf32, #tpu.memory_space<vmem>>
    %dma_start3A_212 = arith.constant 0 : i32
    %dma_start3A_213 = tpu.memref_slice %arg3[%dma_start3A_203, %dma_start3A_204, %dma_start3A_212] : memref<10x8x1000xf32, #tpu.memory_space<hbm>> -> memref<1x1x1000xf32, #tpu.memory_space<hbm>>
    %dma_start3A_214 = tpu.memref_squeeze %dma_start3A_213 : memref<1x1x1000xf32, #tpu.memory_space<hbm>> -> memref<1000xf32, #tpu.memory_space<hbm>>
    tpu.enqueue_dma source(%dma_start3A_214 : memref<1000xf32, #tpu.memory_space<hbm>>) target(%dma_start3A_211 : memref<1000xf32, #tpu.memory_space<vmem>>) target_semaphore(%arg15 : memref<!tpu.dma_semaphore, #tpu.memory_space<semaphore_mem>>)
    %dma_start3A_215 = arith.constant 9 : i32
    %dma_start3A_216 = arith.constant 0 : i32
    %dma_start3A_217 = arith.constant 9000 : i32
    %dma_start3A_218 = tpu.memref_slice %arg7[%dma_start3A_217] : memref<10000xf32, #tpu.memory_space<vmem>> -> memref<1000xf32, #tpu.memory_space<vmem>>
    %dma_start3A_219 = arith.constant 0 : i32
    %dma_start3A_220 = tpu.memref_slice %arg3[%dma_start3A_215, %dma_start3A_216, %dma_start3A_219] : memref<10x8x1000xf32, #tpu.memory_space<hbm>> -> memref<1x1x1000xf32, #tpu.memory_space<hbm>>
    %dma_start3A_221 = tpu.memref_squeeze %dma_start3A_220 : memref<1x1x1000xf32, #tpu.memory_space<hbm>> -> memref<1000xf32, #tpu.memory_space<hbm>>
    %dma_start3A_222 = arith.constant 9000 : i32
    %dma_start3A_223 = tpu.memref_slice %arg7[%dma_start3A_222] : memref<10000xf32, #tpu.memory_space<vmem>> -> memref<1000xf32, #tpu.memory_space<vmem>>
    %dma_start3A_224 = arith.constant 0 : i32
    %dma_start3A_225 = tpu.memref_slice %arg3[%dma_start3A_215, %dma_start3A_216, %dma_start3A_224] : memref<10x8x1000xf32, #tpu.memory_space<hbm>> -> memref<1x1x1000xf32, #tpu.memory_space<hbm>>
    %dma_start3A_226 = tpu.memref_squeeze %dma_start3A_225 : memref<1x1x1000xf32, #tpu.memory_space<hbm>> -> memref<1000xf32, #tpu.memory_space<hbm>>
    tpu.enqueue_dma source(%dma_start3A_226 : memref<1000xf32, #tpu.memory_space<hbm>>) target(%dma_start3A_223 : memref<1000xf32, #tpu.memory_space<vmem>>) target_semaphore(%arg15 : memref<!tpu.dma_semaphore, #tpu.memory_space<semaphore_mem>>)
    %dma_start3A_227 = arith.constant 9 : i32
    %dma_start3A_228 = arith.constant 1 : i32
    %dma_start3A_229 = arith.constant 9000 : i32
    %dma_start3A_230 = tpu.memref_slice %arg8[%dma_start3A_229] : memref<10000xf32, #tpu.memory_space<vmem>> -> memref<1000xf32, #tpu.memory_space<vmem>>
    %dma_start3A_231 = arith.constant 0 : i32
    %dma_start3A_232 = tpu.memref_slice %arg3[%dma_start3A_227, %dma_start3A_228, %dma_start3A_231] : memref<10x8x1000xf32, #tpu.memory_space<hbm>> -> memref<1x1x1000xf32, #tpu.memory_space<hbm>>
    %dma_start3A_233 = tpu.memref_squeeze %dma_start3A_232 : memref<1x1x1000xf32, #tpu.memory_space<hbm>> -> memref<1000xf32, #tpu.memory_space<hbm>>
    %dma_start3A_234 = arith.constant 9000 : i32
    %dma_start3A_235 = tpu.memref_slice %arg8[%dma_start3A_234] : memref<10000xf32, #tpu.memory_space<vmem>> -> memref<1000xf32, #tpu.memory_space<vmem>>
    %dma_start3A_236 = arith.constant 0 : i32
    %dma_start3A_237 = tpu.memref_slice %arg3[%dma_start3A_227, %dma_start3A_228, %dma_start3A_236] : memref<10x8x1000xf32, #tpu.memory_space<hbm>> -> memref<1x1x1000xf32, #tpu.memory_space<hbm>>
    %dma_start3A_238 = tpu.memref_squeeze %dma_start3A_237 : memref<1x1x1000xf32, #tpu.memory_space<hbm>> -> memref<1000xf32, #tpu.memory_space<hbm>>
    tpu.enqueue_dma source(%dma_start3A_238 : memref<1000xf32, #tpu.memory_space<hbm>>) target(%dma_start3A_235 : memref<1000xf32, #tpu.memory_space<vmem>>) target_semaphore(%arg15 : memref<!tpu.dma_semaphore, #tpu.memory_space<semaphore_mem>>)
    "tpu.region"() ({
      %run_scoped3A_582 = tpu.sem_alloc : memref<!tpu.dma_semaphore, #tpu.memory_space<semaphore_mem>>
      tpu.enqueue_dma source(%arg5 : memref<4x16xf32, #tpu.memory_space<hbm>>) target(%arg10 : memref<4x16xf32, #tpu.memory_space<vmem>>) target_semaphore(%run_scoped3A_582 : memref<!tpu.dma_semaphore, #tpu.memory_space<semaphore_mem>>)
      tpu.wait_dma2 semaphore(%run_scoped3A_582 : memref<!tpu.dma_semaphore, #tpu.memory_space<semaphore_mem>>) src(%arg5 : memref<4x16xf32, #tpu.memory_space<hbm>>) dst(%arg10 : memref<4x16xf32, #tpu.memory_space<vmem>>)
      tpu.yield
    }) : () -> ()
    %dma_wait3A = arith.constant 0 : i32
    %dma_wait3A_239 = arith.constant 0 : i32
    %dma_wait3A_240 = arith.constant 0 : i32
    %dma_wait3A_241 = tpu.memref_slice %arg7[%dma_wait3A_240] : memref<10000xf32, #tpu.memory_space<vmem>> -> memref<1000xf32, #tpu.memory_space<vmem>>
    %dma_wait3A_242 = arith.constant 0 : i32
    %dma_wait3A_243 = tpu.memref_slice %arg3[%dma_wait3A, %dma_wait3A_239, %dma_wait3A_242] : memref<10x8x1000xf32, #tpu.memory_space<hbm>> -> memref<1x1x1000xf32, #tpu.memory_space<hbm>>
    %dma_wait3A_244 = tpu.memref_squeeze %dma_wait3A_243 : memref<1x1x1000xf32, #tpu.memory_space<hbm>> -> memref<1000xf32, #tpu.memory_space<hbm>>
    %dma_wait3A_245 = arith.constant 0 : i32
    %dma_wait3A_246 = tpu.memref_slice %arg7[%dma_wait3A_245] : memref<10000xf32, #tpu.memory_space<vmem>> -> memref<1000xf32, #tpu.memory_space<vmem>>
    %dma_wait3A_247 = arith.constant 0 : i32
    %dma_wait3A_248 = tpu.memref_slice %arg3[%dma_wait3A, %dma_wait3A_239, %dma_wait3A_247] : memref<10x8x1000xf32, #tpu.memory_space<hbm>> -> memref<1x1x1000xf32, #tpu.memory_space<hbm>>
    %dma_wait3A_249 = tpu.memref_squeeze %dma_wait3A_248 : memref<1x1x1000xf32, #tpu.memory_space<hbm>> -> memref<1000xf32, #tpu.memory_space<hbm>>
    tpu.wait_dma2 semaphore(%arg15 : memref<!tpu.dma_semaphore, #tpu.memory_space<semaphore_mem>>) src(%dma_wait3A_249 : memref<1000xf32, #tpu.memory_space<hbm>>) dst(%dma_wait3A_246 : memref<1000xf32, #tpu.memory_space<vmem>>)
    %dma_wait3A_250 = arith.constant 0 : i32
    %dma_wait3A_251 = arith.constant 1 : i32
    %dma_wait3A_252 = arith.constant 0 : i32
    %dma_wait3A_253 = tpu.memref_slice %arg8[%dma_wait3A_252] : memref<10000xf32, #tpu.memory_space<vmem>> -> memref<1000xf32, #tpu.memory_space<vmem>>
    %dma_wait3A_254 = arith.constant 0 : i32
    %dma_wait3A_255 = tpu.memref_slice %arg3[%dma_wait3A_250, %dma_wait3A_251, %dma_wait3A_254] : memref<10x8x1000xf32, #tpu.memory_space<hbm>> -> memref<1x1x1000xf32, #tpu.memory_space<hbm>>
    %dma_wait3A_256 = tpu.memref_squeeze %dma_wait3A_255 : memref<1x1x1000xf32, #tpu.memory_space<hbm>> -> memref<1000xf32, #tpu.memory_space<hbm>>
    %dma_wait3A_257 = arith.constant 0 : i32
    %dma_wait3A_258 = tpu.memref_slice %arg8[%dma_wait3A_257] : memref<10000xf32, #tpu.memory_space<vmem>> -> memref<1000xf32, #tpu.memory_space<vmem>>
    %dma_wait3A_259 = arith.constant 0 : i32
    %dma_wait3A_260 = tpu.memref_slice %arg3[%dma_wait3A_250, %dma_wait3A_251, %dma_wait3A_259] : memref<10x8x1000xf32, #tpu.memory_space<hbm>> -> memref<1x1x1000xf32, #tpu.memory_space<hbm>>
    %dma_wait3A_261 = tpu.memref_squeeze %dma_wait3A_260 : memref<1x1x1000xf32, #tpu.memory_space<hbm>> -> memref<1000xf32, #tpu.memory_space<hbm>>
    tpu.wait_dma2 semaphore(%arg15 : memref<!tpu.dma_semaphore, #tpu.memory_space<semaphore_mem>>) src(%dma_wait3A_261 : memref<1000xf32, #tpu.memory_space<hbm>>) dst(%dma_wait3A_258 : memref<1000xf32, #tpu.memory_space<vmem>>)
    %dma_wait3A_262 = arith.constant 1 : i32
    %dma_wait3A_263 = arith.constant 0 : i32
    %dma_wait3A_264 = arith.constant 1000 : i32
    %dma_wait3A_265 = tpu.memref_slice %arg7[%dma_wait3A_264] : memref<10000xf32, #tpu.memory_space<vmem>> -> memref<1000xf32, #tpu.memory_space<vmem>>
    %dma_wait3A_266 = arith.constant 0 : i32
    %dma_wait3A_267 = tpu.memref_slice %arg3[%dma_wait3A_262, %dma_wait3A_263, %dma_wait3A_266] : memref<10x8x1000xf32, #tpu.memory_space<hbm>> -> memref<1x1x1000xf32, #tpu.memory_space<hbm>>
    %dma_wait3A_268 = tpu.memref_squeeze %dma_wait3A_267 : memref<1x1x1000xf32, #tpu.memory_space<hbm>> -> memref<1000xf32, #tpu.memory_space<hbm>>
    %dma_wait3A_269 = arith.constant 1000 : i32
    %dma_wait3A_270 = tpu.memref_slice %arg7[%dma_wait3A_269] : memref<10000xf32, #tpu.memory_space<vmem>> -> memref<1000xf32, #tpu.memory_space<vmem>>
    %dma_wait3A_271 = arith.constant 0 : i32
    %dma_wait3A_272 = tpu.memref_slice %arg3[%dma_wait3A_262, %dma_wait3A_263, %dma_wait3A_271] : memref<10x8x1000xf32, #tpu.memory_space<hbm>> -> memref<1x1x1000xf32, #tpu.memory_space<hbm>>
    %dma_wait3A_273 = tpu.memref_squeeze %dma_wait3A_272 : memref<1x1x1000xf32, #tpu.memory_space<hbm>> -> memref<1000xf32, #tpu.memory_space<hbm>>
    tpu.wait_dma2 semaphore(%arg15 : memref<!tpu.dma_semaphore, #tpu.memory_space<semaphore_mem>>) src(%dma_wait3A_273 : memref<1000xf32, #tpu.memory_space<hbm>>) dst(%dma_wait3A_270 : memref<1000xf32, #tpu.memory_space<vmem>>)
    %dma_wait3A_274 = arith.constant 1 : i32
    %dma_wait3A_275 = arith.constant 1 : i32
    %dma_wait3A_276 = arith.constant 1000 : i32
    %dma_wait3A_277 = tpu.memref_slice %arg8[%dma_wait3A_276] : memref<10000xf32, #tpu.memory_space<vmem>> -> memref<1000xf32, #tpu.memory_space<vmem>>
    %dma_wait3A_278 = arith.constant 0 : i32
    %dma_wait3A_279 = tpu.memref_slice %arg3[%dma_wait3A_274, %dma_wait3A_275, %dma_wait3A_278] : memref<10x8x1000xf32, #tpu.memory_space<hbm>> -> memref<1x1x1000xf32, #tpu.memory_space<hbm>>
    %dma_wait3A_280 = tpu.memref_squeeze %dma_wait3A_279 : memref<1x1x1000xf32, #tpu.memory_space<hbm>> -> memref<1000xf32, #tpu.memory_space<hbm>>
    %dma_wait3A_281 = arith.constant 1000 : i32
    %dma_wait3A_282 = tpu.memref_slice %arg8[%dma_wait3A_281] : memref<10000xf32, #tpu.memory_space<vmem>> -> memref<1000xf32, #tpu.memory_space<vmem>>
    %dma_wait3A_283 = arith.constant 0 : i32
    %dma_wait3A_284 = tpu.memref_slice %arg3[%dma_wait3A_274, %dma_wait3A_275, %dma_wait3A_283] : memref<10x8x1000xf32, #tpu.memory_space<hbm>> -> memref<1x1x1000xf32, #tpu.memory_space<hbm>>
    %dma_wait3A_285 = tpu.memref_squeeze %dma_wait3A_284 : memref<1x1x1000xf32, #tpu.memory_space<hbm>> -> memref<1000xf32, #tpu.memory_space<hbm>>
    tpu.wait_dma2 semaphore(%arg15 : memref<!tpu.dma_semaphore, #tpu.memory_space<semaphore_mem>>) src(%dma_wait3A_285 : memref<1000xf32, #tpu.memory_space<hbm>>) dst(%dma_wait3A_282 : memref<1000xf32, #tpu.memory_space<vmem>>)
    %dma_wait3A_286 = arith.constant 2 : i32
    %dma_wait3A_287 = arith.constant 0 : i32
    %dma_wait3A_288 = arith.constant 2000 : i32
    %dma_wait3A_289 = tpu.memref_slice %arg7[%dma_wait3A_288] : memref<10000xf32, #tpu.memory_space<vmem>> -> memref<1000xf32, #tpu.memory_space<vmem>>
    %dma_wait3A_290 = arith.constant 0 : i32
    %dma_wait3A_291 = tpu.memref_slice %arg3[%dma_wait3A_286, %dma_wait3A_287, %dma_wait3A_290] : memref<10x8x1000xf32, #tpu.memory_space<hbm>> -> memref<1x1x1000xf32, #tpu.memory_space<hbm>>
    %dma_wait3A_292 = tpu.memref_squeeze %dma_wait3A_291 : memref<1x1x1000xf32, #tpu.memory_space<hbm>> -> memref<1000xf32, #tpu.memory_space<hbm>>
    %dma_wait3A_293 = arith.constant 2000 : i32
    %dma_wait3A_294 = tpu.memref_slice %arg7[%dma_wait3A_293] : memref<10000xf32, #tpu.memory_space<vmem>> -> memref<1000xf32, #tpu.memory_space<vmem>>
    %dma_wait3A_295 = arith.constant 0 : i32
    %dma_wait3A_296 = tpu.memref_slice %arg3[%dma_wait3A_286, %dma_wait3A_287, %dma_wait3A_295] : memref<10x8x1000xf32, #tpu.memory_space<hbm>> -> memref<1x1x1000xf32, #tpu.memory_space<hbm>>
    %dma_wait3A_297 = tpu.memref_squeeze %dma_wait3A_296 : memref<1x1x1000xf32, #tpu.memory_space<hbm>> -> memref<1000xf32, #tpu.memory_space<hbm>>
    tpu.wait_dma2 semaphore(%arg15 : memref<!tpu.dma_semaphore, #tpu.memory_space<semaphore_mem>>) src(%dma_wait3A_297 : memref<1000xf32, #tpu.memory_space<hbm>>) dst(%dma_wait3A_294 : memref<1000xf32, #tpu.memory_space<vmem>>)
    %dma_wait3A_298 = arith.constant 2 : i32
    %dma_wait3A_299 = arith.constant 1 : i32
    %dma_wait3A_300 = arith.constant 2000 : i32
    %dma_wait3A_301 = tpu.memref_slice %arg8[%dma_wait3A_300] : memref<10000xf32, #tpu.memory_space<vmem>> -> memref<1000xf32, #tpu.memory_space<vmem>>
    %dma_wait3A_302 = arith.constant 0 : i32
    %dma_wait3A_303 = tpu.memref_slice %arg3[%dma_wait3A_298, %dma_wait3A_299, %dma_wait3A_302] : memref<10x8x1000xf32, #tpu.memory_space<hbm>> -> memref<1x1x1000xf32, #tpu.memory_space<hbm>>
    %dma_wait3A_304 = tpu.memref_squeeze %dma_wait3A_303 : memref<1x1x1000xf32, #tpu.memory_space<hbm>> -> memref<1000xf32, #tpu.memory_space<hbm>>
    %dma_wait3A_305 = arith.constant 2000 : i32
    %dma_wait3A_306 = tpu.memref_slice %arg8[%dma_wait3A_305] : memref<10000xf32, #tpu.memory_space<vmem>> -> memref<1000xf32, #tpu.memory_space<vmem>>
    %dma_wait3A_307 = arith.constant 0 : i32
    %dma_wait3A_308 = tpu.memref_slice %arg3[%dma_wait3A_298, %dma_wait3A_299, %dma_wait3A_307] : memref<10x8x1000xf32, #tpu.memory_space<hbm>> -> memref<1x1x1000xf32, #tpu.memory_space<hbm>>
    %dma_wait3A_309 = tpu.memref_squeeze %dma_wait3A_308 : memref<1x1x1000xf32, #tpu.memory_space<hbm>> -> memref<1000xf32, #tpu.memory_space<hbm>>
    tpu.wait_dma2 semaphore(%arg15 : memref<!tpu.dma_semaphore, #tpu.memory_space<semaphore_mem>>) src(%dma_wait3A_309 : memref<1000xf32, #tpu.memory_space<hbm>>) dst(%dma_wait3A_306 : memref<1000xf32, #tpu.memory_space<vmem>>)
    %dma_wait3A_310 = arith.constant 3 : i32
    %dma_wait3A_311 = arith.constant 0 : i32
    %dma_wait3A_312 = arith.constant 3000 : i32
    %dma_wait3A_313 = tpu.memref_slice %arg7[%dma_wait3A_312] : memref<10000xf32, #tpu.memory_space<vmem>> -> memref<1000xf32, #tpu.memory_space<vmem>>
    %dma_wait3A_314 = arith.constant 0 : i32
    %dma_wait3A_315 = tpu.memref_slice %arg3[%dma_wait3A_310, %dma_wait3A_311, %dma_wait3A_314] : memref<10x8x1000xf32, #tpu.memory_space<hbm>> -> memref<1x1x1000xf32, #tpu.memory_space<hbm>>
    %dma_wait3A_316 = tpu.memref_squeeze %dma_wait3A_315 : memref<1x1x1000xf32, #tpu.memory_space<hbm>> -> memref<1000xf32, #tpu.memory_space<hbm>>
    %dma_wait3A_317 = arith.constant 3000 : i32
    %dma_wait3A_318 = tpu.memref_slice %arg7[%dma_wait3A_317] : memref<10000xf32, #tpu.memory_space<vmem>> -> memref<1000xf32, #tpu.memory_space<vmem>>
    %dma_wait3A_319 = arith.constant 0 : i32
    %dma_wait3A_320 = tpu.memref_slice %arg3[%dma_wait3A_310, %dma_wait3A_311, %dma_wait3A_319] : memref<10x8x1000xf32, #tpu.memory_space<hbm>> -> memref<1x1x1000xf32, #tpu.memory_space<hbm>>
    %dma_wait3A_321 = tpu.memref_squeeze %dma_wait3A_320 : memref<1x1x1000xf32, #tpu.memory_space<hbm>> -> memref<1000xf32, #tpu.memory_space<hbm>>
    tpu.wait_dma2 semaphore(%arg15 : memref<!tpu.dma_semaphore, #tpu.memory_space<semaphore_mem>>) src(%dma_wait3A_321 : memref<1000xf32, #tpu.memory_space<hbm>>) dst(%dma_wait3A_318 : memref<1000xf32, #tpu.memory_space<vmem>>)
    %dma_wait3A_322 = arith.constant 3 : i32
    %dma_wait3A_323 = arith.constant 1 : i32
    %dma_wait3A_324 = arith.constant 3000 : i32
    %dma_wait3A_325 = tpu.memref_slice %arg8[%dma_wait3A_324] : memref<10000xf32, #tpu.memory_space<vmem>> -> memref<1000xf32, #tpu.memory_space<vmem>>
    %dma_wait3A_326 = arith.constant 0 : i32
    %dma_wait3A_327 = tpu.memref_slice %arg3[%dma_wait3A_322, %dma_wait3A_323, %dma_wait3A_326] : memref<10x8x1000xf32, #tpu.memory_space<hbm>> -> memref<1x1x1000xf32, #tpu.memory_space<hbm>>
    %dma_wait3A_328 = tpu.memref_squeeze %dma_wait3A_327 : memref<1x1x1000xf32, #tpu.memory_space<hbm>> -> memref<1000xf32, #tpu.memory_space<hbm>>
    %dma_wait3A_329 = arith.constant 3000 : i32
    %dma_wait3A_330 = tpu.memref_slice %arg8[%dma_wait3A_329] : memref<10000xf32, #tpu.memory_space<vmem>> -> memref<1000xf32, #tpu.memory_space<vmem>>
    %dma_wait3A_331 = arith.constant 0 : i32
    %dma_wait3A_332 = tpu.memref_slice %arg3[%dma_wait3A_322, %dma_wait3A_323, %dma_wait3A_331] : memref<10x8x1000xf32, #tpu.memory_space<hbm>> -> memref<1x1x1000xf32, #tpu.memory_space<hbm>>
    %dma_wait3A_333 = tpu.memref_squeeze %dma_wait3A_332 : memref<1x1x1000xf32, #tpu.memory_space<hbm>> -> memref<1000xf32, #tpu.memory_space<hbm>>
    tpu.wait_dma2 semaphore(%arg15 : memref<!tpu.dma_semaphore, #tpu.memory_space<semaphore_mem>>) src(%dma_wait3A_333 : memref<1000xf32, #tpu.memory_space<hbm>>) dst(%dma_wait3A_330 : memref<1000xf32, #tpu.memory_space<vmem>>)
    %dma_wait3A_334 = arith.constant 4 : i32
    %dma_wait3A_335 = arith.constant 0 : i32
    %dma_wait3A_336 = arith.constant 4000 : i32
    %dma_wait3A_337 = tpu.memref_slice %arg7[%dma_wait3A_336] : memref<10000xf32, #tpu.memory_space<vmem>> -> memref<1000xf32, #tpu.memory_space<vmem>>
    %dma_wait3A_338 = arith.constant 0 : i32
    %dma_wait3A_339 = tpu.memref_slice %arg3[%dma_wait3A_334, %dma_wait3A_335, %dma_wait3A_338] : memref<10x8x1000xf32, #tpu.memory_space<hbm>> -> memref<1x1x1000xf32, #tpu.memory_space<hbm>>
    %dma_wait3A_340 = tpu.memref_squeeze %dma_wait3A_339 : memref<1x1x1000xf32, #tpu.memory_space<hbm>> -> memref<1000xf32, #tpu.memory_space<hbm>>
    %dma_wait3A_341 = arith.constant 4000 : i32
    %dma_wait3A_342 = tpu.memref_slice %arg7[%dma_wait3A_341] : memref<10000xf32, #tpu.memory_space<vmem>> -> memref<1000xf32, #tpu.memory_space<vmem>>
    %dma_wait3A_343 = arith.constant 0 : i32
    %dma_wait3A_344 = tpu.memref_slice %arg3[%dma_wait3A_334, %dma_wait3A_335, %dma_wait3A_343] : memref<10x8x1000xf32, #tpu.memory_space<hbm>> -> memref<1x1x1000xf32, #tpu.memory_space<hbm>>
    %dma_wait3A_345 = tpu.memref_squeeze %dma_wait3A_344 : memref<1x1x1000xf32, #tpu.memory_space<hbm>> -> memref<1000xf32, #tpu.memory_space<hbm>>
    tpu.wait_dma2 semaphore(%arg15 : memref<!tpu.dma_semaphore, #tpu.memory_space<semaphore_mem>>) src(%dma_wait3A_345 : memref<1000xf32, #tpu.memory_space<hbm>>) dst(%dma_wait3A_342 : memref<1000xf32, #tpu.memory_space<vmem>>)
    %dma_wait3A_346 = arith.constant 4 : i32
    %dma_wait3A_347 = arith.constant 1 : i32
    %dma_wait3A_348 = arith.constant 4000 : i32
    %dma_wait3A_349 = tpu.memref_slice %arg8[%dma_wait3A_348] : memref<10000xf32, #tpu.memory_space<vmem>> -> memref<1000xf32, #tpu.memory_space<vmem>>
    %dma_wait3A_350 = arith.constant 0 : i32
    %dma_wait3A_351 = tpu.memref_slice %arg3[%dma_wait3A_346, %dma_wait3A_347, %dma_wait3A_350] : memref<10x8x1000xf32, #tpu.memory_space<hbm>> -> memref<1x1x1000xf32, #tpu.memory_space<hbm>>
    %dma_wait3A_352 = tpu.memref_squeeze %dma_wait3A_351 : memref<1x1x1000xf32, #tpu.memory_space<hbm>> -> memref<1000xf32, #tpu.memory_space<hbm>>
    %dma_wait3A_353 = arith.constant 4000 : i32
    %dma_wait3A_354 = tpu.memref_slice %arg8[%dma_wait3A_353] : memref<10000xf32, #tpu.memory_space<vmem>> -> memref<1000xf32, #tpu.memory_space<vmem>>
    %dma_wait3A_355 = arith.constant 0 : i32
    %dma_wait3A_356 = tpu.memref_slice %arg3[%dma_wait3A_346, %dma_wait3A_347, %dma_wait3A_355] : memref<10x8x1000xf32, #tpu.memory_space<hbm>> -> memref<1x1x1000xf32, #tpu.memory_space<hbm>>
    %dma_wait3A_357 = tpu.memref_squeeze %dma_wait3A_356 : memref<1x1x1000xf32, #tpu.memory_space<hbm>> -> memref<1000xf32, #tpu.memory_space<hbm>>
    tpu.wait_dma2 semaphore(%arg15 : memref<!tpu.dma_semaphore, #tpu.memory_space<semaphore_mem>>) src(%dma_wait3A_357 : memref<1000xf32, #tpu.memory_space<hbm>>) dst(%dma_wait3A_354 : memref<1000xf32, #tpu.memory_space<vmem>>)
    %dma_wait3A_358 = arith.constant 5 : i32
    %dma_wait3A_359 = arith.constant 0 : i32
    %dma_wait3A_360 = arith.constant 5000 : i32
    %dma_wait3A_361 = tpu.memref_slice %arg7[%dma_wait3A_360] : memref<10000xf32, #tpu.memory_space<vmem>> -> memref<1000xf32, #tpu.memory_space<vmem>>
    %dma_wait3A_362 = arith.constant 0 : i32
    %dma_wait3A_363 = tpu.memref_slice %arg3[%dma_wait3A_358, %dma_wait3A_359, %dma_wait3A_362] : memref<10x8x1000xf32, #tpu.memory_space<hbm>> -> memref<1x1x1000xf32, #tpu.memory_space<hbm>>
    %dma_wait3A_364 = tpu.memref_squeeze %dma_wait3A_363 : memref<1x1x1000xf32, #tpu.memory_space<hbm>> -> memref<1000xf32, #tpu.memory_space<hbm>>
    %dma_wait3A_365 = arith.constant 5000 : i32
    %dma_wait3A_366 = tpu.memref_slice %arg7[%dma_wait3A_365] : memref<10000xf32, #tpu.memory_space<vmem>> -> memref<1000xf32, #tpu.memory_space<vmem>>
    %dma_wait3A_367 = arith.constant 0 : i32
    %dma_wait3A_368 = tpu.memref_slice %arg3[%dma_wait3A_358, %dma_wait3A_359, %dma_wait3A_367] : memref<10x8x1000xf32, #tpu.memory_space<hbm>> -> memref<1x1x1000xf32, #tpu.memory_space<hbm>>
    %dma_wait3A_369 = tpu.memref_squeeze %dma_wait3A_368 : memref<1x1x1000xf32, #tpu.memory_space<hbm>> -> memref<1000xf32, #tpu.memory_space<hbm>>
    tpu.wait_dma2 semaphore(%arg15 : memref<!tpu.dma_semaphore, #tpu.memory_space<semaphore_mem>>) src(%dma_wait3A_369 : memref<1000xf32, #tpu.memory_space<hbm>>) dst(%dma_wait3A_366 : memref<1000xf32, #tpu.memory_space<vmem>>)
    %dma_wait3A_370 = arith.constant 5 : i32
    %dma_wait3A_371 = arith.constant 1 : i32
    %dma_wait3A_372 = arith.constant 5000 : i32
    %dma_wait3A_373 = tpu.memref_slice %arg8[%dma_wait3A_372] : memref<10000xf32, #tpu.memory_space<vmem>> -> memref<1000xf32, #tpu.memory_space<vmem>>
    %dma_wait3A_374 = arith.constant 0 : i32
    %dma_wait3A_375 = tpu.memref_slice %arg3[%dma_wait3A_370, %dma_wait3A_371, %dma_wait3A_374] : memref<10x8x1000xf32, #tpu.memory_space<hbm>> -> memref<1x1x1000xf32, #tpu.memory_space<hbm>>
    %dma_wait3A_376 = tpu.memref_squeeze %dma_wait3A_375 : memref<1x1x1000xf32, #tpu.memory_space<hbm>> -> memref<1000xf32, #tpu.memory_space<hbm>>
    %dma_wait3A_377 = arith.constant 5000 : i32
    %dma_wait3A_378 = tpu.memref_slice %arg8[%dma_wait3A_377] : memref<10000xf32, #tpu.memory_space<vmem>> -> memref<1000xf32, #tpu.memory_space<vmem>>
    %dma_wait3A_379 = arith.constant 0 : i32
    %dma_wait3A_380 = tpu.memref_slice %arg3[%dma_wait3A_370, %dma_wait3A_371, %dma_wait3A_379] : memref<10x8x1000xf32, #tpu.memory_space<hbm>> -> memref<1x1x1000xf32, #tpu.memory_space<hbm>>
    %dma_wait3A_381 = tpu.memref_squeeze %dma_wait3A_380 : memref<1x1x1000xf32, #tpu.memory_space<hbm>> -> memref<1000xf32, #tpu.memory_space<hbm>>
    tpu.wait_dma2 semaphore(%arg15 : memref<!tpu.dma_semaphore, #tpu.memory_space<semaphore_mem>>) src(%dma_wait3A_381 : memref<1000xf32, #tpu.memory_space<hbm>>) dst(%dma_wait3A_378 : memref<1000xf32, #tpu.memory_space<vmem>>)
    %dma_wait3A_382 = arith.constant 6 : i32
    %dma_wait3A_383 = arith.constant 0 : i32
    %dma_wait3A_384 = arith.constant 6000 : i32
    %dma_wait3A_385 = tpu.memref_slice %arg7[%dma_wait3A_384] : memref<10000xf32, #tpu.memory_space<vmem>> -> memref<1000xf32, #tpu.memory_space<vmem>>
    %dma_wait3A_386 = arith.constant 0 : i32
    %dma_wait3A_387 = tpu.memref_slice %arg3[%dma_wait3A_382, %dma_wait3A_383, %dma_wait3A_386] : memref<10x8x1000xf32, #tpu.memory_space<hbm>> -> memref<1x1x1000xf32, #tpu.memory_space<hbm>>
    %dma_wait3A_388 = tpu.memref_squeeze %dma_wait3A_387 : memref<1x1x1000xf32, #tpu.memory_space<hbm>> -> memref<1000xf32, #tpu.memory_space<hbm>>
    %dma_wait3A_389 = arith.constant 6000 : i32
    %dma_wait3A_390 = tpu.memref_slice %arg7[%dma_wait3A_389] : memref<10000xf32, #tpu.memory_space<vmem>> -> memref<1000xf32, #tpu.memory_space<vmem>>
    %dma_wait3A_391 = arith.constant 0 : i32
    %dma_wait3A_392 = tpu.memref_slice %arg3[%dma_wait3A_382, %dma_wait3A_383, %dma_wait3A_391] : memref<10x8x1000xf32, #tpu.memory_space<hbm>> -> memref<1x1x1000xf32, #tpu.memory_space<hbm>>
    %dma_wait3A_393 = tpu.memref_squeeze %dma_wait3A_392 : memref<1x1x1000xf32, #tpu.memory_space<hbm>> -> memref<1000xf32, #tpu.memory_space<hbm>>
    tpu.wait_dma2 semaphore(%arg15 : memref<!tpu.dma_semaphore, #tpu.memory_space<semaphore_mem>>) src(%dma_wait3A_393 : memref<1000xf32, #tpu.memory_space<hbm>>) dst(%dma_wait3A_390 : memref<1000xf32, #tpu.memory_space<vmem>>)
    %dma_wait3A_394 = arith.constant 6 : i32
    %dma_wait3A_395 = arith.constant 1 : i32
    %dma_wait3A_396 = arith.constant 6000 : i32
    %dma_wait3A_397 = tpu.memref_slice %arg8[%dma_wait3A_396] : memref<10000xf32, #tpu.memory_space<vmem>> -> memref<1000xf32, #tpu.memory_space<vmem>>
    %dma_wait3A_398 = arith.constant 0 : i32
    %dma_wait3A_399 = tpu.memref_slice %arg3[%dma_wait3A_394, %dma_wait3A_395, %dma_wait3A_398] : memref<10x8x1000xf32, #tpu.memory_space<hbm>> -> memref<1x1x1000xf32, #tpu.memory_space<hbm>>
    %dma_wait3A_400 = tpu.memref_squeeze %dma_wait3A_399 : memref<1x1x1000xf32, #tpu.memory_space<hbm>> -> memref<1000xf32, #tpu.memory_space<hbm>>
    %dma_wait3A_401 = arith.constant 6000 : i32
    %dma_wait3A_402 = tpu.memref_slice %arg8[%dma_wait3A_401] : memref<10000xf32, #tpu.memory_space<vmem>> -> memref<1000xf32, #tpu.memory_space<vmem>>
    %dma_wait3A_403 = arith.constant 0 : i32
    %dma_wait3A_404 = tpu.memref_slice %arg3[%dma_wait3A_394, %dma_wait3A_395, %dma_wait3A_403] : memref<10x8x1000xf32, #tpu.memory_space<hbm>> -> memref<1x1x1000xf32, #tpu.memory_space<hbm>>
    %dma_wait3A_405 = tpu.memref_squeeze %dma_wait3A_404 : memref<1x1x1000xf32, #tpu.memory_space<hbm>> -> memref<1000xf32, #tpu.memory_space<hbm>>
    tpu.wait_dma2 semaphore(%arg15 : memref<!tpu.dma_semaphore, #tpu.memory_space<semaphore_mem>>) src(%dma_wait3A_405 : memref<1000xf32, #tpu.memory_space<hbm>>) dst(%dma_wait3A_402 : memref<1000xf32, #tpu.memory_space<vmem>>)
    %dma_wait3A_406 = arith.constant 7 : i32
    %dma_wait3A_407 = arith.constant 0 : i32
    %dma_wait3A_408 = arith.constant 7000 : i32
    %dma_wait3A_409 = tpu.memref_slice %arg7[%dma_wait3A_408] : memref<10000xf32, #tpu.memory_space<vmem>> -> memref<1000xf32, #tpu.memory_space<vmem>>
    %dma_wait3A_410 = arith.constant 0 : i32
    %dma_wait3A_411 = tpu.memref_slice %arg3[%dma_wait3A_406, %dma_wait3A_407, %dma_wait3A_410] : memref<10x8x1000xf32, #tpu.memory_space<hbm>> -> memref<1x1x1000xf32, #tpu.memory_space<hbm>>
    %dma_wait3A_412 = tpu.memref_squeeze %dma_wait3A_411 : memref<1x1x1000xf32, #tpu.memory_space<hbm>> -> memref<1000xf32, #tpu.memory_space<hbm>>
    %dma_wait3A_413 = arith.constant 7000 : i32
    %dma_wait3A_414 = tpu.memref_slice %arg7[%dma_wait3A_413] : memref<10000xf32, #tpu.memory_space<vmem>> -> memref<1000xf32, #tpu.memory_space<vmem>>
    %dma_wait3A_415 = arith.constant 0 : i32
    %dma_wait3A_416 = tpu.memref_slice %arg3[%dma_wait3A_406, %dma_wait3A_407, %dma_wait3A_415] : memref<10x8x1000xf32, #tpu.memory_space<hbm>> -> memref<1x1x1000xf32, #tpu.memory_space<hbm>>
    %dma_wait3A_417 = tpu.memref_squeeze %dma_wait3A_416 : memref<1x1x1000xf32, #tpu.memory_space<hbm>> -> memref<1000xf32, #tpu.memory_space<hbm>>
    tpu.wait_dma2 semaphore(%arg15 : memref<!tpu.dma_semaphore, #tpu.memory_space<semaphore_mem>>) src(%dma_wait3A_417 : memref<1000xf32, #tpu.memory_space<hbm>>) dst(%dma_wait3A_414 : memref<1000xf32, #tpu.memory_space<vmem>>)
    %dma_wait3A_418 = arith.constant 7 : i32
    %dma_wait3A_419 = arith.constant 1 : i32
    %dma_wait3A_420 = arith.constant 7000 : i32
    %dma_wait3A_421 = tpu.memref_slice %arg8[%dma_wait3A_420] : memref<10000xf32, #tpu.memory_space<vmem>> -> memref<1000xf32, #tpu.memory_space<vmem>>
    %dma_wait3A_422 = arith.constant 0 : i32
    %dma_wait3A_423 = tpu.memref_slice %arg3[%dma_wait3A_418, %dma_wait3A_419, %dma_wait3A_422] : memref<10x8x1000xf32, #tpu.memory_space<hbm>> -> memref<1x1x1000xf32, #tpu.memory_space<hbm>>
    %dma_wait3A_424 = tpu.memref_squeeze %dma_wait3A_423 : memref<1x1x1000xf32, #tpu.memory_space<hbm>> -> memref<1000xf32, #tpu.memory_space<hbm>>
    %dma_wait3A_425 = arith.constant 7000 : i32
    %dma_wait3A_426 = tpu.memref_slice %arg8[%dma_wait3A_425] : memref<10000xf32, #tpu.memory_space<vmem>> -> memref<1000xf32, #tpu.memory_space<vmem>>
    %dma_wait3A_427 = arith.constant 0 : i32
    %dma_wait3A_428 = tpu.memref_slice %arg3[%dma_wait3A_418, %dma_wait3A_419, %dma_wait3A_427] : memref<10x8x1000xf32, #tpu.memory_space<hbm>> -> memref<1x1x1000xf32, #tpu.memory_space<hbm>>
    %dma_wait3A_429 = tpu.memref_squeeze %dma_wait3A_428 : memref<1x1x1000xf32, #tpu.memory_space<hbm>> -> memref<1000xf32, #tpu.memory_space<hbm>>
    tpu.wait_dma2 semaphore(%arg15 : memref<!tpu.dma_semaphore, #tpu.memory_space<semaphore_mem>>) src(%dma_wait3A_429 : memref<1000xf32, #tpu.memory_space<hbm>>) dst(%dma_wait3A_426 : memref<1000xf32, #tpu.memory_space<vmem>>)
    %dma_wait3A_430 = arith.constant 8 : i32
    %dma_wait3A_431 = arith.constant 0 : i32
    %dma_wait3A_432 = arith.constant 8000 : i32
    %dma_wait3A_433 = tpu.memref_slice %arg7[%dma_wait3A_432] : memref<10000xf32, #tpu.memory_space<vmem>> -> memref<1000xf32, #tpu.memory_space<vmem>>
    %dma_wait3A_434 = arith.constant 0 : i32
    %dma_wait3A_435 = tpu.memref_slice %arg3[%dma_wait3A_430, %dma_wait3A_431, %dma_wait3A_434] : memref<10x8x1000xf32, #tpu.memory_space<hbm>> -> memref<1x1x1000xf32, #tpu.memory_space<hbm>>
    %dma_wait3A_436 = tpu.memref_squeeze %dma_wait3A_435 : memref<1x1x1000xf32, #tpu.memory_space<hbm>> -> memref<1000xf32, #tpu.memory_space<hbm>>
    %dma_wait3A_437 = arith.constant 8000 : i32
    %dma_wait3A_438 = tpu.memref_slice %arg7[%dma_wait3A_437] : memref<10000xf32, #tpu.memory_space<vmem>> -> memref<1000xf32, #tpu.memory_space<vmem>>
    %dma_wait3A_439 = arith.constant 0 : i32
    %dma_wait3A_440 = tpu.memref_slice %arg3[%dma_wait3A_430, %dma_wait3A_431, %dma_wait3A_439] : memref<10x8x1000xf32, #tpu.memory_space<hbm>> -> memref<1x1x1000xf32, #tpu.memory_space<hbm>>
    %dma_wait3A_441 = tpu.memref_squeeze %dma_wait3A_440 : memref<1x1x1000xf32, #tpu.memory_space<hbm>> -> memref<1000xf32, #tpu.memory_space<hbm>>
    tpu.wait_dma2 semaphore(%arg15 : memref<!tpu.dma_semaphore, #tpu.memory_space<semaphore_mem>>) src(%dma_wait3A_441 : memref<1000xf32, #tpu.memory_space<hbm>>) dst(%dma_wait3A_438 : memref<1000xf32, #tpu.memory_space<vmem>>)
    %dma_wait3A_442 = arith.constant 8 : i32
    %dma_wait3A_443 = arith.constant 1 : i32
    %dma_wait3A_444 = arith.constant 8000 : i32
    %dma_wait3A_445 = tpu.memref_slice %arg8[%dma_wait3A_444] : memref<10000xf32, #tpu.memory_space<vmem>> -> memref<1000xf32, #tpu.memory_space<vmem>>
    %dma_wait3A_446 = arith.constant 0 : i32
    %dma_wait3A_447 = tpu.memref_slice %arg3[%dma_wait3A_442, %dma_wait3A_443, %dma_wait3A_446] : memref<10x8x1000xf32, #tpu.memory_space<hbm>> -> memref<1x1x1000xf32, #tpu.memory_space<hbm>>
    %dma_wait3A_448 = tpu.memref_squeeze %dma_wait3A_447 : memref<1x1x1000xf32, #tpu.memory_space<hbm>> -> memref<1000xf32, #tpu.memory_space<hbm>>
    %dma_wait3A_449 = arith.constant 8000 : i32
    %dma_wait3A_450 = tpu.memref_slice %arg8[%dma_wait3A_449] : memref<10000xf32, #tpu.memory_space<vmem>> -> memref<1000xf32, #tpu.memory_space<vmem>>
    %dma_wait3A_451 = arith.constant 0 : i32
    %dma_wait3A_452 = tpu.memref_slice %arg3[%dma_wait3A_442, %dma_wait3A_443, %dma_wait3A_451] : memref<10x8x1000xf32, #tpu.memory_space<hbm>> -> memref<1x1x1000xf32, #tpu.memory_space<hbm>>
    %dma_wait3A_453 = tpu.memref_squeeze %dma_wait3A_452 : memref<1x1x1000xf32, #tpu.memory_space<hbm>> -> memref<1000xf32, #tpu.memory_space<hbm>>
    tpu.wait_dma2 semaphore(%arg15 : memref<!tpu.dma_semaphore, #tpu.memory_space<semaphore_mem>>) src(%dma_wait3A_453 : memref<1000xf32, #tpu.memory_space<hbm>>) dst(%dma_wait3A_450 : memref<1000xf32, #tpu.memory_space<vmem>>)
    %dma_wait3A_454 = arith.constant 9 : i32
    %dma_wait3A_455 = arith.constant 0 : i32
    %dma_wait3A_456 = arith.constant 9000 : i32
    %dma_wait3A_457 = tpu.memref_slice %arg7[%dma_wait3A_456] : memref<10000xf32, #tpu.memory_space<vmem>> -> memref<1000xf32, #tpu.memory_space<vmem>>
    %dma_wait3A_458 = arith.constant 0 : i32
    %dma_wait3A_459 = tpu.memref_slice %arg3[%dma_wait3A_454, %dma_wait3A_455, %dma_wait3A_458] : memref<10x8x1000xf32, #tpu.memory_space<hbm>> -> memref<1x1x1000xf32, #tpu.memory_space<hbm>>
    %dma_wait3A_460 = tpu.memref_squeeze %dma_wait3A_459 : memref<1x1x1000xf32, #tpu.memory_space<hbm>> -> memref<1000xf32, #tpu.memory_space<hbm>>
    %dma_wait3A_461 = arith.constant 9000 : i32
    %dma_wait3A_462 = tpu.memref_slice %arg7[%dma_wait3A_461] : memref<10000xf32, #tpu.memory_space<vmem>> -> memref<1000xf32, #tpu.memory_space<vmem>>
    %dma_wait3A_463 = arith.constant 0 : i32
    %dma_wait3A_464 = tpu.memref_slice %arg3[%dma_wait3A_454, %dma_wait3A_455, %dma_wait3A_463] : memref<10x8x1000xf32, #tpu.memory_space<hbm>> -> memref<1x1x1000xf32, #tpu.memory_space<hbm>>
    %dma_wait3A_465 = tpu.memref_squeeze %dma_wait3A_464 : memref<1x1x1000xf32, #tpu.memory_space<hbm>> -> memref<1000xf32, #tpu.memory_space<hbm>>
    tpu.wait_dma2 semaphore(%arg15 : memref<!tpu.dma_semaphore, #tpu.memory_space<semaphore_mem>>) src(%dma_wait3A_465 : memref<1000xf32, #tpu.memory_space<hbm>>) dst(%dma_wait3A_462 : memref<1000xf32, #tpu.memory_space<vmem>>)
    %dma_wait3A_466 = arith.constant 9 : i32
    %dma_wait3A_467 = arith.constant 1 : i32
    %dma_wait3A_468 = arith.constant 9000 : i32
    %dma_wait3A_469 = tpu.memref_slice %arg8[%dma_wait3A_468] : memref<10000xf32, #tpu.memory_space<vmem>> -> memref<1000xf32, #tpu.memory_space<vmem>>
    %dma_wait3A_470 = arith.constant 0 : i32
    %dma_wait3A_471 = tpu.memref_slice %arg3[%dma_wait3A_466, %dma_wait3A_467, %dma_wait3A_470] : memref<10x8x1000xf32, #tpu.memory_space<hbm>> -> memref<1x1x1000xf32, #tpu.memory_space<hbm>>
    %dma_wait3A_472 = tpu.memref_squeeze %dma_wait3A_471 : memref<1x1x1000xf32, #tpu.memory_space<hbm>> -> memref<1000xf32, #tpu.memory_space<hbm>>
    %dma_wait3A_473 = arith.constant 9000 : i32
    %dma_wait3A_474 = tpu.memref_slice %arg8[%dma_wait3A_473] : memref<10000xf32, #tpu.memory_space<vmem>> -> memref<1000xf32, #tpu.memory_space<vmem>>
    %dma_wait3A_475 = arith.constant 0 : i32
    %dma_wait3A_476 = tpu.memref_slice %arg3[%dma_wait3A_466, %dma_wait3A_467, %dma_wait3A_475] : memref<10x8x1000xf32, #tpu.memory_space<hbm>> -> memref<1x1x1000xf32, #tpu.memory_space<hbm>>
    %dma_wait3A_477 = tpu.memref_squeeze %dma_wait3A_476 : memref<1x1x1000xf32, #tpu.memory_space<hbm>> -> memref<1000xf32, #tpu.memory_space<hbm>>
    tpu.wait_dma2 semaphore(%arg15 : memref<!tpu.dma_semaphore, #tpu.memory_space<semaphore_mem>>) src(%dma_wait3A_477 : memref<1000xf32, #tpu.memory_space<hbm>>) dst(%dma_wait3A_474 : memref<1000xf32, #tpu.memory_space<vmem>>)
    %broadcast_in_dim3A = arith.constant 0.000000e+00 : f32
    %broadcast_in_dim3A_478 = vector.broadcast %broadcast_in_dim3A : f32 to vector<16xf32>
    %scan3A = arith.constant 0 : i32
    %scan3A_479 = arith.constant 2 : i32
    %scan3A_480 = arith.addi %scan3A, %scan3A_479 : i32
    %scan3A_481 = arith.constant 1 : i32
    scf.for %scan3A_582 = %scan3A to %scan3A_480 step %scan3A_481  : i32 {
      %mul3A_583 = arith.constant 1 : i32
      %mul3A_584 = arith.muli %scan3A_582, %mul3A_583 : i32
      %add3A = arith.constant 0 : i32
      %add3A_585 = arith.addi %add3A, %mul3A_584 : i32
      %scan3A_586 = arith.constant 0 : i32
      %scan3A_587 = arith.constant 160 : i32
      %scan3A_588 = arith.addi %scan3A_586, %scan3A_587 : i32
      %scan3A_589 = arith.constant 1 : i32
      scf.for %scan3A_591 = %scan3A_586 to %scan3A_588 step %scan3A_589  : i32 {
        %mul3A_592 = arith.constant 1 : i32
        %mul3A_593 = arith.muli %scan3A_591, %mul3A_592 : i32
        %add3A_594 = arith.constant 0 : i32
        %add3A_595 = arith.addi %add3A_594, %mul3A_593 : i32
        %scan3A_596 = arith.constant 0 : i32
        %scan3A_597 = arith.constant 5 : i32
        %scan3A_598 = arith.addi %scan3A_596, %scan3A_597 : i32
        %scan3A_599 = arith.constant 1 : i32
        scf.for %scan3A_601 = %scan3A_596 to %scan3A_598 step %scan3A_599  : i32 {
          %mul3A_602 = arith.constant 1 : i32
          %mul3A_603 = arith.muli %scan3A_601, %mul3A_602 : i32
          %add3A_604 = arith.constant 0 : i32
          %add3A_605 = arith.addi %add3A_604, %mul3A_603 : i32
          %mul3A_606 = arith.constant 16 : i32
          %mul3A_607 = arith.muli %add3A_605, %mul3A_606 : i32
          %swap3A = arith.index_cast %add3A_585 : i32 to index
          %swap3A_608 = arith.index_cast %add3A_595 : i32 to index
          %swap3A_609 = arith.index_cast %mul3A_607 : i32 to index
          %swap3A_610 = tpu.vector_load %arg12[%swap3A, %swap3A_608, %swap3A_609] {strides = array<i32>} : memref<2x160x80xf32, #tpu.memory_space<vmem>>, vector<16xf32>,
          tpu.vector_store %arg12[%swap3A, %swap3A_608, %swap3A_609], %broadcast_in_dim3A_478 {strides = array<i32>} : memref<2x160x80xf32, #tpu.memory_space<vmem>>, vector<16xf32>,
        }
        %scan3A_600 = arith.constant 5 : i32
      }
      %scan3A_590 = arith.constant 160 : i32
    }
    %scan3A_482 = arith.constant 2 : i32
    %scan3A_483 = arith.constant 0 : i32
    %scan3A_484 = arith.constant 4 : i32
    %scan3A_485 = arith.addi %scan3A_483, %scan3A_484 : i32
    %scan3A_486 = arith.constant 1 : i32
    scf.for %scan3A_582 = %scan3A_483 to %scan3A_485 step %scan3A_486  : i32 {
      %mul3A_583 = arith.constant 1 : i32
      %mul3A_584 = arith.muli %scan3A_582, %mul3A_583 : i32
      %add3A = arith.constant 0 : i32
      %add3A_585 = arith.addi %add3A, %mul3A_584 : i32
      %mul3A_586 = arith.constant 640 : i32
      %mul3A_587 = arith.muli %arg1, %mul3A_586 : i32
      %mul3A_588 = arith.constant 160 : i32
      %mul3A_589 = arith.muli %add3A_585, %mul3A_588 : i32
      %add3A_590 = arith.addi %mul3A_587, %mul3A_589 : i32
      %run_scoped3A_591 = arith.constant 0 : i32
      "tpu.region"() ({
        %run_scoped3A_592 = tpu.sem_alloc : memref<!tpu.dma_semaphore, #tpu.memory_space<semaphore_mem>>
        %dma_start3A_593 = arith.constant 0 : i32
        %dma_start3A_594 = arith.constant 0 : i32
        %dma_start3A_595 = tpu.memref_slice %arg12[%run_scoped3A_591, %dma_start3A_593, %dma_start3A_594] : memref<2x160x80xf32, #tpu.memory_space<vmem>> -> memref<1x160x80xf32, #tpu.memory_space<vmem>>
        %dma_start3A_596 = tpu.memref_squeeze %dma_start3A_595 : memref<1x160x80xf32, #tpu.memory_space<vmem>> -> memref<160x80xf32, #tpu.memory_space<vmem>>
        %dma_start3A_597 = arith.constant 0 : i32
        %dma_start3A_598 = tpu.memref_slice %arg13[%add3A_590, %dma_start3A_597] : memref<10240x80xf32, #tpu.memory_space<vmem_shared>> -> memref<160x80xf32, #tpu.memory_space<vmem_shared>>
        %dma_start3A_599 = arith.constant 0 : i32
        %dma_start3A_600 = tpu.memref_slice %arg13[%add3A_590, %dma_start3A_599] : memref<10240x80xf32, #tpu.memory_space<vmem_shared>> -> memref<160x80xf32, #tpu.memory_space<vmem_shared>>
        %dma_start3A_601 = arith.constant 0 : i32
        %dma_start3A_602 = arith.constant 0 : i32
        %dma_start3A_603 = tpu.memref_slice %arg12[%run_scoped3A_591, %dma_start3A_601, %dma_start3A_602] : memref<2x160x80xf32, #tpu.memory_space<vmem>> -> memref<1x160x80xf32, #tpu.memory_space<vmem>>
        %dma_start3A_604 = tpu.memref_squeeze %dma_start3A_603 : memref<1x160x80xf32, #tpu.memory_space<vmem>> -> memref<160x80xf32, #tpu.memory_space<vmem>>
        tpu.enqueue_dma source(%dma_start3A_604 : memref<160x80xf32, #tpu.memory_space<vmem>>) target(%dma_start3A_600 : memref<160x80xf32, #tpu.memory_space<vmem_shared>>) target_semaphore(%run_scoped3A_592 : memref<!tpu.dma_semaphore, #tpu.memory_space<semaphore_mem>>)
        %dma_wait3A_605 = arith.constant 0 : i32
        %dma_wait3A_606 = arith.constant 0 : i32
        %dma_wait3A_607 = tpu.memref_slice %arg12[%run_scoped3A_591, %dma_wait3A_605, %dma_wait3A_606] : memref<2x160x80xf32, #tpu.memory_space<vmem>> -> memref<1x160x80xf32, #tpu.memory_space<vmem>>
        %dma_wait3A_608 = tpu.memref_squeeze %dma_wait3A_607 : memref<1x160x80xf32, #tpu.memory_space<vmem>> -> memref<160x80xf32, #tpu.memory_space<vmem>>
        %dma_wait3A_609 = arith.constant 0 : i32
        %dma_wait3A_610 = tpu.memref_slice %arg13[%add3A_590, %dma_wait3A_609] : memref<10240x80xf32, #tpu.memory_space<vmem_shared>> -> memref<160x80xf32, #tpu.memory_space<vmem_shared>>
        %dma_wait3A_611 = arith.constant 0 : i32
        %dma_wait3A_612 = tpu.memref_slice %arg13[%add3A_590, %dma_wait3A_611] : memref<10240x80xf32, #tpu.memory_space<vmem_shared>> -> memref<160x80xf32, #tpu.memory_space<vmem_shared>>
        %dma_wait3A_613 = arith.constant 0 : i32
        %dma_wait3A_614 = arith.constant 0 : i32
        %dma_wait3A_615 = tpu.memref_slice %arg12[%run_scoped3A_591, %dma_wait3A_613, %dma_wait3A_614] : memref<2x160x80xf32, #tpu.memory_space<vmem>> -> memref<1x160x80xf32, #tpu.memory_space<vmem>>
        %dma_wait3A_616 = tpu.memref_squeeze %dma_wait3A_615 : memref<1x160x80xf32, #tpu.memory_space<vmem>> -> memref<160x80xf32, #tpu.memory_space<vmem>>
        tpu.wait_dma2 semaphore(%run_scoped3A_592 : memref<!tpu.dma_semaphore, #tpu.memory_space<semaphore_mem>>) src(%dma_wait3A_616 : memref<160x80xf32, #tpu.memory_space<vmem>>) dst(%dma_wait3A_612 : memref<160x80xf32, #tpu.memory_space<vmem_shared>>)
        tpu.yield
      }) : () -> ()
    }
    %scan3A_487 = arith.constant 4 : i32
    %barrier3A = arith.constant 0 : index
    tpu.barrier barrier_id(%barrier3A)
    %iota3A = tpu.iota {dimensions = array<i32: 0>} : vector<16xi32>
    %get3A = arith.constant 0 : i32
    %get3A_488 = arith.index_cast %get3A : i32 to index
    %get3A_489 = arith.constant 0 : index
    %get3A_490 = tpu.vector_load %arg10[%get3A_488, %get3A_489] {strides = array<i32>} : memref<4x16xf32, #tpu.memory_space<vmem>>, vector<16xf32>,
    %get3A_491 = arith.constant 1 : i32
    %get3A_492 = arith.index_cast %get3A_491 : i32 to index
    %get3A_493 = arith.constant 0 : index
    %get3A_494 = tpu.vector_load %arg10[%get3A_492, %get3A_493] {strides = array<i32>} : memref<4x16xf32, #tpu.memory_space<vmem>>, vector<16xf32>,
    %get3A_495 = arith.constant 2 : i32
    %get3A_496 = arith.index_cast %get3A_495 : i32 to index
    %get3A_497 = arith.constant 0 : index
    %get3A_498 = tpu.vector_load %arg10[%get3A_496, %get3A_497] {strides = array<i32>} : memref<4x16xf32, #tpu.memory_space<vmem>>, vector<16xf32>,
    %get3A_499 = arith.constant 3 : i32
    %get3A_500 = arith.index_cast %get3A_499 : i32 to index
    %get3A_501 = arith.constant 0 : index
    %get3A_502 = tpu.vector_load %arg10[%get3A_500, %get3A_501] {strides = array<i32>} : memref<4x16xf32, #tpu.memory_space<vmem>>, vector<16xf32>,
    %broadcast_in_dim3A_503 = arith.constant 1.000000e+00 : f32
    %broadcast_in_dim3A_504 = vector.broadcast %broadcast_in_dim3A_503 : f32 to vector<16xf32>
    %broadcast_in_dim3A_505 = arith.constant 64 : i32
    %broadcast_in_dim3A_506 = vector.broadcast %broadcast_in_dim3A_505 : i32 to vector<16xi32>
    %broadcast_in_dim3A_507 = arith.constant 65 : i32
    %broadcast_in_dim3A_508 = vector.broadcast %broadcast_in_dim3A_507 : i32 to vector<16xi32>
    %broadcast_in_dim3A_509 = arith.constant 66 : i32
    %broadcast_in_dim3A_510 = vector.broadcast %broadcast_in_dim3A_509 : i32 to vector<16xi32>
    %run_scoped3A = arith.constant 0 : i32
    %run_scoped3A_511 = arith.constant 0 : i32
    "tpu.region"() ({
      %run_scoped3A_582 = tpu.sem_alloc : memref<!tpu.dma_semaphore, #tpu.memory_space<semaphore_mem>>
      %dma_start3A_583 = arith.constant 0 : i32
      %dma_start3A_584 = arith.constant 0 : i32
      %dma_start3A_585 = tpu.memref_slice %arg9[%run_scoped3A_511, %dma_start3A_583, %dma_start3A_584] : memref<5x6x160xi32, #tpu.memory_space<vmem>> -> memref<1x6x160xi32, #tpu.memory_space<vmem>>
      %dma_start3A_586 = tpu.memref_squeeze %dma_start3A_585 : memref<1x6x160xi32, #tpu.memory_space<vmem>> -> memref<6x160xi32, #tpu.memory_space<vmem>>
      %dma_start3A_587 = arith.constant 0 : i32
      %dma_start3A_588 = arith.constant 0 : i32
      %dma_start3A_589 = tpu.memref_slice %arg4[%arg1, %run_scoped3A, %dma_start3A_587, %dma_start3A_588] : memref<16x125x6x160xi32, #tpu.memory_space<hbm>> -> memref<1x1x6x160xi32, #tpu.memory_space<hbm>>
      %dma_start3A_590 = tpu.memref_squeeze %dma_start3A_589 : memref<1x1x6x160xi32, #tpu.memory_space<hbm>> -> memref<6x160xi32, #tpu.memory_space<hbm>>
      %dma_start3A_591 = arith.constant 0 : i32
      %dma_start3A_592 = arith.constant 0 : i32
      %dma_start3A_593 = tpu.memref_slice %arg9[%run_scoped3A_511, %dma_start3A_591, %dma_start3A_592] : memref<5x6x160xi32, #tpu.memory_space<vmem>> -> memref<1x6x160xi32, #tpu.memory_space<vmem>>
      %dma_start3A_594 = tpu.memref_squeeze %dma_start3A_593 : memref<1x6x160xi32, #tpu.memory_space<vmem>> -> memref<6x160xi32, #tpu.memory_space<vmem>>
      %dma_start3A_595 = arith.constant 0 : i32
      %dma_start3A_596 = arith.constant 0 : i32
      %dma_start3A_597 = tpu.memref_slice %arg4[%arg1, %run_scoped3A, %dma_start3A_595, %dma_start3A_596] : memref<16x125x6x160xi32, #tpu.memory_space<hbm>> -> memref<1x1x6x160xi32, #tpu.memory_space<hbm>>
      %dma_start3A_598 = tpu.memref_squeeze %dma_start3A_597 : memref<1x1x6x160xi32, #tpu.memory_space<hbm>> -> memref<6x160xi32, #tpu.memory_space<hbm>>
      tpu.enqueue_dma source(%dma_start3A_598 : memref<6x160xi32, #tpu.memory_space<hbm>>) target(%dma_start3A_594 : memref<6x160xi32, #tpu.memory_space<vmem>>) target_semaphore(%run_scoped3A_582 : memref<!tpu.dma_semaphore, #tpu.memory_space<semaphore_mem>>)
      %dma_wait3A_599 = arith.constant 0 : i32
      %dma_wait3A_600 = arith.constant 0 : i32
      %dma_wait3A_601 = tpu.memref_slice %arg9[%run_scoped3A_511, %dma_wait3A_599, %dma_wait3A_600] : memref<5x6x160xi32, #tpu.memory_space<vmem>> -> memref<1x6x160xi32, #tpu.memory_space<vmem>>
      %dma_wait3A_602 = tpu.memref_squeeze %dma_wait3A_601 : memref<1x6x160xi32, #tpu.memory_space<vmem>> -> memref<6x160xi32, #tpu.memory_space<vmem>>
      %dma_wait3A_603 = arith.constant 0 : i32
      %dma_wait3A_604 = arith.constant 0 : i32
      %dma_wait3A_605 = tpu.memref_slice %arg4[%arg1, %run_scoped3A, %dma_wait3A_603, %dma_wait3A_604] : memref<16x125x6x160xi32, #tpu.memory_space<hbm>> -> memref<1x1x6x160xi32, #tpu.memory_space<hbm>>
      %dma_wait3A_606 = tpu.memref_squeeze %dma_wait3A_605 : memref<1x1x6x160xi32, #tpu.memory_space<hbm>> -> memref<6x160xi32, #tpu.memory_space<hbm>>
      %dma_wait3A_607 = arith.constant 0 : i32
      %dma_wait3A_608 = arith.constant 0 : i32
      %dma_wait3A_609 = tpu.memref_slice %arg9[%run_scoped3A_511, %dma_wait3A_607, %dma_wait3A_608] : memref<5x6x160xi32, #tpu.memory_space<vmem>> -> memref<1x6x160xi32, #tpu.memory_space<vmem>>
      %dma_wait3A_610 = tpu.memref_squeeze %dma_wait3A_609 : memref<1x6x160xi32, #tpu.memory_space<vmem>> -> memref<6x160xi32, #tpu.memory_space<vmem>>
      %dma_wait3A_611 = arith.constant 0 : i32
      %dma_wait3A_612 = arith.constant 0 : i32
      %dma_wait3A_613 = tpu.memref_slice %arg4[%arg1, %run_scoped3A, %dma_wait3A_611, %dma_wait3A_612] : memref<16x125x6x160xi32, #tpu.memory_space<hbm>> -> memref<1x1x6x160xi32, #tpu.memory_space<hbm>>
      %dma_wait3A_614 = tpu.memref_squeeze %dma_wait3A_613 : memref<1x1x6x160xi32, #tpu.memory_space<hbm>> -> memref<6x160xi32, #tpu.memory_space<hbm>>
      tpu.wait_dma2 semaphore(%run_scoped3A_582 : memref<!tpu.dma_semaphore, #tpu.memory_space<semaphore_mem>>) src(%dma_wait3A_614 : memref<6x160xi32, #tpu.memory_space<hbm>>) dst(%dma_wait3A_610 : memref<6x160xi32, #tpu.memory_space<vmem>>)
      tpu.yield
    }) : () -> ()
    %dma_start3A_512 = arith.constant 1 : i32
    %dma_start3A_513 = arith.constant 1 : i32
    %dma_start3A_514 = arith.constant 0 : i32
    %dma_start3A_515 = arith.constant 0 : i32
    %dma_start3A_516 = tpu.memref_slice %arg9[%dma_start3A_513, %dma_start3A_514, %dma_start3A_515] : memref<5x6x160xi32, #tpu.memory_space<vmem>> -> memref<1x6x160xi32, #tpu.memory_space<vmem>>
    %dma_start3A_517 = tpu.memref_squeeze %dma_start3A_516 : memref<1x6x160xi32, #tpu.memory_space<vmem>> -> memref<6x160xi32, #tpu.memory_space<vmem>>
    %dma_start3A_518 = arith.constant 0 : i32
    %dma_start3A_519 = arith.constant 0 : i32
    %dma_start3A_520 = tpu.memref_slice %arg4[%arg1, %dma_start3A_512, %dma_start3A_518, %dma_start3A_519] : memref<16x125x6x160xi32, #tpu.memory_space<hbm>> -> memref<1x1x6x160xi32, #tpu.memory_space<hbm>>
    %dma_start3A_521 = tpu.memref_squeeze %dma_start3A_520 : memref<1x1x6x160xi32, #tpu.memory_space<hbm>> -> memref<6x160xi32, #tpu.memory_space<hbm>>
    %dma_start3A_522 = arith.constant 0 : i32
    %dma_start3A_523 = arith.constant 0 : i32
    %dma_start3A_524 = tpu.memref_slice %arg9[%dma_start3A_513, %dma_start3A_522, %dma_start3A_523] : memref<5x6x160xi32, #tpu.memory_space<vmem>> -> memref<1x6x160xi32, #tpu.memory_space<vmem>>
    %dma_start3A_525 = tpu.memref_squeeze %dma_start3A_524 : memref<1x6x160xi32, #tpu.memory_space<vmem>> -> memref<6x160xi32, #tpu.memory_space<vmem>>
    %dma_start3A_526 = arith.constant 0 : i32
    %dma_start3A_527 = arith.constant 0 : i32
    %dma_start3A_528 = tpu.memref_slice %arg4[%arg1, %dma_start3A_512, %dma_start3A_526, %dma_start3A_527] : memref<16x125x6x160xi32, #tpu.memory_space<hbm>> -> memref<1x1x6x160xi32, #tpu.memory_space<hbm>>
    %dma_start3A_529 = tpu.memref_squeeze %dma_start3A_528 : memref<1x1x6x160xi32, #tpu.memory_space<hbm>> -> memref<6x160xi32, #tpu.memory_space<hbm>>
    tpu.enqueue_dma source(%dma_start3A_529 : memref<6x160xi32, #tpu.memory_space<hbm>>) target(%dma_start3A_525 : memref<6x160xi32, #tpu.memory_space<vmem>>) target_semaphore(%arg15 : memref<!tpu.dma_semaphore, #tpu.memory_space<semaphore_mem>>)
    %dma_start3A_530 = arith.constant 0 : i32
    %dma_start3A_531 = arith.constant 0 : i32
    %dma_start3A_532 = arith.constant 0 : i32
    %dma_start3A_533 = arith.constant 0 : i32
    %dma_start3A_534 = arith.constant 0 : i32
    %dma_start3A_535 = tpu.memref_slice %arg11[%dma_start3A_532, %dma_start3A_533, %dma_start3A_534] : memref<2x160x64xf32, #tpu.memory_space<vmem>> -> memref<1x160x64xf32, #tpu.memory_space<vmem>>
    %dma_start3A_536 = tpu.memref_squeeze %dma_start3A_535 : memref<1x160x64xf32, #tpu.memory_space<vmem>> -> memref<160x64xf32, #tpu.memory_space<vmem>>
    %dma_start3A_537 = arith.constant 0 : i32
    %dma_start3A_538 = tpu.memref_slice %arg9[%dma_start3A_530, %dma_start3A_531, %dma_start3A_537] : memref<5x6x160xi32, #tpu.memory_space<vmem>> -> memref<1x1x160xi32, #tpu.memory_space<vmem>>
    %dma_start3A_539 = tpu.memref_squeeze %dma_start3A_538 : memref<1x1x160xi32, #tpu.memory_space<vmem>> -> memref<160xi32, #tpu.memory_space<vmem>>
    %dma_start3A_540 = arith.constant 0 : i32
    %dma_start3A_541 = arith.constant 0 : i32
    %dma_start3A_542 = tpu.memref_slice %arg2[%arg0, %dma_start3A_540, %dma_start3A_541] : memref<2x10000x64xf32, #tpu.memory_space<hbm>> -> memref<1x10000x64xf32, #tpu.memory_space<hbm>>
    %dma_start3A_543 = tpu.memref_squeeze %dma_start3A_542 : memref<1x10000x64xf32, #tpu.memory_space<hbm>> -> memref<10000x64xf32, #tpu.memory_space<hbm>>
    %dma_start3A_544 = arith.constant 0 : i32
    %dma_start3A_545 = arith.constant 0 : i32
    %dma_start3A_546 = tpu.memref_slice %dma_start3A_543[%dma_start3A_544, %dma_start3A_545] : memref<10000x64xf32, #tpu.memory_space<hbm>> -> memref<10000x64xf32, #tpu.memory_space<hbm>>
    tpu.enqueue_indirect_dma source(%dma_start3A_546 : memref<10000x64xf32, #tpu.memory_space<hbm>>) target(%dma_start3A_536 : memref<160x64xf32, #tpu.memory_space<vmem>>) offsets(%dma_start3A_539 : memref<160xi32, #tpu.memory_space<vmem>>) semaphore(%arg14 : memref<!tpu.dma_semaphore, #tpu.memory_space<semaphore_mem>>)
    %scan3A_547 = arith.constant 0 : i32
    %scan3A_548 = arith.constant 125 : i32
    %scan3A_549 = arith.addi %scan3A_547, %scan3A_548 : i32
    %scan3A_550 = arith.constant 1 : i32
    scf.for %scan3A_582 = %scan3A_547 to %scan3A_549 step %scan3A_550  : i32 {
      %mul3A_583 = arith.constant 1 : i32
      %mul3A_584 = arith.muli %scan3A_582, %mul3A_583 : i32
      %add3A = arith.constant 0 : i32
      %add3A_585 = arith.addi %add3A, %mul3A_584 : i32
      %rem3A = arith.constant 5 : i32
      %rem3A_586 = arith.remsi %add3A_585, %rem3A : i32
      %add3A_587 = arith.constant 1 : i32
      %add3A_588 = arith.addi %add3A_585, %add3A_587 : i32
      %rem3A_589 = arith.constant 5 : i32
      %rem3A_590 = arith.remsi %add3A_588, %rem3A_589 : i32
      %add3A_591 = arith.constant 2 : i32
      %add3A_592 = arith.addi %add3A_585, %add3A_591 : i32
      %rem3A_593 = arith.constant 5 : i32
      %rem3A_594 = arith.remsi %add3A_592, %rem3A_593 : i32
      %rem3A_595 = arith.constant 2 : i32
      %rem3A_596 = arith.remsi %add3A_585, %rem3A_595 : i32
      %add3A_597 = arith.constant 1 : i32
      %add3A_598 = arith.addi %add3A_585, %add3A_597 : i32
      %rem3A_599 = arith.constant 2 : i32
      %rem3A_600 = arith.remsi %add3A_598, %rem3A_599 : i32
      %broadcast_in_dim3A_601 = vector.broadcast %rem3A_596 : i32 to vector<16xi32>
      %add3A_602 = arith.constant 1 : i32
      %add3A_603 = arith.addi %add3A_585, %add3A_602 : i32
      %lt3A = arith.constant 125 : i32
      %lt3A_604 = arith.cmpi slt, %add3A_603, %lt3A : i32
      %convert_element_type3A = arith.extui %lt3A_604 : i1 to i32
      %cond3A = arith.constant 0 : i32
      %cond3A_605 = arith.cmpi ne, %convert_element_type3A, %cond3A : i32
      scf.if %cond3A_605 {
        %dma_wait3A_650 = arith.constant 0 : i32
        %dma_wait3A_651 = arith.constant 0 : i32
        %dma_wait3A_652 = arith.constant 0 : i32
        %dma_wait3A_653 = arith.constant 0 : i32
        %dma_wait3A_654 = tpu.memref_slice %arg9[%dma_wait3A_651, %dma_wait3A_652, %dma_wait3A_653] : memref<5x6x160xi32, #tpu.memory_space<vmem>> -> memref<1x6x160xi32, #tpu.memory_space<vmem>>
        %dma_wait3A_655 = tpu.memref_squeeze %dma_wait3A_654 : memref<1x6x160xi32, #tpu.memory_space<vmem>> -> memref<6x160xi32, #tpu.memory_space<vmem>>
        %dma_wait3A_656 = arith.constant 0 : i32
        %dma_wait3A_657 = arith.constant 0 : i32
        %dma_wait3A_658 = tpu.memref_slice %arg4[%arg1, %dma_wait3A_650, %dma_wait3A_656, %dma_wait3A_657] : memref<16x125x6x160xi32, #tpu.memory_space<hbm>> -> memref<1x1x6x160xi32, #tpu.memory_space<hbm>>
        %dma_wait3A_659 = tpu.memref_squeeze %dma_wait3A_658 : memref<1x1x6x160xi32, #tpu.memory_space<hbm>> -> memref<6x160xi32, #tpu.memory_space<hbm>>
        %dma_wait3A_660 = arith.constant 0 : i32
        %dma_wait3A_661 = arith.constant 0 : i32
        %dma_wait3A_662 = tpu.memref_slice %arg9[%dma_wait3A_651, %dma_wait3A_660, %dma_wait3A_661] : memref<5x6x160xi32, #tpu.memory_space<vmem>> -> memref<1x6x160xi32, #tpu.memory_space<vmem>>
        %dma_wait3A_663 = tpu.memref_squeeze %dma_wait3A_662 : memref<1x6x160xi32, #tpu.memory_space<vmem>> -> memref<6x160xi32, #tpu.memory_space<vmem>>
        %dma_wait3A_664 = arith.constant 0 : i32
        %dma_wait3A_665 = arith.constant 0 : i32
        %dma_wait3A_666 = tpu.memref_slice %arg4[%arg1, %dma_wait3A_650, %dma_wait3A_664, %dma_wait3A_665] : memref<16x125x6x160xi32, #tpu.memory_space<hbm>> -> memref<1x1x6x160xi32, #tpu.memory_space<hbm>>
        %dma_wait3A_667 = tpu.memref_squeeze %dma_wait3A_666 : memref<1x1x6x160xi32, #tpu.memory_space<hbm>> -> memref<6x160xi32, #tpu.memory_space<hbm>>
        tpu.wait_dma2 semaphore(%arg15 : memref<!tpu.dma_semaphore, #tpu.memory_space<semaphore_mem>>) src(%dma_wait3A_667 : memref<6x160xi32, #tpu.memory_space<hbm>>) dst(%dma_wait3A_663 : memref<6x160xi32, #tpu.memory_space<vmem>>)
        %dma_start3A_668 = arith.constant 0 : i32
        %dma_start3A_669 = arith.constant 0 : i32
        %dma_start3A_670 = arith.constant 0 : i32
        %dma_start3A_671 = tpu.memref_slice %arg11[%rem3A_600, %dma_start3A_669, %dma_start3A_670] : memref<2x160x64xf32, #tpu.memory_space<vmem>> -> memref<1x160x64xf32, #tpu.memory_space<vmem>>
        %dma_start3A_672 = tpu.memref_squeeze %dma_start3A_671 : memref<1x160x64xf32, #tpu.memory_space<vmem>> -> memref<160x64xf32, #tpu.memory_space<vmem>>
        %dma_start3A_673 = arith.constant 0 : i32
        %dma_start3A_674 = tpu.memref_slice %arg9[%rem3A_590, %dma_start3A_668, %dma_start3A_673] : memref<5x6x160xi32, #tpu.memory_space<vmem>> -> memref<1x1x160xi32, #tpu.memory_space<vmem>>
        %dma_start3A_675 = tpu.memref_squeeze %dma_start3A_674 : memref<1x1x160xi32, #tpu.memory_space<vmem>> -> memref<160xi32, #tpu.memory_space<vmem>>
        %dma_start3A_676 = arith.constant 0 : i32
        %dma_start3A_677 = arith.constant 0 : i32
        %dma_start3A_678 = tpu.memref_slice %arg2[%arg0, %dma_start3A_676, %dma_start3A_677] : memref<2x10000x64xf32, #tpu.memory_space<hbm>> -> memref<1x10000x64xf32, #tpu.memory_space<hbm>>
        %dma_start3A_679 = tpu.memref_squeeze %dma_start3A_678 : memref<1x10000x64xf32, #tpu.memory_space<hbm>> -> memref<10000x64xf32, #tpu.memory_space<hbm>>
        %dma_start3A_680 = arith.constant 0 : i32
        %dma_start3A_681 = arith.constant 0 : i32
        %dma_start3A_682 = tpu.memref_slice %dma_start3A_679[%dma_start3A_680, %dma_start3A_681] : memref<10000x64xf32, #tpu.memory_space<hbm>> -> memref<10000x64xf32, #tpu.memory_space<hbm>>
        tpu.enqueue_indirect_dma source(%dma_start3A_682 : memref<10000x64xf32, #tpu.memory_space<hbm>>) target(%dma_start3A_672 : memref<160x64xf32, #tpu.memory_space<vmem>>) offsets(%dma_start3A_675 : memref<160xi32, #tpu.memory_space<vmem>>) semaphore(%arg14 : memref<!tpu.dma_semaphore, #tpu.memory_space<semaphore_mem>>)
      } else {
      }
      %add3A_606 = arith.constant 2 : i32
      %add3A_607 = arith.addi %add3A_585, %add3A_606 : i32
      %lt3A_608 = arith.constant 125 : i32
      %lt3A_609 = arith.cmpi slt, %add3A_607, %lt3A_608 : i32
      %convert_element_type3A_610 = arith.extui %lt3A_609 : i1 to i32
      %cond3A_611 = arith.constant 0 : i32
      %cond3A_612 = arith.cmpi ne, %convert_element_type3A_610, %cond3A_611 : i32
      scf.if %cond3A_612 {
        %add3A_650 = arith.constant 2 : i32
        %add3A_651 = arith.addi %add3A_585, %add3A_650 : i32
        %dma_start3A_652 = arith.constant 0 : i32
        %dma_start3A_653 = arith.constant 0 : i32
        %dma_start3A_654 = tpu.memref_slice %arg9[%rem3A_594, %dma_start3A_652, %dma_start3A_653] : memref<5x6x160xi32, #tpu.memory_space<vmem>> -> memref<1x6x160xi32, #tpu.memory_space<vmem>>
        %dma_start3A_655 = tpu.memref_squeeze %dma_start3A_654 : memref<1x6x160xi32, #tpu.memory_space<vmem>> -> memref<6x160xi32, #tpu.memory_space<vmem>>
        %dma_start3A_656 = arith.constant 0 : i32
        %dma_start3A_657 = arith.constant 0 : i32
        %dma_start3A_658 = tpu.memref_slice %arg4[%arg1, %add3A_651, %dma_start3A_656, %dma_start3A_657] : memref<16x125x6x160xi32, #tpu.memory_space<hbm>> -> memref<1x1x6x160xi32, #tpu.memory_space<hbm>>
        %dma_start3A_659 = tpu.memref_squeeze %dma_start3A_658 : memref<1x1x6x160xi32, #tpu.memory_space<hbm>> -> memref<6x160xi32, #tpu.memory_space<hbm>>
        %dma_start3A_660 = arith.constant 0 : i32
        %dma_start3A_661 = arith.constant 0 : i32
        %dma_start3A_662 = tpu.memref_slice %arg9[%rem3A_594, %dma_start3A_660, %dma_start3A_661] : memref<5x6x160xi32, #tpu.memory_space<vmem>> -> memref<1x6x160xi32, #tpu.memory_space<vmem>>
        %dma_start3A_663 = tpu.memref_squeeze %dma_start3A_662 : memref<1x6x160xi32, #tpu.memory_space<vmem>> -> memref<6x160xi32, #tpu.memory_space<vmem>>
        %dma_start3A_664 = arith.constant 0 : i32
        %dma_start3A_665 = arith.constant 0 : i32
        %dma_start3A_666 = tpu.memref_slice %arg4[%arg1, %add3A_651, %dma_start3A_664, %dma_start3A_665] : memref<16x125x6x160xi32, #tpu.memory_space<hbm>> -> memref<1x1x6x160xi32, #tpu.memory_space<hbm>>
        %dma_start3A_667 = tpu.memref_squeeze %dma_start3A_666 : memref<1x1x6x160xi32, #tpu.memory_space<hbm>> -> memref<6x160xi32, #tpu.memory_space<hbm>>
        tpu.enqueue_dma source(%dma_start3A_667 : memref<6x160xi32, #tpu.memory_space<hbm>>) target(%dma_start3A_663 : memref<6x160xi32, #tpu.memory_space<vmem>>) target_semaphore(%arg15 : memref<!tpu.dma_semaphore, #tpu.memory_space<semaphore_mem>>)
      } else {
      }
      %ge3A = arith.constant 2 : i32
      %ge3A_613 = arith.cmpi sge, %add3A_585, %ge3A : i32
      %convert_element_type3A_614 = arith.extui %ge3A_613 : i1 to i32
      %cond3A_615 = arith.constant 0 : i32
      %cond3A_616 = arith.cmpi ne, %convert_element_type3A_614, %cond3A_615 : i32
      scf.if %cond3A_616 {
        %dma_wait3A_650 = arith.constant 0 : i32
        %dma_wait3A_651 = arith.constant 1 : i32
        %dma_wait3A_652 = arith.constant 0 : i32
        %dma_wait3A_653 = arith.constant 0 : i32
        %dma_wait3A_654 = tpu.memref_slice %arg12[%rem3A_596, %dma_wait3A_652, %dma_wait3A_653] : memref<2x160x80xf32, #tpu.memory_space<vmem>> -> memref<1x160x80xf32, #tpu.memory_space<vmem>>
        %dma_wait3A_655 = tpu.memref_squeeze %dma_wait3A_654 : memref<1x160x80xf32, #tpu.memory_space<vmem>> -> memref<160x80xf32, #tpu.memory_space<vmem>>
        %dma_wait3A_656 = arith.constant 0 : i32
        %dma_wait3A_657 = tpu.memref_slice %arg9[%dma_wait3A_650, %dma_wait3A_651, %dma_wait3A_656] : memref<5x6x160xi32, #tpu.memory_space<vmem>> -> memref<1x1x160xi32, #tpu.memory_space<vmem>>
        %dma_wait3A_658 = tpu.memref_squeeze %dma_wait3A_657 : memref<1x1x160xi32, #tpu.memory_space<vmem>> -> memref<160xi32, #tpu.memory_space<vmem>>
        %dma_wait3A_659 = arith.constant 0 : i32
        %dma_wait3A_660 = arith.constant 0 : i32
        %dma_wait3A_661 = tpu.memref_slice %arg13[%dma_wait3A_659, %dma_wait3A_660] : memref<10240x80xf32, #tpu.memory_space<vmem_shared>> -> memref<10240x80xf32, #tpu.memory_space<vmem_shared>>
        tpu.wait_indirect_dma semaphore(%arg16 : memref<!tpu.dma_semaphore, #tpu.memory_space<semaphore_mem>>) src(%dma_wait3A_655 : memref<160x80xf32, #tpu.memory_space<vmem>>) dst(%dma_wait3A_661 : memref<10240x80xf32, #tpu.memory_space<vmem_shared>>)
      } else {
      }
      %scan3A_617 = arith.constant 0 : i32
      %scan3A_618 = arith.constant 10 : i32
      %scan3A_619 = arith.addi %scan3A_617, %scan3A_618 : i32
      %scan3A_620 = arith.constant 1 : i32
      scf.for %scan3A_650 = %scan3A_617 to %scan3A_619 step %scan3A_620  : i32 {
        %mul3A_651 = arith.constant 1 : i32
        %mul3A_652 = arith.muli %scan3A_650, %mul3A_651 : i32
        %add3A_653 = arith.constant 0 : i32
        %add3A_654 = arith.addi %add3A_653, %mul3A_652 : i32
        %mul3A_655 = arith.constant 16 : i32
        %mul3A_656 = arith.muli %add3A_654, %mul3A_655 : i32
        %get3A_657 = arith.constant 0 : i32
        %get3A_658 = arith.index_cast %rem3A_586 : i32 to index
        %get3A_659 = arith.index_cast %get3A_657 : i32 to index
        %get3A_660 = arith.index_cast %mul3A_656 : i32 to index
        %get3A_661 = tpu.vector_load %arg9[%get3A_658, %get3A_659, %get3A_660] {strides = array<i32>} : memref<5x6x160xi32, #tpu.memory_space<vmem>>, vector<16xi32>,
        %mul3A_662 = arith.constant 16 : i32
        %mul3A_663 = arith.muli %add3A_654, %mul3A_662 : i32
        %get3A_664 = arith.constant 1 : i32
        %get3A_665 = arith.index_cast %rem3A_586 : i32 to index
        %get3A_666 = arith.index_cast %get3A_664 : i32 to index
        %get3A_667 = arith.index_cast %mul3A_663 : i32 to index
        %get3A_668 = tpu.vector_load %arg9[%get3A_665, %get3A_666, %get3A_667] {strides = array<i32>} : memref<5x6x160xi32, #tpu.memory_space<vmem>>, vector<16xi32>,
        %mul3A_669 = arith.constant 16 : i32
        %mul3A_670 = arith.muli %add3A_654, %mul3A_669 : i32
        %get3A_671 = arith.constant 2 : i32
        %get3A_672 = arith.index_cast %rem3A_586 : i32 to index
        %get3A_673 = arith.index_cast %get3A_671 : i32 to index
        %get3A_674 = arith.index_cast %mul3A_670 : i32 to index
        %get3A_675 = tpu.vector_load %arg9[%get3A_672, %get3A_673, %get3A_674] {strides = array<i32>} : memref<5x6x160xi32, #tpu.memory_space<vmem>>, vector<16xi32>,
        %bitcast_convert_type3A = tpu.bitcast %get3A_675 : vector<16xi32> -> vector<16xf32>
        %mul3A_676 = arith.mulf %bitcast_convert_type3A, %get3A_490 : vector<16xf32>
        %mul3A_677 = arith.constant 16 : i32
        %mul3A_678 = arith.muli %add3A_654, %mul3A_677 : i32
        %get3A_679 = arith.constant 3 : i32
        %get3A_680 = arith.index_cast %rem3A_586 : i32 to index
        %get3A_681 = arith.index_cast %get3A_679 : i32 to index
        %get3A_682 = arith.index_cast %mul3A_678 : i32 to index
        %get3A_683 = tpu.vector_load %arg9[%get3A_680, %get3A_681, %get3A_682] {strides = array<i32>} : memref<5x6x160xi32, #tpu.memory_space<vmem>>, vector<16xi32>,
        %bitcast_convert_type3A_684 = tpu.bitcast %get3A_683 : vector<16xi32> -> vector<16xf32>
        %mul3A_685 = arith.mulf %bitcast_convert_type3A_684, %get3A_494 : vector<16xf32>
        %add3A_686 = arith.addf %mul3A_676, %mul3A_685 : vector<16xf32>
        %mul3A_687 = arith.constant 16 : i32
        %mul3A_688 = arith.muli %add3A_654, %mul3A_687 : i32
        %get3A_689 = arith.constant 4 : i32
        %get3A_690 = arith.index_cast %rem3A_586 : i32 to index
        %get3A_691 = arith.index_cast %get3A_689 : i32 to index
        %get3A_692 = arith.index_cast %mul3A_688 : i32 to index
        %get3A_693 = tpu.vector_load %arg9[%get3A_690, %get3A_691, %get3A_692] {strides = array<i32>} : memref<5x6x160xi32, #tpu.memory_space<vmem>>, vector<16xi32>,
        %bitcast_convert_type3A_694 = tpu.bitcast %get3A_693 : vector<16xi32> -> vector<16xf32>
        %mul3A_695 = arith.mulf %bitcast_convert_type3A_694, %get3A_498 : vector<16xf32>
        %add3A_696 = arith.addf %add3A_686, %mul3A_695 : vector<16xf32>
        %mul3A_697 = arith.constant 16 : i32
        %mul3A_698 = arith.muli %add3A_654, %mul3A_697 : i32
        %get3A_699 = arith.constant 5 : i32
        %get3A_700 = arith.index_cast %rem3A_586 : i32 to index
        %get3A_701 = arith.index_cast %get3A_699 : i32 to index
        %get3A_702 = arith.index_cast %mul3A_698 : i32 to index
        %get3A_703 = tpu.vector_load %arg9[%get3A_700, %get3A_701, %get3A_702] {strides = array<i32>} : memref<5x6x160xi32, #tpu.memory_space<vmem>>, vector<16xi32>,
        %bitcast_convert_type3A_704 = tpu.bitcast %get3A_703 : vector<16xi32> -> vector<16xf32>
        %mul3A_705 = arith.mulf %bitcast_convert_type3A_704, %get3A_502 : vector<16xf32>
        %add3A_706 = arith.addf %add3A_696, %mul3A_705 : vector<16xf32>
        %gather3A = tpu.vector_load_idx %arg7[%get3A_661] : memref<10000xf32, #tpu.memory_space<vmem>>[vector<16xi32>], vector<16xf32>,
        %gather3A_707 = tpu.vector_load_idx %arg8[%get3A_668] : memref<10000xf32, #tpu.memory_space<vmem>>[vector<16xi32>], vector<16xf32>,
        %add3A_708 = arith.addf %gather3A, %gather3A_707 : vector<16xf32>
        %add3A_709 = arith.addf %add3A_708, %add3A_706 : vector<16xf32>
        %mul3A_710 = arith.constant 2.000000e-01 : f32
        %mul3A_711 = vector.broadcast %mul3A_710 : f32 to vector<16xf32>
        %mul3A_712 = arith.mulf %add3A_709, %mul3A_711 : vector<16xf32>
        %max3A = arith.maximumf %add3A_709, %mul3A_712 : vector<16xf32>
        %exp3A = math.exp %max3A : vector<16xf32>
        %mul3A_713 = arith.constant 16 : i32
        %mul3A_714 = arith.muli %add3A_654, %mul3A_713 : i32
        %add3A_715 = vector.broadcast %mul3A_714 : i32 to vector<16xi32>
        %add3A_716 = arith.addi %add3A_715, %iota3A : vector<16xi32>
        tpu.vector_store_idx %arg12[%broadcast_in_dim3A_601, %add3A_716, %broadcast_in_dim3A_506], %exp3A : memref<2x160x80xf32, #tpu.memory_space<vmem>>[vector<16xi32>, vector<16xi32>, vector<16xi32>], vector<16xf32>,
        tpu.vector_store_idx %arg12[%broadcast_in_dim3A_601, %add3A_716, %broadcast_in_dim3A_508], %add3A_706 : memref<2x160x80xf32, #tpu.memory_space<vmem>>[vector<16xi32>, vector<16xi32>, vector<16xi32>], vector<16xf32>,
        tpu.vector_store_idx %arg12[%broadcast_in_dim3A_601, %add3A_716, %broadcast_in_dim3A_510], %broadcast_in_dim3A_504 : memref<2x160x80xf32, #tpu.memory_space<vmem>>[vector<16xi32>, vector<16xi32>, vector<16xi32>], vector<16xf32>,
      }
      %scan3A_621 = arith.constant 10 : i32
      %dma_wait3A_622 = arith.constant 0 : i32
      %dma_wait3A_623 = arith.constant 0 : i32
      %dma_wait3A_624 = arith.constant 0 : i32
      %dma_wait3A_625 = tpu.memref_slice %arg11[%rem3A_596, %dma_wait3A_623, %dma_wait3A_624] : memref<2x160x64xf32, #tpu.memory_space<vmem>> -> memref<1x160x64xf32, #tpu.memory_space<vmem>>
      %dma_wait3A_626 = tpu.memref_squeeze %dma_wait3A_625 : memref<1x160x64xf32, #tpu.memory_space<vmem>> -> memref<160x64xf32, #tpu.memory_space<vmem>>
      %dma_wait3A_627 = arith.constant 0 : i32
      %dma_wait3A_628 = tpu.memref_slice %arg9[%rem3A_586, %dma_wait3A_622, %dma_wait3A_627] : memref<5x6x160xi32, #tpu.memory_space<vmem>> -> memref<1x1x160xi32, #tpu.memory_space<vmem>>
      %dma_wait3A_629 = tpu.memref_squeeze %dma_wait3A_628 : memref<1x1x160xi32, #tpu.memory_space<vmem>> -> memref<160xi32, #tpu.memory_space<vmem>>
      %dma_wait3A_630 = arith.constant 0 : i32
      %dma_wait3A_631 = arith.constant 0 : i32
      %dma_wait3A_632 = tpu.memref_slice %arg2[%arg0, %dma_wait3A_630, %dma_wait3A_631] : memref<2x10000x64xf32, #tpu.memory_space<hbm>> -> memref<1x10000x64xf32, #tpu.memory_space<hbm>>
      %dma_wait3A_633 = tpu.memref_squeeze %dma_wait3A_632 : memref<1x10000x64xf32, #tpu.memory_space<hbm>> -> memref<10000x64xf32, #tpu.memory_space<hbm>>
      %dma_wait3A_634 = arith.constant 0 : i32
      %dma_wait3A_635 = arith.constant 0 : i32
      %dma_wait3A_636 = tpu.memref_slice %dma_wait3A_633[%dma_wait3A_634, %dma_wait3A_635] : memref<10000x64xf32, #tpu.memory_space<hbm>> -> memref<10000x64xf32, #tpu.memory_space<hbm>>
      tpu.wait_indirect_dma semaphore(%arg14 : memref<!tpu.dma_semaphore, #tpu.memory_space<semaphore_mem>>) src(%dma_wait3A_636 : memref<10000x64xf32, #tpu.memory_space<hbm>>) dst(%dma_wait3A_626 : memref<160x64xf32, #tpu.memory_space<vmem>>)
      %parallel_loop3A = arith.constant 0 : i32
      %parallel_loop3A_637 = arith.constant 160 : i32
      %parallel_loop3A_638 = arith.constant 1 : i32
      scf.for %parallel_loop3A_650 = %parallel_loop3A to %parallel_loop3A_637 step %parallel_loop3A_638  : i32 {
        %parallel_loop3A_651 = vector.broadcast %parallel_loop3A_650 : i32 to vector<16xi32>
        %parallel_loop3A_652 = tpu.vector_load_idx %arg12[%broadcast_in_dim3A_601, %parallel_loop3A_651, %broadcast_in_dim3A_506] : memref<2x160x80xf32, #tpu.memory_space<vmem>>[vector<16xi32>, vector<16xi32>, vector<16xi32>], vector<16xf32>,
        %parallel_loop3A_653 = arith.index_cast %rem3A_596 : i32 to index
        %parallel_loop3A_654 = arith.index_cast %parallel_loop3A_650 : i32 to index
        %parallel_loop3A_655 = arith.constant 0 : index
        %parallel_loop3A_656 = tpu.vector_load %arg11[%parallel_loop3A_653, %parallel_loop3A_654, %parallel_loop3A_655] {strides = array<i32>} : memref<2x160x64xf32, #tpu.memory_space<vmem>>, vector<16xf32>,
        %parallel_loop3A_657 = arith.mulf %parallel_loop3A_656, %parallel_loop3A_652 : vector<16xf32>
        %parallel_loop3A_658 = arith.index_cast %rem3A_596 : i32 to index
        %parallel_loop3A_659 = arith.index_cast %parallel_loop3A_650 : i32 to index
        %parallel_loop3A_660 = arith.constant 0 : index
        %parallel_loop3A_661 = tpu.vector_load %arg12[%parallel_loop3A_658, %parallel_loop3A_659, %parallel_loop3A_660] {strides = array<i32>} : memref<2x160x80xf32, #tpu.memory_space<vmem>>, vector<16xf32>,
        tpu.vector_store %arg12[%parallel_loop3A_658, %parallel_loop3A_659, %parallel_loop3A_660], %parallel_loop3A_657 {strides = array<i32>} : memref<2x160x80xf32, #tpu.memory_space<vmem>>, vector<16xf32>,
        %parallel_loop3A_662 = arith.index_cast %rem3A_596 : i32 to index
        %parallel_loop3A_663 = arith.index_cast %parallel_loop3A_650 : i32 to index
        %parallel_loop3A_664 = arith.constant 16 : index
        %parallel_loop3A_665 = tpu.vector_load %arg11[%parallel_loop3A_662, %parallel_loop3A_663, %parallel_loop3A_664] {strides = array<i32>} : memref<2x160x64xf32, #tpu.memory_space<vmem>>, vector<16xf32>,
        %parallel_loop3A_666 = arith.mulf %parallel_loop3A_665, %parallel_loop3A_652 : vector<16xf32>
        %parallel_loop3A_667 = arith.index_cast %rem3A_596 : i32 to index
        %parallel_loop3A_668 = arith.index_cast %parallel_loop3A_650 : i32 to index
        %parallel_loop3A_669 = arith.constant 16 : index
        %parallel_loop3A_670 = tpu.vector_load %arg12[%parallel_loop3A_667, %parallel_loop3A_668, %parallel_loop3A_669] {strides = array<i32>} : memref<2x160x80xf32, #tpu.memory_space<vmem>>, vector<16xf32>,
        tpu.vector_store %arg12[%parallel_loop3A_667, %parallel_loop3A_668, %parallel_loop3A_669], %parallel_loop3A_666 {strides = array<i32>} : memref<2x160x80xf32, #tpu.memory_space<vmem>>, vector<16xf32>,
        %parallel_loop3A_671 = arith.index_cast %rem3A_596 : i32 to index
        %parallel_loop3A_672 = arith.index_cast %parallel_loop3A_650 : i32 to index
        %parallel_loop3A_673 = arith.constant 32 : index
        %parallel_loop3A_674 = tpu.vector_load %arg11[%parallel_loop3A_671, %parallel_loop3A_672, %parallel_loop3A_673] {strides = array<i32>} : memref<2x160x64xf32, #tpu.memory_space<vmem>>, vector<16xf32>,
        %parallel_loop3A_675 = arith.mulf %parallel_loop3A_674, %parallel_loop3A_652 : vector<16xf32>
        %parallel_loop3A_676 = arith.index_cast %rem3A_596 : i32 to index
        %parallel_loop3A_677 = arith.index_cast %parallel_loop3A_650 : i32 to index
        %parallel_loop3A_678 = arith.constant 32 : index
        %parallel_loop3A_679 = tpu.vector_load %arg12[%parallel_loop3A_676, %parallel_loop3A_677, %parallel_loop3A_678] {strides = array<i32>} : memref<2x160x80xf32, #tpu.memory_space<vmem>>, vector<16xf32>,
        tpu.vector_store %arg12[%parallel_loop3A_676, %parallel_loop3A_677, %parallel_loop3A_678], %parallel_loop3A_675 {strides = array<i32>} : memref<2x160x80xf32, #tpu.memory_space<vmem>>, vector<16xf32>,
        %parallel_loop3A_680 = arith.index_cast %rem3A_596 : i32 to index
        %parallel_loop3A_681 = arith.index_cast %parallel_loop3A_650 : i32 to index
        %parallel_loop3A_682 = arith.constant 48 : index
        %parallel_loop3A_683 = tpu.vector_load %arg11[%parallel_loop3A_680, %parallel_loop3A_681, %parallel_loop3A_682] {strides = array<i32>} : memref<2x160x64xf32, #tpu.memory_space<vmem>>, vector<16xf32>,
        %parallel_loop3A_684 = arith.mulf %parallel_loop3A_683, %parallel_loop3A_652 : vector<16xf32>
        %parallel_loop3A_685 = arith.index_cast %rem3A_596 : i32 to index
        %parallel_loop3A_686 = arith.index_cast %parallel_loop3A_650 : i32 to index
        %parallel_loop3A_687 = arith.constant 48 : index
        %parallel_loop3A_688 = tpu.vector_load %arg12[%parallel_loop3A_685, %parallel_loop3A_686, %parallel_loop3A_687] {strides = array<i32>} : memref<2x160x80xf32, #tpu.memory_space<vmem>>, vector<16xf32>,
        tpu.vector_store %arg12[%parallel_loop3A_685, %parallel_loop3A_686, %parallel_loop3A_687], %parallel_loop3A_684 {strides = array<i32>} : memref<2x160x80xf32, #tpu.memory_space<vmem>>, vector<16xf32>,
      } {sc.loop_unroll_factor = 4 : i64, sc.parallel_access}
      %dma_start3A_639 = arith.constant 1 : i32
      %dma_start3A_640 = arith.constant 0 : i32
      %dma_start3A_641 = arith.constant 0 : i32
      %dma_start3A_642 = tpu.memref_slice %arg12[%rem3A_596, %dma_start3A_640, %dma_start3A_641] : memref<2x160x80xf32, #tpu.memory_space<vmem>> -> memref<1x160x80xf32, #tpu.memory_space<vmem>>
      %dma_start3A_643 = tpu.memref_squeeze %dma_start3A_642 : memref<1x160x80xf32, #tpu.memory_space<vmem>> -> memref<160x80xf32, #tpu.memory_space<vmem>>
      %dma_start3A_644 = arith.constant 0 : i32
      %dma_start3A_645 = tpu.memref_slice %arg9[%rem3A_586, %dma_start3A_639, %dma_start3A_644] : memref<5x6x160xi32, #tpu.memory_space<vmem>> -> memref<1x1x160xi32, #tpu.memory_space<vmem>>
      %dma_start3A_646 = tpu.memref_squeeze %dma_start3A_645 : memref<1x1x160xi32, #tpu.memory_space<vmem>> -> memref<160xi32, #tpu.memory_space<vmem>>
      %dma_start3A_647 = arith.constant 0 : i32
      %dma_start3A_648 = arith.constant 0 : i32
      %dma_start3A_649 = tpu.memref_slice %arg13[%dma_start3A_647, %dma_start3A_648] : memref<10240x80xf32, #tpu.memory_space<vmem_shared>> -> memref<10240x80xf32, #tpu.memory_space<vmem_shared>>
      tpu.enqueue_indirect_dma source(%dma_start3A_643 : memref<160x80xf32, #tpu.memory_space<vmem>>) target(%dma_start3A_649 : memref<10240x80xf32, #tpu.memory_space<vmem_shared>>) offsets(%dma_start3A_646 : memref<160xi32, #tpu.memory_space<vmem>>) semaphore(%arg16 : memref<!tpu.dma_semaphore, #tpu.memory_space<semaphore_mem>>) {add = true}
    }
    %scan3A_551 = arith.constant 125 : i32
    %dma_wait3A_552 = arith.constant 0 : i32
    %dma_wait3A_553 = arith.constant 0 : i32
    %dma_wait3A_554 = arith.constant 1 : i32
    %dma_wait3A_555 = arith.constant 0 : i32
    %dma_wait3A_556 = arith.constant 0 : i32
    %dma_wait3A_557 = tpu.memref_slice %arg12[%dma_wait3A_552, %dma_wait3A_555, %dma_wait3A_556] : memref<2x160x80xf32, #tpu.memory_space<vmem>> -> memref<1x160x80xf32, #tpu.memory_space<vmem>>
    %dma_wait3A_558 = tpu.memref_squeeze %dma_wait3A_557 : memref<1x160x80xf32, #tpu.memory_space<vmem>> -> memref<160x80xf32, #tpu.memory_space<vmem>>
    %dma_wait3A_559 = arith.constant 0 : i32
    %dma_wait3A_560 = tpu.memref_slice %arg9[%dma_wait3A_553, %dma_wait3A_554, %dma_wait3A_559] : memref<5x6x160xi32, #tpu.memory_space<vmem>> -> memref<1x1x160xi32, #tpu.memory_space<vmem>>
    %dma_wait3A_561 = tpu.memref_squeeze %dma_wait3A_560 : memref<1x1x160xi32, #tpu.memory_space<vmem>> -> memref<160xi32, #tpu.memory_space<vmem>>
    %dma_wait3A_562 = arith.constant 0 : i32
    %dma_wait3A_563 = arith.constant 0 : i32
    %dma_wait3A_564 = tpu.memref_slice %arg13[%dma_wait3A_562, %dma_wait3A_563] : memref<10240x80xf32, #tpu.memory_space<vmem_shared>> -> memref<10240x80xf32, #tpu.memory_space<vmem_shared>>
    tpu.wait_indirect_dma semaphore(%arg16 : memref<!tpu.dma_semaphore, #tpu.memory_space<semaphore_mem>>) src(%dma_wait3A_558 : memref<160x80xf32, #tpu.memory_space<vmem>>) dst(%dma_wait3A_564 : memref<10240x80xf32, #tpu.memory_space<vmem_shared>>)
    %dma_wait3A_565 = arith.constant 1 : i32
    %dma_wait3A_566 = arith.constant 0 : i32
    %dma_wait3A_567 = arith.constant 1 : i32
    %dma_wait3A_568 = arith.constant 0 : i32
    %dma_wait3A_569 = arith.constant 0 : i32
    %dma_wait3A_570 = tpu.memref_slice %arg12[%dma_wait3A_565, %dma_wait3A_568, %dma_wait3A_569] : memref<2x160x80xf32, #tpu.memory_space<vmem>> -> memref<1x160x80xf32, #tpu.memory_space<vmem>>
    %dma_wait3A_571 = tpu.memref_squeeze %dma_wait3A_570 : memref<1x160x80xf32, #tpu.memory_space<vmem>> -> memref<160x80xf32, #tpu.memory_space<vmem>>
    %dma_wait3A_572 = arith.constant 0 : i32
    %dma_wait3A_573 = tpu.memref_slice %arg9[%dma_wait3A_566, %dma_wait3A_567, %dma_wait3A_572] : memref<5x6x160xi32, #tpu.memory_space<vmem>> -> memref<1x1x160xi32, #tpu.memory_space<vmem>>
    %dma_wait3A_574 = tpu.memref_squeeze %dma_wait3A_573 : memref<1x1x160xi32, #tpu.memory_space<vmem>> -> memref<160xi32, #tpu.memory_space<vmem>>
    %dma_wait3A_575 = arith.constant 0 : i32
    %dma_wait3A_576 = arith.constant 0 : i32
    %dma_wait3A_577 = tpu.memref_slice %arg13[%dma_wait3A_575, %dma_wait3A_576] : memref<10240x80xf32, #tpu.memory_space<vmem_shared>> -> memref<10240x80xf32, #tpu.memory_space<vmem_shared>>
    tpu.wait_indirect_dma semaphore(%arg16 : memref<!tpu.dma_semaphore, #tpu.memory_space<semaphore_mem>>) src(%dma_wait3A_571 : memref<160x80xf32, #tpu.memory_space<vmem>>) dst(%dma_wait3A_577 : memref<10240x80xf32, #tpu.memory_space<vmem_shared>>)
    %barrier3A_578 = arith.constant 0 : index
    tpu.barrier barrier_id(%barrier3A_578)
    %mul3A = arith.constant 640 : i32
    %mul3A_579 = arith.muli %arg1, %mul3A : i32
    %mul3A_580 = arith.constant 640 : i32
    %mul3A_581 = arith.muli %arg1, %mul3A_580 : i32
    "tpu.region"() ({
      %run_scoped3A_582 = tpu.sem_alloc : memref<!tpu.dma_semaphore, #tpu.memory_space<semaphore_mem>>
      %dma_start3A_583 = arith.constant 0 : i32
      %dma_start3A_584 = tpu.memref_slice %arg6[%arg0, %mul3A_581, %dma_start3A_583] : memref<2x10240x80xf32, #tpu.memory_space<hbm>> -> memref<1x640x80xf32, #tpu.memory_space<hbm>>
      %dma_start3A_585 = tpu.memref_squeeze %dma_start3A_584 : memref<1x640x80xf32, #tpu.memory_space<hbm>> -> memref<640x80xf32, #tpu.memory_space<hbm>>
      %dma_start3A_586 = arith.constant 0 : i32
      %dma_start3A_587 = tpu.memref_slice %arg13[%mul3A_579, %dma_start3A_586] : memref<10240x80xf32, #tpu.memory_space<vmem_shared>> -> memref<640x80xf32, #tpu.memory_space<vmem_shared>>
      tpu.enqueue_dma source(%dma_start3A_587 : memref<640x80xf32, #tpu.memory_space<vmem_shared>>) target(%dma_start3A_585 : memref<640x80xf32, #tpu.memory_space<hbm>>) target_semaphore(%run_scoped3A_582 : memref<!tpu.dma_semaphore, #tpu.memory_space<semaphore_mem>>)
      %dma_wait3A_588 = arith.constant 0 : i32
      %dma_wait3A_589 = tpu.memref_slice %arg6[%arg0, %mul3A_581, %dma_wait3A_588] : memref<2x10240x80xf32, #tpu.memory_space<hbm>> -> memref<1x640x80xf32, #tpu.memory_space<hbm>>
      %dma_wait3A_590 = tpu.memref_squeeze %dma_wait3A_589 : memref<1x640x80xf32, #tpu.memory_space<hbm>> -> memref<640x80xf32, #tpu.memory_space<hbm>>
      %dma_wait3A_591 = arith.constant 0 : i32
      %dma_wait3A_592 = tpu.memref_slice %arg13[%mul3A_579, %dma_wait3A_591] : memref<10240x80xf32, #tpu.memory_space<vmem_shared>> -> memref<640x80xf32, #tpu.memory_space<vmem_shared>>
      tpu.wait_dma2 semaphore(%run_scoped3A_582 : memref<!tpu.dma_semaphore, #tpu.memory_space<semaphore_mem>>) src(%dma_wait3A_592 : memref<640x80xf32, #tpu.memory_space<vmem_shared>>) dst(%dma_wait3A_590 : memref<640x80xf32, #tpu.memory_space<hbm>>)
      tpu.yield
    }) : () -> ()
    return
  }
}

#map = affine_map<(d0, d1) -> (0, 0, 0)>
#map1 = affine_map<(d0, d1) -> (0, 0, 0, 0)>
#map2 = affine_map<(d0, d1) -> (0, 0)>
module attributes {stable_mosaic.version = 14 : i64} {
  func.func @_sc_edge_body(%arg0: i32, %arg1: i32, %arg2: memref<2x10000x64xf32, #tpu.memory_space<hbm>>, %arg3: memref<10x8x1000xf32, #tpu.memory_space<hbm>>, %arg4: memref<16x125x6x160xi32, #tpu.memory_space<hbm>>, %arg5: memref<4x16xf32, #tpu.memory_space<hbm>>, %arg6: memref<2x10240x80xf32, #tpu.memory_space<hbm>>, %arg7: memref<10000xf32, #tpu.memory_space<vmem>>, %arg8: memref<10000xf32, #tpu.memory_space<vmem>>, %arg9: memref<5x6x160xi32, #tpu.memory_space<vmem>>, %arg10: memref<4x16xf32, #tpu.memory_space<vmem>>, %arg11: memref<2x160x64xf32, #tpu.memory_space<vmem>>, %arg12: memref<2x160x80xf32, #tpu.memory_space<vmem>>, %arg13: memref<10240x80xf32, #tpu.memory_space<vmem_shared>>, %arg14: memref<!tpu.dma_semaphore, #tpu.memory_space<semaphore_mem>>, %arg15: memref<!tpu.dma_semaphore, #tpu.memory_space<semaphore_mem>>, %arg16: memref<!tpu.dma_semaphore, #tpu.memory_space<semaphore_mem>>) attributes {dimension_semantics = [#tpu.dimension_semantics<core_parallel>, #tpu.dimension_semantics<subcore_parallel>], iteration_bounds = array<i64: 2, 16>, scalar_prefetch = 0 : i64, scratch_operands = 10 : i64, tpu.core_type = #tpu.core_type<sc_vector_subcore>, window_params = [{transform_indices = #map}, {transform_indices = #map}, {transform_indices = #map1}, {transform_indices = #map2}, {transform_indices = #map}]} {
    %dma_start3A = arith.constant 0 : i32
    %dma_start3A_0 = arith.constant 0 : i32
    %dma_start3A_1 = arith.constant 0 : i32
    %dma_start3A_2 = tpu.memref_slice %arg7[%dma_start3A_1] : memref<10000xf32, #tpu.memory_space<vmem>> -> memref<1000xf32, #tpu.memory_space<vmem>>
    %dma_start3A_3 = arith.constant 0 : i32
    %dma_start3A_4 = tpu.memref_slice %arg3[%dma_start3A, %dma_start3A_0, %dma_start3A_3] : memref<10x8x1000xf32, #tpu.memory_space<hbm>> -> memref<1x1x1000xf32, #tpu.memory_space<hbm>>
    %dma_start3A_5 = tpu.memref_squeeze %dma_start3A_4 : memref<1x1x1000xf32, #tpu.memory_space<hbm>> -> memref<1000xf32, #tpu.memory_space<hbm>>
    %dma_start3A_6 = arith.constant 0 : i32
    %dma_start3A_7 = tpu.memref_slice %arg7[%dma_start3A_6] : memref<10000xf32, #tpu.memory_space<vmem>> -> memref<1000xf32, #tpu.memory_space<vmem>>
    %dma_start3A_8 = arith.constant 0 : i32
    %dma_start3A_9 = tpu.memref_slice %arg3[%dma_start3A, %dma_start3A_0, %dma_start3A_8] : memref<10x8x1000xf32, #tpu.memory_space<hbm>> -> memref<1x1x1000xf32, #tpu.memory_space<hbm>>
    %dma_start3A_10 = tpu.memref_squeeze %dma_start3A_9 : memref<1x1x1000xf32, #tpu.memory_space<hbm>> -> memref<1000xf32, #tpu.memory_space<hbm>>
    tpu.enqueue_dma source(%dma_start3A_10 : memref<1000xf32, #tpu.memory_space<hbm>>) target(%dma_start3A_7 : memref<1000xf32, #tpu.memory_space<vmem>>) target_semaphore(%arg15 : memref<!tpu.dma_semaphore, #tpu.memory_space<semaphore_mem>>)
    %dma_start3A_11 = arith.constant 0 : i32
    %dma_start3A_12 = arith.constant 1 : i32
    %dma_start3A_13 = arith.constant 0 : i32
    %dma_start3A_14 = tpu.memref_slice %arg8[%dma_start3A_13] : memref<10000xf32, #tpu.memory_space<vmem>> -> memref<1000xf32, #tpu.memory_space<vmem>>
    %dma_start3A_15 = arith.constant 0 : i32
    %dma_start3A_16 = tpu.memref_slice %arg3[%dma_start3A_11, %dma_start3A_12, %dma_start3A_15] : memref<10x8x1000xf32, #tpu.memory_space<hbm>> -> memref<1x1x1000xf32, #tpu.memory_space<hbm>>
    %dma_start3A_17 = tpu.memref_squeeze %dma_start3A_16 : memref<1x1x1000xf32, #tpu.memory_space<hbm>> -> memref<1000xf32, #tpu.memory_space<hbm>>
    %dma_start3A_18 = arith.constant 0 : i32
    %dma_start3A_19 = tpu.memref_slice %arg8[%dma_start3A_18] : memref<10000xf32, #tpu.memory_space<vmem>> -> memref<1000xf32, #tpu.memory_space<vmem>>
    %dma_start3A_20 = arith.constant 0 : i32
    %dma_start3A_21 = tpu.memref_slice %arg3[%dma_start3A_11, %dma_start3A_12, %dma_start3A_20] : memref<10x8x1000xf32, #tpu.memory_space<hbm>> -> memref<1x1x1000xf32, #tpu.memory_space<hbm>>
    %dma_start3A_22 = tpu.memref_squeeze %dma_start3A_21 : memref<1x1x1000xf32, #tpu.memory_space<hbm>> -> memref<1000xf32, #tpu.memory_space<hbm>>
    tpu.enqueue_dma source(%dma_start3A_22 : memref<1000xf32, #tpu.memory_space<hbm>>) target(%dma_start3A_19 : memref<1000xf32, #tpu.memory_space<vmem>>) target_semaphore(%arg15 : memref<!tpu.dma_semaphore, #tpu.memory_space<semaphore_mem>>)
    %dma_start3A_23 = arith.constant 1 : i32
    %dma_start3A_24 = arith.constant 0 : i32
    %dma_start3A_25 = arith.constant 1000 : i32
    %dma_start3A_26 = tpu.memref_slice %arg7[%dma_start3A_25] : memref<10000xf32, #tpu.memory_space<vmem>> -> memref<1000xf32, #tpu.memory_space<vmem>>
    %dma_start3A_27 = arith.constant 0 : i32
    %dma_start3A_28 = tpu.memref_slice %arg3[%dma_start3A_23, %dma_start3A_24, %dma_start3A_27] : memref<10x8x1000xf32, #tpu.memory_space<hbm>> -> memref<1x1x1000xf32, #tpu.memory_space<hbm>>
    %dma_start3A_29 = tpu.memref_squeeze %dma_start3A_28 : memref<1x1x1000xf32, #tpu.memory_space<hbm>> -> memref<1000xf32, #tpu.memory_space<hbm>>
    %dma_start3A_30 = arith.constant 1000 : i32
    %dma_start3A_31 = tpu.memref_slice %arg7[%dma_start3A_30] : memref<10000xf32, #tpu.memory_space<vmem>> -> memref<1000xf32, #tpu.memory_space<vmem>>
    %dma_start3A_32 = arith.constant 0 : i32
    %dma_start3A_33 = tpu.memref_slice %arg3[%dma_start3A_23, %dma_start3A_24, %dma_start3A_32] : memref<10x8x1000xf32, #tpu.memory_space<hbm>> -> memref<1x1x1000xf32, #tpu.memory_space<hbm>>
    %dma_start3A_34 = tpu.memref_squeeze %dma_start3A_33 : memref<1x1x1000xf32, #tpu.memory_space<hbm>> -> memref<1000xf32, #tpu.memory_space<hbm>>
    tpu.enqueue_dma source(%dma_start3A_34 : memref<1000xf32, #tpu.memory_space<hbm>>) target(%dma_start3A_31 : memref<1000xf32, #tpu.memory_space<vmem>>) target_semaphore(%arg15 : memref<!tpu.dma_semaphore, #tpu.memory_space<semaphore_mem>>)
    %dma_start3A_35 = arith.constant 1 : i32
    %dma_start3A_36 = arith.constant 1 : i32
    %dma_start3A_37 = arith.constant 1000 : i32
    %dma_start3A_38 = tpu.memref_slice %arg8[%dma_start3A_37] : memref<10000xf32, #tpu.memory_space<vmem>> -> memref<1000xf32, #tpu.memory_space<vmem>>
    %dma_start3A_39 = arith.constant 0 : i32
    %dma_start3A_40 = tpu.memref_slice %arg3[%dma_start3A_35, %dma_start3A_36, %dma_start3A_39] : memref<10x8x1000xf32, #tpu.memory_space<hbm>> -> memref<1x1x1000xf32, #tpu.memory_space<hbm>>
    %dma_start3A_41 = tpu.memref_squeeze %dma_start3A_40 : memref<1x1x1000xf32, #tpu.memory_space<hbm>> -> memref<1000xf32, #tpu.memory_space<hbm>>
    %dma_start3A_42 = arith.constant 1000 : i32
    %dma_start3A_43 = tpu.memref_slice %arg8[%dma_start3A_42] : memref<10000xf32, #tpu.memory_space<vmem>> -> memref<1000xf32, #tpu.memory_space<vmem>>
    %dma_start3A_44 = arith.constant 0 : i32
    %dma_start3A_45 = tpu.memref_slice %arg3[%dma_start3A_35, %dma_start3A_36, %dma_start3A_44] : memref<10x8x1000xf32, #tpu.memory_space<hbm>> -> memref<1x1x1000xf32, #tpu.memory_space<hbm>>
    %dma_start3A_46 = tpu.memref_squeeze %dma_start3A_45 : memref<1x1x1000xf32, #tpu.memory_space<hbm>> -> memref<1000xf32, #tpu.memory_space<hbm>>
    tpu.enqueue_dma source(%dma_start3A_46 : memref<1000xf32, #tpu.memory_space<hbm>>) target(%dma_start3A_43 : memref<1000xf32, #tpu.memory_space<vmem>>) target_semaphore(%arg15 : memref<!tpu.dma_semaphore, #tpu.memory_space<semaphore_mem>>)
    %dma_start3A_47 = arith.constant 2 : i32
    %dma_start3A_48 = arith.constant 0 : i32
    %dma_start3A_49 = arith.constant 2000 : i32
    %dma_start3A_50 = tpu.memref_slice %arg7[%dma_start3A_49] : memref<10000xf32, #tpu.memory_space<vmem>> -> memref<1000xf32, #tpu.memory_space<vmem>>
    %dma_start3A_51 = arith.constant 0 : i32
    %dma_start3A_52 = tpu.memref_slice %arg3[%dma_start3A_47, %dma_start3A_48, %dma_start3A_51] : memref<10x8x1000xf32, #tpu.memory_space<hbm>> -> memref<1x1x1000xf32, #tpu.memory_space<hbm>>
    %dma_start3A_53 = tpu.memref_squeeze %dma_start3A_52 : memref<1x1x1000xf32, #tpu.memory_space<hbm>> -> memref<1000xf32, #tpu.memory_space<hbm>>
    %dma_start3A_54 = arith.constant 2000 : i32
    %dma_start3A_55 = tpu.memref_slice %arg7[%dma_start3A_54] : memref<10000xf32, #tpu.memory_space<vmem>> -> memref<1000xf32, #tpu.memory_space<vmem>>
    %dma_start3A_56 = arith.constant 0 : i32
    %dma_start3A_57 = tpu.memref_slice %arg3[%dma_start3A_47, %dma_start3A_48, %dma_start3A_56] : memref<10x8x1000xf32, #tpu.memory_space<hbm>> -> memref<1x1x1000xf32, #tpu.memory_space<hbm>>
    %dma_start3A_58 = tpu.memref_squeeze %dma_start3A_57 : memref<1x1x1000xf32, #tpu.memory_space<hbm>> -> memref<1000xf32, #tpu.memory_space<hbm>>
    tpu.enqueue_dma source(%dma_start3A_58 : memref<1000xf32, #tpu.memory_space<hbm>>) target(%dma_start3A_55 : memref<1000xf32, #tpu.memory_space<vmem>>) target_semaphore(%arg15 : memref<!tpu.dma_semaphore, #tpu.memory_space<semaphore_mem>>)
    %dma_start3A_59 = arith.constant 2 : i32
    %dma_start3A_60 = arith.constant 1 : i32
    %dma_start3A_61 = arith.constant 2000 : i32
    %dma_start3A_62 = tpu.memref_slice %arg8[%dma_start3A_61] : memref<10000xf32, #tpu.memory_space<vmem>> -> memref<1000xf32, #tpu.memory_space<vmem>>
    %dma_start3A_63 = arith.constant 0 : i32
    %dma_start3A_64 = tpu.memref_slice %arg3[%dma_start3A_59, %dma_start3A_60, %dma_start3A_63] : memref<10x8x1000xf32, #tpu.memory_space<hbm>> -> memref<1x1x1000xf32, #tpu.memory_space<hbm>>
    %dma_start3A_65 = tpu.memref_squeeze %dma_start3A_64 : memref<1x1x1000xf32, #tpu.memory_space<hbm>> -> memref<1000xf32, #tpu.memory_space<hbm>>
    %dma_start3A_66 = arith.constant 2000 : i32
    %dma_start3A_67 = tpu.memref_slice %arg8[%dma_start3A_66] : memref<10000xf32, #tpu.memory_space<vmem>> -> memref<1000xf32, #tpu.memory_space<vmem>>
    %dma_start3A_68 = arith.constant 0 : i32
    %dma_start3A_69 = tpu.memref_slice %arg3[%dma_start3A_59, %dma_start3A_60, %dma_start3A_68] : memref<10x8x1000xf32, #tpu.memory_space<hbm>> -> memref<1x1x1000xf32, #tpu.memory_space<hbm>>
    %dma_start3A_70 = tpu.memref_squeeze %dma_start3A_69 : memref<1x1x1000xf32, #tpu.memory_space<hbm>> -> memref<1000xf32, #tpu.memory_space<hbm>>
    tpu.enqueue_dma source(%dma_start3A_70 : memref<1000xf32, #tpu.memory_space<hbm>>) target(%dma_start3A_67 : memref<1000xf32, #tpu.memory_space<vmem>>) target_semaphore(%arg15 : memref<!tpu.dma_semaphore, #tpu.memory_space<semaphore_mem>>)
    %dma_start3A_71 = arith.constant 3 : i32
    %dma_start3A_72 = arith.constant 0 : i32
    %dma_start3A_73 = arith.constant 3000 : i32
    %dma_start3A_74 = tpu.memref_slice %arg7[%dma_start3A_73] : memref<10000xf32, #tpu.memory_space<vmem>> -> memref<1000xf32, #tpu.memory_space<vmem>>
    %dma_start3A_75 = arith.constant 0 : i32
    %dma_start3A_76 = tpu.memref_slice %arg3[%dma_start3A_71, %dma_start3A_72, %dma_start3A_75] : memref<10x8x1000xf32, #tpu.memory_space<hbm>> -> memref<1x1x1000xf32, #tpu.memory_space<hbm>>
    %dma_start3A_77 = tpu.memref_squeeze %dma_start3A_76 : memref<1x1x1000xf32, #tpu.memory_space<hbm>> -> memref<1000xf32, #tpu.memory_space<hbm>>
    %dma_start3A_78 = arith.constant 3000 : i32
    %dma_start3A_79 = tpu.memref_slice %arg7[%dma_start3A_78] : memref<10000xf32, #tpu.memory_space<vmem>> -> memref<1000xf32, #tpu.memory_space<vmem>>
    %dma_start3A_80 = arith.constant 0 : i32
    %dma_start3A_81 = tpu.memref_slice %arg3[%dma_start3A_71, %dma_start3A_72, %dma_start3A_80] : memref<10x8x1000xf32, #tpu.memory_space<hbm>> -> memref<1x1x1000xf32, #tpu.memory_space<hbm>>
    %dma_start3A_82 = tpu.memref_squeeze %dma_start3A_81 : memref<1x1x1000xf32, #tpu.memory_space<hbm>> -> memref<1000xf32, #tpu.memory_space<hbm>>
    tpu.enqueue_dma source(%dma_start3A_82 : memref<1000xf32, #tpu.memory_space<hbm>>) target(%dma_start3A_79 : memref<1000xf32, #tpu.memory_space<vmem>>) target_semaphore(%arg15 : memref<!tpu.dma_semaphore, #tpu.memory_space<semaphore_mem>>)
    %dma_start3A_83 = arith.constant 3 : i32
    %dma_start3A_84 = arith.constant 1 : i32
    %dma_start3A_85 = arith.constant 3000 : i32
    %dma_start3A_86 = tpu.memref_slice %arg8[%dma_start3A_85] : memref<10000xf32, #tpu.memory_space<vmem>> -> memref<1000xf32, #tpu.memory_space<vmem>>
    %dma_start3A_87 = arith.constant 0 : i32
    %dma_start3A_88 = tpu.memref_slice %arg3[%dma_start3A_83, %dma_start3A_84, %dma_start3A_87] : memref<10x8x1000xf32, #tpu.memory_space<hbm>> -> memref<1x1x1000xf32, #tpu.memory_space<hbm>>
    %dma_start3A_89 = tpu.memref_squeeze %dma_start3A_88 : memref<1x1x1000xf32, #tpu.memory_space<hbm>> -> memref<1000xf32, #tpu.memory_space<hbm>>
    %dma_start3A_90 = arith.constant 3000 : i32
    %dma_start3A_91 = tpu.memref_slice %arg8[%dma_start3A_90] : memref<10000xf32, #tpu.memory_space<vmem>> -> memref<1000xf32, #tpu.memory_space<vmem>>
    %dma_start3A_92 = arith.constant 0 : i32
    %dma_start3A_93 = tpu.memref_slice %arg3[%dma_start3A_83, %dma_start3A_84, %dma_start3A_92] : memref<10x8x1000xf32, #tpu.memory_space<hbm>> -> memref<1x1x1000xf32, #tpu.memory_space<hbm>>
    %dma_start3A_94 = tpu.memref_squeeze %dma_start3A_93 : memref<1x1x1000xf32, #tpu.memory_space<hbm>> -> memref<1000xf32, #tpu.memory_space<hbm>>
    tpu.enqueue_dma source(%dma_start3A_94 : memref<1000xf32, #tpu.memory_space<hbm>>) target(%dma_start3A_91 : memref<1000xf32, #tpu.memory_space<vmem>>) target_semaphore(%arg15 : memref<!tpu.dma_semaphore, #tpu.memory_space<semaphore_mem>>)
    %dma_start3A_95 = arith.constant 4 : i32
    %dma_start3A_96 = arith.constant 0 : i32
    %dma_start3A_97 = arith.constant 4000 : i32
    %dma_start3A_98 = tpu.memref_slice %arg7[%dma_start3A_97] : memref<10000xf32, #tpu.memory_space<vmem>> -> memref<1000xf32, #tpu.memory_space<vmem>>
    %dma_start3A_99 = arith.constant 0 : i32
    %dma_start3A_100 = tpu.memref_slice %arg3[%dma_start3A_95, %dma_start3A_96, %dma_start3A_99] : memref<10x8x1000xf32, #tpu.memory_space<hbm>> -> memref<1x1x1000xf32, #tpu.memory_space<hbm>>
    %dma_start3A_101 = tpu.memref_squeeze %dma_start3A_100 : memref<1x1x1000xf32, #tpu.memory_space<hbm>> -> memref<1000xf32, #tpu.memory_space<hbm>>
    %dma_start3A_102 = arith.constant 4000 : i32
    %dma_start3A_103 = tpu.memref_slice %arg7[%dma_start3A_102] : memref<10000xf32, #tpu.memory_space<vmem>> -> memref<1000xf32, #tpu.memory_space<vmem>>
    %dma_start3A_104 = arith.constant 0 : i32
    %dma_start3A_105 = tpu.memref_slice %arg3[%dma_start3A_95, %dma_start3A_96, %dma_start3A_104] : memref<10x8x1000xf32, #tpu.memory_space<hbm>> -> memref<1x1x1000xf32, #tpu.memory_space<hbm>>
    %dma_start3A_106 = tpu.memref_squeeze %dma_start3A_105 : memref<1x1x1000xf32, #tpu.memory_space<hbm>> -> memref<1000xf32, #tpu.memory_space<hbm>>
    tpu.enqueue_dma source(%dma_start3A_106 : memref<1000xf32, #tpu.memory_space<hbm>>) target(%dma_start3A_103 : memref<1000xf32, #tpu.memory_space<vmem>>) target_semaphore(%arg15 : memref<!tpu.dma_semaphore, #tpu.memory_space<semaphore_mem>>)
    %dma_start3A_107 = arith.constant 4 : i32
    %dma_start3A_108 = arith.constant 1 : i32
    %dma_start3A_109 = arith.constant 4000 : i32
    %dma_start3A_110 = tpu.memref_slice %arg8[%dma_start3A_109] : memref<10000xf32, #tpu.memory_space<vmem>> -> memref<1000xf32, #tpu.memory_space<vmem>>
    %dma_start3A_111 = arith.constant 0 : i32
    %dma_start3A_112 = tpu.memref_slice %arg3[%dma_start3A_107, %dma_start3A_108, %dma_start3A_111] : memref<10x8x1000xf32, #tpu.memory_space<hbm>> -> memref<1x1x1000xf32, #tpu.memory_space<hbm>>
    %dma_start3A_113 = tpu.memref_squeeze %dma_start3A_112 : memref<1x1x1000xf32, #tpu.memory_space<hbm>> -> memref<1000xf32, #tpu.memory_space<hbm>>
    %dma_start3A_114 = arith.constant 4000 : i32
    %dma_start3A_115 = tpu.memref_slice %arg8[%dma_start3A_114] : memref<10000xf32, #tpu.memory_space<vmem>> -> memref<1000xf32, #tpu.memory_space<vmem>>
    %dma_start3A_116 = arith.constant 0 : i32
    %dma_start3A_117 = tpu.memref_slice %arg3[%dma_start3A_107, %dma_start3A_108, %dma_start3A_116] : memref<10x8x1000xf32, #tpu.memory_space<hbm>> -> memref<1x1x1000xf32, #tpu.memory_space<hbm>>
    %dma_start3A_118 = tpu.memref_squeeze %dma_start3A_117 : memref<1x1x1000xf32, #tpu.memory_space<hbm>> -> memref<1000xf32, #tpu.memory_space<hbm>>
    tpu.enqueue_dma source(%dma_start3A_118 : memref<1000xf32, #tpu.memory_space<hbm>>) target(%dma_start3A_115 : memref<1000xf32, #tpu.memory_space<vmem>>) target_semaphore(%arg15 : memref<!tpu.dma_semaphore, #tpu.memory_space<semaphore_mem>>)
    %dma_start3A_119 = arith.constant 5 : i32
    %dma_start3A_120 = arith.constant 0 : i32
    %dma_start3A_121 = arith.constant 5000 : i32
    %dma_start3A_122 = tpu.memref_slice %arg7[%dma_start3A_121] : memref<10000xf32, #tpu.memory_space<vmem>> -> memref<1000xf32, #tpu.memory_space<vmem>>
    %dma_start3A_123 = arith.constant 0 : i32
    %dma_start3A_124 = tpu.memref_slice %arg3[%dma_start3A_119, %dma_start3A_120, %dma_start3A_123] : memref<10x8x1000xf32, #tpu.memory_space<hbm>> -> memref<1x1x1000xf32, #tpu.memory_space<hbm>>
    %dma_start3A_125 = tpu.memref_squeeze %dma_start3A_124 : memref<1x1x1000xf32, #tpu.memory_space<hbm>> -> memref<1000xf32, #tpu.memory_space<hbm>>
    %dma_start3A_126 = arith.constant 5000 : i32
    %dma_start3A_127 = tpu.memref_slice %arg7[%dma_start3A_126] : memref<10000xf32, #tpu.memory_space<vmem>> -> memref<1000xf32, #tpu.memory_space<vmem>>
    %dma_start3A_128 = arith.constant 0 : i32
    %dma_start3A_129 = tpu.memref_slice %arg3[%dma_start3A_119, %dma_start3A_120, %dma_start3A_128] : memref<10x8x1000xf32, #tpu.memory_space<hbm>> -> memref<1x1x1000xf32, #tpu.memory_space<hbm>>
    %dma_start3A_130 = tpu.memref_squeeze %dma_start3A_129 : memref<1x1x1000xf32, #tpu.memory_space<hbm>> -> memref<1000xf32, #tpu.memory_space<hbm>>
    tpu.enqueue_dma source(%dma_start3A_130 : memref<1000xf32, #tpu.memory_space<hbm>>) target(%dma_start3A_127 : memref<1000xf32, #tpu.memory_space<vmem>>) target_semaphore(%arg15 : memref<!tpu.dma_semaphore, #tpu.memory_space<semaphore_mem>>)
    %dma_start3A_131 = arith.constant 5 : i32
    %dma_start3A_132 = arith.constant 1 : i32
    %dma_start3A_133 = arith.constant 5000 : i32
    %dma_start3A_134 = tpu.memref_slice %arg8[%dma_start3A_133] : memref<10000xf32, #tpu.memory_space<vmem>> -> memref<1000xf32, #tpu.memory_space<vmem>>
    %dma_start3A_135 = arith.constant 0 : i32
    %dma_start3A_136 = tpu.memref_slice %arg3[%dma_start3A_131, %dma_start3A_132, %dma_start3A_135] : memref<10x8x1000xf32, #tpu.memory_space<hbm>> -> memref<1x1x1000xf32, #tpu.memory_space<hbm>>
    %dma_start3A_137 = tpu.memref_squeeze %dma_start3A_136 : memref<1x1x1000xf32, #tpu.memory_space<hbm>> -> memref<1000xf32, #tpu.memory_space<hbm>>
    %dma_start3A_138 = arith.constant 5000 : i32
    %dma_start3A_139 = tpu.memref_slice %arg8[%dma_start3A_138] : memref<10000xf32, #tpu.memory_space<vmem>> -> memref<1000xf32, #tpu.memory_space<vmem>>
    %dma_start3A_140 = arith.constant 0 : i32
    %dma_start3A_141 = tpu.memref_slice %arg3[%dma_start3A_131, %dma_start3A_132, %dma_start3A_140] : memref<10x8x1000xf32, #tpu.memory_space<hbm>> -> memref<1x1x1000xf32, #tpu.memory_space<hbm>>
    %dma_start3A_142 = tpu.memref_squeeze %dma_start3A_141 : memref<1x1x1000xf32, #tpu.memory_space<hbm>> -> memref<1000xf32, #tpu.memory_space<hbm>>
    tpu.enqueue_dma source(%dma_start3A_142 : memref<1000xf32, #tpu.memory_space<hbm>>) target(%dma_start3A_139 : memref<1000xf32, #tpu.memory_space<vmem>>) target_semaphore(%arg15 : memref<!tpu.dma_semaphore, #tpu.memory_space<semaphore_mem>>)
    %dma_start3A_143 = arith.constant 6 : i32
    %dma_start3A_144 = arith.constant 0 : i32
    %dma_start3A_145 = arith.constant 6000 : i32
    %dma_start3A_146 = tpu.memref_slice %arg7[%dma_start3A_145] : memref<10000xf32, #tpu.memory_space<vmem>> -> memref<1000xf32, #tpu.memory_space<vmem>>
    %dma_start3A_147 = arith.constant 0 : i32
    %dma_start3A_148 = tpu.memref_slice %arg3[%dma_start3A_143, %dma_start3A_144, %dma_start3A_147] : memref<10x8x1000xf32, #tpu.memory_space<hbm>> -> memref<1x1x1000xf32, #tpu.memory_space<hbm>>
    %dma_start3A_149 = tpu.memref_squeeze %dma_start3A_148 : memref<1x1x1000xf32, #tpu.memory_space<hbm>> -> memref<1000xf32, #tpu.memory_space<hbm>>
    %dma_start3A_150 = arith.constant 6000 : i32
    %dma_start3A_151 = tpu.memref_slice %arg7[%dma_start3A_150] : memref<10000xf32, #tpu.memory_space<vmem>> -> memref<1000xf32, #tpu.memory_space<vmem>>
    %dma_start3A_152 = arith.constant 0 : i32
    %dma_start3A_153 = tpu.memref_slice %arg3[%dma_start3A_143, %dma_start3A_144, %dma_start3A_152] : memref<10x8x1000xf32, #tpu.memory_space<hbm>> -> memref<1x1x1000xf32, #tpu.memory_space<hbm>>
    %dma_start3A_154 = tpu.memref_squeeze %dma_start3A_153 : memref<1x1x1000xf32, #tpu.memory_space<hbm>> -> memref<1000xf32, #tpu.memory_space<hbm>>
    tpu.enqueue_dma source(%dma_start3A_154 : memref<1000xf32, #tpu.memory_space<hbm>>) target(%dma_start3A_151 : memref<1000xf32, #tpu.memory_space<vmem>>) target_semaphore(%arg15 : memref<!tpu.dma_semaphore, #tpu.memory_space<semaphore_mem>>)
    %dma_start3A_155 = arith.constant 6 : i32
    %dma_start3A_156 = arith.constant 1 : i32
    %dma_start3A_157 = arith.constant 6000 : i32
    %dma_start3A_158 = tpu.memref_slice %arg8[%dma_start3A_157] : memref<10000xf32, #tpu.memory_space<vmem>> -> memref<1000xf32, #tpu.memory_space<vmem>>
    %dma_start3A_159 = arith.constant 0 : i32
    %dma_start3A_160 = tpu.memref_slice %arg3[%dma_start3A_155, %dma_start3A_156, %dma_start3A_159] : memref<10x8x1000xf32, #tpu.memory_space<hbm>> -> memref<1x1x1000xf32, #tpu.memory_space<hbm>>
    %dma_start3A_161 = tpu.memref_squeeze %dma_start3A_160 : memref<1x1x1000xf32, #tpu.memory_space<hbm>> -> memref<1000xf32, #tpu.memory_space<hbm>>
    %dma_start3A_162 = arith.constant 6000 : i32
    %dma_start3A_163 = tpu.memref_slice %arg8[%dma_start3A_162] : memref<10000xf32, #tpu.memory_space<vmem>> -> memref<1000xf32, #tpu.memory_space<vmem>>
    %dma_start3A_164 = arith.constant 0 : i32
    %dma_start3A_165 = tpu.memref_slice %arg3[%dma_start3A_155, %dma_start3A_156, %dma_start3A_164] : memref<10x8x1000xf32, #tpu.memory_space<hbm>> -> memref<1x1x1000xf32, #tpu.memory_space<hbm>>
    %dma_start3A_166 = tpu.memref_squeeze %dma_start3A_165 : memref<1x1x1000xf32, #tpu.memory_space<hbm>> -> memref<1000xf32, #tpu.memory_space<hbm>>
    tpu.enqueue_dma source(%dma_start3A_166 : memref<1000xf32, #tpu.memory_space<hbm>>) target(%dma_start3A_163 : memref<1000xf32, #tpu.memory_space<vmem>>) target_semaphore(%arg15 : memref<!tpu.dma_semaphore, #tpu.memory_space<semaphore_mem>>)
    %dma_start3A_167 = arith.constant 7 : i32
    %dma_start3A_168 = arith.constant 0 : i32
    %dma_start3A_169 = arith.constant 7000 : i32
    %dma_start3A_170 = tpu.memref_slice %arg7[%dma_start3A_169] : memref<10000xf32, #tpu.memory_space<vmem>> -> memref<1000xf32, #tpu.memory_space<vmem>>
    %dma_start3A_171 = arith.constant 0 : i32
    %dma_start3A_172 = tpu.memref_slice %arg3[%dma_start3A_167, %dma_start3A_168, %dma_start3A_171] : memref<10x8x1000xf32, #tpu.memory_space<hbm>> -> memref<1x1x1000xf32, #tpu.memory_space<hbm>>
    %dma_start3A_173 = tpu.memref_squeeze %dma_start3A_172 : memref<1x1x1000xf32, #tpu.memory_space<hbm>> -> memref<1000xf32, #tpu.memory_space<hbm>>
    %dma_start3A_174 = arith.constant 7000 : i32
    %dma_start3A_175 = tpu.memref_slice %arg7[%dma_start3A_174] : memref<10000xf32, #tpu.memory_space<vmem>> -> memref<1000xf32, #tpu.memory_space<vmem>>
    %dma_start3A_176 = arith.constant 0 : i32
    %dma_start3A_177 = tpu.memref_slice %arg3[%dma_start3A_167, %dma_start3A_168, %dma_start3A_176] : memref<10x8x1000xf32, #tpu.memory_space<hbm>> -> memref<1x1x1000xf32, #tpu.memory_space<hbm>>
    %dma_start3A_178 = tpu.memref_squeeze %dma_start3A_177 : memref<1x1x1000xf32, #tpu.memory_space<hbm>> -> memref<1000xf32, #tpu.memory_space<hbm>>
    tpu.enqueue_dma source(%dma_start3A_178 : memref<1000xf32, #tpu.memory_space<hbm>>) target(%dma_start3A_175 : memref<1000xf32, #tpu.memory_space<vmem>>) target_semaphore(%arg15 : memref<!tpu.dma_semaphore, #tpu.memory_space<semaphore_mem>>)
    %dma_start3A_179 = arith.constant 7 : i32
    %dma_start3A_180 = arith.constant 1 : i32
    %dma_start3A_181 = arith.constant 7000 : i32
    %dma_start3A_182 = tpu.memref_slice %arg8[%dma_start3A_181] : memref<10000xf32, #tpu.memory_space<vmem>> -> memref<1000xf32, #tpu.memory_space<vmem>>
    %dma_start3A_183 = arith.constant 0 : i32
    %dma_start3A_184 = tpu.memref_slice %arg3[%dma_start3A_179, %dma_start3A_180, %dma_start3A_183] : memref<10x8x1000xf32, #tpu.memory_space<hbm>> -> memref<1x1x1000xf32, #tpu.memory_space<hbm>>
    %dma_start3A_185 = tpu.memref_squeeze %dma_start3A_184 : memref<1x1x1000xf32, #tpu.memory_space<hbm>> -> memref<1000xf32, #tpu.memory_space<hbm>>
    %dma_start3A_186 = arith.constant 7000 : i32
    %dma_start3A_187 = tpu.memref_slice %arg8[%dma_start3A_186] : memref<10000xf32, #tpu.memory_space<vmem>> -> memref<1000xf32, #tpu.memory_space<vmem>>
    %dma_start3A_188 = arith.constant 0 : i32
    %dma_start3A_189 = tpu.memref_slice %arg3[%dma_start3A_179, %dma_start3A_180, %dma_start3A_188] : memref<10x8x1000xf32, #tpu.memory_space<hbm>> -> memref<1x1x1000xf32, #tpu.memory_space<hbm>>
    %dma_start3A_190 = tpu.memref_squeeze %dma_start3A_189 : memref<1x1x1000xf32, #tpu.memory_space<hbm>> -> memref<1000xf32, #tpu.memory_space<hbm>>
    tpu.enqueue_dma source(%dma_start3A_190 : memref<1000xf32, #tpu.memory_space<hbm>>) target(%dma_start3A_187 : memref<1000xf32, #tpu.memory_space<vmem>>) target_semaphore(%arg15 : memref<!tpu.dma_semaphore, #tpu.memory_space<semaphore_mem>>)
    %dma_start3A_191 = arith.constant 8 : i32
    %dma_start3A_192 = arith.constant 0 : i32
    %dma_start3A_193 = arith.constant 8000 : i32
    %dma_start3A_194 = tpu.memref_slice %arg7[%dma_start3A_193] : memref<10000xf32, #tpu.memory_space<vmem>> -> memref<1000xf32, #tpu.memory_space<vmem>>
    %dma_start3A_195 = arith.constant 0 : i32
    %dma_start3A_196 = tpu.memref_slice %arg3[%dma_start3A_191, %dma_start3A_192, %dma_start3A_195] : memref<10x8x1000xf32, #tpu.memory_space<hbm>> -> memref<1x1x1000xf32, #tpu.memory_space<hbm>>
    %dma_start3A_197 = tpu.memref_squeeze %dma_start3A_196 : memref<1x1x1000xf32, #tpu.memory_space<hbm>> -> memref<1000xf32, #tpu.memory_space<hbm>>
    %dma_start3A_198 = arith.constant 8000 : i32
    %dma_start3A_199 = tpu.memref_slice %arg7[%dma_start3A_198] : memref<10000xf32, #tpu.memory_space<vmem>> -> memref<1000xf32, #tpu.memory_space<vmem>>
    %dma_start3A_200 = arith.constant 0 : i32
    %dma_start3A_201 = tpu.memref_slice %arg3[%dma_start3A_191, %dma_start3A_192, %dma_start3A_200] : memref<10x8x1000xf32, #tpu.memory_space<hbm>> -> memref<1x1x1000xf32, #tpu.memory_space<hbm>>
    %dma_start3A_202 = tpu.memref_squeeze %dma_start3A_201 : memref<1x1x1000xf32, #tpu.memory_space<hbm>> -> memref<1000xf32, #tpu.memory_space<hbm>>
    tpu.enqueue_dma source(%dma_start3A_202 : memref<1000xf32, #tpu.memory_space<hbm>>) target(%dma_start3A_199 : memref<1000xf32, #tpu.memory_space<vmem>>) target_semaphore(%arg15 : memref<!tpu.dma_semaphore, #tpu.memory_space<semaphore_mem>>)
    %dma_start3A_203 = arith.constant 8 : i32
    %dma_start3A_204 = arith.constant 1 : i32
    %dma_start3A_205 = arith.constant 8000 : i32
    %dma_start3A_206 = tpu.memref_slice %arg8[%dma_start3A_205] : memref<10000xf32, #tpu.memory_space<vmem>> -> memref<1000xf32, #tpu.memory_space<vmem>>
    %dma_start3A_207 = arith.constant 0 : i32
    %dma_start3A_208 = tpu.memref_slice %arg3[%dma_start3A_203, %dma_start3A_204, %dma_start3A_207] : memref<10x8x1000xf32, #tpu.memory_space<hbm>> -> memref<1x1x1000xf32, #tpu.memory_space<hbm>>
    %dma_start3A_209 = tpu.memref_squeeze %dma_start3A_208 : memref<1x1x1000xf32, #tpu.memory_space<hbm>> -> memref<1000xf32, #tpu.memory_space<hbm>>
    %dma_start3A_210 = arith.constant 8000 : i32
    %dma_start3A_211 = tpu.memref_slice %arg8[%dma_start3A_210] : memref<10000xf32, #tpu.memory_space<vmem>> -> memref<1000xf32, #tpu.memory_space<vmem>>
    %dma_start3A_212 = arith.constant 0 : i32
    %dma_start3A_213 = tpu.memref_slice %arg3[%dma_start3A_203, %dma_start3A_204, %dma_start3A_212] : memref<10x8x1000xf32, #tpu.memory_space<hbm>> -> memref<1x1x1000xf32, #tpu.memory_space<hbm>>
    %dma_start3A_214 = tpu.memref_squeeze %dma_start3A_213 : memref<1x1x1000xf32, #tpu.memory_space<hbm>> -> memref<1000xf32, #tpu.memory_space<hbm>>
    tpu.enqueue_dma source(%dma_start3A_214 : memref<1000xf32, #tpu.memory_space<hbm>>) target(%dma_start3A_211 : memref<1000xf32, #tpu.memory_space<vmem>>) target_semaphore(%arg15 : memref<!tpu.dma_semaphore, #tpu.memory_space<semaphore_mem>>)
    %dma_start3A_215 = arith.constant 9 : i32
    %dma_start3A_216 = arith.constant 0 : i32
    %dma_start3A_217 = arith.constant 9000 : i32
    %dma_start3A_218 = tpu.memref_slice %arg7[%dma_start3A_217] : memref<10000xf32, #tpu.memory_space<vmem>> -> memref<1000xf32, #tpu.memory_space<vmem>>
    %dma_start3A_219 = arith.constant 0 : i32
    %dma_start3A_220 = tpu.memref_slice %arg3[%dma_start3A_215, %dma_start3A_216, %dma_start3A_219] : memref<10x8x1000xf32, #tpu.memory_space<hbm>> -> memref<1x1x1000xf32, #tpu.memory_space<hbm>>
    %dma_start3A_221 = tpu.memref_squeeze %dma_start3A_220 : memref<1x1x1000xf32, #tpu.memory_space<hbm>> -> memref<1000xf32, #tpu.memory_space<hbm>>
    %dma_start3A_222 = arith.constant 9000 : i32
    %dma_start3A_223 = tpu.memref_slice %arg7[%dma_start3A_222] : memref<10000xf32, #tpu.memory_space<vmem>> -> memref<1000xf32, #tpu.memory_space<vmem>>
    %dma_start3A_224 = arith.constant 0 : i32
    %dma_start3A_225 = tpu.memref_slice %arg3[%dma_start3A_215, %dma_start3A_216, %dma_start3A_224] : memref<10x8x1000xf32, #tpu.memory_space<hbm>> -> memref<1x1x1000xf32, #tpu.memory_space<hbm>>
    %dma_start3A_226 = tpu.memref_squeeze %dma_start3A_225 : memref<1x1x1000xf32, #tpu.memory_space<hbm>> -> memref<1000xf32, #tpu.memory_space<hbm>>
    tpu.enqueue_dma source(%dma_start3A_226 : memref<1000xf32, #tpu.memory_space<hbm>>) target(%dma_start3A_223 : memref<1000xf32, #tpu.memory_space<vmem>>) target_semaphore(%arg15 : memref<!tpu.dma_semaphore, #tpu.memory_space<semaphore_mem>>)
    %dma_start3A_227 = arith.constant 9 : i32
    %dma_start3A_228 = arith.constant 1 : i32
    %dma_start3A_229 = arith.constant 9000 : i32
    %dma_start3A_230 = tpu.memref_slice %arg8[%dma_start3A_229] : memref<10000xf32, #tpu.memory_space<vmem>> -> memref<1000xf32, #tpu.memory_space<vmem>>
    %dma_start3A_231 = arith.constant 0 : i32
    %dma_start3A_232 = tpu.memref_slice %arg3[%dma_start3A_227, %dma_start3A_228, %dma_start3A_231] : memref<10x8x1000xf32, #tpu.memory_space<hbm>> -> memref<1x1x1000xf32, #tpu.memory_space<hbm>>
    %dma_start3A_233 = tpu.memref_squeeze %dma_start3A_232 : memref<1x1x1000xf32, #tpu.memory_space<hbm>> -> memref<1000xf32, #tpu.memory_space<hbm>>
    %dma_start3A_234 = arith.constant 9000 : i32
    %dma_start3A_235 = tpu.memref_slice %arg8[%dma_start3A_234] : memref<10000xf32, #tpu.memory_space<vmem>> -> memref<1000xf32, #tpu.memory_space<vmem>>
    %dma_start3A_236 = arith.constant 0 : i32
    %dma_start3A_237 = tpu.memref_slice %arg3[%dma_start3A_227, %dma_start3A_228, %dma_start3A_236] : memref<10x8x1000xf32, #tpu.memory_space<hbm>> -> memref<1x1x1000xf32, #tpu.memory_space<hbm>>
    %dma_start3A_238 = tpu.memref_squeeze %dma_start3A_237 : memref<1x1x1000xf32, #tpu.memory_space<hbm>> -> memref<1000xf32, #tpu.memory_space<hbm>>
    tpu.enqueue_dma source(%dma_start3A_238 : memref<1000xf32, #tpu.memory_space<hbm>>) target(%dma_start3A_235 : memref<1000xf32, #tpu.memory_space<vmem>>) target_semaphore(%arg15 : memref<!tpu.dma_semaphore, #tpu.memory_space<semaphore_mem>>)
    "tpu.region"() ({
      %run_scoped3A_582 = tpu.sem_alloc : memref<!tpu.dma_semaphore, #tpu.memory_space<semaphore_mem>>
      tpu.enqueue_dma source(%arg5 : memref<4x16xf32, #tpu.memory_space<hbm>>) target(%arg10 : memref<4x16xf32, #tpu.memory_space<vmem>>) target_semaphore(%run_scoped3A_582 : memref<!tpu.dma_semaphore, #tpu.memory_space<semaphore_mem>>)
      tpu.wait_dma2 semaphore(%run_scoped3A_582 : memref<!tpu.dma_semaphore, #tpu.memory_space<semaphore_mem>>) src(%arg5 : memref<4x16xf32, #tpu.memory_space<hbm>>) dst(%arg10 : memref<4x16xf32, #tpu.memory_space<vmem>>)
      tpu.yield
    }) : () -> ()
    %dma_wait3A = arith.constant 0 : i32
    %dma_wait3A_239 = arith.constant 0 : i32
    %dma_wait3A_240 = arith.constant 0 : i32
    %dma_wait3A_241 = tpu.memref_slice %arg7[%dma_wait3A_240] : memref<10000xf32, #tpu.memory_space<vmem>> -> memref<1000xf32, #tpu.memory_space<vmem>>
    %dma_wait3A_242 = arith.constant 0 : i32
    %dma_wait3A_243 = tpu.memref_slice %arg3[%dma_wait3A, %dma_wait3A_239, %dma_wait3A_242] : memref<10x8x1000xf32, #tpu.memory_space<hbm>> -> memref<1x1x1000xf32, #tpu.memory_space<hbm>>
    %dma_wait3A_244 = tpu.memref_squeeze %dma_wait3A_243 : memref<1x1x1000xf32, #tpu.memory_space<hbm>> -> memref<1000xf32, #tpu.memory_space<hbm>>
    %dma_wait3A_245 = arith.constant 0 : i32
    %dma_wait3A_246 = tpu.memref_slice %arg7[%dma_wait3A_245] : memref<10000xf32, #tpu.memory_space<vmem>> -> memref<1000xf32, #tpu.memory_space<vmem>>
    %dma_wait3A_247 = arith.constant 0 : i32
    %dma_wait3A_248 = tpu.memref_slice %arg3[%dma_wait3A, %dma_wait3A_239, %dma_wait3A_247] : memref<10x8x1000xf32, #tpu.memory_space<hbm>> -> memref<1x1x1000xf32, #tpu.memory_space<hbm>>
    %dma_wait3A_249 = tpu.memref_squeeze %dma_wait3A_248 : memref<1x1x1000xf32, #tpu.memory_space<hbm>> -> memref<1000xf32, #tpu.memory_space<hbm>>
    tpu.wait_dma2 semaphore(%arg15 : memref<!tpu.dma_semaphore, #tpu.memory_space<semaphore_mem>>) src(%dma_wait3A_249 : memref<1000xf32, #tpu.memory_space<hbm>>) dst(%dma_wait3A_246 : memref<1000xf32, #tpu.memory_space<vmem>>)
    %dma_wait3A_250 = arith.constant 0 : i32
    %dma_wait3A_251 = arith.constant 1 : i32
    %dma_wait3A_252 = arith.constant 0 : i32
    %dma_wait3A_253 = tpu.memref_slice %arg8[%dma_wait3A_252] : memref<10000xf32, #tpu.memory_space<vmem>> -> memref<1000xf32, #tpu.memory_space<vmem>>
    %dma_wait3A_254 = arith.constant 0 : i32
    %dma_wait3A_255 = tpu.memref_slice %arg3[%dma_wait3A_250, %dma_wait3A_251, %dma_wait3A_254] : memref<10x8x1000xf32, #tpu.memory_space<hbm>> -> memref<1x1x1000xf32, #tpu.memory_space<hbm>>
    %dma_wait3A_256 = tpu.memref_squeeze %dma_wait3A_255 : memref<1x1x1000xf32, #tpu.memory_space<hbm>> -> memref<1000xf32, #tpu.memory_space<hbm>>
    %dma_wait3A_257 = arith.constant 0 : i32
    %dma_wait3A_258 = tpu.memref_slice %arg8[%dma_wait3A_257] : memref<10000xf32, #tpu.memory_space<vmem>> -> memref<1000xf32, #tpu.memory_space<vmem>>
    %dma_wait3A_259 = arith.constant 0 : i32
    %dma_wait3A_260 = tpu.memref_slice %arg3[%dma_wait3A_250, %dma_wait3A_251, %dma_wait3A_259] : memref<10x8x1000xf32, #tpu.memory_space<hbm>> -> memref<1x1x1000xf32, #tpu.memory_space<hbm>>
    %dma_wait3A_261 = tpu.memref_squeeze %dma_wait3A_260 : memref<1x1x1000xf32, #tpu.memory_space<hbm>> -> memref<1000xf32, #tpu.memory_space<hbm>>
    tpu.wait_dma2 semaphore(%arg15 : memref<!tpu.dma_semaphore, #tpu.memory_space<semaphore_mem>>) src(%dma_wait3A_261 : memref<1000xf32, #tpu.memory_space<hbm>>) dst(%dma_wait3A_258 : memref<1000xf32, #tpu.memory_space<vmem>>)
    %dma_wait3A_262 = arith.constant 1 : i32
    %dma_wait3A_263 = arith.constant 0 : i32
    %dma_wait3A_264 = arith.constant 1000 : i32
    %dma_wait3A_265 = tpu.memref_slice %arg7[%dma_wait3A_264] : memref<10000xf32, #tpu.memory_space<vmem>> -> memref<1000xf32, #tpu.memory_space<vmem>>
    %dma_wait3A_266 = arith.constant 0 : i32
    %dma_wait3A_267 = tpu.memref_slice %arg3[%dma_wait3A_262, %dma_wait3A_263, %dma_wait3A_266] : memref<10x8x1000xf32, #tpu.memory_space<hbm>> -> memref<1x1x1000xf32, #tpu.memory_space<hbm>>
    %dma_wait3A_268 = tpu.memref_squeeze %dma_wait3A_267 : memref<1x1x1000xf32, #tpu.memory_space<hbm>> -> memref<1000xf32, #tpu.memory_space<hbm>>
    %dma_wait3A_269 = arith.constant 1000 : i32
    %dma_wait3A_270 = tpu.memref_slice %arg7[%dma_wait3A_269] : memref<10000xf32, #tpu.memory_space<vmem>> -> memref<1000xf32, #tpu.memory_space<vmem>>
    %dma_wait3A_271 = arith.constant 0 : i32
    %dma_wait3A_272 = tpu.memref_slice %arg3[%dma_wait3A_262, %dma_wait3A_263, %dma_wait3A_271] : memref<10x8x1000xf32, #tpu.memory_space<hbm>> -> memref<1x1x1000xf32, #tpu.memory_space<hbm>>
    %dma_wait3A_273 = tpu.memref_squeeze %dma_wait3A_272 : memref<1x1x1000xf32, #tpu.memory_space<hbm>> -> memref<1000xf32, #tpu.memory_space<hbm>>
    tpu.wait_dma2 semaphore(%arg15 : memref<!tpu.dma_semaphore, #tpu.memory_space<semaphore_mem>>) src(%dma_wait3A_273 : memref<1000xf32, #tpu.memory_space<hbm>>) dst(%dma_wait3A_270 : memref<1000xf32, #tpu.memory_space<vmem>>)
    %dma_wait3A_274 = arith.constant 1 : i32
    %dma_wait3A_275 = arith.constant 1 : i32
    %dma_wait3A_276 = arith.constant 1000 : i32
    %dma_wait3A_277 = tpu.memref_slice %arg8[%dma_wait3A_276] : memref<10000xf32, #tpu.memory_space<vmem>> -> memref<1000xf32, #tpu.memory_space<vmem>>
    %dma_wait3A_278 = arith.constant 0 : i32
    %dma_wait3A_279 = tpu.memref_slice %arg3[%dma_wait3A_274, %dma_wait3A_275, %dma_wait3A_278] : memref<10x8x1000xf32, #tpu.memory_space<hbm>> -> memref<1x1x1000xf32, #tpu.memory_space<hbm>>
    %dma_wait3A_280 = tpu.memref_squeeze %dma_wait3A_279 : memref<1x1x1000xf32, #tpu.memory_space<hbm>> -> memref<1000xf32, #tpu.memory_space<hbm>>
    %dma_wait3A_281 = arith.constant 1000 : i32
    %dma_wait3A_282 = tpu.memref_slice %arg8[%dma_wait3A_281] : memref<10000xf32, #tpu.memory_space<vmem>> -> memref<1000xf32, #tpu.memory_space<vmem>>
    %dma_wait3A_283 = arith.constant 0 : i32
    %dma_wait3A_284 = tpu.memref_slice %arg3[%dma_wait3A_274, %dma_wait3A_275, %dma_wait3A_283] : memref<10x8x1000xf32, #tpu.memory_space<hbm>> -> memref<1x1x1000xf32, #tpu.memory_space<hbm>>
    %dma_wait3A_285 = tpu.memref_squeeze %dma_wait3A_284 : memref<1x1x1000xf32, #tpu.memory_space<hbm>> -> memref<1000xf32, #tpu.memory_space<hbm>>
    tpu.wait_dma2 semaphore(%arg15 : memref<!tpu.dma_semaphore, #tpu.memory_space<semaphore_mem>>) src(%dma_wait3A_285 : memref<1000xf32, #tpu.memory_space<hbm>>) dst(%dma_wait3A_282 : memref<1000xf32, #tpu.memory_space<vmem>>)
    %dma_wait3A_286 = arith.constant 2 : i32
    %dma_wait3A_287 = arith.constant 0 : i32
    %dma_wait3A_288 = arith.constant 2000 : i32
    %dma_wait3A_289 = tpu.memref_slice %arg7[%dma_wait3A_288] : memref<10000xf32, #tpu.memory_space<vmem>> -> memref<1000xf32, #tpu.memory_space<vmem>>
    %dma_wait3A_290 = arith.constant 0 : i32
    %dma_wait3A_291 = tpu.memref_slice %arg3[%dma_wait3A_286, %dma_wait3A_287, %dma_wait3A_290] : memref<10x8x1000xf32, #tpu.memory_space<hbm>> -> memref<1x1x1000xf32, #tpu.memory_space<hbm>>
    %dma_wait3A_292 = tpu.memref_squeeze %dma_wait3A_291 : memref<1x1x1000xf32, #tpu.memory_space<hbm>> -> memref<1000xf32, #tpu.memory_space<hbm>>
    %dma_wait3A_293 = arith.constant 2000 : i32
    %dma_wait3A_294 = tpu.memref_slice %arg7[%dma_wait3A_293] : memref<10000xf32, #tpu.memory_space<vmem>> -> memref<1000xf32, #tpu.memory_space<vmem>>
    %dma_wait3A_295 = arith.constant 0 : i32
    %dma_wait3A_296 = tpu.memref_slice %arg3[%dma_wait3A_286, %dma_wait3A_287, %dma_wait3A_295] : memref<10x8x1000xf32, #tpu.memory_space<hbm>> -> memref<1x1x1000xf32, #tpu.memory_space<hbm>>
    %dma_wait3A_297 = tpu.memref_squeeze %dma_wait3A_296 : memref<1x1x1000xf32, #tpu.memory_space<hbm>> -> memref<1000xf32, #tpu.memory_space<hbm>>
    tpu.wait_dma2 semaphore(%arg15 : memref<!tpu.dma_semaphore, #tpu.memory_space<semaphore_mem>>) src(%dma_wait3A_297 : memref<1000xf32, #tpu.memory_space<hbm>>) dst(%dma_wait3A_294 : memref<1000xf32, #tpu.memory_space<vmem>>)
    %dma_wait3A_298 = arith.constant 2 : i32
    %dma_wait3A_299 = arith.constant 1 : i32
    %dma_wait3A_300 = arith.constant 2000 : i32
    %dma_wait3A_301 = tpu.memref_slice %arg8[%dma_wait3A_300] : memref<10000xf32, #tpu.memory_space<vmem>> -> memref<1000xf32, #tpu.memory_space<vmem>>
    %dma_wait3A_302 = arith.constant 0 : i32
    %dma_wait3A_303 = tpu.memref_slice %arg3[%dma_wait3A_298, %dma_wait3A_299, %dma_wait3A_302] : memref<10x8x1000xf32, #tpu.memory_space<hbm>> -> memref<1x1x1000xf32, #tpu.memory_space<hbm>>
    %dma_wait3A_304 = tpu.memref_squeeze %dma_wait3A_303 : memref<1x1x1000xf32, #tpu.memory_space<hbm>> -> memref<1000xf32, #tpu.memory_space<hbm>>
    %dma_wait3A_305 = arith.constant 2000 : i32
    %dma_wait3A_306 = tpu.memref_slice %arg8[%dma_wait3A_305] : memref<10000xf32, #tpu.memory_space<vmem>> -> memref<1000xf32, #tpu.memory_space<vmem>>
    %dma_wait3A_307 = arith.constant 0 : i32
    %dma_wait3A_308 = tpu.memref_slice %arg3[%dma_wait3A_298, %dma_wait3A_299, %dma_wait3A_307] : memref<10x8x1000xf32, #tpu.memory_space<hbm>> -> memref<1x1x1000xf32, #tpu.memory_space<hbm>>
    %dma_wait3A_309 = tpu.memref_squeeze %dma_wait3A_308 : memref<1x1x1000xf32, #tpu.memory_space<hbm>> -> memref<1000xf32, #tpu.memory_space<hbm>>
    tpu.wait_dma2 semaphore(%arg15 : memref<!tpu.dma_semaphore, #tpu.memory_space<semaphore_mem>>) src(%dma_wait3A_309 : memref<1000xf32, #tpu.memory_space<hbm>>) dst(%dma_wait3A_306 : memref<1000xf32, #tpu.memory_space<vmem>>)
    %dma_wait3A_310 = arith.constant 3 : i32
    %dma_wait3A_311 = arith.constant 0 : i32
    %dma_wait3A_312 = arith.constant 3000 : i32
    %dma_wait3A_313 = tpu.memref_slice %arg7[%dma_wait3A_312] : memref<10000xf32, #tpu.memory_space<vmem>> -> memref<1000xf32, #tpu.memory_space<vmem>>
    %dma_wait3A_314 = arith.constant 0 : i32
    %dma_wait3A_315 = tpu.memref_slice %arg3[%dma_wait3A_310, %dma_wait3A_311, %dma_wait3A_314] : memref<10x8x1000xf32, #tpu.memory_space<hbm>> -> memref<1x1x1000xf32, #tpu.memory_space<hbm>>
    %dma_wait3A_316 = tpu.memref_squeeze %dma_wait3A_315 : memref<1x1x1000xf32, #tpu.memory_space<hbm>> -> memref<1000xf32, #tpu.memory_space<hbm>>
    %dma_wait3A_317 = arith.constant 3000 : i32
    %dma_wait3A_318 = tpu.memref_slice %arg7[%dma_wait3A_317] : memref<10000xf32, #tpu.memory_space<vmem>> -> memref<1000xf32, #tpu.memory_space<vmem>>
    %dma_wait3A_319 = arith.constant 0 : i32
    %dma_wait3A_320 = tpu.memref_slice %arg3[%dma_wait3A_310, %dma_wait3A_311, %dma_wait3A_319] : memref<10x8x1000xf32, #tpu.memory_space<hbm>> -> memref<1x1x1000xf32, #tpu.memory_space<hbm>>
    %dma_wait3A_321 = tpu.memref_squeeze %dma_wait3A_320 : memref<1x1x1000xf32, #tpu.memory_space<hbm>> -> memref<1000xf32, #tpu.memory_space<hbm>>
    tpu.wait_dma2 semaphore(%arg15 : memref<!tpu.dma_semaphore, #tpu.memory_space<semaphore_mem>>) src(%dma_wait3A_321 : memref<1000xf32, #tpu.memory_space<hbm>>) dst(%dma_wait3A_318 : memref<1000xf32, #tpu.memory_space<vmem>>)
    %dma_wait3A_322 = arith.constant 3 : i32
    %dma_wait3A_323 = arith.constant 1 : i32
    %dma_wait3A_324 = arith.constant 3000 : i32
    %dma_wait3A_325 = tpu.memref_slice %arg8[%dma_wait3A_324] : memref<10000xf32, #tpu.memory_space<vmem>> -> memref<1000xf32, #tpu.memory_space<vmem>>
    %dma_wait3A_326 = arith.constant 0 : i32
    %dma_wait3A_327 = tpu.memref_slice %arg3[%dma_wait3A_322, %dma_wait3A_323, %dma_wait3A_326] : memref<10x8x1000xf32, #tpu.memory_space<hbm>> -> memref<1x1x1000xf32, #tpu.memory_space<hbm>>
    %dma_wait3A_328 = tpu.memref_squeeze %dma_wait3A_327 : memref<1x1x1000xf32, #tpu.memory_space<hbm>> -> memref<1000xf32, #tpu.memory_space<hbm>>
    %dma_wait3A_329 = arith.constant 3000 : i32
    %dma_wait3A_330 = tpu.memref_slice %arg8[%dma_wait3A_329] : memref<10000xf32, #tpu.memory_space<vmem>> -> memref<1000xf32, #tpu.memory_space<vmem>>
    %dma_wait3A_331 = arith.constant 0 : i32
    %dma_wait3A_332 = tpu.memref_slice %arg3[%dma_wait3A_322, %dma_wait3A_323, %dma_wait3A_331] : memref<10x8x1000xf32, #tpu.memory_space<hbm>> -> memref<1x1x1000xf32, #tpu.memory_space<hbm>>
    %dma_wait3A_333 = tpu.memref_squeeze %dma_wait3A_332 : memref<1x1x1000xf32, #tpu.memory_space<hbm>> -> memref<1000xf32, #tpu.memory_space<hbm>>
    tpu.wait_dma2 semaphore(%arg15 : memref<!tpu.dma_semaphore, #tpu.memory_space<semaphore_mem>>) src(%dma_wait3A_333 : memref<1000xf32, #tpu.memory_space<hbm>>) dst(%dma_wait3A_330 : memref<1000xf32, #tpu.memory_space<vmem>>)
    %dma_wait3A_334 = arith.constant 4 : i32
    %dma_wait3A_335 = arith.constant 0 : i32
    %dma_wait3A_336 = arith.constant 4000 : i32
    %dma_wait3A_337 = tpu.memref_slice %arg7[%dma_wait3A_336] : memref<10000xf32, #tpu.memory_space<vmem>> -> memref<1000xf32, #tpu.memory_space<vmem>>
    %dma_wait3A_338 = arith.constant 0 : i32
    %dma_wait3A_339 = tpu.memref_slice %arg3[%dma_wait3A_334, %dma_wait3A_335, %dma_wait3A_338] : memref<10x8x1000xf32, #tpu.memory_space<hbm>> -> memref<1x1x1000xf32, #tpu.memory_space<hbm>>
    %dma_wait3A_340 = tpu.memref_squeeze %dma_wait3A_339 : memref<1x1x1000xf32, #tpu.memory_space<hbm>> -> memref<1000xf32, #tpu.memory_space<hbm>>
    %dma_wait3A_341 = arith.constant 4000 : i32
    %dma_wait3A_342 = tpu.memref_slice %arg7[%dma_wait3A_341] : memref<10000xf32, #tpu.memory_space<vmem>> -> memref<1000xf32, #tpu.memory_space<vmem>>
    %dma_wait3A_343 = arith.constant 0 : i32
    %dma_wait3A_344 = tpu.memref_slice %arg3[%dma_wait3A_334, %dma_wait3A_335, %dma_wait3A_343] : memref<10x8x1000xf32, #tpu.memory_space<hbm>> -> memref<1x1x1000xf32, #tpu.memory_space<hbm>>
    %dma_wait3A_345 = tpu.memref_squeeze %dma_wait3A_344 : memref<1x1x1000xf32, #tpu.memory_space<hbm>> -> memref<1000xf32, #tpu.memory_space<hbm>>
    tpu.wait_dma2 semaphore(%arg15 : memref<!tpu.dma_semaphore, #tpu.memory_space<semaphore_mem>>) src(%dma_wait3A_345 : memref<1000xf32, #tpu.memory_space<hbm>>) dst(%dma_wait3A_342 : memref<1000xf32, #tpu.memory_space<vmem>>)
    %dma_wait3A_346 = arith.constant 4 : i32
    %dma_wait3A_347 = arith.constant 1 : i32
    %dma_wait3A_348 = arith.constant 4000 : i32
    %dma_wait3A_349 = tpu.memref_slice %arg8[%dma_wait3A_348] : memref<10000xf32, #tpu.memory_space<vmem>> -> memref<1000xf32, #tpu.memory_space<vmem>>
    %dma_wait3A_350 = arith.constant 0 : i32
    %dma_wait3A_351 = tpu.memref_slice %arg3[%dma_wait3A_346, %dma_wait3A_347, %dma_wait3A_350] : memref<10x8x1000xf32, #tpu.memory_space<hbm>> -> memref<1x1x1000xf32, #tpu.memory_space<hbm>>
    %dma_wait3A_352 = tpu.memref_squeeze %dma_wait3A_351 : memref<1x1x1000xf32, #tpu.memory_space<hbm>> -> memref<1000xf32, #tpu.memory_space<hbm>>
    %dma_wait3A_353 = arith.constant 4000 : i32
    %dma_wait3A_354 = tpu.memref_slice %arg8[%dma_wait3A_353] : memref<10000xf32, #tpu.memory_space<vmem>> -> memref<1000xf32, #tpu.memory_space<vmem>>
    %dma_wait3A_355 = arith.constant 0 : i32
    %dma_wait3A_356 = tpu.memref_slice %arg3[%dma_wait3A_346, %dma_wait3A_347, %dma_wait3A_355] : memref<10x8x1000xf32, #tpu.memory_space<hbm>> -> memref<1x1x1000xf32, #tpu.memory_space<hbm>>
    %dma_wait3A_357 = tpu.memref_squeeze %dma_wait3A_356 : memref<1x1x1000xf32, #tpu.memory_space<hbm>> -> memref<1000xf32, #tpu.memory_space<hbm>>
    tpu.wait_dma2 semaphore(%arg15 : memref<!tpu.dma_semaphore, #tpu.memory_space<semaphore_mem>>) src(%dma_wait3A_357 : memref<1000xf32, #tpu.memory_space<hbm>>) dst(%dma_wait3A_354 : memref<1000xf32, #tpu.memory_space<vmem>>)
    %dma_wait3A_358 = arith.constant 5 : i32
    %dma_wait3A_359 = arith.constant 0 : i32
    %dma_wait3A_360 = arith.constant 5000 : i32
    %dma_wait3A_361 = tpu.memref_slice %arg7[%dma_wait3A_360] : memref<10000xf32, #tpu.memory_space<vmem>> -> memref<1000xf32, #tpu.memory_space<vmem>>
    %dma_wait3A_362 = arith.constant 0 : i32
    %dma_wait3A_363 = tpu.memref_slice %arg3[%dma_wait3A_358, %dma_wait3A_359, %dma_wait3A_362] : memref<10x8x1000xf32, #tpu.memory_space<hbm>> -> memref<1x1x1000xf32, #tpu.memory_space<hbm>>
    %dma_wait3A_364 = tpu.memref_squeeze %dma_wait3A_363 : memref<1x1x1000xf32, #tpu.memory_space<hbm>> -> memref<1000xf32, #tpu.memory_space<hbm>>
    %dma_wait3A_365 = arith.constant 5000 : i32
    %dma_wait3A_366 = tpu.memref_slice %arg7[%dma_wait3A_365] : memref<10000xf32, #tpu.memory_space<vmem>> -> memref<1000xf32, #tpu.memory_space<vmem>>
    %dma_wait3A_367 = arith.constant 0 : i32
    %dma_wait3A_368 = tpu.memref_slice %arg3[%dma_wait3A_358, %dma_wait3A_359, %dma_wait3A_367] : memref<10x8x1000xf32, #tpu.memory_space<hbm>> -> memref<1x1x1000xf32, #tpu.memory_space<hbm>>
    %dma_wait3A_369 = tpu.memref_squeeze %dma_wait3A_368 : memref<1x1x1000xf32, #tpu.memory_space<hbm>> -> memref<1000xf32, #tpu.memory_space<hbm>>
    tpu.wait_dma2 semaphore(%arg15 : memref<!tpu.dma_semaphore, #tpu.memory_space<semaphore_mem>>) src(%dma_wait3A_369 : memref<1000xf32, #tpu.memory_space<hbm>>) dst(%dma_wait3A_366 : memref<1000xf32, #tpu.memory_space<vmem>>)
    %dma_wait3A_370 = arith.constant 5 : i32
    %dma_wait3A_371 = arith.constant 1 : i32
    %dma_wait3A_372 = arith.constant 5000 : i32
    %dma_wait3A_373 = tpu.memref_slice %arg8[%dma_wait3A_372] : memref<10000xf32, #tpu.memory_space<vmem>> -> memref<1000xf32, #tpu.memory_space<vmem>>
    %dma_wait3A_374 = arith.constant 0 : i32
    %dma_wait3A_375 = tpu.memref_slice %arg3[%dma_wait3A_370, %dma_wait3A_371, %dma_wait3A_374] : memref<10x8x1000xf32, #tpu.memory_space<hbm>> -> memref<1x1x1000xf32, #tpu.memory_space<hbm>>
    %dma_wait3A_376 = tpu.memref_squeeze %dma_wait3A_375 : memref<1x1x1000xf32, #tpu.memory_space<hbm>> -> memref<1000xf32, #tpu.memory_space<hbm>>
    %dma_wait3A_377 = arith.constant 5000 : i32
    %dma_wait3A_378 = tpu.memref_slice %arg8[%dma_wait3A_377] : memref<10000xf32, #tpu.memory_space<vmem>> -> memref<1000xf32, #tpu.memory_space<vmem>>
    %dma_wait3A_379 = arith.constant 0 : i32
    %dma_wait3A_380 = tpu.memref_slice %arg3[%dma_wait3A_370, %dma_wait3A_371, %dma_wait3A_379] : memref<10x8x1000xf32, #tpu.memory_space<hbm>> -> memref<1x1x1000xf32, #tpu.memory_space<hbm>>
    %dma_wait3A_381 = tpu.memref_squeeze %dma_wait3A_380 : memref<1x1x1000xf32, #tpu.memory_space<hbm>> -> memref<1000xf32, #tpu.memory_space<hbm>>
    tpu.wait_dma2 semaphore(%arg15 : memref<!tpu.dma_semaphore, #tpu.memory_space<semaphore_mem>>) src(%dma_wait3A_381 : memref<1000xf32, #tpu.memory_space<hbm>>) dst(%dma_wait3A_378 : memref<1000xf32, #tpu.memory_space<vmem>>)
    %dma_wait3A_382 = arith.constant 6 : i32
    %dma_wait3A_383 = arith.constant 0 : i32
    %dma_wait3A_384 = arith.constant 6000 : i32
    %dma_wait3A_385 = tpu.memref_slice %arg7[%dma_wait3A_384] : memref<10000xf32, #tpu.memory_space<vmem>> -> memref<1000xf32, #tpu.memory_space<vmem>>
    %dma_wait3A_386 = arith.constant 0 : i32
    %dma_wait3A_387 = tpu.memref_slice %arg3[%dma_wait3A_382, %dma_wait3A_383, %dma_wait3A_386] : memref<10x8x1000xf32, #tpu.memory_space<hbm>> -> memref<1x1x1000xf32, #tpu.memory_space<hbm>>
    %dma_wait3A_388 = tpu.memref_squeeze %dma_wait3A_387 : memref<1x1x1000xf32, #tpu.memory_space<hbm>> -> memref<1000xf32, #tpu.memory_space<hbm>>
    %dma_wait3A_389 = arith.constant 6000 : i32
    %dma_wait3A_390 = tpu.memref_slice %arg7[%dma_wait3A_389] : memref<10000xf32, #tpu.memory_space<vmem>> -> memref<1000xf32, #tpu.memory_space<vmem>>
    %dma_wait3A_391 = arith.constant 0 : i32
    %dma_wait3A_392 = tpu.memref_slice %arg3[%dma_wait3A_382, %dma_wait3A_383, %dma_wait3A_391] : memref<10x8x1000xf32, #tpu.memory_space<hbm>> -> memref<1x1x1000xf32, #tpu.memory_space<hbm>>
    %dma_wait3A_393 = tpu.memref_squeeze %dma_wait3A_392 : memref<1x1x1000xf32, #tpu.memory_space<hbm>> -> memref<1000xf32, #tpu.memory_space<hbm>>
    tpu.wait_dma2 semaphore(%arg15 : memref<!tpu.dma_semaphore, #tpu.memory_space<semaphore_mem>>) src(%dma_wait3A_393 : memref<1000xf32, #tpu.memory_space<hbm>>) dst(%dma_wait3A_390 : memref<1000xf32, #tpu.memory_space<vmem>>)
    %dma_wait3A_394 = arith.constant 6 : i32
    %dma_wait3A_395 = arith.constant 1 : i32
    %dma_wait3A_396 = arith.constant 6000 : i32
    %dma_wait3A_397 = tpu.memref_slice %arg8[%dma_wait3A_396] : memref<10000xf32, #tpu.memory_space<vmem>> -> memref<1000xf32, #tpu.memory_space<vmem>>
    %dma_wait3A_398 = arith.constant 0 : i32
    %dma_wait3A_399 = tpu.memref_slice %arg3[%dma_wait3A_394, %dma_wait3A_395, %dma_wait3A_398] : memref<10x8x1000xf32, #tpu.memory_space<hbm>> -> memref<1x1x1000xf32, #tpu.memory_space<hbm>>
    %dma_wait3A_400 = tpu.memref_squeeze %dma_wait3A_399 : memref<1x1x1000xf32, #tpu.memory_space<hbm>> -> memref<1000xf32, #tpu.memory_space<hbm>>
    %dma_wait3A_401 = arith.constant 6000 : i32
    %dma_wait3A_402 = tpu.memref_slice %arg8[%dma_wait3A_401] : memref<10000xf32, #tpu.memory_space<vmem>> -> memref<1000xf32, #tpu.memory_space<vmem>>
    %dma_wait3A_403 = arith.constant 0 : i32
    %dma_wait3A_404 = tpu.memref_slice %arg3[%dma_wait3A_394, %dma_wait3A_395, %dma_wait3A_403] : memref<10x8x1000xf32, #tpu.memory_space<hbm>> -> memref<1x1x1000xf32, #tpu.memory_space<hbm>>
    %dma_wait3A_405 = tpu.memref_squeeze %dma_wait3A_404 : memref<1x1x1000xf32, #tpu.memory_space<hbm>> -> memref<1000xf32, #tpu.memory_space<hbm>>
    tpu.wait_dma2 semaphore(%arg15 : memref<!tpu.dma_semaphore, #tpu.memory_space<semaphore_mem>>) src(%dma_wait3A_405 : memref<1000xf32, #tpu.memory_space<hbm>>) dst(%dma_wait3A_402 : memref<1000xf32, #tpu.memory_space<vmem>>)
    %dma_wait3A_406 = arith.constant 7 : i32
    %dma_wait3A_407 = arith.constant 0 : i32
    %dma_wait3A_408 = arith.constant 7000 : i32
    %dma_wait3A_409 = tpu.memref_slice %arg7[%dma_wait3A_408] : memref<10000xf32, #tpu.memory_space<vmem>> -> memref<1000xf32, #tpu.memory_space<vmem>>
    %dma_wait3A_410 = arith.constant 0 : i32
    %dma_wait3A_411 = tpu.memref_slice %arg3[%dma_wait3A_406, %dma_wait3A_407, %dma_wait3A_410] : memref<10x8x1000xf32, #tpu.memory_space<hbm>> -> memref<1x1x1000xf32, #tpu.memory_space<hbm>>
    %dma_wait3A_412 = tpu.memref_squeeze %dma_wait3A_411 : memref<1x1x1000xf32, #tpu.memory_space<hbm>> -> memref<1000xf32, #tpu.memory_space<hbm>>
    %dma_wait3A_413 = arith.constant 7000 : i32
    %dma_wait3A_414 = tpu.memref_slice %arg7[%dma_wait3A_413] : memref<10000xf32, #tpu.memory_space<vmem>> -> memref<1000xf32, #tpu.memory_space<vmem>>
    %dma_wait3A_415 = arith.constant 0 : i32
    %dma_wait3A_416 = tpu.memref_slice %arg3[%dma_wait3A_406, %dma_wait3A_407, %dma_wait3A_415] : memref<10x8x1000xf32, #tpu.memory_space<hbm>> -> memref<1x1x1000xf32, #tpu.memory_space<hbm>>
    %dma_wait3A_417 = tpu.memref_squeeze %dma_wait3A_416 : memref<1x1x1000xf32, #tpu.memory_space<hbm>> -> memref<1000xf32, #tpu.memory_space<hbm>>
    tpu.wait_dma2 semaphore(%arg15 : memref<!tpu.dma_semaphore, #tpu.memory_space<semaphore_mem>>) src(%dma_wait3A_417 : memref<1000xf32, #tpu.memory_space<hbm>>) dst(%dma_wait3A_414 : memref<1000xf32, #tpu.memory_space<vmem>>)
    %dma_wait3A_418 = arith.constant 7 : i32
    %dma_wait3A_419 = arith.constant 1 : i32
    %dma_wait3A_420 = arith.constant 7000 : i32
    %dma_wait3A_421 = tpu.memref_slice %arg8[%dma_wait3A_420] : memref<10000xf32, #tpu.memory_space<vmem>> -> memref<1000xf32, #tpu.memory_space<vmem>>
    %dma_wait3A_422 = arith.constant 0 : i32
    %dma_wait3A_423 = tpu.memref_slice %arg3[%dma_wait3A_418, %dma_wait3A_419, %dma_wait3A_422] : memref<10x8x1000xf32, #tpu.memory_space<hbm>> -> memref<1x1x1000xf32, #tpu.memory_space<hbm>>
    %dma_wait3A_424 = tpu.memref_squeeze %dma_wait3A_423 : memref<1x1x1000xf32, #tpu.memory_space<hbm>> -> memref<1000xf32, #tpu.memory_space<hbm>>
    %dma_wait3A_425 = arith.constant 7000 : i32
    %dma_wait3A_426 = tpu.memref_slice %arg8[%dma_wait3A_425] : memref<10000xf32, #tpu.memory_space<vmem>> -> memref<1000xf32, #tpu.memory_space<vmem>>
    %dma_wait3A_427 = arith.constant 0 : i32
    %dma_wait3A_428 = tpu.memref_slice %arg3[%dma_wait3A_418, %dma_wait3A_419, %dma_wait3A_427] : memref<10x8x1000xf32, #tpu.memory_space<hbm>> -> memref<1x1x1000xf32, #tpu.memory_space<hbm>>
    %dma_wait3A_429 = tpu.memref_squeeze %dma_wait3A_428 : memref<1x1x1000xf32, #tpu.memory_space<hbm>> -> memref<1000xf32, #tpu.memory_space<hbm>>
    tpu.wait_dma2 semaphore(%arg15 : memref<!tpu.dma_semaphore, #tpu.memory_space<semaphore_mem>>) src(%dma_wait3A_429 : memref<1000xf32, #tpu.memory_space<hbm>>) dst(%dma_wait3A_426 : memref<1000xf32, #tpu.memory_space<vmem>>)
    %dma_wait3A_430 = arith.constant 8 : i32
    %dma_wait3A_431 = arith.constant 0 : i32
    %dma_wait3A_432 = arith.constant 8000 : i32
    %dma_wait3A_433 = tpu.memref_slice %arg7[%dma_wait3A_432] : memref<10000xf32, #tpu.memory_space<vmem>> -> memref<1000xf32, #tpu.memory_space<vmem>>
    %dma_wait3A_434 = arith.constant 0 : i32
    %dma_wait3A_435 = tpu.memref_slice %arg3[%dma_wait3A_430, %dma_wait3A_431, %dma_wait3A_434] : memref<10x8x1000xf32, #tpu.memory_space<hbm>> -> memref<1x1x1000xf32, #tpu.memory_space<hbm>>
    %dma_wait3A_436 = tpu.memref_squeeze %dma_wait3A_435 : memref<1x1x1000xf32, #tpu.memory_space<hbm>> -> memref<1000xf32, #tpu.memory_space<hbm>>
    %dma_wait3A_437 = arith.constant 8000 : i32
    %dma_wait3A_438 = tpu.memref_slice %arg7[%dma_wait3A_437] : memref<10000xf32, #tpu.memory_space<vmem>> -> memref<1000xf32, #tpu.memory_space<vmem>>
    %dma_wait3A_439 = arith.constant 0 : i32
    %dma_wait3A_440 = tpu.memref_slice %arg3[%dma_wait3A_430, %dma_wait3A_431, %dma_wait3A_439] : memref<10x8x1000xf32, #tpu.memory_space<hbm>> -> memref<1x1x1000xf32, #tpu.memory_space<hbm>>
    %dma_wait3A_441 = tpu.memref_squeeze %dma_wait3A_440 : memref<1x1x1000xf32, #tpu.memory_space<hbm>> -> memref<1000xf32, #tpu.memory_space<hbm>>
    tpu.wait_dma2 semaphore(%arg15 : memref<!tpu.dma_semaphore, #tpu.memory_space<semaphore_mem>>) src(%dma_wait3A_441 : memref<1000xf32, #tpu.memory_space<hbm>>) dst(%dma_wait3A_438 : memref<1000xf32, #tpu.memory_space<vmem>>)
    %dma_wait3A_442 = arith.constant 8 : i32
    %dma_wait3A_443 = arith.constant 1 : i32
    %dma_wait3A_444 = arith.constant 8000 : i32
    %dma_wait3A_445 = tpu.memref_slice %arg8[%dma_wait3A_444] : memref<10000xf32, #tpu.memory_space<vmem>> -> memref<1000xf32, #tpu.memory_space<vmem>>
    %dma_wait3A_446 = arith.constant 0 : i32
    %dma_wait3A_447 = tpu.memref_slice %arg3[%dma_wait3A_442, %dma_wait3A_443, %dma_wait3A_446] : memref<10x8x1000xf32, #tpu.memory_space<hbm>> -> memref<1x1x1000xf32, #tpu.memory_space<hbm>>
    %dma_wait3A_448 = tpu.memref_squeeze %dma_wait3A_447 : memref<1x1x1000xf32, #tpu.memory_space<hbm>> -> memref<1000xf32, #tpu.memory_space<hbm>>
    %dma_wait3A_449 = arith.constant 8000 : i32
    %dma_wait3A_450 = tpu.memref_slice %arg8[%dma_wait3A_449] : memref<10000xf32, #tpu.memory_space<vmem>> -> memref<1000xf32, #tpu.memory_space<vmem>>
    %dma_wait3A_451 = arith.constant 0 : i32
    %dma_wait3A_452 = tpu.memref_slice %arg3[%dma_wait3A_442, %dma_wait3A_443, %dma_wait3A_451] : memref<10x8x1000xf32, #tpu.memory_space<hbm>> -> memref<1x1x1000xf32, #tpu.memory_space<hbm>>
    %dma_wait3A_453 = tpu.memref_squeeze %dma_wait3A_452 : memref<1x1x1000xf32, #tpu.memory_space<hbm>> -> memref<1000xf32, #tpu.memory_space<hbm>>
    tpu.wait_dma2 semaphore(%arg15 : memref<!tpu.dma_semaphore, #tpu.memory_space<semaphore_mem>>) src(%dma_wait3A_453 : memref<1000xf32, #tpu.memory_space<hbm>>) dst(%dma_wait3A_450 : memref<1000xf32, #tpu.memory_space<vmem>>)
    %dma_wait3A_454 = arith.constant 9 : i32
    %dma_wait3A_455 = arith.constant 0 : i32
    %dma_wait3A_456 = arith.constant 9000 : i32
    %dma_wait3A_457 = tpu.memref_slice %arg7[%dma_wait3A_456] : memref<10000xf32, #tpu.memory_space<vmem>> -> memref<1000xf32, #tpu.memory_space<vmem>>
    %dma_wait3A_458 = arith.constant 0 : i32
    %dma_wait3A_459 = tpu.memref_slice %arg3[%dma_wait3A_454, %dma_wait3A_455, %dma_wait3A_458] : memref<10x8x1000xf32, #tpu.memory_space<hbm>> -> memref<1x1x1000xf32, #tpu.memory_space<hbm>>
    %dma_wait3A_460 = tpu.memref_squeeze %dma_wait3A_459 : memref<1x1x1000xf32, #tpu.memory_space<hbm>> -> memref<1000xf32, #tpu.memory_space<hbm>>
    %dma_wait3A_461 = arith.constant 9000 : i32
    %dma_wait3A_462 = tpu.memref_slice %arg7[%dma_wait3A_461] : memref<10000xf32, #tpu.memory_space<vmem>> -> memref<1000xf32, #tpu.memory_space<vmem>>
    %dma_wait3A_463 = arith.constant 0 : i32
    %dma_wait3A_464 = tpu.memref_slice %arg3[%dma_wait3A_454, %dma_wait3A_455, %dma_wait3A_463] : memref<10x8x1000xf32, #tpu.memory_space<hbm>> -> memref<1x1x1000xf32, #tpu.memory_space<hbm>>
    %dma_wait3A_465 = tpu.memref_squeeze %dma_wait3A_464 : memref<1x1x1000xf32, #tpu.memory_space<hbm>> -> memref<1000xf32, #tpu.memory_space<hbm>>
    tpu.wait_dma2 semaphore(%arg15 : memref<!tpu.dma_semaphore, #tpu.memory_space<semaphore_mem>>) src(%dma_wait3A_465 : memref<1000xf32, #tpu.memory_space<hbm>>) dst(%dma_wait3A_462 : memref<1000xf32, #tpu.memory_space<vmem>>)
    %dma_wait3A_466 = arith.constant 9 : i32
    %dma_wait3A_467 = arith.constant 1 : i32
    %dma_wait3A_468 = arith.constant 9000 : i32
    %dma_wait3A_469 = tpu.memref_slice %arg8[%dma_wait3A_468] : memref<10000xf32, #tpu.memory_space<vmem>> -> memref<1000xf32, #tpu.memory_space<vmem>>
    %dma_wait3A_470 = arith.constant 0 : i32
    %dma_wait3A_471 = tpu.memref_slice %arg3[%dma_wait3A_466, %dma_wait3A_467, %dma_wait3A_470] : memref<10x8x1000xf32, #tpu.memory_space<hbm>> -> memref<1x1x1000xf32, #tpu.memory_space<hbm>>
    %dma_wait3A_472 = tpu.memref_squeeze %dma_wait3A_471 : memref<1x1x1000xf32, #tpu.memory_space<hbm>> -> memref<1000xf32, #tpu.memory_space<hbm>>
    %dma_wait3A_473 = arith.constant 9000 : i32
    %dma_wait3A_474 = tpu.memref_slice %arg8[%dma_wait3A_473] : memref<10000xf32, #tpu.memory_space<vmem>> -> memref<1000xf32, #tpu.memory_space<vmem>>
    %dma_wait3A_475 = arith.constant 0 : i32
    %dma_wait3A_476 = tpu.memref_slice %arg3[%dma_wait3A_466, %dma_wait3A_467, %dma_wait3A_475] : memref<10x8x1000xf32, #tpu.memory_space<hbm>> -> memref<1x1x1000xf32, #tpu.memory_space<hbm>>
    %dma_wait3A_477 = tpu.memref_squeeze %dma_wait3A_476 : memref<1x1x1000xf32, #tpu.memory_space<hbm>> -> memref<1000xf32, #tpu.memory_space<hbm>>
    tpu.wait_dma2 semaphore(%arg15 : memref<!tpu.dma_semaphore, #tpu.memory_space<semaphore_mem>>) src(%dma_wait3A_477 : memref<1000xf32, #tpu.memory_space<hbm>>) dst(%dma_wait3A_474 : memref<1000xf32, #tpu.memory_space<vmem>>)
    %broadcast_in_dim3A = arith.constant 0.000000e+00 : f32
    %broadcast_in_dim3A_478 = vector.broadcast %broadcast_in_dim3A : f32 to vector<16xf32>
    %scan3A = arith.constant 0 : i32
    %scan3A_479 = arith.constant 2 : i32
    %scan3A_480 = arith.addi %scan3A, %scan3A_479 : i32
    %scan3A_481 = arith.constant 1 : i32
    scf.for %scan3A_582 = %scan3A to %scan3A_480 step %scan3A_481  : i32 {
      %mul3A_583 = arith.constant 1 : i32
      %mul3A_584 = arith.muli %scan3A_582, %mul3A_583 : i32
      %add3A = arith.constant 0 : i32
      %add3A_585 = arith.addi %add3A, %mul3A_584 : i32
      %scan3A_586 = arith.constant 0 : i32
      %scan3A_587 = arith.constant 160 : i32
      %scan3A_588 = arith.addi %scan3A_586, %scan3A_587 : i32
      %scan3A_589 = arith.constant 1 : i32
      scf.for %scan3A_591 = %scan3A_586 to %scan3A_588 step %scan3A_589  : i32 {
        %mul3A_592 = arith.constant 1 : i32
        %mul3A_593 = arith.muli %scan3A_591, %mul3A_592 : i32
        %add3A_594 = arith.constant 0 : i32
        %add3A_595 = arith.addi %add3A_594, %mul3A_593 : i32
        %scan3A_596 = arith.constant 0 : i32
        %scan3A_597 = arith.constant 5 : i32
        %scan3A_598 = arith.addi %scan3A_596, %scan3A_597 : i32
        %scan3A_599 = arith.constant 1 : i32
        scf.for %scan3A_601 = %scan3A_596 to %scan3A_598 step %scan3A_599  : i32 {
          %mul3A_602 = arith.constant 1 : i32
          %mul3A_603 = arith.muli %scan3A_601, %mul3A_602 : i32
          %add3A_604 = arith.constant 0 : i32
          %add3A_605 = arith.addi %add3A_604, %mul3A_603 : i32
          %mul3A_606 = arith.constant 16 : i32
          %mul3A_607 = arith.muli %add3A_605, %mul3A_606 : i32
          %swap3A = arith.index_cast %add3A_585 : i32 to index
          %swap3A_608 = arith.index_cast %add3A_595 : i32 to index
          %swap3A_609 = arith.index_cast %mul3A_607 : i32 to index
          %swap3A_610 = tpu.vector_load %arg12[%swap3A, %swap3A_608, %swap3A_609] {strides = array<i32>} : memref<2x160x80xf32, #tpu.memory_space<vmem>>, vector<16xf32>,
          tpu.vector_store %arg12[%swap3A, %swap3A_608, %swap3A_609], %broadcast_in_dim3A_478 {strides = array<i32>} : memref<2x160x80xf32, #tpu.memory_space<vmem>>, vector<16xf32>,
        }
        %scan3A_600 = arith.constant 5 : i32
      }
      %scan3A_590 = arith.constant 160 : i32
    }
    %scan3A_482 = arith.constant 2 : i32
    %scan3A_483 = arith.constant 0 : i32
    %scan3A_484 = arith.constant 4 : i32
    %scan3A_485 = arith.addi %scan3A_483, %scan3A_484 : i32
    %scan3A_486 = arith.constant 1 : i32
    scf.for %scan3A_582 = %scan3A_483 to %scan3A_485 step %scan3A_486  : i32 {
      %mul3A_583 = arith.constant 1 : i32
      %mul3A_584 = arith.muli %scan3A_582, %mul3A_583 : i32
      %add3A = arith.constant 0 : i32
      %add3A_585 = arith.addi %add3A, %mul3A_584 : i32
      %mul3A_586 = arith.constant 640 : i32
      %mul3A_587 = arith.muli %arg1, %mul3A_586 : i32
      %mul3A_588 = arith.constant 160 : i32
      %mul3A_589 = arith.muli %add3A_585, %mul3A_588 : i32
      %add3A_590 = arith.addi %mul3A_587, %mul3A_589 : i32
      %run_scoped3A_591 = arith.constant 0 : i32
      "tpu.region"() ({
        %run_scoped3A_592 = tpu.sem_alloc : memref<!tpu.dma_semaphore, #tpu.memory_space<semaphore_mem>>
        %dma_start3A_593 = arith.constant 0 : i32
        %dma_start3A_594 = arith.constant 0 : i32
        %dma_start3A_595 = tpu.memref_slice %arg12[%run_scoped3A_591, %dma_start3A_593, %dma_start3A_594] : memref<2x160x80xf32, #tpu.memory_space<vmem>> -> memref<1x160x80xf32, #tpu.memory_space<vmem>>
        %dma_start3A_596 = tpu.memref_squeeze %dma_start3A_595 : memref<1x160x80xf32, #tpu.memory_space<vmem>> -> memref<160x80xf32, #tpu.memory_space<vmem>>
        %dma_start3A_597 = arith.constant 0 : i32
        %dma_start3A_598 = tpu.memref_slice %arg13[%add3A_590, %dma_start3A_597] : memref<10240x80xf32, #tpu.memory_space<vmem_shared>> -> memref<160x80xf32, #tpu.memory_space<vmem_shared>>
        %dma_start3A_599 = arith.constant 0 : i32
        %dma_start3A_600 = tpu.memref_slice %arg13[%add3A_590, %dma_start3A_599] : memref<10240x80xf32, #tpu.memory_space<vmem_shared>> -> memref<160x80xf32, #tpu.memory_space<vmem_shared>>
        %dma_start3A_601 = arith.constant 0 : i32
        %dma_start3A_602 = arith.constant 0 : i32
        %dma_start3A_603 = tpu.memref_slice %arg12[%run_scoped3A_591, %dma_start3A_601, %dma_start3A_602] : memref<2x160x80xf32, #tpu.memory_space<vmem>> -> memref<1x160x80xf32, #tpu.memory_space<vmem>>
        %dma_start3A_604 = tpu.memref_squeeze %dma_start3A_603 : memref<1x160x80xf32, #tpu.memory_space<vmem>> -> memref<160x80xf32, #tpu.memory_space<vmem>>
        tpu.enqueue_dma source(%dma_start3A_604 : memref<160x80xf32, #tpu.memory_space<vmem>>) target(%dma_start3A_600 : memref<160x80xf32, #tpu.memory_space<vmem_shared>>) target_semaphore(%run_scoped3A_592 : memref<!tpu.dma_semaphore, #tpu.memory_space<semaphore_mem>>)
        %dma_wait3A_605 = arith.constant 0 : i32
        %dma_wait3A_606 = arith.constant 0 : i32
        %dma_wait3A_607 = tpu.memref_slice %arg12[%run_scoped3A_591, %dma_wait3A_605, %dma_wait3A_606] : memref<2x160x80xf32, #tpu.memory_space<vmem>> -> memref<1x160x80xf32, #tpu.memory_space<vmem>>
        %dma_wait3A_608 = tpu.memref_squeeze %dma_wait3A_607 : memref<1x160x80xf32, #tpu.memory_space<vmem>> -> memref<160x80xf32, #tpu.memory_space<vmem>>
        %dma_wait3A_609 = arith.constant 0 : i32
        %dma_wait3A_610 = tpu.memref_slice %arg13[%add3A_590, %dma_wait3A_609] : memref<10240x80xf32, #tpu.memory_space<vmem_shared>> -> memref<160x80xf32, #tpu.memory_space<vmem_shared>>
        %dma_wait3A_611 = arith.constant 0 : i32
        %dma_wait3A_612 = tpu.memref_slice %arg13[%add3A_590, %dma_wait3A_611] : memref<10240x80xf32, #tpu.memory_space<vmem_shared>> -> memref<160x80xf32, #tpu.memory_space<vmem_shared>>
        %dma_wait3A_613 = arith.constant 0 : i32
        %dma_wait3A_614 = arith.constant 0 : i32
        %dma_wait3A_615 = tpu.memref_slice %arg12[%run_scoped3A_591, %dma_wait3A_613, %dma_wait3A_614] : memref<2x160x80xf32, #tpu.memory_space<vmem>> -> memref<1x160x80xf32, #tpu.memory_space<vmem>>
        %dma_wait3A_616 = tpu.memref_squeeze %dma_wait3A_615 : memref<1x160x80xf32, #tpu.memory_space<vmem>> -> memref<160x80xf32, #tpu.memory_space<vmem>>
        tpu.wait_dma2 semaphore(%run_scoped3A_592 : memref<!tpu.dma_semaphore, #tpu.memory_space<semaphore_mem>>) src(%dma_wait3A_616 : memref<160x80xf32, #tpu.memory_space<vmem>>) dst(%dma_wait3A_612 : memref<160x80xf32, #tpu.memory_space<vmem_shared>>)
        tpu.yield
      }) : () -> ()
    }
    %scan3A_487 = arith.constant 4 : i32
    %barrier3A = arith.constant 0 : index
    tpu.barrier barrier_id(%barrier3A)
    %iota3A = tpu.iota {dimensions = array<i32: 0>} : vector<16xi32>
    %get3A = arith.constant 0 : i32
    %get3A_488 = arith.index_cast %get3A : i32 to index
    %get3A_489 = arith.constant 0 : index
    %get3A_490 = tpu.vector_load %arg10[%get3A_488, %get3A_489] {strides = array<i32>} : memref<4x16xf32, #tpu.memory_space<vmem>>, vector<16xf32>,
    %get3A_491 = arith.constant 1 : i32
    %get3A_492 = arith.index_cast %get3A_491 : i32 to index
    %get3A_493 = arith.constant 0 : index
    %get3A_494 = tpu.vector_load %arg10[%get3A_492, %get3A_493] {strides = array<i32>} : memref<4x16xf32, #tpu.memory_space<vmem>>, vector<16xf32>,
    %get3A_495 = arith.constant 2 : i32
    %get3A_496 = arith.index_cast %get3A_495 : i32 to index
    %get3A_497 = arith.constant 0 : index
    %get3A_498 = tpu.vector_load %arg10[%get3A_496, %get3A_497] {strides = array<i32>} : memref<4x16xf32, #tpu.memory_space<vmem>>, vector<16xf32>,
    %get3A_499 = arith.constant 3 : i32
    %get3A_500 = arith.index_cast %get3A_499 : i32 to index
    %get3A_501 = arith.constant 0 : index
    %get3A_502 = tpu.vector_load %arg10[%get3A_500, %get3A_501] {strides = array<i32>} : memref<4x16xf32, #tpu.memory_space<vmem>>, vector<16xf32>,
    %broadcast_in_dim3A_503 = arith.constant 1.000000e+00 : f32
    %broadcast_in_dim3A_504 = vector.broadcast %broadcast_in_dim3A_503 : f32 to vector<16xf32>
    %broadcast_in_dim3A_505 = arith.constant 64 : i32
    %broadcast_in_dim3A_506 = vector.broadcast %broadcast_in_dim3A_505 : i32 to vector<16xi32>
    %broadcast_in_dim3A_507 = arith.constant 65 : i32
    %broadcast_in_dim3A_508 = vector.broadcast %broadcast_in_dim3A_507 : i32 to vector<16xi32>
    %broadcast_in_dim3A_509 = arith.constant 66 : i32
    %broadcast_in_dim3A_510 = vector.broadcast %broadcast_in_dim3A_509 : i32 to vector<16xi32>
    %run_scoped3A = arith.constant 0 : i32
    %run_scoped3A_511 = arith.constant 0 : i32
    "tpu.region"() ({
      %run_scoped3A_582 = tpu.sem_alloc : memref<!tpu.dma_semaphore, #tpu.memory_space<semaphore_mem>>
      %dma_start3A_583 = arith.constant 0 : i32
      %dma_start3A_584 = arith.constant 0 : i32
      %dma_start3A_585 = tpu.memref_slice %arg9[%run_scoped3A_511, %dma_start3A_583, %dma_start3A_584] : memref<5x6x160xi32, #tpu.memory_space<vmem>> -> memref<1x6x160xi32, #tpu.memory_space<vmem>>
      %dma_start3A_586 = tpu.memref_squeeze %dma_start3A_585 : memref<1x6x160xi32, #tpu.memory_space<vmem>> -> memref<6x160xi32, #tpu.memory_space<vmem>>
      %dma_start3A_587 = arith.constant 0 : i32
      %dma_start3A_588 = arith.constant 0 : i32
      %dma_start3A_589 = tpu.memref_slice %arg4[%arg1, %run_scoped3A, %dma_start3A_587, %dma_start3A_588] : memref<16x125x6x160xi32, #tpu.memory_space<hbm>> -> memref<1x1x6x160xi32, #tpu.memory_space<hbm>>
      %dma_start3A_590 = tpu.memref_squeeze %dma_start3A_589 : memref<1x1x6x160xi32, #tpu.memory_space<hbm>> -> memref<6x160xi32, #tpu.memory_space<hbm>>
      %dma_start3A_591 = arith.constant 0 : i32
      %dma_start3A_592 = arith.constant 0 : i32
      %dma_start3A_593 = tpu.memref_slice %arg9[%run_scoped3A_511, %dma_start3A_591, %dma_start3A_592] : memref<5x6x160xi32, #tpu.memory_space<vmem>> -> memref<1x6x160xi32, #tpu.memory_space<vmem>>
      %dma_start3A_594 = tpu.memref_squeeze %dma_start3A_593 : memref<1x6x160xi32, #tpu.memory_space<vmem>> -> memref<6x160xi32, #tpu.memory_space<vmem>>
      %dma_start3A_595 = arith.constant 0 : i32
      %dma_start3A_596 = arith.constant 0 : i32
      %dma_start3A_597 = tpu.memref_slice %arg4[%arg1, %run_scoped3A, %dma_start3A_595, %dma_start3A_596] : memref<16x125x6x160xi32, #tpu.memory_space<hbm>> -> memref<1x1x6x160xi32, #tpu.memory_space<hbm>>
      %dma_start3A_598 = tpu.memref_squeeze %dma_start3A_597 : memref<1x1x6x160xi32, #tpu.memory_space<hbm>> -> memref<6x160xi32, #tpu.memory_space<hbm>>
      tpu.enqueue_dma source(%dma_start3A_598 : memref<6x160xi32, #tpu.memory_space<hbm>>) target(%dma_start3A_594 : memref<6x160xi32, #tpu.memory_space<vmem>>) target_semaphore(%run_scoped3A_582 : memref<!tpu.dma_semaphore, #tpu.memory_space<semaphore_mem>>)
      %dma_wait3A_599 = arith.constant 0 : i32
      %dma_wait3A_600 = arith.constant 0 : i32
      %dma_wait3A_601 = tpu.memref_slice %arg9[%run_scoped3A_511, %dma_wait3A_599, %dma_wait3A_600] : memref<5x6x160xi32, #tpu.memory_space<vmem>> -> memref<1x6x160xi32, #tpu.memory_space<vmem>>
      %dma_wait3A_602 = tpu.memref_squeeze %dma_wait3A_601 : memref<1x6x160xi32, #tpu.memory_space<vmem>> -> memref<6x160xi32, #tpu.memory_space<vmem>>
      %dma_wait3A_603 = arith.constant 0 : i32
      %dma_wait3A_604 = arith.constant 0 : i32
      %dma_wait3A_605 = tpu.memref_slice %arg4[%arg1, %run_scoped3A, %dma_wait3A_603, %dma_wait3A_604] : memref<16x125x6x160xi32, #tpu.memory_space<hbm>> -> memref<1x1x6x160xi32, #tpu.memory_space<hbm>>
      %dma_wait3A_606 = tpu.memref_squeeze %dma_wait3A_605 : memref<1x1x6x160xi32, #tpu.memory_space<hbm>> -> memref<6x160xi32, #tpu.memory_space<hbm>>
      %dma_wait3A_607 = arith.constant 0 : i32
      %dma_wait3A_608 = arith.constant 0 : i32
      %dma_wait3A_609 = tpu.memref_slice %arg9[%run_scoped3A_511, %dma_wait3A_607, %dma_wait3A_608] : memref<5x6x160xi32, #tpu.memory_space<vmem>> -> memref<1x6x160xi32, #tpu.memory_space<vmem>>
      %dma_wait3A_610 = tpu.memref_squeeze %dma_wait3A_609 : memref<1x6x160xi32, #tpu.memory_space<vmem>> -> memref<6x160xi32, #tpu.memory_space<vmem>>
      %dma_wait3A_611 = arith.constant 0 : i32
      %dma_wait3A_612 = arith.constant 0 : i32
      %dma_wait3A_613 = tpu.memref_slice %arg4[%arg1, %run_scoped3A, %dma_wait3A_611, %dma_wait3A_612] : memref<16x125x6x160xi32, #tpu.memory_space<hbm>> -> memref<1x1x6x160xi32, #tpu.memory_space<hbm>>
      %dma_wait3A_614 = tpu.memref_squeeze %dma_wait3A_613 : memref<1x1x6x160xi32, #tpu.memory_space<hbm>> -> memref<6x160xi32, #tpu.memory_space<hbm>>
      tpu.wait_dma2 semaphore(%run_scoped3A_582 : memref<!tpu.dma_semaphore, #tpu.memory_space<semaphore_mem>>) src(%dma_wait3A_614 : memref<6x160xi32, #tpu.memory_space<hbm>>) dst(%dma_wait3A_610 : memref<6x160xi32, #tpu.memory_space<vmem>>)
      tpu.yield
    }) : () -> ()
    %dma_start3A_512 = arith.constant 1 : i32
    %dma_start3A_513 = arith.constant 1 : i32
    %dma_start3A_514 = arith.constant 0 : i32
    %dma_start3A_515 = arith.constant 0 : i32
    %dma_start3A_516 = tpu.memref_slice %arg9[%dma_start3A_513, %dma_start3A_514, %dma_start3A_515] : memref<5x6x160xi32, #tpu.memory_space<vmem>> -> memref<1x6x160xi32, #tpu.memory_space<vmem>>
    %dma_start3A_517 = tpu.memref_squeeze %dma_start3A_516 : memref<1x6x160xi32, #tpu.memory_space<vmem>> -> memref<6x160xi32, #tpu.memory_space<vmem>>
    %dma_start3A_518 = arith.constant 0 : i32
    %dma_start3A_519 = arith.constant 0 : i32
    %dma_start3A_520 = tpu.memref_slice %arg4[%arg1, %dma_start3A_512, %dma_start3A_518, %dma_start3A_519] : memref<16x125x6x160xi32, #tpu.memory_space<hbm>> -> memref<1x1x6x160xi32, #tpu.memory_space<hbm>>
    %dma_start3A_521 = tpu.memref_squeeze %dma_start3A_520 : memref<1x1x6x160xi32, #tpu.memory_space<hbm>> -> memref<6x160xi32, #tpu.memory_space<hbm>>
    %dma_start3A_522 = arith.constant 0 : i32
    %dma_start3A_523 = arith.constant 0 : i32
    %dma_start3A_524 = tpu.memref_slice %arg9[%dma_start3A_513, %dma_start3A_522, %dma_start3A_523] : memref<5x6x160xi32, #tpu.memory_space<vmem>> -> memref<1x6x160xi32, #tpu.memory_space<vmem>>
    %dma_start3A_525 = tpu.memref_squeeze %dma_start3A_524 : memref<1x6x160xi32, #tpu.memory_space<vmem>> -> memref<6x160xi32, #tpu.memory_space<vmem>>
    %dma_start3A_526 = arith.constant 0 : i32
    %dma_start3A_527 = arith.constant 0 : i32
    %dma_start3A_528 = tpu.memref_slice %arg4[%arg1, %dma_start3A_512, %dma_start3A_526, %dma_start3A_527] : memref<16x125x6x160xi32, #tpu.memory_space<hbm>> -> memref<1x1x6x160xi32, #tpu.memory_space<hbm>>
    %dma_start3A_529 = tpu.memref_squeeze %dma_start3A_528 : memref<1x1x6x160xi32, #tpu.memory_space<hbm>> -> memref<6x160xi32, #tpu.memory_space<hbm>>
    tpu.enqueue_dma source(%dma_start3A_529 : memref<6x160xi32, #tpu.memory_space<hbm>>) target(%dma_start3A_525 : memref<6x160xi32, #tpu.memory_space<vmem>>) target_semaphore(%arg15 : memref<!tpu.dma_semaphore, #tpu.memory_space<semaphore_mem>>)
    %dma_start3A_530 = arith.constant 0 : i32
    %dma_start3A_531 = arith.constant 0 : i32
    %dma_start3A_532 = arith.constant 0 : i32
    %dma_start3A_533 = arith.constant 0 : i32
    %dma_start3A_534 = arith.constant 0 : i32
    %dma_start3A_535 = tpu.memref_slice %arg11[%dma_start3A_532, %dma_start3A_533, %dma_start3A_534] : memref<2x160x64xf32, #tpu.memory_space<vmem>> -> memref<1x160x64xf32, #tpu.memory_space<vmem>>
    %dma_start3A_536 = tpu.memref_squeeze %dma_start3A_535 : memref<1x160x64xf32, #tpu.memory_space<vmem>> -> memref<160x64xf32, #tpu.memory_space<vmem>>
    %dma_start3A_537 = arith.constant 0 : i32
    %dma_start3A_538 = tpu.memref_slice %arg9[%dma_start3A_530, %dma_start3A_531, %dma_start3A_537] : memref<5x6x160xi32, #tpu.memory_space<vmem>> -> memref<1x1x160xi32, #tpu.memory_space<vmem>>
    %dma_start3A_539 = tpu.memref_squeeze %dma_start3A_538 : memref<1x1x160xi32, #tpu.memory_space<vmem>> -> memref<160xi32, #tpu.memory_space<vmem>>
    %dma_start3A_540 = arith.constant 0 : i32
    %dma_start3A_541 = arith.constant 0 : i32
    %dma_start3A_542 = tpu.memref_slice %arg2[%arg0, %dma_start3A_540, %dma_start3A_541] : memref<2x10000x64xf32, #tpu.memory_space<hbm>> -> memref<1x10000x64xf32, #tpu.memory_space<hbm>>
    %dma_start3A_543 = tpu.memref_squeeze %dma_start3A_542 : memref<1x10000x64xf32, #tpu.memory_space<hbm>> -> memref<10000x64xf32, #tpu.memory_space<hbm>>
    %dma_start3A_544 = arith.constant 0 : i32
    %dma_start3A_545 = arith.constant 0 : i32
    %dma_start3A_546 = tpu.memref_slice %dma_start3A_543[%dma_start3A_544, %dma_start3A_545] : memref<10000x64xf32, #tpu.memory_space<hbm>> -> memref<10000x64xf32, #tpu.memory_space<hbm>>
    tpu.enqueue_indirect_dma source(%dma_start3A_546 : memref<10000x64xf32, #tpu.memory_space<hbm>>) target(%dma_start3A_536 : memref<160x64xf32, #tpu.memory_space<vmem>>) offsets(%dma_start3A_539 : memref<160xi32, #tpu.memory_space<vmem>>) semaphore(%arg14 : memref<!tpu.dma_semaphore, #tpu.memory_space<semaphore_mem>>)
    %scan3A_547 = arith.constant 0 : i32
    %scan3A_548 = arith.constant 125 : i32
    %scan3A_549 = arith.addi %scan3A_547, %scan3A_548 : i32
    %scan3A_550 = arith.constant 1 : i32
    scf.for %scan3A_582 = %scan3A_547 to %scan3A_549 step %scan3A_550  : i32 {
      %mul3A_583 = arith.constant 1 : i32
      %mul3A_584 = arith.muli %scan3A_582, %mul3A_583 : i32
      %add3A = arith.constant 0 : i32
      %add3A_585 = arith.addi %add3A, %mul3A_584 : i32
      %rem3A = arith.constant 5 : i32
      %rem3A_586 = arith.remsi %add3A_585, %rem3A : i32
      %add3A_587 = arith.constant 1 : i32
      %add3A_588 = arith.addi %add3A_585, %add3A_587 : i32
      %rem3A_589 = arith.constant 5 : i32
      %rem3A_590 = arith.remsi %add3A_588, %rem3A_589 : i32
      %add3A_591 = arith.constant 2 : i32
      %add3A_592 = arith.addi %add3A_585, %add3A_591 : i32
      %rem3A_593 = arith.constant 5 : i32
      %rem3A_594 = arith.remsi %add3A_592, %rem3A_593 : i32
      %rem3A_595 = arith.constant 2 : i32
      %rem3A_596 = arith.remsi %add3A_585, %rem3A_595 : i32
      %add3A_597 = arith.constant 1 : i32
      %add3A_598 = arith.addi %add3A_585, %add3A_597 : i32
      %rem3A_599 = arith.constant 2 : i32
      %rem3A_600 = arith.remsi %add3A_598, %rem3A_599 : i32
      %broadcast_in_dim3A_601 = vector.broadcast %rem3A_596 : i32 to vector<16xi32>
      %add3A_602 = arith.constant 1 : i32
      %add3A_603 = arith.addi %add3A_585, %add3A_602 : i32
      %lt3A = arith.constant 125 : i32
      %lt3A_604 = arith.cmpi slt, %add3A_603, %lt3A : i32
      %convert_element_type3A = arith.extui %lt3A_604 : i1 to i32
      %cond3A = arith.constant 0 : i32
      %cond3A_605 = arith.cmpi ne, %convert_element_type3A, %cond3A : i32
      scf.if %cond3A_605 {
        %dma_wait3A_650 = arith.constant 0 : i32
        %dma_wait3A_651 = arith.constant 0 : i32
        %dma_wait3A_652 = arith.constant 0 : i32
        %dma_wait3A_653 = arith.constant 0 : i32
        %dma_wait3A_654 = tpu.memref_slice %arg9[%dma_wait3A_651, %dma_wait3A_652, %dma_wait3A_653] : memref<5x6x160xi32, #tpu.memory_space<vmem>> -> memref<1x6x160xi32, #tpu.memory_space<vmem>>
        %dma_wait3A_655 = tpu.memref_squeeze %dma_wait3A_654 : memref<1x6x160xi32, #tpu.memory_space<vmem>> -> memref<6x160xi32, #tpu.memory_space<vmem>>
        %dma_wait3A_656 = arith.constant 0 : i32
        %dma_wait3A_657 = arith.constant 0 : i32
        %dma_wait3A_658 = tpu.memref_slice %arg4[%arg1, %dma_wait3A_650, %dma_wait3A_656, %dma_wait3A_657] : memref<16x125x6x160xi32, #tpu.memory_space<hbm>> -> memref<1x1x6x160xi32, #tpu.memory_space<hbm>>
        %dma_wait3A_659 = tpu.memref_squeeze %dma_wait3A_658 : memref<1x1x6x160xi32, #tpu.memory_space<hbm>> -> memref<6x160xi32, #tpu.memory_space<hbm>>
        %dma_wait3A_660 = arith.constant 0 : i32
        %dma_wait3A_661 = arith.constant 0 : i32
        %dma_wait3A_662 = tpu.memref_slice %arg9[%dma_wait3A_651, %dma_wait3A_660, %dma_wait3A_661] : memref<5x6x160xi32, #tpu.memory_space<vmem>> -> memref<1x6x160xi32, #tpu.memory_space<vmem>>
        %dma_wait3A_663 = tpu.memref_squeeze %dma_wait3A_662 : memref<1x6x160xi32, #tpu.memory_space<vmem>> -> memref<6x160xi32, #tpu.memory_space<vmem>>
        %dma_wait3A_664 = arith.constant 0 : i32
        %dma_wait3A_665 = arith.constant 0 : i32
        %dma_wait3A_666 = tpu.memref_slice %arg4[%arg1, %dma_wait3A_650, %dma_wait3A_664, %dma_wait3A_665] : memref<16x125x6x160xi32, #tpu.memory_space<hbm>> -> memref<1x1x6x160xi32, #tpu.memory_space<hbm>>
        %dma_wait3A_667 = tpu.memref_squeeze %dma_wait3A_666 : memref<1x1x6x160xi32, #tpu.memory_space<hbm>> -> memref<6x160xi32, #tpu.memory_space<hbm>>
        tpu.wait_dma2 semaphore(%arg15 : memref<!tpu.dma_semaphore, #tpu.memory_space<semaphore_mem>>) src(%dma_wait3A_667 : memref<6x160xi32, #tpu.memory_space<hbm>>) dst(%dma_wait3A_663 : memref<6x160xi32, #tpu.memory_space<vmem>>)
        %dma_start3A_668 = arith.constant 0 : i32
        %dma_start3A_669 = arith.constant 0 : i32
        %dma_start3A_670 = arith.constant 0 : i32
        %dma_start3A_671 = tpu.memref_slice %arg11[%rem3A_600, %dma_start3A_669, %dma_start3A_670] : memref<2x160x64xf32, #tpu.memory_space<vmem>> -> memref<1x160x64xf32, #tpu.memory_space<vmem>>
        %dma_start3A_672 = tpu.memref_squeeze %dma_start3A_671 : memref<1x160x64xf32, #tpu.memory_space<vmem>> -> memref<160x64xf32, #tpu.memory_space<vmem>>
        %dma_start3A_673 = arith.constant 0 : i32
        %dma_start3A_674 = tpu.memref_slice %arg9[%rem3A_590, %dma_start3A_668, %dma_start3A_673] : memref<5x6x160xi32, #tpu.memory_space<vmem>> -> memref<1x1x160xi32, #tpu.memory_space<vmem>>
        %dma_start3A_675 = tpu.memref_squeeze %dma_start3A_674 : memref<1x1x160xi32, #tpu.memory_space<vmem>> -> memref<160xi32, #tpu.memory_space<vmem>>
        %dma_start3A_676 = arith.constant 0 : i32
        %dma_start3A_677 = arith.constant 0 : i32
        %dma_start3A_678 = tpu.memref_slice %arg2[%arg0, %dma_start3A_676, %dma_start3A_677] : memref<2x10000x64xf32, #tpu.memory_space<hbm>> -> memref<1x10000x64xf32, #tpu.memory_space<hbm>>
        %dma_start3A_679 = tpu.memref_squeeze %dma_start3A_678 : memref<1x10000x64xf32, #tpu.memory_space<hbm>> -> memref<10000x64xf32, #tpu.memory_space<hbm>>
        %dma_start3A_680 = arith.constant 0 : i32
        %dma_start3A_681 = arith.constant 0 : i32
        %dma_start3A_682 = tpu.memref_slice %dma_start3A_679[%dma_start3A_680, %dma_start3A_681] : memref<10000x64xf32, #tpu.memory_space<hbm>> -> memref<10000x64xf32, #tpu.memory_space<hbm>>
        tpu.enqueue_indirect_dma source(%dma_start3A_682 : memref<10000x64xf32, #tpu.memory_space<hbm>>) target(%dma_start3A_672 : memref<160x64xf32, #tpu.memory_space<vmem>>) offsets(%dma_start3A_675 : memref<160xi32, #tpu.memory_space<vmem>>) semaphore(%arg14 : memref<!tpu.dma_semaphore, #tpu.memory_space<semaphore_mem>>)
      } else {
      }
      %add3A_606 = arith.constant 2 : i32
      %add3A_607 = arith.addi %add3A_585, %add3A_606 : i32
      %lt3A_608 = arith.constant 125 : i32
      %lt3A_609 = arith.cmpi slt, %add3A_607, %lt3A_608 : i32
      %convert_element_type3A_610 = arith.extui %lt3A_609 : i1 to i32
      %cond3A_611 = arith.constant 0 : i32
      %cond3A_612 = arith.cmpi ne, %convert_element_type3A_610, %cond3A_611 : i32
      scf.if %cond3A_612 {
        %add3A_650 = arith.constant 2 : i32
        %add3A_651 = arith.addi %add3A_585, %add3A_650 : i32
        %dma_start3A_652 = arith.constant 0 : i32
        %dma_start3A_653 = arith.constant 0 : i32
        %dma_start3A_654 = tpu.memref_slice %arg9[%rem3A_594, %dma_start3A_652, %dma_start3A_653] : memref<5x6x160xi32, #tpu.memory_space<vmem>> -> memref<1x6x160xi32, #tpu.memory_space<vmem>>
        %dma_start3A_655 = tpu.memref_squeeze %dma_start3A_654 : memref<1x6x160xi32, #tpu.memory_space<vmem>> -> memref<6x160xi32, #tpu.memory_space<vmem>>
        %dma_start3A_656 = arith.constant 0 : i32
        %dma_start3A_657 = arith.constant 0 : i32
        %dma_start3A_658 = tpu.memref_slice %arg4[%arg1, %add3A_651, %dma_start3A_656, %dma_start3A_657] : memref<16x125x6x160xi32, #tpu.memory_space<hbm>> -> memref<1x1x6x160xi32, #tpu.memory_space<hbm>>
        %dma_start3A_659 = tpu.memref_squeeze %dma_start3A_658 : memref<1x1x6x160xi32, #tpu.memory_space<hbm>> -> memref<6x160xi32, #tpu.memory_space<hbm>>
        %dma_start3A_660 = arith.constant 0 : i32
        %dma_start3A_661 = arith.constant 0 : i32
        %dma_start3A_662 = tpu.memref_slice %arg9[%rem3A_594, %dma_start3A_660, %dma_start3A_661] : memref<5x6x160xi32, #tpu.memory_space<vmem>> -> memref<1x6x160xi32, #tpu.memory_space<vmem>>
        %dma_start3A_663 = tpu.memref_squeeze %dma_start3A_662 : memref<1x6x160xi32, #tpu.memory_space<vmem>> -> memref<6x160xi32, #tpu.memory_space<vmem>>
        %dma_start3A_664 = arith.constant 0 : i32
        %dma_start3A_665 = arith.constant 0 : i32
        %dma_start3A_666 = tpu.memref_slice %arg4[%arg1, %add3A_651, %dma_start3A_664, %dma_start3A_665] : memref<16x125x6x160xi32, #tpu.memory_space<hbm>> -> memref<1x1x6x160xi32, #tpu.memory_space<hbm>>
        %dma_start3A_667 = tpu.memref_squeeze %dma_start3A_666 : memref<1x1x6x160xi32, #tpu.memory_space<hbm>> -> memref<6x160xi32, #tpu.memory_space<hbm>>
        tpu.enqueue_dma source(%dma_start3A_667 : memref<6x160xi32, #tpu.memory_space<hbm>>) target(%dma_start3A_663 : memref<6x160xi32, #tpu.memory_space<vmem>>) target_semaphore(%arg15 : memref<!tpu.dma_semaphore, #tpu.memory_space<semaphore_mem>>)
      } else {
      }
      %ge3A = arith.constant 2 : i32
      %ge3A_613 = arith.cmpi sge, %add3A_585, %ge3A : i32
      %convert_element_type3A_614 = arith.extui %ge3A_613 : i1 to i32
      %cond3A_615 = arith.constant 0 : i32
      %cond3A_616 = arith.cmpi ne, %convert_element_type3A_614, %cond3A_615 : i32
      scf.if %cond3A_616 {
        %dma_wait3A_650 = arith.constant 0 : i32
        %dma_wait3A_651 = arith.constant 1 : i32
        %dma_wait3A_652 = arith.constant 0 : i32
        %dma_wait3A_653 = arith.constant 0 : i32
        %dma_wait3A_654 = tpu.memref_slice %arg12[%rem3A_596, %dma_wait3A_652, %dma_wait3A_653] : memref<2x160x80xf32, #tpu.memory_space<vmem>> -> memref<1x160x80xf32, #tpu.memory_space<vmem>>
        %dma_wait3A_655 = tpu.memref_squeeze %dma_wait3A_654 : memref<1x160x80xf32, #tpu.memory_space<vmem>> -> memref<160x80xf32, #tpu.memory_space<vmem>>
        %dma_wait3A_656 = arith.constant 0 : i32
        %dma_wait3A_657 = tpu.memref_slice %arg9[%dma_wait3A_650, %dma_wait3A_651, %dma_wait3A_656] : memref<5x6x160xi32, #tpu.memory_space<vmem>> -> memref<1x1x160xi32, #tpu.memory_space<vmem>>
        %dma_wait3A_658 = tpu.memref_squeeze %dma_wait3A_657 : memref<1x1x160xi32, #tpu.memory_space<vmem>> -> memref<160xi32, #tpu.memory_space<vmem>>
        %dma_wait3A_659 = arith.constant 0 : i32
        %dma_wait3A_660 = arith.constant 0 : i32
        %dma_wait3A_661 = tpu.memref_slice %arg13[%dma_wait3A_659, %dma_wait3A_660] : memref<10240x80xf32, #tpu.memory_space<vmem_shared>> -> memref<10240x80xf32, #tpu.memory_space<vmem_shared>>
        tpu.wait_indirect_dma semaphore(%arg16 : memref<!tpu.dma_semaphore, #tpu.memory_space<semaphore_mem>>) src(%dma_wait3A_655 : memref<160x80xf32, #tpu.memory_space<vmem>>) dst(%dma_wait3A_661 : memref<10240x80xf32, #tpu.memory_space<vmem_shared>>)
      } else {
      }
      %scan3A_617 = arith.constant 0 : i32
      %scan3A_618 = arith.constant 10 : i32
      %scan3A_619 = arith.addi %scan3A_617, %scan3A_618 : i32
      %scan3A_620 = arith.constant 1 : i32
      scf.for %scan3A_650 = %scan3A_617 to %scan3A_619 step %scan3A_620  : i32 {
        %mul3A_651 = arith.constant 1 : i32
        %mul3A_652 = arith.muli %scan3A_650, %mul3A_651 : i32
        %add3A_653 = arith.constant 0 : i32
        %add3A_654 = arith.addi %add3A_653, %mul3A_652 : i32
        %mul3A_655 = arith.constant 16 : i32
        %mul3A_656 = arith.muli %add3A_654, %mul3A_655 : i32
        %get3A_657 = arith.constant 0 : i32
        %get3A_658 = arith.index_cast %rem3A_586 : i32 to index
        %get3A_659 = arith.index_cast %get3A_657 : i32 to index
        %get3A_660 = arith.index_cast %mul3A_656 : i32 to index
        %get3A_661 = tpu.vector_load %arg9[%get3A_658, %get3A_659, %get3A_660] {strides = array<i32>} : memref<5x6x160xi32, #tpu.memory_space<vmem>>, vector<16xi32>,
        %mul3A_662 = arith.constant 16 : i32
        %mul3A_663 = arith.muli %add3A_654, %mul3A_662 : i32
        %get3A_664 = arith.constant 1 : i32
        %get3A_665 = arith.index_cast %rem3A_586 : i32 to index
        %get3A_666 = arith.index_cast %get3A_664 : i32 to index
        %get3A_667 = arith.index_cast %mul3A_663 : i32 to index
        %get3A_668 = tpu.vector_load %arg9[%get3A_665, %get3A_666, %get3A_667] {strides = array<i32>} : memref<5x6x160xi32, #tpu.memory_space<vmem>>, vector<16xi32>,
        %mul3A_669 = arith.constant 16 : i32
        %mul3A_670 = arith.muli %add3A_654, %mul3A_669 : i32
        %get3A_671 = arith.constant 2 : i32
        %get3A_672 = arith.index_cast %rem3A_586 : i32 to index
        %get3A_673 = arith.index_cast %get3A_671 : i32 to index
        %get3A_674 = arith.index_cast %mul3A_670 : i32 to index
        %get3A_675 = tpu.vector_load %arg9[%get3A_672, %get3A_673, %get3A_674] {strides = array<i32>} : memref<5x6x160xi32, #tpu.memory_space<vmem>>, vector<16xi32>,
        %bitcast_convert_type3A = tpu.bitcast %get3A_675 : vector<16xi32> -> vector<16xf32>
        %mul3A_676 = arith.mulf %bitcast_convert_type3A, %get3A_490 : vector<16xf32>
        %mul3A_677 = arith.constant 16 : i32
        %mul3A_678 = arith.muli %add3A_654, %mul3A_677 : i32
        %get3A_679 = arith.constant 3 : i32
        %get3A_680 = arith.index_cast %rem3A_586 : i32 to index
        %get3A_681 = arith.index_cast %get3A_679 : i32 to index
        %get3A_682 = arith.index_cast %mul3A_678 : i32 to index
        %get3A_683 = tpu.vector_load %arg9[%get3A_680, %get3A_681, %get3A_682] {strides = array<i32>} : memref<5x6x160xi32, #tpu.memory_space<vmem>>, vector<16xi32>,
        %bitcast_convert_type3A_684 = tpu.bitcast %get3A_683 : vector<16xi32> -> vector<16xf32>
        %mul3A_685 = arith.mulf %bitcast_convert_type3A_684, %get3A_494 : vector<16xf32>
        %add3A_686 = arith.addf %mul3A_676, %mul3A_685 : vector<16xf32>
        %mul3A_687 = arith.constant 16 : i32
        %mul3A_688 = arith.muli %add3A_654, %mul3A_687 : i32
        %get3A_689 = arith.constant 4 : i32
        %get3A_690 = arith.index_cast %rem3A_586 : i32 to index
        %get3A_691 = arith.index_cast %get3A_689 : i32 to index
        %get3A_692 = arith.index_cast %mul3A_688 : i32 to index
        %get3A_693 = tpu.vector_load %arg9[%get3A_690, %get3A_691, %get3A_692] {strides = array<i32>} : memref<5x6x160xi32, #tpu.memory_space<vmem>>, vector<16xi32>,
        %bitcast_convert_type3A_694 = tpu.bitcast %get3A_693 : vector<16xi32> -> vector<16xf32>
        %mul3A_695 = arith.mulf %bitcast_convert_type3A_694, %get3A_498 : vector<16xf32>
        %add3A_696 = arith.addf %add3A_686, %mul3A_695 : vector<16xf32>
        %mul3A_697 = arith.constant 16 : i32
        %mul3A_698 = arith.muli %add3A_654, %mul3A_697 : i32
        %get3A_699 = arith.constant 5 : i32
        %get3A_700 = arith.index_cast %rem3A_586 : i32 to index
        %get3A_701 = arith.index_cast %get3A_699 : i32 to index
        %get3A_702 = arith.index_cast %mul3A_698 : i32 to index
        %get3A_703 = tpu.vector_load %arg9[%get3A_700, %get3A_701, %get3A_702] {strides = array<i32>} : memref<5x6x160xi32, #tpu.memory_space<vmem>>, vector<16xi32>,
        %bitcast_convert_type3A_704 = tpu.bitcast %get3A_703 : vector<16xi32> -> vector<16xf32>
        %mul3A_705 = arith.mulf %bitcast_convert_type3A_704, %get3A_502 : vector<16xf32>
        %add3A_706 = arith.addf %add3A_696, %mul3A_705 : vector<16xf32>
        %gather3A = tpu.vector_load_idx %arg7[%get3A_661] : memref<10000xf32, #tpu.memory_space<vmem>>[vector<16xi32>], vector<16xf32>,
        %gather3A_707 = tpu.vector_load_idx %arg8[%get3A_668] : memref<10000xf32, #tpu.memory_space<vmem>>[vector<16xi32>], vector<16xf32>,
        %add3A_708 = arith.addf %gather3A, %gather3A_707 : vector<16xf32>
        %add3A_709 = arith.addf %add3A_708, %add3A_706 : vector<16xf32>
        %mul3A_710 = arith.constant 2.000000e-01 : f32
        %mul3A_711 = vector.broadcast %mul3A_710 : f32 to vector<16xf32>
        %mul3A_712 = arith.mulf %add3A_709, %mul3A_711 : vector<16xf32>
        %max3A = arith.maximumf %add3A_709, %mul3A_712 : vector<16xf32>
        %exp3A = math.exp %max3A : vector<16xf32>
        %mul3A_713 = arith.constant 16 : i32
        %mul3A_714 = arith.muli %add3A_654, %mul3A_713 : i32
        %add3A_715 = vector.broadcast %mul3A_714 : i32 to vector<16xi32>
        %add3A_716 = arith.addi %add3A_715, %iota3A : vector<16xi32>
        tpu.vector_store_idx %arg12[%broadcast_in_dim3A_601, %add3A_716, %broadcast_in_dim3A_506], %exp3A : memref<2x160x80xf32, #tpu.memory_space<vmem>>[vector<16xi32>, vector<16xi32>, vector<16xi32>], vector<16xf32>,
        tpu.vector_store_idx %arg12[%broadcast_in_dim3A_601, %add3A_716, %broadcast_in_dim3A_508], %add3A_706 : memref<2x160x80xf32, #tpu.memory_space<vmem>>[vector<16xi32>, vector<16xi32>, vector<16xi32>], vector<16xf32>,
        tpu.vector_store_idx %arg12[%broadcast_in_dim3A_601, %add3A_716, %broadcast_in_dim3A_510], %broadcast_in_dim3A_504 : memref<2x160x80xf32, #tpu.memory_space<vmem>>[vector<16xi32>, vector<16xi32>, vector<16xi32>], vector<16xf32>,
      }
      %scan3A_621 = arith.constant 10 : i32
      %dma_wait3A_622 = arith.constant 0 : i32
      %dma_wait3A_623 = arith.constant 0 : i32
      %dma_wait3A_624 = arith.constant 0 : i32
      %dma_wait3A_625 = tpu.memref_slice %arg11[%rem3A_596, %dma_wait3A_623, %dma_wait3A_624] : memref<2x160x64xf32, #tpu.memory_space<vmem>> -> memref<1x160x64xf32, #tpu.memory_space<vmem>>
      %dma_wait3A_626 = tpu.memref_squeeze %dma_wait3A_625 : memref<1x160x64xf32, #tpu.memory_space<vmem>> -> memref<160x64xf32, #tpu.memory_space<vmem>>
      %dma_wait3A_627 = arith.constant 0 : i32
      %dma_wait3A_628 = tpu.memref_slice %arg9[%rem3A_586, %dma_wait3A_622, %dma_wait3A_627] : memref<5x6x160xi32, #tpu.memory_space<vmem>> -> memref<1x1x160xi32, #tpu.memory_space<vmem>>
      %dma_wait3A_629 = tpu.memref_squeeze %dma_wait3A_628 : memref<1x1x160xi32, #tpu.memory_space<vmem>> -> memref<160xi32, #tpu.memory_space<vmem>>
      %dma_wait3A_630 = arith.constant 0 : i32
      %dma_wait3A_631 = arith.constant 0 : i32
      %dma_wait3A_632 = tpu.memref_slice %arg2[%arg0, %dma_wait3A_630, %dma_wait3A_631] : memref<2x10000x64xf32, #tpu.memory_space<hbm>> -> memref<1x10000x64xf32, #tpu.memory_space<hbm>>
      %dma_wait3A_633 = tpu.memref_squeeze %dma_wait3A_632 : memref<1x10000x64xf32, #tpu.memory_space<hbm>> -> memref<10000x64xf32, #tpu.memory_space<hbm>>
      %dma_wait3A_634 = arith.constant 0 : i32
      %dma_wait3A_635 = arith.constant 0 : i32
      %dma_wait3A_636 = tpu.memref_slice %dma_wait3A_633[%dma_wait3A_634, %dma_wait3A_635] : memref<10000x64xf32, #tpu.memory_space<hbm>> -> memref<10000x64xf32, #tpu.memory_space<hbm>>
      tpu.wait_indirect_dma semaphore(%arg14 : memref<!tpu.dma_semaphore, #tpu.memory_space<semaphore_mem>>) src(%dma_wait3A_636 : memref<10000x64xf32, #tpu.memory_space<hbm>>) dst(%dma_wait3A_626 : memref<160x64xf32, #tpu.memory_space<vmem>>)
      %parallel_loop3A = arith.constant 0 : i32
      %parallel_loop3A_637 = arith.constant 160 : i32
      %parallel_loop3A_638 = arith.constant 1 : i32
      scf.for %parallel_loop3A_650 = %parallel_loop3A to %parallel_loop3A_637 step %parallel_loop3A_638  : i32 {
        %parallel_loop3A_651 = vector.broadcast %parallel_loop3A_650 : i32 to vector<16xi32>
        %parallel_loop3A_652 = tpu.vector_load_idx %arg12[%broadcast_in_dim3A_601, %parallel_loop3A_651, %broadcast_in_dim3A_506] : memref<2x160x80xf32, #tpu.memory_space<vmem>>[vector<16xi32>, vector<16xi32>, vector<16xi32>], vector<16xf32>,
        %parallel_loop3A_653 = arith.index_cast %rem3A_596 : i32 to index
        %parallel_loop3A_654 = arith.index_cast %parallel_loop3A_650 : i32 to index
        %parallel_loop3A_655 = arith.constant 0 : index
        %parallel_loop3A_656 = tpu.vector_load %arg11[%parallel_loop3A_653, %parallel_loop3A_654, %parallel_loop3A_655] {strides = array<i32>} : memref<2x160x64xf32, #tpu.memory_space<vmem>>, vector<16xf32>,
        %parallel_loop3A_657 = arith.mulf %parallel_loop3A_656, %parallel_loop3A_652 : vector<16xf32>
        %parallel_loop3A_658 = arith.index_cast %rem3A_596 : i32 to index
        %parallel_loop3A_659 = arith.index_cast %parallel_loop3A_650 : i32 to index
        %parallel_loop3A_660 = arith.constant 0 : index
        %parallel_loop3A_661 = tpu.vector_load %arg12[%parallel_loop3A_658, %parallel_loop3A_659, %parallel_loop3A_660] {strides = array<i32>} : memref<2x160x80xf32, #tpu.memory_space<vmem>>, vector<16xf32>,
        tpu.vector_store %arg12[%parallel_loop3A_658, %parallel_loop3A_659, %parallel_loop3A_660], %parallel_loop3A_657 {strides = array<i32>} : memref<2x160x80xf32, #tpu.memory_space<vmem>>, vector<16xf32>,
        %parallel_loop3A_662 = arith.index_cast %rem3A_596 : i32 to index
        %parallel_loop3A_663 = arith.index_cast %parallel_loop3A_650 : i32 to index
        %parallel_loop3A_664 = arith.constant 16 : index
        %parallel_loop3A_665 = tpu.vector_load %arg11[%parallel_loop3A_662, %parallel_loop3A_663, %parallel_loop3A_664] {strides = array<i32>} : memref<2x160x64xf32, #tpu.memory_space<vmem>>, vector<16xf32>,
        %parallel_loop3A_666 = arith.mulf %parallel_loop3A_665, %parallel_loop3A_652 : vector<16xf32>
        %parallel_loop3A_667 = arith.index_cast %rem3A_596 : i32 to index
        %parallel_loop3A_668 = arith.index_cast %parallel_loop3A_650 : i32 to index
        %parallel_loop3A_669 = arith.constant 16 : index
        %parallel_loop3A_670 = tpu.vector_load %arg12[%parallel_loop3A_667, %parallel_loop3A_668, %parallel_loop3A_669] {strides = array<i32>} : memref<2x160x80xf32, #tpu.memory_space<vmem>>, vector<16xf32>,
        tpu.vector_store %arg12[%parallel_loop3A_667, %parallel_loop3A_668, %parallel_loop3A_669], %parallel_loop3A_666 {strides = array<i32>} : memref<2x160x80xf32, #tpu.memory_space<vmem>>, vector<16xf32>,
        %parallel_loop3A_671 = arith.index_cast %rem3A_596 : i32 to index
        %parallel_loop3A_672 = arith.index_cast %parallel_loop3A_650 : i32 to index
        %parallel_loop3A_673 = arith.constant 32 : index
        %parallel_loop3A_674 = tpu.vector_load %arg11[%parallel_loop3A_671, %parallel_loop3A_672, %parallel_loop3A_673] {strides = array<i32>} : memref<2x160x64xf32, #tpu.memory_space<vmem>>, vector<16xf32>,
        %parallel_loop3A_675 = arith.mulf %parallel_loop3A_674, %parallel_loop3A_652 : vector<16xf32>
        %parallel_loop3A_676 = arith.index_cast %rem3A_596 : i32 to index
        %parallel_loop3A_677 = arith.index_cast %parallel_loop3A_650 : i32 to index
        %parallel_loop3A_678 = arith.constant 32 : index
        %parallel_loop3A_679 = tpu.vector_load %arg12[%parallel_loop3A_676, %parallel_loop3A_677, %parallel_loop3A_678] {strides = array<i32>} : memref<2x160x80xf32, #tpu.memory_space<vmem>>, vector<16xf32>,
        tpu.vector_store %arg12[%parallel_loop3A_676, %parallel_loop3A_677, %parallel_loop3A_678], %parallel_loop3A_675 {strides = array<i32>} : memref<2x160x80xf32, #tpu.memory_space<vmem>>, vector<16xf32>,
        %parallel_loop3A_680 = arith.index_cast %rem3A_596 : i32 to index
        %parallel_loop3A_681 = arith.index_cast %parallel_loop3A_650 : i32 to index
        %parallel_loop3A_682 = arith.constant 48 : index
        %parallel_loop3A_683 = tpu.vector_load %arg11[%parallel_loop3A_680, %parallel_loop3A_681, %parallel_loop3A_682] {strides = array<i32>} : memref<2x160x64xf32, #tpu.memory_space<vmem>>, vector<16xf32>,
        %parallel_loop3A_684 = arith.mulf %parallel_loop3A_683, %parallel_loop3A_652 : vector<16xf32>
        %parallel_loop3A_685 = arith.index_cast %rem3A_596 : i32 to index
        %parallel_loop3A_686 = arith.index_cast %parallel_loop3A_650 : i32 to index
        %parallel_loop3A_687 = arith.constant 48 : index
        %parallel_loop3A_688 = tpu.vector_load %arg12[%parallel_loop3A_685, %parallel_loop3A_686, %parallel_loop3A_687] {strides = array<i32>} : memref<2x160x80xf32, #tpu.memory_space<vmem>>, vector<16xf32>,
        tpu.vector_store %arg12[%parallel_loop3A_685, %parallel_loop3A_686, %parallel_loop3A_687], %parallel_loop3A_684 {strides = array<i32>} : memref<2x160x80xf32, #tpu.memory_space<vmem>>, vector<16xf32>,
      } {sc.loop_unroll_factor = 4 : i64, sc.parallel_access}
      %dma_start3A_639 = arith.constant 1 : i32
      %dma_start3A_640 = arith.constant 0 : i32
      %dma_start3A_641 = arith.constant 0 : i32
      %dma_start3A_642 = tpu.memref_slice %arg12[%rem3A_596, %dma_start3A_640, %dma_start3A_641] : memref<2x160x80xf32, #tpu.memory_space<vmem>> -> memref<1x160x80xf32, #tpu.memory_space<vmem>>
      %dma_start3A_643 = tpu.memref_squeeze %dma_start3A_642 : memref<1x160x80xf32, #tpu.memory_space<vmem>> -> memref<160x80xf32, #tpu.memory_space<vmem>>
      %dma_start3A_644 = arith.constant 0 : i32
      %dma_start3A_645 = tpu.memref_slice %arg9[%rem3A_586, %dma_start3A_639, %dma_start3A_644] : memref<5x6x160xi32, #tpu.memory_space<vmem>> -> memref<1x1x160xi32, #tpu.memory_space<vmem>>
      %dma_start3A_646 = tpu.memref_squeeze %dma_start3A_645 : memref<1x1x160xi32, #tpu.memory_space<vmem>> -> memref<160xi32, #tpu.memory_space<vmem>>
      %dma_start3A_647 = arith.constant 0 : i32
      %dma_start3A_648 = arith.constant 0 : i32
      %dma_start3A_649 = tpu.memref_slice %arg13[%dma_start3A_647, %dma_start3A_648] : memref<10240x80xf32, #tpu.memory_space<vmem_shared>> -> memref<10240x80xf32, #tpu.memory_space<vmem_shared>>
      tpu.enqueue_indirect_dma source(%dma_start3A_643 : memref<160x80xf32, #tpu.memory_space<vmem>>) target(%dma_start3A_649 : memref<10240x80xf32, #tpu.memory_space<vmem_shared>>) offsets(%dma_start3A_646 : memref<160xi32, #tpu.memory_space<vmem>>) semaphore(%arg16 : memref<!tpu.dma_semaphore, #tpu.memory_space<semaphore_mem>>) {add = true}
    }
    %scan3A_551 = arith.constant 125 : i32
    %dma_wait3A_552 = arith.constant 0 : i32
    %dma_wait3A_553 = arith.constant 0 : i32
    %dma_wait3A_554 = arith.constant 1 : i32
    %dma_wait3A_555 = arith.constant 0 : i32
    %dma_wait3A_556 = arith.constant 0 : i32
    %dma_wait3A_557 = tpu.memref_slice %arg12[%dma_wait3A_552, %dma_wait3A_555, %dma_wait3A_556] : memref<2x160x80xf32, #tpu.memory_space<vmem>> -> memref<1x160x80xf32, #tpu.memory_space<vmem>>
    %dma_wait3A_558 = tpu.memref_squeeze %dma_wait3A_557 : memref<1x160x80xf32, #tpu.memory_space<vmem>> -> memref<160x80xf32, #tpu.memory_space<vmem>>
    %dma_wait3A_559 = arith.constant 0 : i32
    %dma_wait3A_560 = tpu.memref_slice %arg9[%dma_wait3A_553, %dma_wait3A_554, %dma_wait3A_559] : memref<5x6x160xi32, #tpu.memory_space<vmem>> -> memref<1x1x160xi32, #tpu.memory_space<vmem>>
    %dma_wait3A_561 = tpu.memref_squeeze %dma_wait3A_560 : memref<1x1x160xi32, #tpu.memory_space<vmem>> -> memref<160xi32, #tpu.memory_space<vmem>>
    %dma_wait3A_562 = arith.constant 0 : i32
    %dma_wait3A_563 = arith.constant 0 : i32
    %dma_wait3A_564 = tpu.memref_slice %arg13[%dma_wait3A_562, %dma_wait3A_563] : memref<10240x80xf32, #tpu.memory_space<vmem_shared>> -> memref<10240x80xf32, #tpu.memory_space<vmem_shared>>
    tpu.wait_indirect_dma semaphore(%arg16 : memref<!tpu.dma_semaphore, #tpu.memory_space<semaphore_mem>>) src(%dma_wait3A_558 : memref<160x80xf32, #tpu.memory_space<vmem>>) dst(%dma_wait3A_564 : memref<10240x80xf32, #tpu.memory_space<vmem_shared>>)
    %dma_wait3A_565 = arith.constant 1 : i32
    %dma_wait3A_566 = arith.constant 0 : i32
    %dma_wait3A_567 = arith.constant 1 : i32
    %dma_wait3A_568 = arith.constant 0 : i32
    %dma_wait3A_569 = arith.constant 0 : i32
    %dma_wait3A_570 = tpu.memref_slice %arg12[%dma_wait3A_565, %dma_wait3A_568, %dma_wait3A_569] : memref<2x160x80xf32, #tpu.memory_space<vmem>> -> memref<1x160x80xf32, #tpu.memory_space<vmem>>
    %dma_wait3A_571 = tpu.memref_squeeze %dma_wait3A_570 : memref<1x160x80xf32, #tpu.memory_space<vmem>> -> memref<160x80xf32, #tpu.memory_space<vmem>>
    %dma_wait3A_572 = arith.constant 0 : i32
    %dma_wait3A_573 = tpu.memref_slice %arg9[%dma_wait3A_566, %dma_wait3A_567, %dma_wait3A_572] : memref<5x6x160xi32, #tpu.memory_space<vmem>> -> memref<1x1x160xi32, #tpu.memory_space<vmem>>
    %dma_wait3A_574 = tpu.memref_squeeze %dma_wait3A_573 : memref<1x1x160xi32, #tpu.memory_space<vmem>> -> memref<160xi32, #tpu.memory_space<vmem>>
    %dma_wait3A_575 = arith.constant 0 : i32
    %dma_wait3A_576 = arith.constant 0 : i32
    %dma_wait3A_577 = tpu.memref_slice %arg13[%dma_wait3A_575, %dma_wait3A_576] : memref<10240x80xf32, #tpu.memory_space<vmem_shared>> -> memref<10240x80xf32, #tpu.memory_space<vmem_shared>>
    tpu.wait_indirect_dma semaphore(%arg16 : memref<!tpu.dma_semaphore, #tpu.memory_space<semaphore_mem>>) src(%dma_wait3A_571 : memref<160x80xf32, #tpu.memory_space<vmem>>) dst(%dma_wait3A_577 : memref<10240x80xf32, #tpu.memory_space<vmem_shared>>)
    %barrier3A_578 = arith.constant 0 : index
    tpu.barrier barrier_id(%barrier3A_578)
    %mul3A = arith.constant 640 : i32
    %mul3A_579 = arith.muli %arg1, %mul3A : i32
    %mul3A_580 = arith.constant 640 : i32
    %mul3A_581 = arith.muli %arg1, %mul3A_580 : i32
    "tpu.region"() ({
      %run_scoped3A_582 = tpu.sem_alloc : memref<!tpu.dma_semaphore, #tpu.memory_space<semaphore_mem>>
      %dma_start3A_583 = arith.constant 0 : i32
      %dma_start3A_584 = tpu.memref_slice %arg6[%arg0, %mul3A_581, %dma_start3A_583] : memref<2x10240x80xf32, #tpu.memory_space<hbm>> -> memref<1x640x80xf32, #tpu.memory_space<hbm>>
      %dma_start3A_585 = tpu.memref_squeeze %dma_start3A_584 : memref<1x640x80xf32, #tpu.memory_space<hbm>> -> memref<640x80xf32, #tpu.memory_space<hbm>>
      %dma_start3A_586 = arith.constant 0 : i32
      %dma_start3A_587 = tpu.memref_slice %arg13[%mul3A_579, %dma_start3A_586] : memref<10240x80xf32, #tpu.memory_space<vmem_shared>> -> memref<640x80xf32, #tpu.memory_space<vmem_shared>>
      tpu.enqueue_dma source(%dma_start3A_587 : memref<640x80xf32, #tpu.memory_space<vmem_shared>>) target(%dma_start3A_585 : memref<640x80xf32, #tpu.memory_space<hbm>>) target_semaphore(%run_scoped3A_582 : memref<!tpu.dma_semaphore, #tpu.memory_space<semaphore_mem>>)
      %dma_wait3A_588 = arith.constant 0 : i32
      %dma_wait3A_589 = tpu.memref_slice %arg6[%arg0, %mul3A_581, %dma_wait3A_588] : memref<2x10240x80xf32, #tpu.memory_space<hbm>> -> memref<1x640x80xf32, #tpu.memory_space<hbm>>
      %dma_wait3A_590 = tpu.memref_squeeze %dma_wait3A_589 : memref<1x640x80xf32, #tpu.memory_space<hbm>> -> memref<640x80xf32, #tpu.memory_space<hbm>>
      %dma_wait3A_591 = arith.constant 0 : i32
      %dma_wait3A_592 = tpu.memref_slice %arg13[%mul3A_579, %dma_wait3A_591] : memref<10240x80xf32, #tpu.memory_space<vmem_shared>> -> memref<640x80xf32, #tpu.memory_space<vmem_shared>>
      tpu.wait_dma2 semaphore(%run_scoped3A_582 : memref<!tpu.dma_semaphore, #tpu.memory_space<semaphore_mem>>) src(%dma_wait3A_592 : memref<640x80xf32, #tpu.memory_space<vmem_shared>>) dst(%dma_wait3A_590 : memref<640x80xf32, #tpu.memory_space<hbm>>)
      tpu.yield
    }) : () -> ()
    return
  }
}

#map = affine_map<(d0, d1) -> (0, 0, 0)>
#map1 = affine_map<(d0, d1) -> (0, 0, 0, 0)>
#map2 = affine_map<(d0, d1) -> (0, 0)>
module attributes {stable_mosaic.version = 14 : i64} {
  func.func @_sc_edge_body(%arg0: i32, %arg1: i32, %arg2: memref<2x10000x64xf32, #tpu.memory_space<hbm>>, %arg3: memref<10x8x1000xf32, #tpu.memory_space<hbm>>, %arg4: memref<16x125x6x160xi32, #tpu.memory_space<hbm>>, %arg5: memref<4x16xf32, #tpu.memory_space<hbm>>, %arg6: memref<2x10240x80xf32, #tpu.memory_space<hbm>>, %arg7: memref<10000xf32, #tpu.memory_space<vmem>>, %arg8: memref<10000xf32, #tpu.memory_space<vmem>>, %arg9: memref<5x6x160xi32, #tpu.memory_space<vmem>>, %arg10: memref<4x16xf32, #tpu.memory_space<vmem>>, %arg11: memref<2x160x64xf32, #tpu.memory_space<vmem>>, %arg12: memref<2x160x80xf32, #tpu.memory_space<vmem>>, %arg13: memref<10240x80xf32, #tpu.memory_space<vmem_shared>>, %arg14: memref<!tpu.dma_semaphore, #tpu.memory_space<semaphore_mem>>, %arg15: memref<!tpu.dma_semaphore, #tpu.memory_space<semaphore_mem>>, %arg16: memref<!tpu.dma_semaphore, #tpu.memory_space<semaphore_mem>>) attributes {dimension_semantics = [#tpu.dimension_semantics<core_parallel>, #tpu.dimension_semantics<subcore_parallel>], iteration_bounds = array<i64: 2, 16>, scalar_prefetch = 0 : i64, scratch_operands = 10 : i64, tpu.core_type = #tpu.core_type<sc_vector_subcore>, window_params = [{transform_indices = #map}, {transform_indices = #map}, {transform_indices = #map1}, {transform_indices = #map2}, {transform_indices = #map}]} {
    %dma_start3A = arith.constant 0 : i32
    %dma_start3A_0 = arith.constant 0 : i32
    %dma_start3A_1 = arith.constant 0 : i32
    %dma_start3A_2 = tpu.memref_slice %arg7[%dma_start3A_1] : memref<10000xf32, #tpu.memory_space<vmem>> -> memref<1000xf32, #tpu.memory_space<vmem>>
    %dma_start3A_3 = arith.constant 0 : i32
    %dma_start3A_4 = tpu.memref_slice %arg3[%dma_start3A, %dma_start3A_0, %dma_start3A_3] : memref<10x8x1000xf32, #tpu.memory_space<hbm>> -> memref<1x1x1000xf32, #tpu.memory_space<hbm>>
    %dma_start3A_5 = tpu.memref_squeeze %dma_start3A_4 : memref<1x1x1000xf32, #tpu.memory_space<hbm>> -> memref<1000xf32, #tpu.memory_space<hbm>>
    %dma_start3A_6 = arith.constant 0 : i32
    %dma_start3A_7 = tpu.memref_slice %arg7[%dma_start3A_6] : memref<10000xf32, #tpu.memory_space<vmem>> -> memref<1000xf32, #tpu.memory_space<vmem>>
    %dma_start3A_8 = arith.constant 0 : i32
    %dma_start3A_9 = tpu.memref_slice %arg3[%dma_start3A, %dma_start3A_0, %dma_start3A_8] : memref<10x8x1000xf32, #tpu.memory_space<hbm>> -> memref<1x1x1000xf32, #tpu.memory_space<hbm>>
    %dma_start3A_10 = tpu.memref_squeeze %dma_start3A_9 : memref<1x1x1000xf32, #tpu.memory_space<hbm>> -> memref<1000xf32, #tpu.memory_space<hbm>>
    tpu.enqueue_dma source(%dma_start3A_10 : memref<1000xf32, #tpu.memory_space<hbm>>) target(%dma_start3A_7 : memref<1000xf32, #tpu.memory_space<vmem>>) target_semaphore(%arg15 : memref<!tpu.dma_semaphore, #tpu.memory_space<semaphore_mem>>)
    %dma_start3A_11 = arith.constant 0 : i32
    %dma_start3A_12 = arith.constant 1 : i32
    %dma_start3A_13 = arith.constant 0 : i32
    %dma_start3A_14 = tpu.memref_slice %arg8[%dma_start3A_13] : memref<10000xf32, #tpu.memory_space<vmem>> -> memref<1000xf32, #tpu.memory_space<vmem>>
    %dma_start3A_15 = arith.constant 0 : i32
    %dma_start3A_16 = tpu.memref_slice %arg3[%dma_start3A_11, %dma_start3A_12, %dma_start3A_15] : memref<10x8x1000xf32, #tpu.memory_space<hbm>> -> memref<1x1x1000xf32, #tpu.memory_space<hbm>>
    %dma_start3A_17 = tpu.memref_squeeze %dma_start3A_16 : memref<1x1x1000xf32, #tpu.memory_space<hbm>> -> memref<1000xf32, #tpu.memory_space<hbm>>
    %dma_start3A_18 = arith.constant 0 : i32
    %dma_start3A_19 = tpu.memref_slice %arg8[%dma_start3A_18] : memref<10000xf32, #tpu.memory_space<vmem>> -> memref<1000xf32, #tpu.memory_space<vmem>>
    %dma_start3A_20 = arith.constant 0 : i32
    %dma_start3A_21 = tpu.memref_slice %arg3[%dma_start3A_11, %dma_start3A_12, %dma_start3A_20] : memref<10x8x1000xf32, #tpu.memory_space<hbm>> -> memref<1x1x1000xf32, #tpu.memory_space<hbm>>
    %dma_start3A_22 = tpu.memref_squeeze %dma_start3A_21 : memref<1x1x1000xf32, #tpu.memory_space<hbm>> -> memref<1000xf32, #tpu.memory_space<hbm>>
    tpu.enqueue_dma source(%dma_start3A_22 : memref<1000xf32, #tpu.memory_space<hbm>>) target(%dma_start3A_19 : memref<1000xf32, #tpu.memory_space<vmem>>) target_semaphore(%arg15 : memref<!tpu.dma_semaphore, #tpu.memory_space<semaphore_mem>>)
    %dma_start3A_23 = arith.constant 1 : i32
    %dma_start3A_24 = arith.constant 0 : i32
    %dma_start3A_25 = arith.constant 1000 : i32
    %dma_start3A_26 = tpu.memref_slice %arg7[%dma_start3A_25] : memref<10000xf32, #tpu.memory_space<vmem>> -> memref<1000xf32, #tpu.memory_space<vmem>>
    %dma_start3A_27 = arith.constant 0 : i32
    %dma_start3A_28 = tpu.memref_slice %arg3[%dma_start3A_23, %dma_start3A_24, %dma_start3A_27] : memref<10x8x1000xf32, #tpu.memory_space<hbm>> -> memref<1x1x1000xf32, #tpu.memory_space<hbm>>
    %dma_start3A_29 = tpu.memref_squeeze %dma_start3A_28 : memref<1x1x1000xf32, #tpu.memory_space<hbm>> -> memref<1000xf32, #tpu.memory_space<hbm>>
    %dma_start3A_30 = arith.constant 1000 : i32
    %dma_start3A_31 = tpu.memref_slice %arg7[%dma_start3A_30] : memref<10000xf32, #tpu.memory_space<vmem>> -> memref<1000xf32, #tpu.memory_space<vmem>>
    %dma_start3A_32 = arith.constant 0 : i32
    %dma_start3A_33 = tpu.memref_slice %arg3[%dma_start3A_23, %dma_start3A_24, %dma_start3A_32] : memref<10x8x1000xf32, #tpu.memory_space<hbm>> -> memref<1x1x1000xf32, #tpu.memory_space<hbm>>
    %dma_start3A_34 = tpu.memref_squeeze %dma_start3A_33 : memref<1x1x1000xf32, #tpu.memory_space<hbm>> -> memref<1000xf32, #tpu.memory_space<hbm>>
    tpu.enqueue_dma source(%dma_start3A_34 : memref<1000xf32, #tpu.memory_space<hbm>>) target(%dma_start3A_31 : memref<1000xf32, #tpu.memory_space<vmem>>) target_semaphore(%arg15 : memref<!tpu.dma_semaphore, #tpu.memory_space<semaphore_mem>>)
    %dma_start3A_35 = arith.constant 1 : i32
    %dma_start3A_36 = arith.constant 1 : i32
    %dma_start3A_37 = arith.constant 1000 : i32
    %dma_start3A_38 = tpu.memref_slice %arg8[%dma_start3A_37] : memref<10000xf32, #tpu.memory_space<vmem>> -> memref<1000xf32, #tpu.memory_space<vmem>>
    %dma_start3A_39 = arith.constant 0 : i32
    %dma_start3A_40 = tpu.memref_slice %arg3[%dma_start3A_35, %dma_start3A_36, %dma_start3A_39] : memref<10x8x1000xf32, #tpu.memory_space<hbm>> -> memref<1x1x1000xf32, #tpu.memory_space<hbm>>
    %dma_start3A_41 = tpu.memref_squeeze %dma_start3A_40 : memref<1x1x1000xf32, #tpu.memory_space<hbm>> -> memref<1000xf32, #tpu.memory_space<hbm>>
    %dma_start3A_42 = arith.constant 1000 : i32
    %dma_start3A_43 = tpu.memref_slice %arg8[%dma_start3A_42] : memref<10000xf32, #tpu.memory_space<vmem>> -> memref<1000xf32, #tpu.memory_space<vmem>>
    %dma_start3A_44 = arith.constant 0 : i32
    %dma_start3A_45 = tpu.memref_slice %arg3[%dma_start3A_35, %dma_start3A_36, %dma_start3A_44] : memref<10x8x1000xf32, #tpu.memory_space<hbm>> -> memref<1x1x1000xf32, #tpu.memory_space<hbm>>
    %dma_start3A_46 = tpu.memref_squeeze %dma_start3A_45 : memref<1x1x1000xf32, #tpu.memory_space<hbm>> -> memref<1000xf32, #tpu.memory_space<hbm>>
    tpu.enqueue_dma source(%dma_start3A_46 : memref<1000xf32, #tpu.memory_space<hbm>>) target(%dma_start3A_43 : memref<1000xf32, #tpu.memory_space<vmem>>) target_semaphore(%arg15 : memref<!tpu.dma_semaphore, #tpu.memory_space<semaphore_mem>>)
    %dma_start3A_47 = arith.constant 2 : i32
    %dma_start3A_48 = arith.constant 0 : i32
    %dma_start3A_49 = arith.constant 2000 : i32
    %dma_start3A_50 = tpu.memref_slice %arg7[%dma_start3A_49] : memref<10000xf32, #tpu.memory_space<vmem>> -> memref<1000xf32, #tpu.memory_space<vmem>>
    %dma_start3A_51 = arith.constant 0 : i32
    %dma_start3A_52 = tpu.memref_slice %arg3[%dma_start3A_47, %dma_start3A_48, %dma_start3A_51] : memref<10x8x1000xf32, #tpu.memory_space<hbm>> -> memref<1x1x1000xf32, #tpu.memory_space<hbm>>
    %dma_start3A_53 = tpu.memref_squeeze %dma_start3A_52 : memref<1x1x1000xf32, #tpu.memory_space<hbm>> -> memref<1000xf32, #tpu.memory_space<hbm>>
    %dma_start3A_54 = arith.constant 2000 : i32
    %dma_start3A_55 = tpu.memref_slice %arg7[%dma_start3A_54] : memref<10000xf32, #tpu.memory_space<vmem>> -> memref<1000xf32, #tpu.memory_space<vmem>>
    %dma_start3A_56 = arith.constant 0 : i32
    %dma_start3A_57 = tpu.memref_slice %arg3[%dma_start3A_47, %dma_start3A_48, %dma_start3A_56] : memref<10x8x1000xf32, #tpu.memory_space<hbm>> -> memref<1x1x1000xf32, #tpu.memory_space<hbm>>
    %dma_start3A_58 = tpu.memref_squeeze %dma_start3A_57 : memref<1x1x1000xf32, #tpu.memory_space<hbm>> -> memref<1000xf32, #tpu.memory_space<hbm>>
    tpu.enqueue_dma source(%dma_start3A_58 : memref<1000xf32, #tpu.memory_space<hbm>>) target(%dma_start3A_55 : memref<1000xf32, #tpu.memory_space<vmem>>) target_semaphore(%arg15 : memref<!tpu.dma_semaphore, #tpu.memory_space<semaphore_mem>>)
    %dma_start3A_59 = arith.constant 2 : i32
    %dma_start3A_60 = arith.constant 1 : i32
    %dma_start3A_61 = arith.constant 2000 : i32
    %dma_start3A_62 = tpu.memref_slice %arg8[%dma_start3A_61] : memref<10000xf32, #tpu.memory_space<vmem>> -> memref<1000xf32, #tpu.memory_space<vmem>>
    %dma_start3A_63 = arith.constant 0 : i32
    %dma_start3A_64 = tpu.memref_slice %arg3[%dma_start3A_59, %dma_start3A_60, %dma_start3A_63] : memref<10x8x1000xf32, #tpu.memory_space<hbm>> -> memref<1x1x1000xf32, #tpu.memory_space<hbm>>
    %dma_start3A_65 = tpu.memref_squeeze %dma_start3A_64 : memref<1x1x1000xf32, #tpu.memory_space<hbm>> -> memref<1000xf32, #tpu.memory_space<hbm>>
    %dma_start3A_66 = arith.constant 2000 : i32
    %dma_start3A_67 = tpu.memref_slice %arg8[%dma_start3A_66] : memref<10000xf32, #tpu.memory_space<vmem>> -> memref<1000xf32, #tpu.memory_space<vmem>>
    %dma_start3A_68 = arith.constant 0 : i32
    %dma_start3A_69 = tpu.memref_slice %arg3[%dma_start3A_59, %dma_start3A_60, %dma_start3A_68] : memref<10x8x1000xf32, #tpu.memory_space<hbm>> -> memref<1x1x1000xf32, #tpu.memory_space<hbm>>
    %dma_start3A_70 = tpu.memref_squeeze %dma_start3A_69 : memref<1x1x1000xf32, #tpu.memory_space<hbm>> -> memref<1000xf32, #tpu.memory_space<hbm>>
    tpu.enqueue_dma source(%dma_start3A_70 : memref<1000xf32, #tpu.memory_space<hbm>>) target(%dma_start3A_67 : memref<1000xf32, #tpu.memory_space<vmem>>) target_semaphore(%arg15 : memref<!tpu.dma_semaphore, #tpu.memory_space<semaphore_mem>>)
    %dma_start3A_71 = arith.constant 3 : i32
    %dma_start3A_72 = arith.constant 0 : i32
    %dma_start3A_73 = arith.constant 3000 : i32
    %dma_start3A_74 = tpu.memref_slice %arg7[%dma_start3A_73] : memref<10000xf32, #tpu.memory_space<vmem>> -> memref<1000xf32, #tpu.memory_space<vmem>>
    %dma_start3A_75 = arith.constant 0 : i32
    %dma_start3A_76 = tpu.memref_slice %arg3[%dma_start3A_71, %dma_start3A_72, %dma_start3A_75] : memref<10x8x1000xf32, #tpu.memory_space<hbm>> -> memref<1x1x1000xf32, #tpu.memory_space<hbm>>
    %dma_start3A_77 = tpu.memref_squeeze %dma_start3A_76 : memref<1x1x1000xf32, #tpu.memory_space<hbm>> -> memref<1000xf32, #tpu.memory_space<hbm>>
    %dma_start3A_78 = arith.constant 3000 : i32
    %dma_start3A_79 = tpu.memref_slice %arg7[%dma_start3A_78] : memref<10000xf32, #tpu.memory_space<vmem>> -> memref<1000xf32, #tpu.memory_space<vmem>>
    %dma_start3A_80 = arith.constant 0 : i32
    %dma_start3A_81 = tpu.memref_slice %arg3[%dma_start3A_71, %dma_start3A_72, %dma_start3A_80] : memref<10x8x1000xf32, #tpu.memory_space<hbm>> -> memref<1x1x1000xf32, #tpu.memory_space<hbm>>
    %dma_start3A_82 = tpu.memref_squeeze %dma_start3A_81 : memref<1x1x1000xf32, #tpu.memory_space<hbm>> -> memref<1000xf32, #tpu.memory_space<hbm>>
    tpu.enqueue_dma source(%dma_start3A_82 : memref<1000xf32, #tpu.memory_space<hbm>>) target(%dma_start3A_79 : memref<1000xf32, #tpu.memory_space<vmem>>) target_semaphore(%arg15 : memref<!tpu.dma_semaphore, #tpu.memory_space<semaphore_mem>>)
    %dma_start3A_83 = arith.constant 3 : i32
    %dma_start3A_84 = arith.constant 1 : i32
    %dma_start3A_85 = arith.constant 3000 : i32
    %dma_start3A_86 = tpu.memref_slice %arg8[%dma_start3A_85] : memref<10000xf32, #tpu.memory_space<vmem>> -> memref<1000xf32, #tpu.memory_space<vmem>>
    %dma_start3A_87 = arith.constant 0 : i32
    %dma_start3A_88 = tpu.memref_slice %arg3[%dma_start3A_83, %dma_start3A_84, %dma_start3A_87] : memref<10x8x1000xf32, #tpu.memory_space<hbm>> -> memref<1x1x1000xf32, #tpu.memory_space<hbm>>
    %dma_start3A_89 = tpu.memref_squeeze %dma_start3A_88 : memref<1x1x1000xf32, #tpu.memory_space<hbm>> -> memref<1000xf32, #tpu.memory_space<hbm>>
    %dma_start3A_90 = arith.constant 3000 : i32
    %dma_start3A_91 = tpu.memref_slice %arg8[%dma_start3A_90] : memref<10000xf32, #tpu.memory_space<vmem>> -> memref<1000xf32, #tpu.memory_space<vmem>>
    %dma_start3A_92 = arith.constant 0 : i32
    %dma_start3A_93 = tpu.memref_slice %arg3[%dma_start3A_83, %dma_start3A_84, %dma_start3A_92] : memref<10x8x1000xf32, #tpu.memory_space<hbm>> -> memref<1x1x1000xf32, #tpu.memory_space<hbm>>
    %dma_start3A_94 = tpu.memref_squeeze %dma_start3A_93 : memref<1x1x1000xf32, #tpu.memory_space<hbm>> -> memref<1000xf32, #tpu.memory_space<hbm>>
    tpu.enqueue_dma source(%dma_start3A_94 : memref<1000xf32, #tpu.memory_space<hbm>>) target(%dma_start3A_91 : memref<1000xf32, #tpu.memory_space<vmem>>) target_semaphore(%arg15 : memref<!tpu.dma_semaphore, #tpu.memory_space<semaphore_mem>>)
    %dma_start3A_95 = arith.constant 4 : i32
    %dma_start3A_96 = arith.constant 0 : i32
    %dma_start3A_97 = arith.constant 4000 : i32
    %dma_start3A_98 = tpu.memref_slice %arg7[%dma_start3A_97] : memref<10000xf32, #tpu.memory_space<vmem>> -> memref<1000xf32, #tpu.memory_space<vmem>>
    %dma_start3A_99 = arith.constant 0 : i32
    %dma_start3A_100 = tpu.memref_slice %arg3[%dma_start3A_95, %dma_start3A_96, %dma_start3A_99] : memref<10x8x1000xf32, #tpu.memory_space<hbm>> -> memref<1x1x1000xf32, #tpu.memory_space<hbm>>
    %dma_start3A_101 = tpu.memref_squeeze %dma_start3A_100 : memref<1x1x1000xf32, #tpu.memory_space<hbm>> -> memref<1000xf32, #tpu.memory_space<hbm>>
    %dma_start3A_102 = arith.constant 4000 : i32
    %dma_start3A_103 = tpu.memref_slice %arg7[%dma_start3A_102] : memref<10000xf32, #tpu.memory_space<vmem>> -> memref<1000xf32, #tpu.memory_space<vmem>>
    %dma_start3A_104 = arith.constant 0 : i32
    %dma_start3A_105 = tpu.memref_slice %arg3[%dma_start3A_95, %dma_start3A_96, %dma_start3A_104] : memref<10x8x1000xf32, #tpu.memory_space<hbm>> -> memref<1x1x1000xf32, #tpu.memory_space<hbm>>
    %dma_start3A_106 = tpu.memref_squeeze %dma_start3A_105 : memref<1x1x1000xf32, #tpu.memory_space<hbm>> -> memref<1000xf32, #tpu.memory_space<hbm>>
    tpu.enqueue_dma source(%dma_start3A_106 : memref<1000xf32, #tpu.memory_space<hbm>>) target(%dma_start3A_103 : memref<1000xf32, #tpu.memory_space<vmem>>) target_semaphore(%arg15 : memref<!tpu.dma_semaphore, #tpu.memory_space<semaphore_mem>>)
    %dma_start3A_107 = arith.constant 4 : i32
    %dma_start3A_108 = arith.constant 1 : i32
    %dma_start3A_109 = arith.constant 4000 : i32
    %dma_start3A_110 = tpu.memref_slice %arg8[%dma_start3A_109] : memref<10000xf32, #tpu.memory_space<vmem>> -> memref<1000xf32, #tpu.memory_space<vmem>>
    %dma_start3A_111 = arith.constant 0 : i32
    %dma_start3A_112 = tpu.memref_slice %arg3[%dma_start3A_107, %dma_start3A_108, %dma_start3A_111] : memref<10x8x1000xf32, #tpu.memory_space<hbm>> -> memref<1x1x1000xf32, #tpu.memory_space<hbm>>
    %dma_start3A_113 = tpu.memref_squeeze %dma_start3A_112 : memref<1x1x1000xf32, #tpu.memory_space<hbm>> -> memref<1000xf32, #tpu.memory_space<hbm>>
    %dma_start3A_114 = arith.constant 4000 : i32
    %dma_start3A_115 = tpu.memref_slice %arg8[%dma_start3A_114] : memref<10000xf32, #tpu.memory_space<vmem>> -> memref<1000xf32, #tpu.memory_space<vmem>>
    %dma_start3A_116 = arith.constant 0 : i32
    %dma_start3A_117 = tpu.memref_slice %arg3[%dma_start3A_107, %dma_start3A_108, %dma_start3A_116] : memref<10x8x1000xf32, #tpu.memory_space<hbm>> -> memref<1x1x1000xf32, #tpu.memory_space<hbm>>
    %dma_start3A_118 = tpu.memref_squeeze %dma_start3A_117 : memref<1x1x1000xf32, #tpu.memory_space<hbm>> -> memref<1000xf32, #tpu.memory_space<hbm>>
    tpu.enqueue_dma source(%dma_start3A_118 : memref<1000xf32, #tpu.memory_space<hbm>>) target(%dma_start3A_115 : memref<1000xf32, #tpu.memory_space<vmem>>) target_semaphore(%arg15 : memref<!tpu.dma_semaphore, #tpu.memory_space<semaphore_mem>>)
    %dma_start3A_119 = arith.constant 5 : i32
    %dma_start3A_120 = arith.constant 0 : i32
    %dma_start3A_121 = arith.constant 5000 : i32
    %dma_start3A_122 = tpu.memref_slice %arg7[%dma_start3A_121] : memref<10000xf32, #tpu.memory_space<vmem>> -> memref<1000xf32, #tpu.memory_space<vmem>>
    %dma_start3A_123 = arith.constant 0 : i32
    %dma_start3A_124 = tpu.memref_slice %arg3[%dma_start3A_119, %dma_start3A_120, %dma_start3A_123] : memref<10x8x1000xf32, #tpu.memory_space<hbm>> -> memref<1x1x1000xf32, #tpu.memory_space<hbm>>
    %dma_start3A_125 = tpu.memref_squeeze %dma_start3A_124 : memref<1x1x1000xf32, #tpu.memory_space<hbm>> -> memref<1000xf32, #tpu.memory_space<hbm>>
    %dma_start3A_126 = arith.constant 5000 : i32
    %dma_start3A_127 = tpu.memref_slice %arg7[%dma_start3A_126] : memref<10000xf32, #tpu.memory_space<vmem>> -> memref<1000xf32, #tpu.memory_space<vmem>>
    %dma_start3A_128 = arith.constant 0 : i32
    %dma_start3A_129 = tpu.memref_slice %arg3[%dma_start3A_119, %dma_start3A_120, %dma_start3A_128] : memref<10x8x1000xf32, #tpu.memory_space<hbm>> -> memref<1x1x1000xf32, #tpu.memory_space<hbm>>
    %dma_start3A_130 = tpu.memref_squeeze %dma_start3A_129 : memref<1x1x1000xf32, #tpu.memory_space<hbm>> -> memref<1000xf32, #tpu.memory_space<hbm>>
    tpu.enqueue_dma source(%dma_start3A_130 : memref<1000xf32, #tpu.memory_space<hbm>>) target(%dma_start3A_127 : memref<1000xf32, #tpu.memory_space<vmem>>) target_semaphore(%arg15 : memref<!tpu.dma_semaphore, #tpu.memory_space<semaphore_mem>>)
    %dma_start3A_131 = arith.constant 5 : i32
    %dma_start3A_132 = arith.constant 1 : i32
    %dma_start3A_133 = arith.constant 5000 : i32
    %dma_start3A_134 = tpu.memref_slice %arg8[%dma_start3A_133] : memref<10000xf32, #tpu.memory_space<vmem>> -> memref<1000xf32, #tpu.memory_space<vmem>>
    %dma_start3A_135 = arith.constant 0 : i32
    %dma_start3A_136 = tpu.memref_slice %arg3[%dma_start3A_131, %dma_start3A_132, %dma_start3A_135] : memref<10x8x1000xf32, #tpu.memory_space<hbm>> -> memref<1x1x1000xf32, #tpu.memory_space<hbm>>
    %dma_start3A_137 = tpu.memref_squeeze %dma_start3A_136 : memref<1x1x1000xf32, #tpu.memory_space<hbm>> -> memref<1000xf32, #tpu.memory_space<hbm>>
    %dma_start3A_138 = arith.constant 5000 : i32
    %dma_start3A_139 = tpu.memref_slice %arg8[%dma_start3A_138] : memref<10000xf32, #tpu.memory_space<vmem>> -> memref<1000xf32, #tpu.memory_space<vmem>>
    %dma_start3A_140 = arith.constant 0 : i32
    %dma_start3A_141 = tpu.memref_slice %arg3[%dma_start3A_131, %dma_start3A_132, %dma_start3A_140] : memref<10x8x1000xf32, #tpu.memory_space<hbm>> -> memref<1x1x1000xf32, #tpu.memory_space<hbm>>
    %dma_start3A_142 = tpu.memref_squeeze %dma_start3A_141 : memref<1x1x1000xf32, #tpu.memory_space<hbm>> -> memref<1000xf32, #tpu.memory_space<hbm>>
    tpu.enqueue_dma source(%dma_start3A_142 : memref<1000xf32, #tpu.memory_space<hbm>>) target(%dma_start3A_139 : memref<1000xf32, #tpu.memory_space<vmem>>) target_semaphore(%arg15 : memref<!tpu.dma_semaphore, #tpu.memory_space<semaphore_mem>>)
    %dma_start3A_143 = arith.constant 6 : i32
    %dma_start3A_144 = arith.constant 0 : i32
    %dma_start3A_145 = arith.constant 6000 : i32
    %dma_start3A_146 = tpu.memref_slice %arg7[%dma_start3A_145] : memref<10000xf32, #tpu.memory_space<vmem>> -> memref<1000xf32, #tpu.memory_space<vmem>>
    %dma_start3A_147 = arith.constant 0 : i32
    %dma_start3A_148 = tpu.memref_slice %arg3[%dma_start3A_143, %dma_start3A_144, %dma_start3A_147] : memref<10x8x1000xf32, #tpu.memory_space<hbm>> -> memref<1x1x1000xf32, #tpu.memory_space<hbm>>
    %dma_start3A_149 = tpu.memref_squeeze %dma_start3A_148 : memref<1x1x1000xf32, #tpu.memory_space<hbm>> -> memref<1000xf32, #tpu.memory_space<hbm>>
    %dma_start3A_150 = arith.constant 6000 : i32
    %dma_start3A_151 = tpu.memref_slice %arg7[%dma_start3A_150] : memref<10000xf32, #tpu.memory_space<vmem>> -> memref<1000xf32, #tpu.memory_space<vmem>>
    %dma_start3A_152 = arith.constant 0 : i32
    %dma_start3A_153 = tpu.memref_slice %arg3[%dma_start3A_143, %dma_start3A_144, %dma_start3A_152] : memref<10x8x1000xf32, #tpu.memory_space<hbm>> -> memref<1x1x1000xf32, #tpu.memory_space<hbm>>
    %dma_start3A_154 = tpu.memref_squeeze %dma_start3A_153 : memref<1x1x1000xf32, #tpu.memory_space<hbm>> -> memref<1000xf32, #tpu.memory_space<hbm>>
    tpu.enqueue_dma source(%dma_start3A_154 : memref<1000xf32, #tpu.memory_space<hbm>>) target(%dma_start3A_151 : memref<1000xf32, #tpu.memory_space<vmem>>) target_semaphore(%arg15 : memref<!tpu.dma_semaphore, #tpu.memory_space<semaphore_mem>>)
    %dma_start3A_155 = arith.constant 6 : i32
    %dma_start3A_156 = arith.constant 1 : i32
    %dma_start3A_157 = arith.constant 6000 : i32
    %dma_start3A_158 = tpu.memref_slice %arg8[%dma_start3A_157] : memref<10000xf32, #tpu.memory_space<vmem>> -> memref<1000xf32, #tpu.memory_space<vmem>>
    %dma_start3A_159 = arith.constant 0 : i32
    %dma_start3A_160 = tpu.memref_slice %arg3[%dma_start3A_155, %dma_start3A_156, %dma_start3A_159] : memref<10x8x1000xf32, #tpu.memory_space<hbm>> -> memref<1x1x1000xf32, #tpu.memory_space<hbm>>
    %dma_start3A_161 = tpu.memref_squeeze %dma_start3A_160 : memref<1x1x1000xf32, #tpu.memory_space<hbm>> -> memref<1000xf32, #tpu.memory_space<hbm>>
    %dma_start3A_162 = arith.constant 6000 : i32
    %dma_start3A_163 = tpu.memref_slice %arg8[%dma_start3A_162] : memref<10000xf32, #tpu.memory_space<vmem>> -> memref<1000xf32, #tpu.memory_space<vmem>>
    %dma_start3A_164 = arith.constant 0 : i32
    %dma_start3A_165 = tpu.memref_slice %arg3[%dma_start3A_155, %dma_start3A_156, %dma_start3A_164] : memref<10x8x1000xf32, #tpu.memory_space<hbm>> -> memref<1x1x1000xf32, #tpu.memory_space<hbm>>
    %dma_start3A_166 = tpu.memref_squeeze %dma_start3A_165 : memref<1x1x1000xf32, #tpu.memory_space<hbm>> -> memref<1000xf32, #tpu.memory_space<hbm>>
    tpu.enqueue_dma source(%dma_start3A_166 : memref<1000xf32, #tpu.memory_space<hbm>>) target(%dma_start3A_163 : memref<1000xf32, #tpu.memory_space<vmem>>) target_semaphore(%arg15 : memref<!tpu.dma_semaphore, #tpu.memory_space<semaphore_mem>>)
    %dma_start3A_167 = arith.constant 7 : i32
    %dma_start3A_168 = arith.constant 0 : i32
    %dma_start3A_169 = arith.constant 7000 : i32
    %dma_start3A_170 = tpu.memref_slice %arg7[%dma_start3A_169] : memref<10000xf32, #tpu.memory_space<vmem>> -> memref<1000xf32, #tpu.memory_space<vmem>>
    %dma_start3A_171 = arith.constant 0 : i32
    %dma_start3A_172 = tpu.memref_slice %arg3[%dma_start3A_167, %dma_start3A_168, %dma_start3A_171] : memref<10x8x1000xf32, #tpu.memory_space<hbm>> -> memref<1x1x1000xf32, #tpu.memory_space<hbm>>
    %dma_start3A_173 = tpu.memref_squeeze %dma_start3A_172 : memref<1x1x1000xf32, #tpu.memory_space<hbm>> -> memref<1000xf32, #tpu.memory_space<hbm>>
    %dma_start3A_174 = arith.constant 7000 : i32
    %dma_start3A_175 = tpu.memref_slice %arg7[%dma_start3A_174] : memref<10000xf32, #tpu.memory_space<vmem>> -> memref<1000xf32, #tpu.memory_space<vmem>>
    %dma_start3A_176 = arith.constant 0 : i32
    %dma_start3A_177 = tpu.memref_slice %arg3[%dma_start3A_167, %dma_start3A_168, %dma_start3A_176] : memref<10x8x1000xf32, #tpu.memory_space<hbm>> -> memref<1x1x1000xf32, #tpu.memory_space<hbm>>
    %dma_start3A_178 = tpu.memref_squeeze %dma_start3A_177 : memref<1x1x1000xf32, #tpu.memory_space<hbm>> -> memref<1000xf32, #tpu.memory_space<hbm>>
    tpu.enqueue_dma source(%dma_start3A_178 : memref<1000xf32, #tpu.memory_space<hbm>>) target(%dma_start3A_175 : memref<1000xf32, #tpu.memory_space<vmem>>) target_semaphore(%arg15 : memref<!tpu.dma_semaphore, #tpu.memory_space<semaphore_mem>>)
    %dma_start3A_179 = arith.constant 7 : i32
    %dma_start3A_180 = arith.constant 1 : i32
    %dma_start3A_181 = arith.constant 7000 : i32
    %dma_start3A_182 = tpu.memref_slice %arg8[%dma_start3A_181] : memref<10000xf32, #tpu.memory_space<vmem>> -> memref<1000xf32, #tpu.memory_space<vmem>>
    %dma_start3A_183 = arith.constant 0 : i32
    %dma_start3A_184 = tpu.memref_slice %arg3[%dma_start3A_179, %dma_start3A_180, %dma_start3A_183] : memref<10x8x1000xf32, #tpu.memory_space<hbm>> -> memref<1x1x1000xf32, #tpu.memory_space<hbm>>
    %dma_start3A_185 = tpu.memref_squeeze %dma_start3A_184 : memref<1x1x1000xf32, #tpu.memory_space<hbm>> -> memref<1000xf32, #tpu.memory_space<hbm>>
    %dma_start3A_186 = arith.constant 7000 : i32
    %dma_start3A_187 = tpu.memref_slice %arg8[%dma_start3A_186] : memref<10000xf32, #tpu.memory_space<vmem>> -> memref<1000xf32, #tpu.memory_space<vmem>>
    %dma_start3A_188 = arith.constant 0 : i32
    %dma_start3A_189 = tpu.memref_slice %arg3[%dma_start3A_179, %dma_start3A_180, %dma_start3A_188] : memref<10x8x1000xf32, #tpu.memory_space<hbm>> -> memref<1x1x1000xf32, #tpu.memory_space<hbm>>
    %dma_start3A_190 = tpu.memref_squeeze %dma_start3A_189 : memref<1x1x1000xf32, #tpu.memory_space<hbm>> -> memref<1000xf32, #tpu.memory_space<hbm>>
    tpu.enqueue_dma source(%dma_start3A_190 : memref<1000xf32, #tpu.memory_space<hbm>>) target(%dma_start3A_187 : memref<1000xf32, #tpu.memory_space<vmem>>) target_semaphore(%arg15 : memref<!tpu.dma_semaphore, #tpu.memory_space<semaphore_mem>>)
    %dma_start3A_191 = arith.constant 8 : i32
    %dma_start3A_192 = arith.constant 0 : i32
    %dma_start3A_193 = arith.constant 8000 : i32
    %dma_start3A_194 = tpu.memref_slice %arg7[%dma_start3A_193] : memref<10000xf32, #tpu.memory_space<vmem>> -> memref<1000xf32, #tpu.memory_space<vmem>>
    %dma_start3A_195 = arith.constant 0 : i32
    %dma_start3A_196 = tpu.memref_slice %arg3[%dma_start3A_191, %dma_start3A_192, %dma_start3A_195] : memref<10x8x1000xf32, #tpu.memory_space<hbm>> -> memref<1x1x1000xf32, #tpu.memory_space<hbm>>
    %dma_start3A_197 = tpu.memref_squeeze %dma_start3A_196 : memref<1x1x1000xf32, #tpu.memory_space<hbm>> -> memref<1000xf32, #tpu.memory_space<hbm>>
    %dma_start3A_198 = arith.constant 8000 : i32
    %dma_start3A_199 = tpu.memref_slice %arg7[%dma_start3A_198] : memref<10000xf32, #tpu.memory_space<vmem>> -> memref<1000xf32, #tpu.memory_space<vmem>>
    %dma_start3A_200 = arith.constant 0 : i32
    %dma_start3A_201 = tpu.memref_slice %arg3[%dma_start3A_191, %dma_start3A_192, %dma_start3A_200] : memref<10x8x1000xf32, #tpu.memory_space<hbm>> -> memref<1x1x1000xf32, #tpu.memory_space<hbm>>
    %dma_start3A_202 = tpu.memref_squeeze %dma_start3A_201 : memref<1x1x1000xf32, #tpu.memory_space<hbm>> -> memref<1000xf32, #tpu.memory_space<hbm>>
    tpu.enqueue_dma source(%dma_start3A_202 : memref<1000xf32, #tpu.memory_space<hbm>>) target(%dma_start3A_199 : memref<1000xf32, #tpu.memory_space<vmem>>) target_semaphore(%arg15 : memref<!tpu.dma_semaphore, #tpu.memory_space<semaphore_mem>>)
    %dma_start3A_203 = arith.constant 8 : i32
    %dma_start3A_204 = arith.constant 1 : i32
    %dma_start3A_205 = arith.constant 8000 : i32
    %dma_start3A_206 = tpu.memref_slice %arg8[%dma_start3A_205] : memref<10000xf32, #tpu.memory_space<vmem>> -> memref<1000xf32, #tpu.memory_space<vmem>>
    %dma_start3A_207 = arith.constant 0 : i32
    %dma_start3A_208 = tpu.memref_slice %arg3[%dma_start3A_203, %dma_start3A_204, %dma_start3A_207] : memref<10x8x1000xf32, #tpu.memory_space<hbm>> -> memref<1x1x1000xf32, #tpu.memory_space<hbm>>
    %dma_start3A_209 = tpu.memref_squeeze %dma_start3A_208 : memref<1x1x1000xf32, #tpu.memory_space<hbm>> -> memref<1000xf32, #tpu.memory_space<hbm>>
    %dma_start3A_210 = arith.constant 8000 : i32
    %dma_start3A_211 = tpu.memref_slice %arg8[%dma_start3A_210] : memref<10000xf32, #tpu.memory_space<vmem>> -> memref<1000xf32, #tpu.memory_space<vmem>>
    %dma_start3A_212 = arith.constant 0 : i32
    %dma_start3A_213 = tpu.memref_slice %arg3[%dma_start3A_203, %dma_start3A_204, %dma_start3A_212] : memref<10x8x1000xf32, #tpu.memory_space<hbm>> -> memref<1x1x1000xf32, #tpu.memory_space<hbm>>
    %dma_start3A_214 = tpu.memref_squeeze %dma_start3A_213 : memref<1x1x1000xf32, #tpu.memory_space<hbm>> -> memref<1000xf32, #tpu.memory_space<hbm>>
    tpu.enqueue_dma source(%dma_start3A_214 : memref<1000xf32, #tpu.memory_space<hbm>>) target(%dma_start3A_211 : memref<1000xf32, #tpu.memory_space<vmem>>) target_semaphore(%arg15 : memref<!tpu.dma_semaphore, #tpu.memory_space<semaphore_mem>>)
    %dma_start3A_215 = arith.constant 9 : i32
    %dma_start3A_216 = arith.constant 0 : i32
    %dma_start3A_217 = arith.constant 9000 : i32
    %dma_start3A_218 = tpu.memref_slice %arg7[%dma_start3A_217] : memref<10000xf32, #tpu.memory_space<vmem>> -> memref<1000xf32, #tpu.memory_space<vmem>>
    %dma_start3A_219 = arith.constant 0 : i32
    %dma_start3A_220 = tpu.memref_slice %arg3[%dma_start3A_215, %dma_start3A_216, %dma_start3A_219] : memref<10x8x1000xf32, #tpu.memory_space<hbm>> -> memref<1x1x1000xf32, #tpu.memory_space<hbm>>
    %dma_start3A_221 = tpu.memref_squeeze %dma_start3A_220 : memref<1x1x1000xf32, #tpu.memory_space<hbm>> -> memref<1000xf32, #tpu.memory_space<hbm>>
    %dma_start3A_222 = arith.constant 9000 : i32
    %dma_start3A_223 = tpu.memref_slice %arg7[%dma_start3A_222] : memref<10000xf32, #tpu.memory_space<vmem>> -> memref<1000xf32, #tpu.memory_space<vmem>>
    %dma_start3A_224 = arith.constant 0 : i32
    %dma_start3A_225 = tpu.memref_slice %arg3[%dma_start3A_215, %dma_start3A_216, %dma_start3A_224] : memref<10x8x1000xf32, #tpu.memory_space<hbm>> -> memref<1x1x1000xf32, #tpu.memory_space<hbm>>
    %dma_start3A_226 = tpu.memref_squeeze %dma_start3A_225 : memref<1x1x1000xf32, #tpu.memory_space<hbm>> -> memref<1000xf32, #tpu.memory_space<hbm>>
    tpu.enqueue_dma source(%dma_start3A_226 : memref<1000xf32, #tpu.memory_space<hbm>>) target(%dma_start3A_223 : memref<1000xf32, #tpu.memory_space<vmem>>) target_semaphore(%arg15 : memref<!tpu.dma_semaphore, #tpu.memory_space<semaphore_mem>>)
    %dma_start3A_227 = arith.constant 9 : i32
    %dma_start3A_228 = arith.constant 1 : i32
    %dma_start3A_229 = arith.constant 9000 : i32
    %dma_start3A_230 = tpu.memref_slice %arg8[%dma_start3A_229] : memref<10000xf32, #tpu.memory_space<vmem>> -> memref<1000xf32, #tpu.memory_space<vmem>>
    %dma_start3A_231 = arith.constant 0 : i32
    %dma_start3A_232 = tpu.memref_slice %arg3[%dma_start3A_227, %dma_start3A_228, %dma_start3A_231] : memref<10x8x1000xf32, #tpu.memory_space<hbm>> -> memref<1x1x1000xf32, #tpu.memory_space<hbm>>
    %dma_start3A_233 = tpu.memref_squeeze %dma_start3A_232 : memref<1x1x1000xf32, #tpu.memory_space<hbm>> -> memref<1000xf32, #tpu.memory_space<hbm>>
    %dma_start3A_234 = arith.constant 9000 : i32
    %dma_start3A_235 = tpu.memref_slice %arg8[%dma_start3A_234] : memref<10000xf32, #tpu.memory_space<vmem>> -> memref<1000xf32, #tpu.memory_space<vmem>>
    %dma_start3A_236 = arith.constant 0 : i32
    %dma_start3A_237 = tpu.memref_slice %arg3[%dma_start3A_227, %dma_start3A_228, %dma_start3A_236] : memref<10x8x1000xf32, #tpu.memory_space<hbm>> -> memref<1x1x1000xf32, #tpu.memory_space<hbm>>
    %dma_start3A_238 = tpu.memref_squeeze %dma_start3A_237 : memref<1x1x1000xf32, #tpu.memory_space<hbm>> -> memref<1000xf32, #tpu.memory_space<hbm>>
    tpu.enqueue_dma source(%dma_start3A_238 : memref<1000xf32, #tpu.memory_space<hbm>>) target(%dma_start3A_235 : memref<1000xf32, #tpu.memory_space<vmem>>) target_semaphore(%arg15 : memref<!tpu.dma_semaphore, #tpu.memory_space<semaphore_mem>>)
    "tpu.region"() ({
      %run_scoped3A_582 = tpu.sem_alloc : memref<!tpu.dma_semaphore, #tpu.memory_space<semaphore_mem>>
      tpu.enqueue_dma source(%arg5 : memref<4x16xf32, #tpu.memory_space<hbm>>) target(%arg10 : memref<4x16xf32, #tpu.memory_space<vmem>>) target_semaphore(%run_scoped3A_582 : memref<!tpu.dma_semaphore, #tpu.memory_space<semaphore_mem>>)
      tpu.wait_dma2 semaphore(%run_scoped3A_582 : memref<!tpu.dma_semaphore, #tpu.memory_space<semaphore_mem>>) src(%arg5 : memref<4x16xf32, #tpu.memory_space<hbm>>) dst(%arg10 : memref<4x16xf32, #tpu.memory_space<vmem>>)
      tpu.yield
    }) : () -> ()
    %dma_wait3A = arith.constant 0 : i32
    %dma_wait3A_239 = arith.constant 0 : i32
    %dma_wait3A_240 = arith.constant 0 : i32
    %dma_wait3A_241 = tpu.memref_slice %arg7[%dma_wait3A_240] : memref<10000xf32, #tpu.memory_space<vmem>> -> memref<1000xf32, #tpu.memory_space<vmem>>
    %dma_wait3A_242 = arith.constant 0 : i32
    %dma_wait3A_243 = tpu.memref_slice %arg3[%dma_wait3A, %dma_wait3A_239, %dma_wait3A_242] : memref<10x8x1000xf32, #tpu.memory_space<hbm>> -> memref<1x1x1000xf32, #tpu.memory_space<hbm>>
    %dma_wait3A_244 = tpu.memref_squeeze %dma_wait3A_243 : memref<1x1x1000xf32, #tpu.memory_space<hbm>> -> memref<1000xf32, #tpu.memory_space<hbm>>
    %dma_wait3A_245 = arith.constant 0 : i32
    %dma_wait3A_246 = tpu.memref_slice %arg7[%dma_wait3A_245] : memref<10000xf32, #tpu.memory_space<vmem>> -> memref<1000xf32, #tpu.memory_space<vmem>>
    %dma_wait3A_247 = arith.constant 0 : i32
    %dma_wait3A_248 = tpu.memref_slice %arg3[%dma_wait3A, %dma_wait3A_239, %dma_wait3A_247] : memref<10x8x1000xf32, #tpu.memory_space<hbm>> -> memref<1x1x1000xf32, #tpu.memory_space<hbm>>
    %dma_wait3A_249 = tpu.memref_squeeze %dma_wait3A_248 : memref<1x1x1000xf32, #tpu.memory_space<hbm>> -> memref<1000xf32, #tpu.memory_space<hbm>>
    tpu.wait_dma2 semaphore(%arg15 : memref<!tpu.dma_semaphore, #tpu.memory_space<semaphore_mem>>) src(%dma_wait3A_249 : memref<1000xf32, #tpu.memory_space<hbm>>) dst(%dma_wait3A_246 : memref<1000xf32, #tpu.memory_space<vmem>>)
    %dma_wait3A_250 = arith.constant 0 : i32
    %dma_wait3A_251 = arith.constant 1 : i32
    %dma_wait3A_252 = arith.constant 0 : i32
    %dma_wait3A_253 = tpu.memref_slice %arg8[%dma_wait3A_252] : memref<10000xf32, #tpu.memory_space<vmem>> -> memref<1000xf32, #tpu.memory_space<vmem>>
    %dma_wait3A_254 = arith.constant 0 : i32
    %dma_wait3A_255 = tpu.memref_slice %arg3[%dma_wait3A_250, %dma_wait3A_251, %dma_wait3A_254] : memref<10x8x1000xf32, #tpu.memory_space<hbm>> -> memref<1x1x1000xf32, #tpu.memory_space<hbm>>
    %dma_wait3A_256 = tpu.memref_squeeze %dma_wait3A_255 : memref<1x1x1000xf32, #tpu.memory_space<hbm>> -> memref<1000xf32, #tpu.memory_space<hbm>>
    %dma_wait3A_257 = arith.constant 0 : i32
    %dma_wait3A_258 = tpu.memref_slice %arg8[%dma_wait3A_257] : memref<10000xf32, #tpu.memory_space<vmem>> -> memref<1000xf32, #tpu.memory_space<vmem>>
    %dma_wait3A_259 = arith.constant 0 : i32
    %dma_wait3A_260 = tpu.memref_slice %arg3[%dma_wait3A_250, %dma_wait3A_251, %dma_wait3A_259] : memref<10x8x1000xf32, #tpu.memory_space<hbm>> -> memref<1x1x1000xf32, #tpu.memory_space<hbm>>
    %dma_wait3A_261 = tpu.memref_squeeze %dma_wait3A_260 : memref<1x1x1000xf32, #tpu.memory_space<hbm>> -> memref<1000xf32, #tpu.memory_space<hbm>>
    tpu.wait_dma2 semaphore(%arg15 : memref<!tpu.dma_semaphore, #tpu.memory_space<semaphore_mem>>) src(%dma_wait3A_261 : memref<1000xf32, #tpu.memory_space<hbm>>) dst(%dma_wait3A_258 : memref<1000xf32, #tpu.memory_space<vmem>>)
    %dma_wait3A_262 = arith.constant 1 : i32
    %dma_wait3A_263 = arith.constant 0 : i32
    %dma_wait3A_264 = arith.constant 1000 : i32
    %dma_wait3A_265 = tpu.memref_slice %arg7[%dma_wait3A_264] : memref<10000xf32, #tpu.memory_space<vmem>> -> memref<1000xf32, #tpu.memory_space<vmem>>
    %dma_wait3A_266 = arith.constant 0 : i32
    %dma_wait3A_267 = tpu.memref_slice %arg3[%dma_wait3A_262, %dma_wait3A_263, %dma_wait3A_266] : memref<10x8x1000xf32, #tpu.memory_space<hbm>> -> memref<1x1x1000xf32, #tpu.memory_space<hbm>>
    %dma_wait3A_268 = tpu.memref_squeeze %dma_wait3A_267 : memref<1x1x1000xf32, #tpu.memory_space<hbm>> -> memref<1000xf32, #tpu.memory_space<hbm>>
    %dma_wait3A_269 = arith.constant 1000 : i32
    %dma_wait3A_270 = tpu.memref_slice %arg7[%dma_wait3A_269] : memref<10000xf32, #tpu.memory_space<vmem>> -> memref<1000xf32, #tpu.memory_space<vmem>>
    %dma_wait3A_271 = arith.constant 0 : i32
    %dma_wait3A_272 = tpu.memref_slice %arg3[%dma_wait3A_262, %dma_wait3A_263, %dma_wait3A_271] : memref<10x8x1000xf32, #tpu.memory_space<hbm>> -> memref<1x1x1000xf32, #tpu.memory_space<hbm>>
    %dma_wait3A_273 = tpu.memref_squeeze %dma_wait3A_272 : memref<1x1x1000xf32, #tpu.memory_space<hbm>> -> memref<1000xf32, #tpu.memory_space<hbm>>
    tpu.wait_dma2 semaphore(%arg15 : memref<!tpu.dma_semaphore, #tpu.memory_space<semaphore_mem>>) src(%dma_wait3A_273 : memref<1000xf32, #tpu.memory_space<hbm>>) dst(%dma_wait3A_270 : memref<1000xf32, #tpu.memory_space<vmem>>)
    %dma_wait3A_274 = arith.constant 1 : i32
    %dma_wait3A_275 = arith.constant 1 : i32
    %dma_wait3A_276 = arith.constant 1000 : i32
    %dma_wait3A_277 = tpu.memref_slice %arg8[%dma_wait3A_276] : memref<10000xf32, #tpu.memory_space<vmem>> -> memref<1000xf32, #tpu.memory_space<vmem>>
    %dma_wait3A_278 = arith.constant 0 : i32
    %dma_wait3A_279 = tpu.memref_slice %arg3[%dma_wait3A_274, %dma_wait3A_275, %dma_wait3A_278] : memref<10x8x1000xf32, #tpu.memory_space<hbm>> -> memref<1x1x1000xf32, #tpu.memory_space<hbm>>
    %dma_wait3A_280 = tpu.memref_squeeze %dma_wait3A_279 : memref<1x1x1000xf32, #tpu.memory_space<hbm>> -> memref<1000xf32, #tpu.memory_space<hbm>>
    %dma_wait3A_281 = arith.constant 1000 : i32
    %dma_wait3A_282 = tpu.memref_slice %arg8[%dma_wait3A_281] : memref<10000xf32, #tpu.memory_space<vmem>> -> memref<1000xf32, #tpu.memory_space<vmem>>
    %dma_wait3A_283 = arith.constant 0 : i32
    %dma_wait3A_284 = tpu.memref_slice %arg3[%dma_wait3A_274, %dma_wait3A_275, %dma_wait3A_283] : memref<10x8x1000xf32, #tpu.memory_space<hbm>> -> memref<1x1x1000xf32, #tpu.memory_space<hbm>>
    %dma_wait3A_285 = tpu.memref_squeeze %dma_wait3A_284 : memref<1x1x1000xf32, #tpu.memory_space<hbm>> -> memref<1000xf32, #tpu.memory_space<hbm>>
    tpu.wait_dma2 semaphore(%arg15 : memref<!tpu.dma_semaphore, #tpu.memory_space<semaphore_mem>>) src(%dma_wait3A_285 : memref<1000xf32, #tpu.memory_space<hbm>>) dst(%dma_wait3A_282 : memref<1000xf32, #tpu.memory_space<vmem>>)
    %dma_wait3A_286 = arith.constant 2 : i32
    %dma_wait3A_287 = arith.constant 0 : i32
    %dma_wait3A_288 = arith.constant 2000 : i32
    %dma_wait3A_289 = tpu.memref_slice %arg7[%dma_wait3A_288] : memref<10000xf32, #tpu.memory_space<vmem>> -> memref<1000xf32, #tpu.memory_space<vmem>>
    %dma_wait3A_290 = arith.constant 0 : i32
    %dma_wait3A_291 = tpu.memref_slice %arg3[%dma_wait3A_286, %dma_wait3A_287, %dma_wait3A_290] : memref<10x8x1000xf32, #tpu.memory_space<hbm>> -> memref<1x1x1000xf32, #tpu.memory_space<hbm>>
    %dma_wait3A_292 = tpu.memref_squeeze %dma_wait3A_291 : memref<1x1x1000xf32, #tpu.memory_space<hbm>> -> memref<1000xf32, #tpu.memory_space<hbm>>
    %dma_wait3A_293 = arith.constant 2000 : i32
    %dma_wait3A_294 = tpu.memref_slice %arg7[%dma_wait3A_293] : memref<10000xf32, #tpu.memory_space<vmem>> -> memref<1000xf32, #tpu.memory_space<vmem>>
    %dma_wait3A_295 = arith.constant 0 : i32
    %dma_wait3A_296 = tpu.memref_slice %arg3[%dma_wait3A_286, %dma_wait3A_287, %dma_wait3A_295] : memref<10x8x1000xf32, #tpu.memory_space<hbm>> -> memref<1x1x1000xf32, #tpu.memory_space<hbm>>
    %dma_wait3A_297 = tpu.memref_squeeze %dma_wait3A_296 : memref<1x1x1000xf32, #tpu.memory_space<hbm>> -> memref<1000xf32, #tpu.memory_space<hbm>>
    tpu.wait_dma2 semaphore(%arg15 : memref<!tpu.dma_semaphore, #tpu.memory_space<semaphore_mem>>) src(%dma_wait3A_297 : memref<1000xf32, #tpu.memory_space<hbm>>) dst(%dma_wait3A_294 : memref<1000xf32, #tpu.memory_space<vmem>>)
    %dma_wait3A_298 = arith.constant 2 : i32
    %dma_wait3A_299 = arith.constant 1 : i32
    %dma_wait3A_300 = arith.constant 2000 : i32
    %dma_wait3A_301 = tpu.memref_slice %arg8[%dma_wait3A_300] : memref<10000xf32, #tpu.memory_space<vmem>> -> memref<1000xf32, #tpu.memory_space<vmem>>
    %dma_wait3A_302 = arith.constant 0 : i32
    %dma_wait3A_303 = tpu.memref_slice %arg3[%dma_wait3A_298, %dma_wait3A_299, %dma_wait3A_302] : memref<10x8x1000xf32, #tpu.memory_space<hbm>> -> memref<1x1x1000xf32, #tpu.memory_space<hbm>>
    %dma_wait3A_304 = tpu.memref_squeeze %dma_wait3A_303 : memref<1x1x1000xf32, #tpu.memory_space<hbm>> -> memref<1000xf32, #tpu.memory_space<hbm>>
    %dma_wait3A_305 = arith.constant 2000 : i32
    %dma_wait3A_306 = tpu.memref_slice %arg8[%dma_wait3A_305] : memref<10000xf32, #tpu.memory_space<vmem>> -> memref<1000xf32, #tpu.memory_space<vmem>>
    %dma_wait3A_307 = arith.constant 0 : i32
    %dma_wait3A_308 = tpu.memref_slice %arg3[%dma_wait3A_298, %dma_wait3A_299, %dma_wait3A_307] : memref<10x8x1000xf32, #tpu.memory_space<hbm>> -> memref<1x1x1000xf32, #tpu.memory_space<hbm>>
    %dma_wait3A_309 = tpu.memref_squeeze %dma_wait3A_308 : memref<1x1x1000xf32, #tpu.memory_space<hbm>> -> memref<1000xf32, #tpu.memory_space<hbm>>
    tpu.wait_dma2 semaphore(%arg15 : memref<!tpu.dma_semaphore, #tpu.memory_space<semaphore_mem>>) src(%dma_wait3A_309 : memref<1000xf32, #tpu.memory_space<hbm>>) dst(%dma_wait3A_306 : memref<1000xf32, #tpu.memory_space<vmem>>)
    %dma_wait3A_310 = arith.constant 3 : i32
    %dma_wait3A_311 = arith.constant 0 : i32
    %dma_wait3A_312 = arith.constant 3000 : i32
    %dma_wait3A_313 = tpu.memref_slice %arg7[%dma_wait3A_312] : memref<10000xf32, #tpu.memory_space<vmem>> -> memref<1000xf32, #tpu.memory_space<vmem>>
    %dma_wait3A_314 = arith.constant 0 : i32
    %dma_wait3A_315 = tpu.memref_slice %arg3[%dma_wait3A_310, %dma_wait3A_311, %dma_wait3A_314] : memref<10x8x1000xf32, #tpu.memory_space<hbm>> -> memref<1x1x1000xf32, #tpu.memory_space<hbm>>
    %dma_wait3A_316 = tpu.memref_squeeze %dma_wait3A_315 : memref<1x1x1000xf32, #tpu.memory_space<hbm>> -> memref<1000xf32, #tpu.memory_space<hbm>>
    %dma_wait3A_317 = arith.constant 3000 : i32
    %dma_wait3A_318 = tpu.memref_slice %arg7[%dma_wait3A_317] : memref<10000xf32, #tpu.memory_space<vmem>> -> memref<1000xf32, #tpu.memory_space<vmem>>
    %dma_wait3A_319 = arith.constant 0 : i32
    %dma_wait3A_320 = tpu.memref_slice %arg3[%dma_wait3A_310, %dma_wait3A_311, %dma_wait3A_319] : memref<10x8x1000xf32, #tpu.memory_space<hbm>> -> memref<1x1x1000xf32, #tpu.memory_space<hbm>>
    %dma_wait3A_321 = tpu.memref_squeeze %dma_wait3A_320 : memref<1x1x1000xf32, #tpu.memory_space<hbm>> -> memref<1000xf32, #tpu.memory_space<hbm>>
    tpu.wait_dma2 semaphore(%arg15 : memref<!tpu.dma_semaphore, #tpu.memory_space<semaphore_mem>>) src(%dma_wait3A_321 : memref<1000xf32, #tpu.memory_space<hbm>>) dst(%dma_wait3A_318 : memref<1000xf32, #tpu.memory_space<vmem>>)
    %dma_wait3A_322 = arith.constant 3 : i32
    %dma_wait3A_323 = arith.constant 1 : i32
    %dma_wait3A_324 = arith.constant 3000 : i32
    %dma_wait3A_325 = tpu.memref_slice %arg8[%dma_wait3A_324] : memref<10000xf32, #tpu.memory_space<vmem>> -> memref<1000xf32, #tpu.memory_space<vmem>>
    %dma_wait3A_326 = arith.constant 0 : i32
    %dma_wait3A_327 = tpu.memref_slice %arg3[%dma_wait3A_322, %dma_wait3A_323, %dma_wait3A_326] : memref<10x8x1000xf32, #tpu.memory_space<hbm>> -> memref<1x1x1000xf32, #tpu.memory_space<hbm>>
    %dma_wait3A_328 = tpu.memref_squeeze %dma_wait3A_327 : memref<1x1x1000xf32, #tpu.memory_space<hbm>> -> memref<1000xf32, #tpu.memory_space<hbm>>
    %dma_wait3A_329 = arith.constant 3000 : i32
    %dma_wait3A_330 = tpu.memref_slice %arg8[%dma_wait3A_329] : memref<10000xf32, #tpu.memory_space<vmem>> -> memref<1000xf32, #tpu.memory_space<vmem>>
    %dma_wait3A_331 = arith.constant 0 : i32
    %dma_wait3A_332 = tpu.memref_slice %arg3[%dma_wait3A_322, %dma_wait3A_323, %dma_wait3A_331] : memref<10x8x1000xf32, #tpu.memory_space<hbm>> -> memref<1x1x1000xf32, #tpu.memory_space<hbm>>
    %dma_wait3A_333 = tpu.memref_squeeze %dma_wait3A_332 : memref<1x1x1000xf32, #tpu.memory_space<hbm>> -> memref<1000xf32, #tpu.memory_space<hbm>>
    tpu.wait_dma2 semaphore(%arg15 : memref<!tpu.dma_semaphore, #tpu.memory_space<semaphore_mem>>) src(%dma_wait3A_333 : memref<1000xf32, #tpu.memory_space<hbm>>) dst(%dma_wait3A_330 : memref<1000xf32, #tpu.memory_space<vmem>>)
    %dma_wait3A_334 = arith.constant 4 : i32
    %dma_wait3A_335 = arith.constant 0 : i32
    %dma_wait3A_336 = arith.constant 4000 : i32
    %dma_wait3A_337 = tpu.memref_slice %arg7[%dma_wait3A_336] : memref<10000xf32, #tpu.memory_space<vmem>> -> memref<1000xf32, #tpu.memory_space<vmem>>
    %dma_wait3A_338 = arith.constant 0 : i32
    %dma_wait3A_339 = tpu.memref_slice %arg3[%dma_wait3A_334, %dma_wait3A_335, %dma_wait3A_338] : memref<10x8x1000xf32, #tpu.memory_space<hbm>> -> memref<1x1x1000xf32, #tpu.memory_space<hbm>>
    %dma_wait3A_340 = tpu.memref_squeeze %dma_wait3A_339 : memref<1x1x1000xf32, #tpu.memory_space<hbm>> -> memref<1000xf32, #tpu.memory_space<hbm>>
    %dma_wait3A_341 = arith.constant 4000 : i32
    %dma_wait3A_342 = tpu.memref_slice %arg7[%dma_wait3A_341] : memref<10000xf32, #tpu.memory_space<vmem>> -> memref<1000xf32, #tpu.memory_space<vmem>>
    %dma_wait3A_343 = arith.constant 0 : i32
    %dma_wait3A_344 = tpu.memref_slice %arg3[%dma_wait3A_334, %dma_wait3A_335, %dma_wait3A_343] : memref<10x8x1000xf32, #tpu.memory_space<hbm>> -> memref<1x1x1000xf32, #tpu.memory_space<hbm>>
    %dma_wait3A_345 = tpu.memref_squeeze %dma_wait3A_344 : memref<1x1x1000xf32, #tpu.memory_space<hbm>> -> memref<1000xf32, #tpu.memory_space<hbm>>
    tpu.wait_dma2 semaphore(%arg15 : memref<!tpu.dma_semaphore, #tpu.memory_space<semaphore_mem>>) src(%dma_wait3A_345 : memref<1000xf32, #tpu.memory_space<hbm>>) dst(%dma_wait3A_342 : memref<1000xf32, #tpu.memory_space<vmem>>)
    %dma_wait3A_346 = arith.constant 4 : i32
    %dma_wait3A_347 = arith.constant 1 : i32
    %dma_wait3A_348 = arith.constant 4000 : i32
    %dma_wait3A_349 = tpu.memref_slice %arg8[%dma_wait3A_348] : memref<10000xf32, #tpu.memory_space<vmem>> -> memref<1000xf32, #tpu.memory_space<vmem>>
    %dma_wait3A_350 = arith.constant 0 : i32
    %dma_wait3A_351 = tpu.memref_slice %arg3[%dma_wait3A_346, %dma_wait3A_347, %dma_wait3A_350] : memref<10x8x1000xf32, #tpu.memory_space<hbm>> -> memref<1x1x1000xf32, #tpu.memory_space<hbm>>
    %dma_wait3A_352 = tpu.memref_squeeze %dma_wait3A_351 : memref<1x1x1000xf32, #tpu.memory_space<hbm>> -> memref<1000xf32, #tpu.memory_space<hbm>>
    %dma_wait3A_353 = arith.constant 4000 : i32
    %dma_wait3A_354 = tpu.memref_slice %arg8[%dma_wait3A_353] : memref<10000xf32, #tpu.memory_space<vmem>> -> memref<1000xf32, #tpu.memory_space<vmem>>
    %dma_wait3A_355 = arith.constant 0 : i32
    %dma_wait3A_356 = tpu.memref_slice %arg3[%dma_wait3A_346, %dma_wait3A_347, %dma_wait3A_355] : memref<10x8x1000xf32, #tpu.memory_space<hbm>> -> memref<1x1x1000xf32, #tpu.memory_space<hbm>>
    %dma_wait3A_357 = tpu.memref_squeeze %dma_wait3A_356 : memref<1x1x1000xf32, #tpu.memory_space<hbm>> -> memref<1000xf32, #tpu.memory_space<hbm>>
    tpu.wait_dma2 semaphore(%arg15 : memref<!tpu.dma_semaphore, #tpu.memory_space<semaphore_mem>>) src(%dma_wait3A_357 : memref<1000xf32, #tpu.memory_space<hbm>>) dst(%dma_wait3A_354 : memref<1000xf32, #tpu.memory_space<vmem>>)
    %dma_wait3A_358 = arith.constant 5 : i32
    %dma_wait3A_359 = arith.constant 0 : i32
    %dma_wait3A_360 = arith.constant 5000 : i32
    %dma_wait3A_361 = tpu.memref_slice %arg7[%dma_wait3A_360] : memref<10000xf32, #tpu.memory_space<vmem>> -> memref<1000xf32, #tpu.memory_space<vmem>>
    %dma_wait3A_362 = arith.constant 0 : i32
    %dma_wait3A_363 = tpu.memref_slice %arg3[%dma_wait3A_358, %dma_wait3A_359, %dma_wait3A_362] : memref<10x8x1000xf32, #tpu.memory_space<hbm>> -> memref<1x1x1000xf32, #tpu.memory_space<hbm>>
    %dma_wait3A_364 = tpu.memref_squeeze %dma_wait3A_363 : memref<1x1x1000xf32, #tpu.memory_space<hbm>> -> memref<1000xf32, #tpu.memory_space<hbm>>
    %dma_wait3A_365 = arith.constant 5000 : i32
    %dma_wait3A_366 = tpu.memref_slice %arg7[%dma_wait3A_365] : memref<10000xf32, #tpu.memory_space<vmem>> -> memref<1000xf32, #tpu.memory_space<vmem>>
    %dma_wait3A_367 = arith.constant 0 : i32
    %dma_wait3A_368 = tpu.memref_slice %arg3[%dma_wait3A_358, %dma_wait3A_359, %dma_wait3A_367] : memref<10x8x1000xf32, #tpu.memory_space<hbm>> -> memref<1x1x1000xf32, #tpu.memory_space<hbm>>
    %dma_wait3A_369 = tpu.memref_squeeze %dma_wait3A_368 : memref<1x1x1000xf32, #tpu.memory_space<hbm>> -> memref<1000xf32, #tpu.memory_space<hbm>>
    tpu.wait_dma2 semaphore(%arg15 : memref<!tpu.dma_semaphore, #tpu.memory_space<semaphore_mem>>) src(%dma_wait3A_369 : memref<1000xf32, #tpu.memory_space<hbm>>) dst(%dma_wait3A_366 : memref<1000xf32, #tpu.memory_space<vmem>>)
    %dma_wait3A_370 = arith.constant 5 : i32
    %dma_wait3A_371 = arith.constant 1 : i32
    %dma_wait3A_372 = arith.constant 5000 : i32
    %dma_wait3A_373 = tpu.memref_slice %arg8[%dma_wait3A_372] : memref<10000xf32, #tpu.memory_space<vmem>> -> memref<1000xf32, #tpu.memory_space<vmem>>
    %dma_wait3A_374 = arith.constant 0 : i32
    %dma_wait3A_375 = tpu.memref_slice %arg3[%dma_wait3A_370, %dma_wait3A_371, %dma_wait3A_374] : memref<10x8x1000xf32, #tpu.memory_space<hbm>> -> memref<1x1x1000xf32, #tpu.memory_space<hbm>>
    %dma_wait3A_376 = tpu.memref_squeeze %dma_wait3A_375 : memref<1x1x1000xf32, #tpu.memory_space<hbm>> -> memref<1000xf32, #tpu.memory_space<hbm>>
    %dma_wait3A_377 = arith.constant 5000 : i32
    %dma_wait3A_378 = tpu.memref_slice %arg8[%dma_wait3A_377] : memref<10000xf32, #tpu.memory_space<vmem>> -> memref<1000xf32, #tpu.memory_space<vmem>>
    %dma_wait3A_379 = arith.constant 0 : i32
    %dma_wait3A_380 = tpu.memref_slice %arg3[%dma_wait3A_370, %dma_wait3A_371, %dma_wait3A_379] : memref<10x8x1000xf32, #tpu.memory_space<hbm>> -> memref<1x1x1000xf32, #tpu.memory_space<hbm>>
    %dma_wait3A_381 = tpu.memref_squeeze %dma_wait3A_380 : memref<1x1x1000xf32, #tpu.memory_space<hbm>> -> memref<1000xf32, #tpu.memory_space<hbm>>
    tpu.wait_dma2 semaphore(%arg15 : memref<!tpu.dma_semaphore, #tpu.memory_space<semaphore_mem>>) src(%dma_wait3A_381 : memref<1000xf32, #tpu.memory_space<hbm>>) dst(%dma_wait3A_378 : memref<1000xf32, #tpu.memory_space<vmem>>)
    %dma_wait3A_382 = arith.constant 6 : i32
    %dma_wait3A_383 = arith.constant 0 : i32
    %dma_wait3A_384 = arith.constant 6000 : i32
    %dma_wait3A_385 = tpu.memref_slice %arg7[%dma_wait3A_384] : memref<10000xf32, #tpu.memory_space<vmem>> -> memref<1000xf32, #tpu.memory_space<vmem>>
    %dma_wait3A_386 = arith.constant 0 : i32
    %dma_wait3A_387 = tpu.memref_slice %arg3[%dma_wait3A_382, %dma_wait3A_383, %dma_wait3A_386] : memref<10x8x1000xf32, #tpu.memory_space<hbm>> -> memref<1x1x1000xf32, #tpu.memory_space<hbm>>
    %dma_wait3A_388 = tpu.memref_squeeze %dma_wait3A_387 : memref<1x1x1000xf32, #tpu.memory_space<hbm>> -> memref<1000xf32, #tpu.memory_space<hbm>>
    %dma_wait3A_389 = arith.constant 6000 : i32
    %dma_wait3A_390 = tpu.memref_slice %arg7[%dma_wait3A_389] : memref<10000xf32, #tpu.memory_space<vmem>> -> memref<1000xf32, #tpu.memory_space<vmem>>
    %dma_wait3A_391 = arith.constant 0 : i32
    %dma_wait3A_392 = tpu.memref_slice %arg3[%dma_wait3A_382, %dma_wait3A_383, %dma_wait3A_391] : memref<10x8x1000xf32, #tpu.memory_space<hbm>> -> memref<1x1x1000xf32, #tpu.memory_space<hbm>>
    %dma_wait3A_393 = tpu.memref_squeeze %dma_wait3A_392 : memref<1x1x1000xf32, #tpu.memory_space<hbm>> -> memref<1000xf32, #tpu.memory_space<hbm>>
    tpu.wait_dma2 semaphore(%arg15 : memref<!tpu.dma_semaphore, #tpu.memory_space<semaphore_mem>>) src(%dma_wait3A_393 : memref<1000xf32, #tpu.memory_space<hbm>>) dst(%dma_wait3A_390 : memref<1000xf32, #tpu.memory_space<vmem>>)
    %dma_wait3A_394 = arith.constant 6 : i32
    %dma_wait3A_395 = arith.constant 1 : i32
    %dma_wait3A_396 = arith.constant 6000 : i32
    %dma_wait3A_397 = tpu.memref_slice %arg8[%dma_wait3A_396] : memref<10000xf32, #tpu.memory_space<vmem>> -> memref<1000xf32, #tpu.memory_space<vmem>>
    %dma_wait3A_398 = arith.constant 0 : i32
    %dma_wait3A_399 = tpu.memref_slice %arg3[%dma_wait3A_394, %dma_wait3A_395, %dma_wait3A_398] : memref<10x8x1000xf32, #tpu.memory_space<hbm>> -> memref<1x1x1000xf32, #tpu.memory_space<hbm>>
    %dma_wait3A_400 = tpu.memref_squeeze %dma_wait3A_399 : memref<1x1x1000xf32, #tpu.memory_space<hbm>> -> memref<1000xf32, #tpu.memory_space<hbm>>
    %dma_wait3A_401 = arith.constant 6000 : i32
    %dma_wait3A_402 = tpu.memref_slice %arg8[%dma_wait3A_401] : memref<10000xf32, #tpu.memory_space<vmem>> -> memref<1000xf32, #tpu.memory_space<vmem>>
    %dma_wait3A_403 = arith.constant 0 : i32
    %dma_wait3A_404 = tpu.memref_slice %arg3[%dma_wait3A_394, %dma_wait3A_395, %dma_wait3A_403] : memref<10x8x1000xf32, #tpu.memory_space<hbm>> -> memref<1x1x1000xf32, #tpu.memory_space<hbm>>
    %dma_wait3A_405 = tpu.memref_squeeze %dma_wait3A_404 : memref<1x1x1000xf32, #tpu.memory_space<hbm>> -> memref<1000xf32, #tpu.memory_space<hbm>>
    tpu.wait_dma2 semaphore(%arg15 : memref<!tpu.dma_semaphore, #tpu.memory_space<semaphore_mem>>) src(%dma_wait3A_405 : memref<1000xf32, #tpu.memory_space<hbm>>) dst(%dma_wait3A_402 : memref<1000xf32, #tpu.memory_space<vmem>>)
    %dma_wait3A_406 = arith.constant 7 : i32
    %dma_wait3A_407 = arith.constant 0 : i32
    %dma_wait3A_408 = arith.constant 7000 : i32
    %dma_wait3A_409 = tpu.memref_slice %arg7[%dma_wait3A_408] : memref<10000xf32, #tpu.memory_space<vmem>> -> memref<1000xf32, #tpu.memory_space<vmem>>
    %dma_wait3A_410 = arith.constant 0 : i32
    %dma_wait3A_411 = tpu.memref_slice %arg3[%dma_wait3A_406, %dma_wait3A_407, %dma_wait3A_410] : memref<10x8x1000xf32, #tpu.memory_space<hbm>> -> memref<1x1x1000xf32, #tpu.memory_space<hbm>>
    %dma_wait3A_412 = tpu.memref_squeeze %dma_wait3A_411 : memref<1x1x1000xf32, #tpu.memory_space<hbm>> -> memref<1000xf32, #tpu.memory_space<hbm>>
    %dma_wait3A_413 = arith.constant 7000 : i32
    %dma_wait3A_414 = tpu.memref_slice %arg7[%dma_wait3A_413] : memref<10000xf32, #tpu.memory_space<vmem>> -> memref<1000xf32, #tpu.memory_space<vmem>>
    %dma_wait3A_415 = arith.constant 0 : i32
    %dma_wait3A_416 = tpu.memref_slice %arg3[%dma_wait3A_406, %dma_wait3A_407, %dma_wait3A_415] : memref<10x8x1000xf32, #tpu.memory_space<hbm>> -> memref<1x1x1000xf32, #tpu.memory_space<hbm>>
    %dma_wait3A_417 = tpu.memref_squeeze %dma_wait3A_416 : memref<1x1x1000xf32, #tpu.memory_space<hbm>> -> memref<1000xf32, #tpu.memory_space<hbm>>
    tpu.wait_dma2 semaphore(%arg15 : memref<!tpu.dma_semaphore, #tpu.memory_space<semaphore_mem>>) src(%dma_wait3A_417 : memref<1000xf32, #tpu.memory_space<hbm>>) dst(%dma_wait3A_414 : memref<1000xf32, #tpu.memory_space<vmem>>)
    %dma_wait3A_418 = arith.constant 7 : i32
    %dma_wait3A_419 = arith.constant 1 : i32
    %dma_wait3A_420 = arith.constant 7000 : i32
    %dma_wait3A_421 = tpu.memref_slice %arg8[%dma_wait3A_420] : memref<10000xf32, #tpu.memory_space<vmem>> -> memref<1000xf32, #tpu.memory_space<vmem>>
    %dma_wait3A_422 = arith.constant 0 : i32
    %dma_wait3A_423 = tpu.memref_slice %arg3[%dma_wait3A_418, %dma_wait3A_419, %dma_wait3A_422] : memref<10x8x1000xf32, #tpu.memory_space<hbm>> -> memref<1x1x1000xf32, #tpu.memory_space<hbm>>
    %dma_wait3A_424 = tpu.memref_squeeze %dma_wait3A_423 : memref<1x1x1000xf32, #tpu.memory_space<hbm>> -> memref<1000xf32, #tpu.memory_space<hbm>>
    %dma_wait3A_425 = arith.constant 7000 : i32
    %dma_wait3A_426 = tpu.memref_slice %arg8[%dma_wait3A_425] : memref<10000xf32, #tpu.memory_space<vmem>> -> memref<1000xf32, #tpu.memory_space<vmem>>
    %dma_wait3A_427 = arith.constant 0 : i32
    %dma_wait3A_428 = tpu.memref_slice %arg3[%dma_wait3A_418, %dma_wait3A_419, %dma_wait3A_427] : memref<10x8x1000xf32, #tpu.memory_space<hbm>> -> memref<1x1x1000xf32, #tpu.memory_space<hbm>>
    %dma_wait3A_429 = tpu.memref_squeeze %dma_wait3A_428 : memref<1x1x1000xf32, #tpu.memory_space<hbm>> -> memref<1000xf32, #tpu.memory_space<hbm>>
    tpu.wait_dma2 semaphore(%arg15 : memref<!tpu.dma_semaphore, #tpu.memory_space<semaphore_mem>>) src(%dma_wait3A_429 : memref<1000xf32, #tpu.memory_space<hbm>>) dst(%dma_wait3A_426 : memref<1000xf32, #tpu.memory_space<vmem>>)
    %dma_wait3A_430 = arith.constant 8 : i32
    %dma_wait3A_431 = arith.constant 0 : i32
    %dma_wait3A_432 = arith.constant 8000 : i32
    %dma_wait3A_433 = tpu.memref_slice %arg7[%dma_wait3A_432] : memref<10000xf32, #tpu.memory_space<vmem>> -> memref<1000xf32, #tpu.memory_space<vmem>>
    %dma_wait3A_434 = arith.constant 0 : i32
    %dma_wait3A_435 = tpu.memref_slice %arg3[%dma_wait3A_430, %dma_wait3A_431, %dma_wait3A_434] : memref<10x8x1000xf32, #tpu.memory_space<hbm>> -> memref<1x1x1000xf32, #tpu.memory_space<hbm>>
    %dma_wait3A_436 = tpu.memref_squeeze %dma_wait3A_435 : memref<1x1x1000xf32, #tpu.memory_space<hbm>> -> memref<1000xf32, #tpu.memory_space<hbm>>
    %dma_wait3A_437 = arith.constant 8000 : i32
    %dma_wait3A_438 = tpu.memref_slice %arg7[%dma_wait3A_437] : memref<10000xf32, #tpu.memory_space<vmem>> -> memref<1000xf32, #tpu.memory_space<vmem>>
    %dma_wait3A_439 = arith.constant 0 : i32
    %dma_wait3A_440 = tpu.memref_slice %arg3[%dma_wait3A_430, %dma_wait3A_431, %dma_wait3A_439] : memref<10x8x1000xf32, #tpu.memory_space<hbm>> -> memref<1x1x1000xf32, #tpu.memory_space<hbm>>
    %dma_wait3A_441 = tpu.memref_squeeze %dma_wait3A_440 : memref<1x1x1000xf32, #tpu.memory_space<hbm>> -> memref<1000xf32, #tpu.memory_space<hbm>>
    tpu.wait_dma2 semaphore(%arg15 : memref<!tpu.dma_semaphore, #tpu.memory_space<semaphore_mem>>) src(%dma_wait3A_441 : memref<1000xf32, #tpu.memory_space<hbm>>) dst(%dma_wait3A_438 : memref<1000xf32, #tpu.memory_space<vmem>>)
    %dma_wait3A_442 = arith.constant 8 : i32
    %dma_wait3A_443 = arith.constant 1 : i32
    %dma_wait3A_444 = arith.constant 8000 : i32
    %dma_wait3A_445 = tpu.memref_slice %arg8[%dma_wait3A_444] : memref<10000xf32, #tpu.memory_space<vmem>> -> memref<1000xf32, #tpu.memory_space<vmem>>
    %dma_wait3A_446 = arith.constant 0 : i32
    %dma_wait3A_447 = tpu.memref_slice %arg3[%dma_wait3A_442, %dma_wait3A_443, %dma_wait3A_446] : memref<10x8x1000xf32, #tpu.memory_space<hbm>> -> memref<1x1x1000xf32, #tpu.memory_space<hbm>>
    %dma_wait3A_448 = tpu.memref_squeeze %dma_wait3A_447 : memref<1x1x1000xf32, #tpu.memory_space<hbm>> -> memref<1000xf32, #tpu.memory_space<hbm>>
    %dma_wait3A_449 = arith.constant 8000 : i32
    %dma_wait3A_450 = tpu.memref_slice %arg8[%dma_wait3A_449] : memref<10000xf32, #tpu.memory_space<vmem>> -> memref<1000xf32, #tpu.memory_space<vmem>>
    %dma_wait3A_451 = arith.constant 0 : i32
    %dma_wait3A_452 = tpu.memref_slice %arg3[%dma_wait3A_442, %dma_wait3A_443, %dma_wait3A_451] : memref<10x8x1000xf32, #tpu.memory_space<hbm>> -> memref<1x1x1000xf32, #tpu.memory_space<hbm>>
    %dma_wait3A_453 = tpu.memref_squeeze %dma_wait3A_452 : memref<1x1x1000xf32, #tpu.memory_space<hbm>> -> memref<1000xf32, #tpu.memory_space<hbm>>
    tpu.wait_dma2 semaphore(%arg15 : memref<!tpu.dma_semaphore, #tpu.memory_space<semaphore_mem>>) src(%dma_wait3A_453 : memref<1000xf32, #tpu.memory_space<hbm>>) dst(%dma_wait3A_450 : memref<1000xf32, #tpu.memory_space<vmem>>)
    %dma_wait3A_454 = arith.constant 9 : i32
    %dma_wait3A_455 = arith.constant 0 : i32
    %dma_wait3A_456 = arith.constant 9000 : i32
    %dma_wait3A_457 = tpu.memref_slice %arg7[%dma_wait3A_456] : memref<10000xf32, #tpu.memory_space<vmem>> -> memref<1000xf32, #tpu.memory_space<vmem>>
    %dma_wait3A_458 = arith.constant 0 : i32
    %dma_wait3A_459 = tpu.memref_slice %arg3[%dma_wait3A_454, %dma_wait3A_455, %dma_wait3A_458] : memref<10x8x1000xf32, #tpu.memory_space<hbm>> -> memref<1x1x1000xf32, #tpu.memory_space<hbm>>
    %dma_wait3A_460 = tpu.memref_squeeze %dma_wait3A_459 : memref<1x1x1000xf32, #tpu.memory_space<hbm>> -> memref<1000xf32, #tpu.memory_space<hbm>>
    %dma_wait3A_461 = arith.constant 9000 : i32
    %dma_wait3A_462 = tpu.memref_slice %arg7[%dma_wait3A_461] : memref<10000xf32, #tpu.memory_space<vmem>> -> memref<1000xf32, #tpu.memory_space<vmem>>
    %dma_wait3A_463 = arith.constant 0 : i32
    %dma_wait3A_464 = tpu.memref_slice %arg3[%dma_wait3A_454, %dma_wait3A_455, %dma_wait3A_463] : memref<10x8x1000xf32, #tpu.memory_space<hbm>> -> memref<1x1x1000xf32, #tpu.memory_space<hbm>>
    %dma_wait3A_465 = tpu.memref_squeeze %dma_wait3A_464 : memref<1x1x1000xf32, #tpu.memory_space<hbm>> -> memref<1000xf32, #tpu.memory_space<hbm>>
    tpu.wait_dma2 semaphore(%arg15 : memref<!tpu.dma_semaphore, #tpu.memory_space<semaphore_mem>>) src(%dma_wait3A_465 : memref<1000xf32, #tpu.memory_space<hbm>>) dst(%dma_wait3A_462 : memref<1000xf32, #tpu.memory_space<vmem>>)
    %dma_wait3A_466 = arith.constant 9 : i32
    %dma_wait3A_467 = arith.constant 1 : i32
    %dma_wait3A_468 = arith.constant 9000 : i32
    %dma_wait3A_469 = tpu.memref_slice %arg8[%dma_wait3A_468] : memref<10000xf32, #tpu.memory_space<vmem>> -> memref<1000xf32, #tpu.memory_space<vmem>>
    %dma_wait3A_470 = arith.constant 0 : i32
    %dma_wait3A_471 = tpu.memref_slice %arg3[%dma_wait3A_466, %dma_wait3A_467, %dma_wait3A_470] : memref<10x8x1000xf32, #tpu.memory_space<hbm>> -> memref<1x1x1000xf32, #tpu.memory_space<hbm>>
    %dma_wait3A_472 = tpu.memref_squeeze %dma_wait3A_471 : memref<1x1x1000xf32, #tpu.memory_space<hbm>> -> memref<1000xf32, #tpu.memory_space<hbm>>
    %dma_wait3A_473 = arith.constant 9000 : i32
    %dma_wait3A_474 = tpu.memref_slice %arg8[%dma_wait3A_473] : memref<10000xf32, #tpu.memory_space<vmem>> -> memref<1000xf32, #tpu.memory_space<vmem>>
    %dma_wait3A_475 = arith.constant 0 : i32
    %dma_wait3A_476 = tpu.memref_slice %arg3[%dma_wait3A_466, %dma_wait3A_467, %dma_wait3A_475] : memref<10x8x1000xf32, #tpu.memory_space<hbm>> -> memref<1x1x1000xf32, #tpu.memory_space<hbm>>
    %dma_wait3A_477 = tpu.memref_squeeze %dma_wait3A_476 : memref<1x1x1000xf32, #tpu.memory_space<hbm>> -> memref<1000xf32, #tpu.memory_space<hbm>>
    tpu.wait_dma2 semaphore(%arg15 : memref<!tpu.dma_semaphore, #tpu.memory_space<semaphore_mem>>) src(%dma_wait3A_477 : memref<1000xf32, #tpu.memory_space<hbm>>) dst(%dma_wait3A_474 : memref<1000xf32, #tpu.memory_space<vmem>>)
    %broadcast_in_dim3A = arith.constant 0.000000e+00 : f32
    %broadcast_in_dim3A_478 = vector.broadcast %broadcast_in_dim3A : f32 to vector<16xf32>
    %scan3A = arith.constant 0 : i32
    %scan3A_479 = arith.constant 2 : i32
    %scan3A_480 = arith.addi %scan3A, %scan3A_479 : i32
    %scan3A_481 = arith.constant 1 : i32
    scf.for %scan3A_582 = %scan3A to %scan3A_480 step %scan3A_481  : i32 {
      %mul3A_583 = arith.constant 1 : i32
      %mul3A_584 = arith.muli %scan3A_582, %mul3A_583 : i32
      %add3A = arith.constant 0 : i32
      %add3A_585 = arith.addi %add3A, %mul3A_584 : i32
      %scan3A_586 = arith.constant 0 : i32
      %scan3A_587 = arith.constant 160 : i32
      %scan3A_588 = arith.addi %scan3A_586, %scan3A_587 : i32
      %scan3A_589 = arith.constant 1 : i32
      scf.for %scan3A_591 = %scan3A_586 to %scan3A_588 step %scan3A_589  : i32 {
        %mul3A_592 = arith.constant 1 : i32
        %mul3A_593 = arith.muli %scan3A_591, %mul3A_592 : i32
        %add3A_594 = arith.constant 0 : i32
        %add3A_595 = arith.addi %add3A_594, %mul3A_593 : i32
        %scan3A_596 = arith.constant 0 : i32
        %scan3A_597 = arith.constant 5 : i32
        %scan3A_598 = arith.addi %scan3A_596, %scan3A_597 : i32
        %scan3A_599 = arith.constant 1 : i32
        scf.for %scan3A_601 = %scan3A_596 to %scan3A_598 step %scan3A_599  : i32 {
          %mul3A_602 = arith.constant 1 : i32
          %mul3A_603 = arith.muli %scan3A_601, %mul3A_602 : i32
          %add3A_604 = arith.constant 0 : i32
          %add3A_605 = arith.addi %add3A_604, %mul3A_603 : i32
          %mul3A_606 = arith.constant 16 : i32
          %mul3A_607 = arith.muli %add3A_605, %mul3A_606 : i32
          %swap3A = arith.index_cast %add3A_585 : i32 to index
          %swap3A_608 = arith.index_cast %add3A_595 : i32 to index
          %swap3A_609 = arith.index_cast %mul3A_607 : i32 to index
          %swap3A_610 = tpu.vector_load %arg12[%swap3A, %swap3A_608, %swap3A_609] {strides = array<i32>} : memref<2x160x80xf32, #tpu.memory_space<vmem>>, vector<16xf32>,
          tpu.vector_store %arg12[%swap3A, %swap3A_608, %swap3A_609], %broadcast_in_dim3A_478 {strides = array<i32>} : memref<2x160x80xf32, #tpu.memory_space<vmem>>, vector<16xf32>,
        }
        %scan3A_600 = arith.constant 5 : i32
      }
      %scan3A_590 = arith.constant 160 : i32
    }
    %scan3A_482 = arith.constant 2 : i32
    %scan3A_483 = arith.constant 0 : i32
    %scan3A_484 = arith.constant 4 : i32
    %scan3A_485 = arith.addi %scan3A_483, %scan3A_484 : i32
    %scan3A_486 = arith.constant 1 : i32
    scf.for %scan3A_582 = %scan3A_483 to %scan3A_485 step %scan3A_486  : i32 {
      %mul3A_583 = arith.constant 1 : i32
      %mul3A_584 = arith.muli %scan3A_582, %mul3A_583 : i32
      %add3A = arith.constant 0 : i32
      %add3A_585 = arith.addi %add3A, %mul3A_584 : i32
      %mul3A_586 = arith.constant 640 : i32
      %mul3A_587 = arith.muli %arg1, %mul3A_586 : i32
      %mul3A_588 = arith.constant 160 : i32
      %mul3A_589 = arith.muli %add3A_585, %mul3A_588 : i32
      %add3A_590 = arith.addi %mul3A_587, %mul3A_589 : i32
      %run_scoped3A_591 = arith.constant 0 : i32
      "tpu.region"() ({
        %run_scoped3A_592 = tpu.sem_alloc : memref<!tpu.dma_semaphore, #tpu.memory_space<semaphore_mem>>
        %dma_start3A_593 = arith.constant 0 : i32
        %dma_start3A_594 = arith.constant 0 : i32
        %dma_start3A_595 = tpu.memref_slice %arg12[%run_scoped3A_591, %dma_start3A_593, %dma_start3A_594] : memref<2x160x80xf32, #tpu.memory_space<vmem>> -> memref<1x160x80xf32, #tpu.memory_space<vmem>>
        %dma_start3A_596 = tpu.memref_squeeze %dma_start3A_595 : memref<1x160x80xf32, #tpu.memory_space<vmem>> -> memref<160x80xf32, #tpu.memory_space<vmem>>
        %dma_start3A_597 = arith.constant 0 : i32
        %dma_start3A_598 = tpu.memref_slice %arg13[%add3A_590, %dma_start3A_597] : memref<10240x80xf32, #tpu.memory_space<vmem_shared>> -> memref<160x80xf32, #tpu.memory_space<vmem_shared>>
        %dma_start3A_599 = arith.constant 0 : i32
        %dma_start3A_600 = tpu.memref_slice %arg13[%add3A_590, %dma_start3A_599] : memref<10240x80xf32, #tpu.memory_space<vmem_shared>> -> memref<160x80xf32, #tpu.memory_space<vmem_shared>>
        %dma_start3A_601 = arith.constant 0 : i32
        %dma_start3A_602 = arith.constant 0 : i32
        %dma_start3A_603 = tpu.memref_slice %arg12[%run_scoped3A_591, %dma_start3A_601, %dma_start3A_602] : memref<2x160x80xf32, #tpu.memory_space<vmem>> -> memref<1x160x80xf32, #tpu.memory_space<vmem>>
        %dma_start3A_604 = tpu.memref_squeeze %dma_start3A_603 : memref<1x160x80xf32, #tpu.memory_space<vmem>> -> memref<160x80xf32, #tpu.memory_space<vmem>>
        tpu.enqueue_dma source(%dma_start3A_604 : memref<160x80xf32, #tpu.memory_space<vmem>>) target(%dma_start3A_600 : memref<160x80xf32, #tpu.memory_space<vmem_shared>>) target_semaphore(%run_scoped3A_592 : memref<!tpu.dma_semaphore, #tpu.memory_space<semaphore_mem>>)
        %dma_wait3A_605 = arith.constant 0 : i32
        %dma_wait3A_606 = arith.constant 0 : i32
        %dma_wait3A_607 = tpu.memref_slice %arg12[%run_scoped3A_591, %dma_wait3A_605, %dma_wait3A_606] : memref<2x160x80xf32, #tpu.memory_space<vmem>> -> memref<1x160x80xf32, #tpu.memory_space<vmem>>
        %dma_wait3A_608 = tpu.memref_squeeze %dma_wait3A_607 : memref<1x160x80xf32, #tpu.memory_space<vmem>> -> memref<160x80xf32, #tpu.memory_space<vmem>>
        %dma_wait3A_609 = arith.constant 0 : i32
        %dma_wait3A_610 = tpu.memref_slice %arg13[%add3A_590, %dma_wait3A_609] : memref<10240x80xf32, #tpu.memory_space<vmem_shared>> -> memref<160x80xf32, #tpu.memory_space<vmem_shared>>
        %dma_wait3A_611 = arith.constant 0 : i32
        %dma_wait3A_612 = tpu.memref_slice %arg13[%add3A_590, %dma_wait3A_611] : memref<10240x80xf32, #tpu.memory_space<vmem_shared>> -> memref<160x80xf32, #tpu.memory_space<vmem_shared>>
        %dma_wait3A_613 = arith.constant 0 : i32
        %dma_wait3A_614 = arith.constant 0 : i32
        %dma_wait3A_615 = tpu.memref_slice %arg12[%run_scoped3A_591, %dma_wait3A_613, %dma_wait3A_614] : memref<2x160x80xf32, #tpu.memory_space<vmem>> -> memref<1x160x80xf32, #tpu.memory_space<vmem>>
        %dma_wait3A_616 = tpu.memref_squeeze %dma_wait3A_615 : memref<1x160x80xf32, #tpu.memory_space<vmem>> -> memref<160x80xf32, #tpu.memory_space<vmem>>
        tpu.wait_dma2 semaphore(%run_scoped3A_592 : memref<!tpu.dma_semaphore, #tpu.memory_space<semaphore_mem>>) src(%dma_wait3A_616 : memref<160x80xf32, #tpu.memory_space<vmem>>) dst(%dma_wait3A_612 : memref<160x80xf32, #tpu.memory_space<vmem_shared>>)
        tpu.yield
      }) : () -> ()
    }
    %scan3A_487 = arith.constant 4 : i32
    %barrier3A = arith.constant 0 : index
    tpu.barrier barrier_id(%barrier3A)
    %iota3A = tpu.iota {dimensions = array<i32: 0>} : vector<16xi32>
    %get3A = arith.constant 0 : i32
    %get3A_488 = arith.index_cast %get3A : i32 to index
    %get3A_489 = arith.constant 0 : index
    %get3A_490 = tpu.vector_load %arg10[%get3A_488, %get3A_489] {strides = array<i32>} : memref<4x16xf32, #tpu.memory_space<vmem>>, vector<16xf32>,
    %get3A_491 = arith.constant 1 : i32
    %get3A_492 = arith.index_cast %get3A_491 : i32 to index
    %get3A_493 = arith.constant 0 : index
    %get3A_494 = tpu.vector_load %arg10[%get3A_492, %get3A_493] {strides = array<i32>} : memref<4x16xf32, #tpu.memory_space<vmem>>, vector<16xf32>,
    %get3A_495 = arith.constant 2 : i32
    %get3A_496 = arith.index_cast %get3A_495 : i32 to index
    %get3A_497 = arith.constant 0 : index
    %get3A_498 = tpu.vector_load %arg10[%get3A_496, %get3A_497] {strides = array<i32>} : memref<4x16xf32, #tpu.memory_space<vmem>>, vector<16xf32>,
    %get3A_499 = arith.constant 3 : i32
    %get3A_500 = arith.index_cast %get3A_499 : i32 to index
    %get3A_501 = arith.constant 0 : index
    %get3A_502 = tpu.vector_load %arg10[%get3A_500, %get3A_501] {strides = array<i32>} : memref<4x16xf32, #tpu.memory_space<vmem>>, vector<16xf32>,
    %broadcast_in_dim3A_503 = arith.constant 1.000000e+00 : f32
    %broadcast_in_dim3A_504 = vector.broadcast %broadcast_in_dim3A_503 : f32 to vector<16xf32>
    %broadcast_in_dim3A_505 = arith.constant 64 : i32
    %broadcast_in_dim3A_506 = vector.broadcast %broadcast_in_dim3A_505 : i32 to vector<16xi32>
    %broadcast_in_dim3A_507 = arith.constant 65 : i32
    %broadcast_in_dim3A_508 = vector.broadcast %broadcast_in_dim3A_507 : i32 to vector<16xi32>
    %broadcast_in_dim3A_509 = arith.constant 66 : i32
    %broadcast_in_dim3A_510 = vector.broadcast %broadcast_in_dim3A_509 : i32 to vector<16xi32>
    %run_scoped3A = arith.constant 0 : i32
    %run_scoped3A_511 = arith.constant 0 : i32
    "tpu.region"() ({
      %run_scoped3A_582 = tpu.sem_alloc : memref<!tpu.dma_semaphore, #tpu.memory_space<semaphore_mem>>
      %dma_start3A_583 = arith.constant 0 : i32
      %dma_start3A_584 = arith.constant 0 : i32
      %dma_start3A_585 = tpu.memref_slice %arg9[%run_scoped3A_511, %dma_start3A_583, %dma_start3A_584] : memref<5x6x160xi32, #tpu.memory_space<vmem>> -> memref<1x6x160xi32, #tpu.memory_space<vmem>>
      %dma_start3A_586 = tpu.memref_squeeze %dma_start3A_585 : memref<1x6x160xi32, #tpu.memory_space<vmem>> -> memref<6x160xi32, #tpu.memory_space<vmem>>
      %dma_start3A_587 = arith.constant 0 : i32
      %dma_start3A_588 = arith.constant 0 : i32
      %dma_start3A_589 = tpu.memref_slice %arg4[%arg1, %run_scoped3A, %dma_start3A_587, %dma_start3A_588] : memref<16x125x6x160xi32, #tpu.memory_space<hbm>> -> memref<1x1x6x160xi32, #tpu.memory_space<hbm>>
      %dma_start3A_590 = tpu.memref_squeeze %dma_start3A_589 : memref<1x1x6x160xi32, #tpu.memory_space<hbm>> -> memref<6x160xi32, #tpu.memory_space<hbm>>
      %dma_start3A_591 = arith.constant 0 : i32
      %dma_start3A_592 = arith.constant 0 : i32
      %dma_start3A_593 = tpu.memref_slice %arg9[%run_scoped3A_511, %dma_start3A_591, %dma_start3A_592] : memref<5x6x160xi32, #tpu.memory_space<vmem>> -> memref<1x6x160xi32, #tpu.memory_space<vmem>>
      %dma_start3A_594 = tpu.memref_squeeze %dma_start3A_593 : memref<1x6x160xi32, #tpu.memory_space<vmem>> -> memref<6x160xi32, #tpu.memory_space<vmem>>
      %dma_start3A_595 = arith.constant 0 : i32
      %dma_start3A_596 = arith.constant 0 : i32
      %dma_start3A_597 = tpu.memref_slice %arg4[%arg1, %run_scoped3A, %dma_start3A_595, %dma_start3A_596] : memref<16x125x6x160xi32, #tpu.memory_space<hbm>> -> memref<1x1x6x160xi32, #tpu.memory_space<hbm>>
      %dma_start3A_598 = tpu.memref_squeeze %dma_start3A_597 : memref<1x1x6x160xi32, #tpu.memory_space<hbm>> -> memref<6x160xi32, #tpu.memory_space<hbm>>
      tpu.enqueue_dma source(%dma_start3A_598 : memref<6x160xi32, #tpu.memory_space<hbm>>) target(%dma_start3A_594 : memref<6x160xi32, #tpu.memory_space<vmem>>) target_semaphore(%run_scoped3A_582 : memref<!tpu.dma_semaphore, #tpu.memory_space<semaphore_mem>>)
      %dma_wait3A_599 = arith.constant 0 : i32
      %dma_wait3A_600 = arith.constant 0 : i32
      %dma_wait3A_601 = tpu.memref_slice %arg9[%run_scoped3A_511, %dma_wait3A_599, %dma_wait3A_600] : memref<5x6x160xi32, #tpu.memory_space<vmem>> -> memref<1x6x160xi32, #tpu.memory_space<vmem>>
      %dma_wait3A_602 = tpu.memref_squeeze %dma_wait3A_601 : memref<1x6x160xi32, #tpu.memory_space<vmem>> -> memref<6x160xi32, #tpu.memory_space<vmem>>
      %dma_wait3A_603 = arith.constant 0 : i32
      %dma_wait3A_604 = arith.constant 0 : i32
      %dma_wait3A_605 = tpu.memref_slice %arg4[%arg1, %run_scoped3A, %dma_wait3A_603, %dma_wait3A_604] : memref<16x125x6x160xi32, #tpu.memory_space<hbm>> -> memref<1x1x6x160xi32, #tpu.memory_space<hbm>>
      %dma_wait3A_606 = tpu.memref_squeeze %dma_wait3A_605 : memref<1x1x6x160xi32, #tpu.memory_space<hbm>> -> memref<6x160xi32, #tpu.memory_space<hbm>>
      %dma_wait3A_607 = arith.constant 0 : i32
      %dma_wait3A_608 = arith.constant 0 : i32
      %dma_wait3A_609 = tpu.memref_slice %arg9[%run_scoped3A_511, %dma_wait3A_607, %dma_wait3A_608] : memref<5x6x160xi32, #tpu.memory_space<vmem>> -> memref<1x6x160xi32, #tpu.memory_space<vmem>>
      %dma_wait3A_610 = tpu.memref_squeeze %dma_wait3A_609 : memref<1x6x160xi32, #tpu.memory_space<vmem>> -> memref<6x160xi32, #tpu.memory_space<vmem>>
      %dma_wait3A_611 = arith.constant 0 : i32
      %dma_wait3A_612 = arith.constant 0 : i32
      %dma_wait3A_613 = tpu.memref_slice %arg4[%arg1, %run_scoped3A, %dma_wait3A_611, %dma_wait3A_612] : memref<16x125x6x160xi32, #tpu.memory_space<hbm>> -> memref<1x1x6x160xi32, #tpu.memory_space<hbm>>
      %dma_wait3A_614 = tpu.memref_squeeze %dma_wait3A_613 : memref<1x1x6x160xi32, #tpu.memory_space<hbm>> -> memref<6x160xi32, #tpu.memory_space<hbm>>
      tpu.wait_dma2 semaphore(%run_scoped3A_582 : memref<!tpu.dma_semaphore, #tpu.memory_space<semaphore_mem>>) src(%dma_wait3A_614 : memref<6x160xi32, #tpu.memory_space<hbm>>) dst(%dma_wait3A_610 : memref<6x160xi32, #tpu.memory_space<vmem>>)
      tpu.yield
    }) : () -> ()
    %dma_start3A_512 = arith.constant 1 : i32
    %dma_start3A_513 = arith.constant 1 : i32
    %dma_start3A_514 = arith.constant 0 : i32
    %dma_start3A_515 = arith.constant 0 : i32
    %dma_start3A_516 = tpu.memref_slice %arg9[%dma_start3A_513, %dma_start3A_514, %dma_start3A_515] : memref<5x6x160xi32, #tpu.memory_space<vmem>> -> memref<1x6x160xi32, #tpu.memory_space<vmem>>
    %dma_start3A_517 = tpu.memref_squeeze %dma_start3A_516 : memref<1x6x160xi32, #tpu.memory_space<vmem>> -> memref<6x160xi32, #tpu.memory_space<vmem>>
    %dma_start3A_518 = arith.constant 0 : i32
    %dma_start3A_519 = arith.constant 0 : i32
    %dma_start3A_520 = tpu.memref_slice %arg4[%arg1, %dma_start3A_512, %dma_start3A_518, %dma_start3A_519] : memref<16x125x6x160xi32, #tpu.memory_space<hbm>> -> memref<1x1x6x160xi32, #tpu.memory_space<hbm>>
    %dma_start3A_521 = tpu.memref_squeeze %dma_start3A_520 : memref<1x1x6x160xi32, #tpu.memory_space<hbm>> -> memref<6x160xi32, #tpu.memory_space<hbm>>
    %dma_start3A_522 = arith.constant 0 : i32
    %dma_start3A_523 = arith.constant 0 : i32
    %dma_start3A_524 = tpu.memref_slice %arg9[%dma_start3A_513, %dma_start3A_522, %dma_start3A_523] : memref<5x6x160xi32, #tpu.memory_space<vmem>> -> memref<1x6x160xi32, #tpu.memory_space<vmem>>
    %dma_start3A_525 = tpu.memref_squeeze %dma_start3A_524 : memref<1x6x160xi32, #tpu.memory_space<vmem>> -> memref<6x160xi32, #tpu.memory_space<vmem>>
    %dma_start3A_526 = arith.constant 0 : i32
    %dma_start3A_527 = arith.constant 0 : i32
    %dma_start3A_528 = tpu.memref_slice %arg4[%arg1, %dma_start3A_512, %dma_start3A_526, %dma_start3A_527] : memref<16x125x6x160xi32, #tpu.memory_space<hbm>> -> memref<1x1x6x160xi32, #tpu.memory_space<hbm>>
    %dma_start3A_529 = tpu.memref_squeeze %dma_start3A_528 : memref<1x1x6x160xi32, #tpu.memory_space<hbm>> -> memref<6x160xi32, #tpu.memory_space<hbm>>
    tpu.enqueue_dma source(%dma_start3A_529 : memref<6x160xi32, #tpu.memory_space<hbm>>) target(%dma_start3A_525 : memref<6x160xi32, #tpu.memory_space<vmem>>) target_semaphore(%arg15 : memref<!tpu.dma_semaphore, #tpu.memory_space<semaphore_mem>>)
    %dma_start3A_530 = arith.constant 0 : i32
    %dma_start3A_531 = arith.constant 0 : i32
    %dma_start3A_532 = arith.constant 0 : i32
    %dma_start3A_533 = arith.constant 0 : i32
    %dma_start3A_534 = arith.constant 0 : i32
    %dma_start3A_535 = tpu.memref_slice %arg11[%dma_start3A_532, %dma_start3A_533, %dma_start3A_534] : memref<2x160x64xf32, #tpu.memory_space<vmem>> -> memref<1x160x64xf32, #tpu.memory_space<vmem>>
    %dma_start3A_536 = tpu.memref_squeeze %dma_start3A_535 : memref<1x160x64xf32, #tpu.memory_space<vmem>> -> memref<160x64xf32, #tpu.memory_space<vmem>>
    %dma_start3A_537 = arith.constant 0 : i32
    %dma_start3A_538 = tpu.memref_slice %arg9[%dma_start3A_530, %dma_start3A_531, %dma_start3A_537] : memref<5x6x160xi32, #tpu.memory_space<vmem>> -> memref<1x1x160xi32, #tpu.memory_space<vmem>>
    %dma_start3A_539 = tpu.memref_squeeze %dma_start3A_538 : memref<1x1x160xi32, #tpu.memory_space<vmem>> -> memref<160xi32, #tpu.memory_space<vmem>>
    %dma_start3A_540 = arith.constant 0 : i32
    %dma_start3A_541 = arith.constant 0 : i32
    %dma_start3A_542 = tpu.memref_slice %arg2[%arg0, %dma_start3A_540, %dma_start3A_541] : memref<2x10000x64xf32, #tpu.memory_space<hbm>> -> memref<1x10000x64xf32, #tpu.memory_space<hbm>>
    %dma_start3A_543 = tpu.memref_squeeze %dma_start3A_542 : memref<1x10000x64xf32, #tpu.memory_space<hbm>> -> memref<10000x64xf32, #tpu.memory_space<hbm>>
    %dma_start3A_544 = arith.constant 0 : i32
    %dma_start3A_545 = arith.constant 0 : i32
    %dma_start3A_546 = tpu.memref_slice %dma_start3A_543[%dma_start3A_544, %dma_start3A_545] : memref<10000x64xf32, #tpu.memory_space<hbm>> -> memref<10000x64xf32, #tpu.memory_space<hbm>>
    tpu.enqueue_indirect_dma source(%dma_start3A_546 : memref<10000x64xf32, #tpu.memory_space<hbm>>) target(%dma_start3A_536 : memref<160x64xf32, #tpu.memory_space<vmem>>) offsets(%dma_start3A_539 : memref<160xi32, #tpu.memory_space<vmem>>) semaphore(%arg14 : memref<!tpu.dma_semaphore, #tpu.memory_space<semaphore_mem>>)
    %scan3A_547 = arith.constant 0 : i32
    %scan3A_548 = arith.constant 125 : i32
    %scan3A_549 = arith.addi %scan3A_547, %scan3A_548 : i32
    %scan3A_550 = arith.constant 1 : i32
    scf.for %scan3A_582 = %scan3A_547 to %scan3A_549 step %scan3A_550  : i32 {
      %mul3A_583 = arith.constant 1 : i32
      %mul3A_584 = arith.muli %scan3A_582, %mul3A_583 : i32
      %add3A = arith.constant 0 : i32
      %add3A_585 = arith.addi %add3A, %mul3A_584 : i32
      %rem3A = arith.constant 5 : i32
      %rem3A_586 = arith.remsi %add3A_585, %rem3A : i32
      %add3A_587 = arith.constant 1 : i32
      %add3A_588 = arith.addi %add3A_585, %add3A_587 : i32
      %rem3A_589 = arith.constant 5 : i32
      %rem3A_590 = arith.remsi %add3A_588, %rem3A_589 : i32
      %add3A_591 = arith.constant 2 : i32
      %add3A_592 = arith.addi %add3A_585, %add3A_591 : i32
      %rem3A_593 = arith.constant 5 : i32
      %rem3A_594 = arith.remsi %add3A_592, %rem3A_593 : i32
      %rem3A_595 = arith.constant 2 : i32
      %rem3A_596 = arith.remsi %add3A_585, %rem3A_595 : i32
      %add3A_597 = arith.constant 1 : i32
      %add3A_598 = arith.addi %add3A_585, %add3A_597 : i32
      %rem3A_599 = arith.constant 2 : i32
      %rem3A_600 = arith.remsi %add3A_598, %rem3A_599 : i32
      %broadcast_in_dim3A_601 = vector.broadcast %rem3A_596 : i32 to vector<16xi32>
      %add3A_602 = arith.constant 1 : i32
      %add3A_603 = arith.addi %add3A_585, %add3A_602 : i32
      %lt3A = arith.constant 125 : i32
      %lt3A_604 = arith.cmpi slt, %add3A_603, %lt3A : i32
      %convert_element_type3A = arith.extui %lt3A_604 : i1 to i32
      %cond3A = arith.constant 0 : i32
      %cond3A_605 = arith.cmpi ne, %convert_element_type3A, %cond3A : i32
      scf.if %cond3A_605 {
        %dma_wait3A_650 = arith.constant 0 : i32
        %dma_wait3A_651 = arith.constant 0 : i32
        %dma_wait3A_652 = arith.constant 0 : i32
        %dma_wait3A_653 = arith.constant 0 : i32
        %dma_wait3A_654 = tpu.memref_slice %arg9[%dma_wait3A_651, %dma_wait3A_652, %dma_wait3A_653] : memref<5x6x160xi32, #tpu.memory_space<vmem>> -> memref<1x6x160xi32, #tpu.memory_space<vmem>>
        %dma_wait3A_655 = tpu.memref_squeeze %dma_wait3A_654 : memref<1x6x160xi32, #tpu.memory_space<vmem>> -> memref<6x160xi32, #tpu.memory_space<vmem>>
        %dma_wait3A_656 = arith.constant 0 : i32
        %dma_wait3A_657 = arith.constant 0 : i32
        %dma_wait3A_658 = tpu.memref_slice %arg4[%arg1, %dma_wait3A_650, %dma_wait3A_656, %dma_wait3A_657] : memref<16x125x6x160xi32, #tpu.memory_space<hbm>> -> memref<1x1x6x160xi32, #tpu.memory_space<hbm>>
        %dma_wait3A_659 = tpu.memref_squeeze %dma_wait3A_658 : memref<1x1x6x160xi32, #tpu.memory_space<hbm>> -> memref<6x160xi32, #tpu.memory_space<hbm>>
        %dma_wait3A_660 = arith.constant 0 : i32
        %dma_wait3A_661 = arith.constant 0 : i32
        %dma_wait3A_662 = tpu.memref_slice %arg9[%dma_wait3A_651, %dma_wait3A_660, %dma_wait3A_661] : memref<5x6x160xi32, #tpu.memory_space<vmem>> -> memref<1x6x160xi32, #tpu.memory_space<vmem>>
        %dma_wait3A_663 = tpu.memref_squeeze %dma_wait3A_662 : memref<1x6x160xi32, #tpu.memory_space<vmem>> -> memref<6x160xi32, #tpu.memory_space<vmem>>
        %dma_wait3A_664 = arith.constant 0 : i32
        %dma_wait3A_665 = arith.constant 0 : i32
        %dma_wait3A_666 = tpu.memref_slice %arg4[%arg1, %dma_wait3A_650, %dma_wait3A_664, %dma_wait3A_665] : memref<16x125x6x160xi32, #tpu.memory_space<hbm>> -> memref<1x1x6x160xi32, #tpu.memory_space<hbm>>
        %dma_wait3A_667 = tpu.memref_squeeze %dma_wait3A_666 : memref<1x1x6x160xi32, #tpu.memory_space<hbm>> -> memref<6x160xi32, #tpu.memory_space<hbm>>
        tpu.wait_dma2 semaphore(%arg15 : memref<!tpu.dma_semaphore, #tpu.memory_space<semaphore_mem>>) src(%dma_wait3A_667 : memref<6x160xi32, #tpu.memory_space<hbm>>) dst(%dma_wait3A_663 : memref<6x160xi32, #tpu.memory_space<vmem>>)
        %dma_start3A_668 = arith.constant 0 : i32
        %dma_start3A_669 = arith.constant 0 : i32
        %dma_start3A_670 = arith.constant 0 : i32
        %dma_start3A_671 = tpu.memref_slice %arg11[%rem3A_600, %dma_start3A_669, %dma_start3A_670] : memref<2x160x64xf32, #tpu.memory_space<vmem>> -> memref<1x160x64xf32, #tpu.memory_space<vmem>>
        %dma_start3A_672 = tpu.memref_squeeze %dma_start3A_671 : memref<1x160x64xf32, #tpu.memory_space<vmem>> -> memref<160x64xf32, #tpu.memory_space<vmem>>
        %dma_start3A_673 = arith.constant 0 : i32
        %dma_start3A_674 = tpu.memref_slice %arg9[%rem3A_590, %dma_start3A_668, %dma_start3A_673] : memref<5x6x160xi32, #tpu.memory_space<vmem>> -> memref<1x1x160xi32, #tpu.memory_space<vmem>>
        %dma_start3A_675 = tpu.memref_squeeze %dma_start3A_674 : memref<1x1x160xi32, #tpu.memory_space<vmem>> -> memref<160xi32, #tpu.memory_space<vmem>>
        %dma_start3A_676 = arith.constant 0 : i32
        %dma_start3A_677 = arith.constant 0 : i32
        %dma_start3A_678 = tpu.memref_slice %arg2[%arg0, %dma_start3A_676, %dma_start3A_677] : memref<2x10000x64xf32, #tpu.memory_space<hbm>> -> memref<1x10000x64xf32, #tpu.memory_space<hbm>>
        %dma_start3A_679 = tpu.memref_squeeze %dma_start3A_678 : memref<1x10000x64xf32, #tpu.memory_space<hbm>> -> memref<10000x64xf32, #tpu.memory_space<hbm>>
        %dma_start3A_680 = arith.constant 0 : i32
        %dma_start3A_681 = arith.constant 0 : i32
        %dma_start3A_682 = tpu.memref_slice %dma_start3A_679[%dma_start3A_680, %dma_start3A_681] : memref<10000x64xf32, #tpu.memory_space<hbm>> -> memref<10000x64xf32, #tpu.memory_space<hbm>>
        tpu.enqueue_indirect_dma source(%dma_start3A_682 : memref<10000x64xf32, #tpu.memory_space<hbm>>) target(%dma_start3A_672 : memref<160x64xf32, #tpu.memory_space<vmem>>) offsets(%dma_start3A_675 : memref<160xi32, #tpu.memory_space<vmem>>) semaphore(%arg14 : memref<!tpu.dma_semaphore, #tpu.memory_space<semaphore_mem>>)
      } else {
      }
      %add3A_606 = arith.constant 2 : i32
      %add3A_607 = arith.addi %add3A_585, %add3A_606 : i32
      %lt3A_608 = arith.constant 125 : i32
      %lt3A_609 = arith.cmpi slt, %add3A_607, %lt3A_608 : i32
      %convert_element_type3A_610 = arith.extui %lt3A_609 : i1 to i32
      %cond3A_611 = arith.constant 0 : i32
      %cond3A_612 = arith.cmpi ne, %convert_element_type3A_610, %cond3A_611 : i32
      scf.if %cond3A_612 {
        %add3A_650 = arith.constant 2 : i32
        %add3A_651 = arith.addi %add3A_585, %add3A_650 : i32
        %dma_start3A_652 = arith.constant 0 : i32
        %dma_start3A_653 = arith.constant 0 : i32
        %dma_start3A_654 = tpu.memref_slice %arg9[%rem3A_594, %dma_start3A_652, %dma_start3A_653] : memref<5x6x160xi32, #tpu.memory_space<vmem>> -> memref<1x6x160xi32, #tpu.memory_space<vmem>>
        %dma_start3A_655 = tpu.memref_squeeze %dma_start3A_654 : memref<1x6x160xi32, #tpu.memory_space<vmem>> -> memref<6x160xi32, #tpu.memory_space<vmem>>
        %dma_start3A_656 = arith.constant 0 : i32
        %dma_start3A_657 = arith.constant 0 : i32
        %dma_start3A_658 = tpu.memref_slice %arg4[%arg1, %add3A_651, %dma_start3A_656, %dma_start3A_657] : memref<16x125x6x160xi32, #tpu.memory_space<hbm>> -> memref<1x1x6x160xi32, #tpu.memory_space<hbm>>
        %dma_start3A_659 = tpu.memref_squeeze %dma_start3A_658 : memref<1x1x6x160xi32, #tpu.memory_space<hbm>> -> memref<6x160xi32, #tpu.memory_space<hbm>>
        %dma_start3A_660 = arith.constant 0 : i32
        %dma_start3A_661 = arith.constant 0 : i32
        %dma_start3A_662 = tpu.memref_slice %arg9[%rem3A_594, %dma_start3A_660, %dma_start3A_661] : memref<5x6x160xi32, #tpu.memory_space<vmem>> -> memref<1x6x160xi32, #tpu.memory_space<vmem>>
        %dma_start3A_663 = tpu.memref_squeeze %dma_start3A_662 : memref<1x6x160xi32, #tpu.memory_space<vmem>> -> memref<6x160xi32, #tpu.memory_space<vmem>>
        %dma_start3A_664 = arith.constant 0 : i32
        %dma_start3A_665 = arith.constant 0 : i32
        %dma_start3A_666 = tpu.memref_slice %arg4[%arg1, %add3A_651, %dma_start3A_664, %dma_start3A_665] : memref<16x125x6x160xi32, #tpu.memory_space<hbm>> -> memref<1x1x6x160xi32, #tpu.memory_space<hbm>>
        %dma_start3A_667 = tpu.memref_squeeze %dma_start3A_666 : memref<1x1x6x160xi32, #tpu.memory_space<hbm>> -> memref<6x160xi32, #tpu.memory_space<hbm>>
        tpu.enqueue_dma source(%dma_start3A_667 : memref<6x160xi32, #tpu.memory_space<hbm>>) target(%dma_start3A_663 : memref<6x160xi32, #tpu.memory_space<vmem>>) target_semaphore(%arg15 : memref<!tpu.dma_semaphore, #tpu.memory_space<semaphore_mem>>)
      } else {
      }
      %ge3A = arith.constant 2 : i32
      %ge3A_613 = arith.cmpi sge, %add3A_585, %ge3A : i32
      %convert_element_type3A_614 = arith.extui %ge3A_613 : i1 to i32
      %cond3A_615 = arith.constant 0 : i32
      %cond3A_616 = arith.cmpi ne, %convert_element_type3A_614, %cond3A_615 : i32
      scf.if %cond3A_616 {
        %dma_wait3A_650 = arith.constant 0 : i32
        %dma_wait3A_651 = arith.constant 1 : i32
        %dma_wait3A_652 = arith.constant 0 : i32
        %dma_wait3A_653 = arith.constant 0 : i32
        %dma_wait3A_654 = tpu.memref_slice %arg12[%rem3A_596, %dma_wait3A_652, %dma_wait3A_653] : memref<2x160x80xf32, #tpu.memory_space<vmem>> -> memref<1x160x80xf32, #tpu.memory_space<vmem>>
        %dma_wait3A_655 = tpu.memref_squeeze %dma_wait3A_654 : memref<1x160x80xf32, #tpu.memory_space<vmem>> -> memref<160x80xf32, #tpu.memory_space<vmem>>
        %dma_wait3A_656 = arith.constant 0 : i32
        %dma_wait3A_657 = tpu.memref_slice %arg9[%dma_wait3A_650, %dma_wait3A_651, %dma_wait3A_656] : memref<5x6x160xi32, #tpu.memory_space<vmem>> -> memref<1x1x160xi32, #tpu.memory_space<vmem>>
        %dma_wait3A_658 = tpu.memref_squeeze %dma_wait3A_657 : memref<1x1x160xi32, #tpu.memory_space<vmem>> -> memref<160xi32, #tpu.memory_space<vmem>>
        %dma_wait3A_659 = arith.constant 0 : i32
        %dma_wait3A_660 = arith.constant 0 : i32
        %dma_wait3A_661 = tpu.memref_slice %arg13[%dma_wait3A_659, %dma_wait3A_660] : memref<10240x80xf32, #tpu.memory_space<vmem_shared>> -> memref<10240x80xf32, #tpu.memory_space<vmem_shared>>
        tpu.wait_indirect_dma semaphore(%arg16 : memref<!tpu.dma_semaphore, #tpu.memory_space<semaphore_mem>>) src(%dma_wait3A_655 : memref<160x80xf32, #tpu.memory_space<vmem>>) dst(%dma_wait3A_661 : memref<10240x80xf32, #tpu.memory_space<vmem_shared>>)
      } else {
      }
      %scan3A_617 = arith.constant 0 : i32
      %scan3A_618 = arith.constant 10 : i32
      %scan3A_619 = arith.addi %scan3A_617, %scan3A_618 : i32
      %scan3A_620 = arith.constant 1 : i32
      scf.for %scan3A_650 = %scan3A_617 to %scan3A_619 step %scan3A_620  : i32 {
        %mul3A_651 = arith.constant 1 : i32
        %mul3A_652 = arith.muli %scan3A_650, %mul3A_651 : i32
        %add3A_653 = arith.constant 0 : i32
        %add3A_654 = arith.addi %add3A_653, %mul3A_652 : i32
        %mul3A_655 = arith.constant 16 : i32
        %mul3A_656 = arith.muli %add3A_654, %mul3A_655 : i32
        %get3A_657 = arith.constant 0 : i32
        %get3A_658 = arith.index_cast %rem3A_586 : i32 to index
        %get3A_659 = arith.index_cast %get3A_657 : i32 to index
        %get3A_660 = arith.index_cast %mul3A_656 : i32 to index
        %get3A_661 = tpu.vector_load %arg9[%get3A_658, %get3A_659, %get3A_660] {strides = array<i32>} : memref<5x6x160xi32, #tpu.memory_space<vmem>>, vector<16xi32>,
        %mul3A_662 = arith.constant 16 : i32
        %mul3A_663 = arith.muli %add3A_654, %mul3A_662 : i32
        %get3A_664 = arith.constant 1 : i32
        %get3A_665 = arith.index_cast %rem3A_586 : i32 to index
        %get3A_666 = arith.index_cast %get3A_664 : i32 to index
        %get3A_667 = arith.index_cast %mul3A_663 : i32 to index
        %get3A_668 = tpu.vector_load %arg9[%get3A_665, %get3A_666, %get3A_667] {strides = array<i32>} : memref<5x6x160xi32, #tpu.memory_space<vmem>>, vector<16xi32>,
        %mul3A_669 = arith.constant 16 : i32
        %mul3A_670 = arith.muli %add3A_654, %mul3A_669 : i32
        %get3A_671 = arith.constant 2 : i32
        %get3A_672 = arith.index_cast %rem3A_586 : i32 to index
        %get3A_673 = arith.index_cast %get3A_671 : i32 to index
        %get3A_674 = arith.index_cast %mul3A_670 : i32 to index
        %get3A_675 = tpu.vector_load %arg9[%get3A_672, %get3A_673, %get3A_674] {strides = array<i32>} : memref<5x6x160xi32, #tpu.memory_space<vmem>>, vector<16xi32>,
        %bitcast_convert_type3A = tpu.bitcast %get3A_675 : vector<16xi32> -> vector<16xf32>
        %mul3A_676 = arith.mulf %bitcast_convert_type3A, %get3A_490 : vector<16xf32>
        %mul3A_677 = arith.constant 16 : i32
        %mul3A_678 = arith.muli %add3A_654, %mul3A_677 : i32
        %get3A_679 = arith.constant 3 : i32
        %get3A_680 = arith.index_cast %rem3A_586 : i32 to index
        %get3A_681 = arith.index_cast %get3A_679 : i32 to index
        %get3A_682 = arith.index_cast %mul3A_678 : i32 to index
        %get3A_683 = tpu.vector_load %arg9[%get3A_680, %get3A_681, %get3A_682] {strides = array<i32>} : memref<5x6x160xi32, #tpu.memory_space<vmem>>, vector<16xi32>,
        %bitcast_convert_type3A_684 = tpu.bitcast %get3A_683 : vector<16xi32> -> vector<16xf32>
        %mul3A_685 = arith.mulf %bitcast_convert_type3A_684, %get3A_494 : vector<16xf32>
        %add3A_686 = arith.addf %mul3A_676, %mul3A_685 : vector<16xf32>
        %mul3A_687 = arith.constant 16 : i32
        %mul3A_688 = arith.muli %add3A_654, %mul3A_687 : i32
        %get3A_689 = arith.constant 4 : i32
        %get3A_690 = arith.index_cast %rem3A_586 : i32 to index
        %get3A_691 = arith.index_cast %get3A_689 : i32 to index
        %get3A_692 = arith.index_cast %mul3A_688 : i32 to index
        %get3A_693 = tpu.vector_load %arg9[%get3A_690, %get3A_691, %get3A_692] {strides = array<i32>} : memref<5x6x160xi32, #tpu.memory_space<vmem>>, vector<16xi32>,
        %bitcast_convert_type3A_694 = tpu.bitcast %get3A_693 : vector<16xi32> -> vector<16xf32>
        %mul3A_695 = arith.mulf %bitcast_convert_type3A_694, %get3A_498 : vector<16xf32>
        %add3A_696 = arith.addf %add3A_686, %mul3A_695 : vector<16xf32>
        %mul3A_697 = arith.constant 16 : i32
        %mul3A_698 = arith.muli %add3A_654, %mul3A_697 : i32
        %get3A_699 = arith.constant 5 : i32
        %get3A_700 = arith.index_cast %rem3A_586 : i32 to index
        %get3A_701 = arith.index_cast %get3A_699 : i32 to index
        %get3A_702 = arith.index_cast %mul3A_698 : i32 to index
        %get3A_703 = tpu.vector_load %arg9[%get3A_700, %get3A_701, %get3A_702] {strides = array<i32>} : memref<5x6x160xi32, #tpu.memory_space<vmem>>, vector<16xi32>,
        %bitcast_convert_type3A_704 = tpu.bitcast %get3A_703 : vector<16xi32> -> vector<16xf32>
        %mul3A_705 = arith.mulf %bitcast_convert_type3A_704, %get3A_502 : vector<16xf32>
        %add3A_706 = arith.addf %add3A_696, %mul3A_705 : vector<16xf32>
        %gather3A = tpu.vector_load_idx %arg7[%get3A_661] : memref<10000xf32, #tpu.memory_space<vmem>>[vector<16xi32>], vector<16xf32>,
        %gather3A_707 = tpu.vector_load_idx %arg8[%get3A_668] : memref<10000xf32, #tpu.memory_space<vmem>>[vector<16xi32>], vector<16xf32>,
        %add3A_708 = arith.addf %gather3A, %gather3A_707 : vector<16xf32>
        %add3A_709 = arith.addf %add3A_708, %add3A_706 : vector<16xf32>
        %mul3A_710 = arith.constant 2.000000e-01 : f32
        %mul3A_711 = vector.broadcast %mul3A_710 : f32 to vector<16xf32>
        %mul3A_712 = arith.mulf %add3A_709, %mul3A_711 : vector<16xf32>
        %max3A = arith.maximumf %add3A_709, %mul3A_712 : vector<16xf32>
        %exp3A = math.exp %max3A : vector<16xf32>
        %mul3A_713 = arith.constant 16 : i32
        %mul3A_714 = arith.muli %add3A_654, %mul3A_713 : i32
        %add3A_715 = vector.broadcast %mul3A_714 : i32 to vector<16xi32>
        %add3A_716 = arith.addi %add3A_715, %iota3A : vector<16xi32>
        tpu.vector_store_idx %arg12[%broadcast_in_dim3A_601, %add3A_716, %broadcast_in_dim3A_506], %exp3A : memref<2x160x80xf32, #tpu.memory_space<vmem>>[vector<16xi32>, vector<16xi32>, vector<16xi32>], vector<16xf32>,
        tpu.vector_store_idx %arg12[%broadcast_in_dim3A_601, %add3A_716, %broadcast_in_dim3A_508], %add3A_706 : memref<2x160x80xf32, #tpu.memory_space<vmem>>[vector<16xi32>, vector<16xi32>, vector<16xi32>], vector<16xf32>,
        tpu.vector_store_idx %arg12[%broadcast_in_dim3A_601, %add3A_716, %broadcast_in_dim3A_510], %broadcast_in_dim3A_504 : memref<2x160x80xf32, #tpu.memory_space<vmem>>[vector<16xi32>, vector<16xi32>, vector<16xi32>], vector<16xf32>,
      }
      %scan3A_621 = arith.constant 10 : i32
      %dma_wait3A_622 = arith.constant 0 : i32
      %dma_wait3A_623 = arith.constant 0 : i32
      %dma_wait3A_624 = arith.constant 0 : i32
      %dma_wait3A_625 = tpu.memref_slice %arg11[%rem3A_596, %dma_wait3A_623, %dma_wait3A_624] : memref<2x160x64xf32, #tpu.memory_space<vmem>> -> memref<1x160x64xf32, #tpu.memory_space<vmem>>
      %dma_wait3A_626 = tpu.memref_squeeze %dma_wait3A_625 : memref<1x160x64xf32, #tpu.memory_space<vmem>> -> memref<160x64xf32, #tpu.memory_space<vmem>>
      %dma_wait3A_627 = arith.constant 0 : i32
      %dma_wait3A_628 = tpu.memref_slice %arg9[%rem3A_586, %dma_wait3A_622, %dma_wait3A_627] : memref<5x6x160xi32, #tpu.memory_space<vmem>> -> memref<1x1x160xi32, #tpu.memory_space<vmem>>
      %dma_wait3A_629 = tpu.memref_squeeze %dma_wait3A_628 : memref<1x1x160xi32, #tpu.memory_space<vmem>> -> memref<160xi32, #tpu.memory_space<vmem>>
      %dma_wait3A_630 = arith.constant 0 : i32
      %dma_wait3A_631 = arith.constant 0 : i32
      %dma_wait3A_632 = tpu.memref_slice %arg2[%arg0, %dma_wait3A_630, %dma_wait3A_631] : memref<2x10000x64xf32, #tpu.memory_space<hbm>> -> memref<1x10000x64xf32, #tpu.memory_space<hbm>>
      %dma_wait3A_633 = tpu.memref_squeeze %dma_wait3A_632 : memref<1x10000x64xf32, #tpu.memory_space<hbm>> -> memref<10000x64xf32, #tpu.memory_space<hbm>>
      %dma_wait3A_634 = arith.constant 0 : i32
      %dma_wait3A_635 = arith.constant 0 : i32
      %dma_wait3A_636 = tpu.memref_slice %dma_wait3A_633[%dma_wait3A_634, %dma_wait3A_635] : memref<10000x64xf32, #tpu.memory_space<hbm>> -> memref<10000x64xf32, #tpu.memory_space<hbm>>
      tpu.wait_indirect_dma semaphore(%arg14 : memref<!tpu.dma_semaphore, #tpu.memory_space<semaphore_mem>>) src(%dma_wait3A_636 : memref<10000x64xf32, #tpu.memory_space<hbm>>) dst(%dma_wait3A_626 : memref<160x64xf32, #tpu.memory_space<vmem>>)
      %parallel_loop3A = arith.constant 0 : i32
      %parallel_loop3A_637 = arith.constant 160 : i32
      %parallel_loop3A_638 = arith.constant 1 : i32
      scf.for %parallel_loop3A_650 = %parallel_loop3A to %parallel_loop3A_637 step %parallel_loop3A_638  : i32 {
        %parallel_loop3A_651 = vector.broadcast %parallel_loop3A_650 : i32 to vector<16xi32>
        %parallel_loop3A_652 = tpu.vector_load_idx %arg12[%broadcast_in_dim3A_601, %parallel_loop3A_651, %broadcast_in_dim3A_506] : memref<2x160x80xf32, #tpu.memory_space<vmem>>[vector<16xi32>, vector<16xi32>, vector<16xi32>], vector<16xf32>,
        %parallel_loop3A_653 = arith.index_cast %rem3A_596 : i32 to index
        %parallel_loop3A_654 = arith.index_cast %parallel_loop3A_650 : i32 to index
        %parallel_loop3A_655 = arith.constant 0 : index
        %parallel_loop3A_656 = tpu.vector_load %arg11[%parallel_loop3A_653, %parallel_loop3A_654, %parallel_loop3A_655] {strides = array<i32>} : memref<2x160x64xf32, #tpu.memory_space<vmem>>, vector<16xf32>,
        %parallel_loop3A_657 = arith.mulf %parallel_loop3A_656, %parallel_loop3A_652 : vector<16xf32>
        %parallel_loop3A_658 = arith.index_cast %rem3A_596 : i32 to index
        %parallel_loop3A_659 = arith.index_cast %parallel_loop3A_650 : i32 to index
        %parallel_loop3A_660 = arith.constant 0 : index
        %parallel_loop3A_661 = tpu.vector_load %arg12[%parallel_loop3A_658, %parallel_loop3A_659, %parallel_loop3A_660] {strides = array<i32>} : memref<2x160x80xf32, #tpu.memory_space<vmem>>, vector<16xf32>,
        tpu.vector_store %arg12[%parallel_loop3A_658, %parallel_loop3A_659, %parallel_loop3A_660], %parallel_loop3A_657 {strides = array<i32>} : memref<2x160x80xf32, #tpu.memory_space<vmem>>, vector<16xf32>,
        %parallel_loop3A_662 = arith.index_cast %rem3A_596 : i32 to index
        %parallel_loop3A_663 = arith.index_cast %parallel_loop3A_650 : i32 to index
        %parallel_loop3A_664 = arith.constant 16 : index
        %parallel_loop3A_665 = tpu.vector_load %arg11[%parallel_loop3A_662, %parallel_loop3A_663, %parallel_loop3A_664] {strides = array<i32>} : memref<2x160x64xf32, #tpu.memory_space<vmem>>, vector<16xf32>,
        %parallel_loop3A_666 = arith.mulf %parallel_loop3A_665, %parallel_loop3A_652 : vector<16xf32>
        %parallel_loop3A_667 = arith.index_cast %rem3A_596 : i32 to index
        %parallel_loop3A_668 = arith.index_cast %parallel_loop3A_650 : i32 to index
        %parallel_loop3A_669 = arith.constant 16 : index
        %parallel_loop3A_670 = tpu.vector_load %arg12[%parallel_loop3A_667, %parallel_loop3A_668, %parallel_loop3A_669] {strides = array<i32>} : memref<2x160x80xf32, #tpu.memory_space<vmem>>, vector<16xf32>,
        tpu.vector_store %arg12[%parallel_loop3A_667, %parallel_loop3A_668, %parallel_loop3A_669], %parallel_loop3A_666 {strides = array<i32>} : memref<2x160x80xf32, #tpu.memory_space<vmem>>, vector<16xf32>,
        %parallel_loop3A_671 = arith.index_cast %rem3A_596 : i32 to index
        %parallel_loop3A_672 = arith.index_cast %parallel_loop3A_650 : i32 to index
        %parallel_loop3A_673 = arith.constant 32 : index
        %parallel_loop3A_674 = tpu.vector_load %arg11[%parallel_loop3A_671, %parallel_loop3A_672, %parallel_loop3A_673] {strides = array<i32>} : memref<2x160x64xf32, #tpu.memory_space<vmem>>, vector<16xf32>,
        %parallel_loop3A_675 = arith.mulf %parallel_loop3A_674, %parallel_loop3A_652 : vector<16xf32>
        %parallel_loop3A_676 = arith.index_cast %rem3A_596 : i32 to index
        %parallel_loop3A_677 = arith.index_cast %parallel_loop3A_650 : i32 to index
        %parallel_loop3A_678 = arith.constant 32 : index
        %parallel_loop3A_679 = tpu.vector_load %arg12[%parallel_loop3A_676, %parallel_loop3A_677, %parallel_loop3A_678] {strides = array<i32>} : memref<2x160x80xf32, #tpu.memory_space<vmem>>, vector<16xf32>,
        tpu.vector_store %arg12[%parallel_loop3A_676, %parallel_loop3A_677, %parallel_loop3A_678], %parallel_loop3A_675 {strides = array<i32>} : memref<2x160x80xf32, #tpu.memory_space<vmem>>, vector<16xf32>,
        %parallel_loop3A_680 = arith.index_cast %rem3A_596 : i32 to index
        %parallel_loop3A_681 = arith.index_cast %parallel_loop3A_650 : i32 to index
        %parallel_loop3A_682 = arith.constant 48 : index
        %parallel_loop3A_683 = tpu.vector_load %arg11[%parallel_loop3A_680, %parallel_loop3A_681, %parallel_loop3A_682] {strides = array<i32>} : memref<2x160x64xf32, #tpu.memory_space<vmem>>, vector<16xf32>,
        %parallel_loop3A_684 = arith.mulf %parallel_loop3A_683, %parallel_loop3A_652 : vector<16xf32>
        %parallel_loop3A_685 = arith.index_cast %rem3A_596 : i32 to index
        %parallel_loop3A_686 = arith.index_cast %parallel_loop3A_650 : i32 to index
        %parallel_loop3A_687 = arith.constant 48 : index
        %parallel_loop3A_688 = tpu.vector_load %arg12[%parallel_loop3A_685, %parallel_loop3A_686, %parallel_loop3A_687] {strides = array<i32>} : memref<2x160x80xf32, #tpu.memory_space<vmem>>, vector<16xf32>,
        tpu.vector_store %arg12[%parallel_loop3A_685, %parallel_loop3A_686, %parallel_loop3A_687], %parallel_loop3A_684 {strides = array<i32>} : memref<2x160x80xf32, #tpu.memory_space<vmem>>, vector<16xf32>,
      } {sc.loop_unroll_factor = 4 : i64, sc.parallel_access}
      %dma_start3A_639 = arith.constant 1 : i32
      %dma_start3A_640 = arith.constant 0 : i32
      %dma_start3A_641 = arith.constant 0 : i32
      %dma_start3A_642 = tpu.memref_slice %arg12[%rem3A_596, %dma_start3A_640, %dma_start3A_641] : memref<2x160x80xf32, #tpu.memory_space<vmem>> -> memref<1x160x80xf32, #tpu.memory_space<vmem>>
      %dma_start3A_643 = tpu.memref_squeeze %dma_start3A_642 : memref<1x160x80xf32, #tpu.memory_space<vmem>> -> memref<160x80xf32, #tpu.memory_space<vmem>>
      %dma_start3A_644 = arith.constant 0 : i32
      %dma_start3A_645 = tpu.memref_slice %arg9[%rem3A_586, %dma_start3A_639, %dma_start3A_644] : memref<5x6x160xi32, #tpu.memory_space<vmem>> -> memref<1x1x160xi32, #tpu.memory_space<vmem>>
      %dma_start3A_646 = tpu.memref_squeeze %dma_start3A_645 : memref<1x1x160xi32, #tpu.memory_space<vmem>> -> memref<160xi32, #tpu.memory_space<vmem>>
      %dma_start3A_647 = arith.constant 0 : i32
      %dma_start3A_648 = arith.constant 0 : i32
      %dma_start3A_649 = tpu.memref_slice %arg13[%dma_start3A_647, %dma_start3A_648] : memref<10240x80xf32, #tpu.memory_space<vmem_shared>> -> memref<10240x80xf32, #tpu.memory_space<vmem_shared>>
      tpu.enqueue_indirect_dma source(%dma_start3A_643 : memref<160x80xf32, #tpu.memory_space<vmem>>) target(%dma_start3A_649 : memref<10240x80xf32, #tpu.memory_space<vmem_shared>>) offsets(%dma_start3A_646 : memref<160xi32, #tpu.memory_space<vmem>>) semaphore(%arg16 : memref<!tpu.dma_semaphore, #tpu.memory_space<semaphore_mem>>) {add = true}
    }
    %scan3A_551 = arith.constant 125 : i32
    %dma_wait3A_552 = arith.constant 0 : i32
    %dma_wait3A_553 = arith.constant 0 : i32
    %dma_wait3A_554 = arith.constant 1 : i32
    %dma_wait3A_555 = arith.constant 0 : i32
    %dma_wait3A_556 = arith.constant 0 : i32
    %dma_wait3A_557 = tpu.memref_slice %arg12[%dma_wait3A_552, %dma_wait3A_555, %dma_wait3A_556] : memref<2x160x80xf32, #tpu.memory_space<vmem>> -> memref<1x160x80xf32, #tpu.memory_space<vmem>>
    %dma_wait3A_558 = tpu.memref_squeeze %dma_wait3A_557 : memref<1x160x80xf32, #tpu.memory_space<vmem>> -> memref<160x80xf32, #tpu.memory_space<vmem>>
    %dma_wait3A_559 = arith.constant 0 : i32
    %dma_wait3A_560 = tpu.memref_slice %arg9[%dma_wait3A_553, %dma_wait3A_554, %dma_wait3A_559] : memref<5x6x160xi32, #tpu.memory_space<vmem>> -> memref<1x1x160xi32, #tpu.memory_space<vmem>>
    %dma_wait3A_561 = tpu.memref_squeeze %dma_wait3A_560 : memref<1x1x160xi32, #tpu.memory_space<vmem>> -> memref<160xi32, #tpu.memory_space<vmem>>
    %dma_wait3A_562 = arith.constant 0 : i32
    %dma_wait3A_563 = arith.constant 0 : i32
    %dma_wait3A_564 = tpu.memref_slice %arg13[%dma_wait3A_562, %dma_wait3A_563] : memref<10240x80xf32, #tpu.memory_space<vmem_shared>> -> memref<10240x80xf32, #tpu.memory_space<vmem_shared>>
    tpu.wait_indirect_dma semaphore(%arg16 : memref<!tpu.dma_semaphore, #tpu.memory_space<semaphore_mem>>) src(%dma_wait3A_558 : memref<160x80xf32, #tpu.memory_space<vmem>>) dst(%dma_wait3A_564 : memref<10240x80xf32, #tpu.memory_space<vmem_shared>>)
    %dma_wait3A_565 = arith.constant 1 : i32
    %dma_wait3A_566 = arith.constant 0 : i32
    %dma_wait3A_567 = arith.constant 1 : i32
    %dma_wait3A_568 = arith.constant 0 : i32
    %dma_wait3A_569 = arith.constant 0 : i32
    %dma_wait3A_570 = tpu.memref_slice %arg12[%dma_wait3A_565, %dma_wait3A_568, %dma_wait3A_569] : memref<2x160x80xf32, #tpu.memory_space<vmem>> -> memref<1x160x80xf32, #tpu.memory_space<vmem>>
    %dma_wait3A_571 = tpu.memref_squeeze %dma_wait3A_570 : memref<1x160x80xf32, #tpu.memory_space<vmem>> -> memref<160x80xf32, #tpu.memory_space<vmem>>
    %dma_wait3A_572 = arith.constant 0 : i32
    %dma_wait3A_573 = tpu.memref_slice %arg9[%dma_wait3A_566, %dma_wait3A_567, %dma_wait3A_572] : memref<5x6x160xi32, #tpu.memory_space<vmem>> -> memref<1x1x160xi32, #tpu.memory_space<vmem>>
    %dma_wait3A_574 = tpu.memref_squeeze %dma_wait3A_573 : memref<1x1x160xi32, #tpu.memory_space<vmem>> -> memref<160xi32, #tpu.memory_space<vmem>>
    %dma_wait3A_575 = arith.constant 0 : i32
    %dma_wait3A_576 = arith.constant 0 : i32
    %dma_wait3A_577 = tpu.memref_slice %arg13[%dma_wait3A_575, %dma_wait3A_576] : memref<10240x80xf32, #tpu.memory_space<vmem_shared>> -> memref<10240x80xf32, #tpu.memory_space<vmem_shared>>
    tpu.wait_indirect_dma semaphore(%arg16 : memref<!tpu.dma_semaphore, #tpu.memory_space<semaphore_mem>>) src(%dma_wait3A_571 : memref<160x80xf32, #tpu.memory_space<vmem>>) dst(%dma_wait3A_577 : memref<10240x80xf32, #tpu.memory_space<vmem_shared>>)
    %barrier3A_578 = arith.constant 0 : index
    tpu.barrier barrier_id(%barrier3A_578)
    %mul3A = arith.constant 640 : i32
    %mul3A_579 = arith.muli %arg1, %mul3A : i32
    %mul3A_580 = arith.constant 640 : i32
    %mul3A_581 = arith.muli %arg1, %mul3A_580 : i32
    "tpu.region"() ({
      %run_scoped3A_582 = tpu.sem_alloc : memref<!tpu.dma_semaphore, #tpu.memory_space<semaphore_mem>>
      %dma_start3A_583 = arith.constant 0 : i32
      %dma_start3A_584 = tpu.memref_slice %arg6[%arg0, %mul3A_581, %dma_start3A_583] : memref<2x10240x80xf32, #tpu.memory_space<hbm>> -> memref<1x640x80xf32, #tpu.memory_space<hbm>>
      %dma_start3A_585 = tpu.memref_squeeze %dma_start3A_584 : memref<1x640x80xf32, #tpu.memory_space<hbm>> -> memref<640x80xf32, #tpu.memory_space<hbm>>
      %dma_start3A_586 = arith.constant 0 : i32
      %dma_start3A_587 = tpu.memref_slice %arg13[%mul3A_579, %dma_start3A_586] : memref<10240x80xf32, #tpu.memory_space<vmem_shared>> -> memref<640x80xf32, #tpu.memory_space<vmem_shared>>
      tpu.enqueue_dma source(%dma_start3A_587 : memref<640x80xf32, #tpu.memory_space<vmem_shared>>) target(%dma_start3A_585 : memref<640x80xf32, #tpu.memory_space<hbm>>) target_semaphore(%run_scoped3A_582 : memref<!tpu.dma_semaphore, #tpu.memory_space<semaphore_mem>>)
      %dma_wait3A_588 = arith.constant 0 : i32
      %dma_wait3A_589 = tpu.memref_slice %arg6[%arg0, %mul3A_581, %dma_wait3A_588] : memref<2x10240x80xf32, #tpu.memory_space<hbm>> -> memref<1x640x80xf32, #tpu.memory_space<hbm>>
      %dma_wait3A_590 = tpu.memref_squeeze %dma_wait3A_589 : memref<1x640x80xf32, #tpu.memory_space<hbm>> -> memref<640x80xf32, #tpu.memory_space<hbm>>
      %dma_wait3A_591 = arith.constant 0 : i32
      %dma_wait3A_592 = tpu.memref_slice %arg13[%mul3A_579, %dma_wait3A_591] : memref<10240x80xf32, #tpu.memory_space<vmem_shared>> -> memref<640x80xf32, #tpu.memory_space<vmem_shared>>
      tpu.wait_dma2 semaphore(%run_scoped3A_582 : memref<!tpu.dma_semaphore, #tpu.memory_space<semaphore_mem>>) src(%dma_wait3A_592 : memref<640x80xf32, #tpu.memory_space<vmem_shared>>) dst(%dma_wait3A_590 : memref<640x80xf32, #tpu.memory_space<hbm>>)
      tpu.yield
    }) : () -> ()
    return
  }
}

module attributes {stable_mosaic.version = 14 : i64} {
  func.func @_enc_body(%arg0: i32, %arg1: memref<1000x128xf32, #tpu.memory_space<vmem>>, %arg2: memref<128x128xf32, #tpu.memory_space<vmem>>, %arg3: memref<1x128xf32, #tpu.memory_space<vmem>>, %arg4: memref<1000x128xf32, #tpu.memory_space<vmem>>) attributes {dimension_semantics = [#tpu.dimension_semantics<arbitrary>], iteration_bounds = array<i64: 10>, scalar_prefetch = 0 : i64, scratch_operands = 0 : i64, tpu.core_type = #tpu.core_type<tc>, window_params = [{transform_indices = @transform_0, window_bounds = array<i64: 1000, 128>}, {pipeline_mode = #tpu.pipeline_mode<synchronous>, transform_indices = @transform_1, window_bounds = array<i64: 128, 128>}, {pipeline_mode = #tpu.pipeline_mode<synchronous>, transform_indices = @transform_2, window_bounds = array<i64: 1, 128>}, {transform_indices = @transform_3, window_bounds = array<i64: 1000, 128>}]} {
    %get3A = arith.constant 0 : index
    %get3A_0 = arith.constant 0 : index
    %get3A_1 = vector.load %arg1[%get3A, %get3A_0] : memref<1000x128xf32, #tpu.memory_space<vmem>>, vector<1000x128xf32>
    %get3A_2 = arith.constant 0 : index
    %get3A_3 = arith.constant 0 : index
    %get3A_4 = vector.load %arg2[%get3A_2, %get3A_3] : memref<128x128xf32, #tpu.memory_space<vmem>>, vector<128x128xf32>
    %dot_general3A = arith.constant dense<0.000000e+00> : vector<1000x128xf32>
    %dot_general3A_5 = tpu.matmul %get3A_1, %get3A_4, %dot_general3A {dimension_numbers = #tpu.dot_dimension_numbers<[1], [0], [0], [1], [0, 0, 1, 1], [], []>, transpose_lhs_hint = false} : vector<1000x128xf32>, vector<128x128xf32>, vector<1000x128xf32> -> vector<1000x128xf32>
    %get3A_6 = arith.constant 0 : index
    %get3A_7 = arith.constant 0 : index
    %get3A_8 = vector.load %arg3[%get3A_6, %get3A_7] : memref<1x128xf32, #tpu.memory_space<vmem>>, vector<1x128xf32>
    %add3A = vector.broadcast %get3A_8 : vector<1x128xf32> to vector<1000x128xf32>
    %add3A_9 = arith.addf %dot_general3A_5, %add3A : vector<1000x128xf32>
    %swap3A = arith.constant 0 : index
    %swap3A_10 = arith.constant 0 : index
    %swap3A_11 = vector.load %arg4[%swap3A, %swap3A_10] : memref<1000x128xf32, #tpu.memory_space<vmem>>, vector<1000x128xf32>
    tpu.vector_store %arg4[%swap3A, %swap3A_10], %add3A_9 {strides = array<i32>} : memref<1000x128xf32, #tpu.memory_space<vmem>>, vector<1000x128xf32>,
    return
  }
  func.func @transform_0(%arg0: i32) -> (i32, i32) {
    %c0_i32 = arith.constant 0 : i32
    %c0_i32_0 = arith.constant 0 : i32
    return %arg0, %c0_i32 : i32, i32
  }
  func.func @transform_1(%arg0: i32) -> (i32, i32) {
    %c0_i32 = arith.constant 0 : i32
    %c0_i32_0 = arith.constant 0 : i32
    %c0_i32_1 = arith.constant 0 : i32
    return %c0_i32, %c0_i32_0 : i32, i32
  }
  func.func @transform_2(%arg0: i32) -> (i32, i32) {
    %c0_i32 = arith.constant 0 : i32
    %c0_i32_0 = arith.constant 0 : i32
    %c0_i32_1 = arith.constant 0 : i32
    return %c0_i32, %c0_i32_0 : i32, i32
  }
  func.func @transform_3(%arg0: i32) -> (i32, i32) {
    %c0_i32 = arith.constant 0 : i32
    %c0_i32_0 = arith.constant 0 : i32
    return %arg0, %c0_i32 : i32, i32
  }
}

module attributes {stable_mosaic.version = 14 : i64} {
  func.func @_tca_body(%arg0: i32, %arg1: memref<1000x128xf32, #tpu.memory_space<vmem>>, %arg2: memref<128x128xf32, #tpu.memory_space<vmem>>, %arg3: memref<8x128xf32, #tpu.memory_space<vmem>>, %arg4: memref<128x128xf32, #tpu.memory_space<vmem>>, %arg5: memref<2x1000x64xf32, #tpu.memory_space<vmem>>, %arg6: memref<1x8x1000xf32, #tpu.memory_space<vmem>>, %arg7: memref<1000x128xf32, #tpu.memory_space<vmem>>) attributes {dimension_semantics = [#tpu.dimension_semantics<arbitrary>], iteration_bounds = array<i64: 10>, scalar_prefetch = 0 : i64, scratch_operands = 0 : i64, tpu.core_type = #tpu.core_type<tc>, window_params = [{transform_indices = @transform_0, window_bounds = array<i64: 1000, 128>}, {pipeline_mode = #tpu.pipeline_mode<synchronous>, transform_indices = @transform_1, window_bounds = array<i64: 128, 128>}, {pipeline_mode = #tpu.pipeline_mode<synchronous>, transform_indices = @transform_2, window_bounds = array<i64: 8, 128>}, {pipeline_mode = #tpu.pipeline_mode<synchronous>, transform_indices = @transform_3, window_bounds = array<i64: 128, 128>}, {transform_indices = @transform_4, window_bounds = array<i64: 2, 1000, 64>}, {transform_indices = @transform_5, window_bounds = array<i64: 1, 8, 1000>}, {transform_indices = @transform_6, window_bounds = array<i64: 1000, 128>}]} {
    %get3A = arith.constant 0 : index
    %get3A_0 = arith.constant 0 : index
    %get3A_1 = vector.load %arg1[%get3A, %get3A_0] : memref<1000x128xf32, #tpu.memory_space<vmem>>, vector<1000x128xf32>
    %get3A_2 = arith.constant 0 : index
    %get3A_3 = arith.constant 0 : index
    %get3A_4 = vector.load %arg2[%get3A_2, %get3A_3] : memref<128x128xf32, #tpu.memory_space<vmem>>, vector<128x128xf32>
    %dot_general3A = arith.constant dense<0.000000e+00> : vector<1000x128xf32>
    %dot_general3A_5 = tpu.matmul %get3A_1, %get3A_4, %dot_general3A {dimension_numbers = #tpu.dot_dimension_numbers<[1], [0], [0], [1], [0, 0, 1, 1], [], []>, transpose_lhs_hint = false} : vector<1000x128xf32>, vector<128x128xf32>, vector<1000x128xf32> -> vector<1000x128xf32>
    %slice3A = vector.extract_strided_slice %dot_general3A_5 {offsets = [0, 0], sizes = [1000, 64], strides = [1, 1]} : vector<1000x128xf32> to vector<1000x64xf32>
    %swap3A = arith.constant 0 : index
    %swap3A_6 = arith.constant 0 : index
    %swap3A_7 = arith.constant 0 : index
    %swap3A_8 = vector.load %arg5[%swap3A, %swap3A_6, %swap3A_7] : memref<2x1000x64xf32, #tpu.memory_space<vmem>>, vector<1x1000x64xf32>
    %swap3A_9 = vector.shape_cast %swap3A_8 : vector<1x1000x64xf32> to vector<1000x64xf32>
    %swap3A_10 = vector.shape_cast %slice3A : vector<1000x64xf32> to vector<1x1000x64xf32>
    tpu.vector_store %arg5[%swap3A, %swap3A_6, %swap3A_7], %swap3A_10 {strides = array<i32>} : memref<2x1000x64xf32, #tpu.memory_space<vmem>>, vector<1x1000x64xf32>,
    %slice3A_11 = vector.extract_strided_slice %dot_general3A_5 {offsets = [0, 64], sizes = [1000, 64], strides = [1, 1]} : vector<1000x128xf32> to vector<1000x64xf32>
    %swap3A_12 = arith.constant 1 : index
    %swap3A_13 = arith.constant 0 : index
    %swap3A_14 = arith.constant 0 : index
    %swap3A_15 = vector.load %arg5[%swap3A_12, %swap3A_13, %swap3A_14] : memref<2x1000x64xf32, #tpu.memory_space<vmem>>, vector<1x1000x64xf32>
    %swap3A_16 = vector.shape_cast %swap3A_15 : vector<1x1000x64xf32> to vector<1000x64xf32>
    %swap3A_17 = vector.shape_cast %slice3A_11 : vector<1000x64xf32> to vector<1x1000x64xf32>
    tpu.vector_store %arg5[%swap3A_12, %swap3A_13, %swap3A_14], %swap3A_17 {strides = array<i32>} : memref<2x1000x64xf32, #tpu.memory_space<vmem>>, vector<1x1000x64xf32>,
    %get3A_18 = arith.constant 0 : index
    %get3A_19 = arith.constant 0 : index
    %get3A_20 = vector.load %arg3[%get3A_18, %get3A_19] : memref<8x128xf32, #tpu.memory_space<vmem>>, vector<8x128xf32>
    %dot_general3A_21 = arith.constant dense<0.000000e+00> : vector<8x1000xf32>
    %dot_general3A_22 = tpu.matmul %get3A_20, %dot_general3A_5, %dot_general3A_21 {dimension_numbers = #tpu.dot_dimension_numbers<[1], [1], [0], [0], [0, 0, 1, 0], [], []>, transpose_lhs_hint = false} : vector<8x128xf32>, vector<1000x128xf32>, vector<8x1000xf32> -> vector<8x1000xf32>
    %swap3A_23 = arith.constant 0 : index
    %swap3A_24 = arith.constant 0 : index
    %swap3A_25 = arith.constant 0 : index
    %swap3A_26 = vector.load %arg6[%swap3A_23, %swap3A_24, %swap3A_25] : memref<1x8x1000xf32, #tpu.memory_space<vmem>>, vector<1x8x1000xf32>
    %swap3A_27 = vector.shape_cast %swap3A_26 : vector<1x8x1000xf32> to vector<8x1000xf32>
    %swap3A_28 = vector.shape_cast %dot_general3A_22 : vector<8x1000xf32> to vector<1x8x1000xf32>
    tpu.vector_store %arg6[%swap3A_23, %swap3A_24, %swap3A_25], %swap3A_28 {strides = array<i32>} : memref<1x8x1000xf32, #tpu.memory_space<vmem>>, vector<1x8x1000xf32>,
    %get3A_29 = arith.constant 0 : index
    %get3A_30 = arith.constant 0 : index
    %get3A_31 = vector.load %arg4[%get3A_29, %get3A_30] : memref<128x128xf32, #tpu.memory_space<vmem>>, vector<128x128xf32>
    %dot_general3A_32 = arith.constant dense<0.000000e+00> : vector<1000x128xf32>
    %dot_general3A_33 = tpu.matmul %dot_general3A_5, %get3A_31, %dot_general3A_32 {dimension_numbers = #tpu.dot_dimension_numbers<[1], [0], [0], [1], [0, 0, 1, 1], [], []>, transpose_lhs_hint = false} : vector<1000x128xf32>, vector<128x128xf32>, vector<1000x128xf32> -> vector<1000x128xf32>
    %swap3A_34 = arith.constant 0 : index
    %swap3A_35 = arith.constant 0 : index
    %swap3A_36 = vector.load %arg7[%swap3A_34, %swap3A_35] : memref<1000x128xf32, #tpu.memory_space<vmem>>, vector<1000x128xf32>
    tpu.vector_store %arg7[%swap3A_34, %swap3A_35], %dot_general3A_33 {strides = array<i32>} : memref<1000x128xf32, #tpu.memory_space<vmem>>, vector<1000x128xf32>,
    return
  }
  func.func @transform_0(%arg0: i32) -> (i32, i32) {
    %c0_i32 = arith.constant 0 : i32
    %c0_i32_0 = arith.constant 0 : i32
    return %arg0, %c0_i32 : i32, i32
  }
  func.func @transform_1(%arg0: i32) -> (i32, i32) {
    %c0_i32 = arith.constant 0 : i32
    %c0_i32_0 = arith.constant 0 : i32
    %c0_i32_1 = arith.constant 0 : i32
    return %c0_i32, %c0_i32_0 : i32, i32
  }
  func.func @transform_2(%arg0: i32) -> (i32, i32) {
    %c0_i32 = arith.constant 0 : i32
    %c0_i32_0 = arith.constant 0 : i32
    %c0_i32_1 = arith.constant 0 : i32
    return %c0_i32, %c0_i32_0 : i32, i32
  }
  func.func @transform_3(%arg0: i32) -> (i32, i32) {
    %c0_i32 = arith.constant 0 : i32
    %c0_i32_0 = arith.constant 0 : i32
    %c0_i32_1 = arith.constant 0 : i32
    return %c0_i32, %c0_i32_0 : i32, i32
  }
  func.func @transform_4(%arg0: i32) -> (i32, i32, i32) {
    %c0_i32 = arith.constant 0 : i32
    %c0_i32_0 = arith.constant 0 : i32
    %c0_i32_1 = arith.constant 0 : i32
    return %c0_i32, %arg0, %c0_i32_0 : i32, i32, i32
  }
  func.func @transform_5(%arg0: i32) -> (i32, i32, i32) {
    %c0_i32 = arith.constant 0 : i32
    %c0_i32_0 = arith.constant 0 : i32
    %c0_i32_1 = arith.constant 0 : i32
    return %arg0, %c0_i32, %c0_i32_0 : i32, i32, i32
  }
  func.func @transform_6(%arg0: i32) -> (i32, i32) {
    %c0_i32 = arith.constant 0 : i32
    %c0_i32_0 = arith.constant 0 : i32
    return %arg0, %c0_i32 : i32, i32
  }
}

module attributes {stable_mosaic.version = 14 : i64} {
  func.func @_tcc_body(%arg0: i32, %arg1: memref<1000x80xf32, #tpu.memory_space<vmem>>, %arg2: memref<1000x80xf32, #tpu.memory_space<vmem>>, %arg3: memref<2x1000x64xf32, #tpu.memory_space<vmem>>, %arg4: memref<1000x128xf32, #tpu.memory_space<vmem>>, %arg5: memref<1x128xf32, #tpu.memory_space<vmem>>, %arg6: memref<1000x128xf32, #tpu.memory_space<vmem>>) attributes {dimension_semantics = [#tpu.dimension_semantics<arbitrary>], iteration_bounds = array<i64: 10>, scalar_prefetch = 0 : i64, scratch_operands = 0 : i64, tpu.core_type = #tpu.core_type<tc>, window_params = [{transform_indices = @transform_0, window_bounds = array<i64: 1000, 80>}, {transform_indices = @transform_1, window_bounds = array<i64: 1000, 80>}, {transform_indices = @transform_2, window_bounds = array<i64: 2, 1000, 64>}, {transform_indices = @transform_3, window_bounds = array<i64: 1000, 128>}, {pipeline_mode = #tpu.pipeline_mode<synchronous>, transform_indices = @transform_4, window_bounds = array<i64: 1, 128>}, {transform_indices = @transform_5, window_bounds = array<i64: 1000, 128>}]} {
    %get3A = arith.constant 0 : index
    %get3A_0 = arith.constant 0 : index
    %get3A_1 = vector.load %arg1[%get3A, %get3A_0] : memref<1000x80xf32, #tpu.memory_space<vmem>>, vector<1000x80xf32>
    %get3A_2 = arith.constant 0 : index
    %get3A_3 = arith.constant 0 : index
    %get3A_4 = vector.load %arg2[%get3A_2, %get3A_3] : memref<1000x80xf32, #tpu.memory_space<vmem>>, vector<1000x80xf32>
    %slice3A = vector.extract_strided_slice %get3A_1 {offsets = [0, 0], sizes = [1000, 64], strides = [1, 1]} : vector<1000x80xf32> to vector<1000x64xf32>
    %slice3A_5 = vector.extract_strided_slice %get3A_4 {offsets = [0, 0], sizes = [1000, 64], strides = [1, 1]} : vector<1000x80xf32> to vector<1000x64xf32>
    %concatenate3A = tpu.concatenate %slice3A, %slice3A_5 in 1 : vector<1000x64xf32>, vector<1000x64xf32> -> vector<1000x128xf32>
    %get3A_6 = arith.constant 0 : index
    %get3A_7 = arith.constant 0 : index
    %get3A_8 = arith.constant 0 : index
    %get3A_9 = vector.load %arg3[%get3A_6, %get3A_7, %get3A_8] : memref<2x1000x64xf32, #tpu.memory_space<vmem>>, vector<1x1000x64xf32>
    %get3A_10 = vector.shape_cast %get3A_9 : vector<1x1000x64xf32> to vector<1000x64xf32>
    %get3A_11 = arith.constant 1 : index
    %get3A_12 = arith.constant 0 : index
    %get3A_13 = arith.constant 0 : index
    %get3A_14 = vector.load %arg3[%get3A_11, %get3A_12, %get3A_13] : memref<2x1000x64xf32, #tpu.memory_space<vmem>>, vector<1x1000x64xf32>
    %get3A_15 = vector.shape_cast %get3A_14 : vector<1x1000x64xf32> to vector<1000x64xf32>
    %concatenate3A_16 = tpu.concatenate %get3A_10, %get3A_15 in 1 : vector<1000x64xf32>, vector<1000x64xf32> -> vector<1000x128xf32>
    %slice3A_17 = vector.extract_strided_slice %get3A_1 {offsets = [0, 64], sizes = [1000, 1], strides = [1, 1]} : vector<1000x80xf32> to vector<1000x1xf32>
    %slice3A_18 = vector.extract_strided_slice %get3A_1 {offsets = [0, 65], sizes = [1000, 1], strides = [1, 1]} : vector<1000x80xf32> to vector<1000x1xf32>
    %slice3A_19 = vector.extract_strided_slice %get3A_1 {offsets = [0, 66], sizes = [1000, 1], strides = [1, 1]} : vector<1000x80xf32> to vector<1000x1xf32>
    %get3A_20 = arith.constant 0 : index
    %get3A_21 = arith.constant 0 : index
    %get3A_22 = vector.load %arg4[%get3A_20, %get3A_21] : memref<1000x128xf32, #tpu.memory_space<vmem>>, vector<1000x128xf32>
    %max3A = arith.constant 1.000000e+00 : f32
    %max3A_23 = vector.broadcast %max3A : f32 to vector<1000x1xf32>
    %max3A_24 = arith.maximumf %slice3A_19, %max3A_23 : vector<1000x1xf32>
    %div3A = arith.divf %slice3A_18, %max3A_24 : vector<1000x1xf32>
    %add3A = vector.broadcast %div3A : vector<1000x1xf32> to vector<1000x128xf32>
    %add3A_25 = arith.addf %get3A_22, %add3A : vector<1000x128xf32>
    %mul3A = arith.constant 2.000000e-01 : f32
    %mul3A_26 = vector.broadcast %mul3A : f32 to vector<1000x128xf32>
    %mul3A_27 = arith.mulf %mul3A_26, %add3A_25 : vector<1000x128xf32>
    %max3A_28 = arith.maximumf %add3A_25, %mul3A_27 : vector<1000x128xf32>
    %exp3A = math.exp %max3A_28 : vector<1000x128xf32>
    %mul3A_29 = arith.mulf %exp3A, %concatenate3A_16 : vector<1000x128xf32>
    %add3A_30 = arith.addf %concatenate3A, %mul3A_29 : vector<1000x128xf32>
    %add3A_31 = vector.broadcast %slice3A_17 : vector<1000x1xf32> to vector<1000x128xf32>
    %add3A_32 = arith.addf %add3A_31, %exp3A : vector<1000x128xf32>
    %div3A_33 = arith.divf %add3A_30, %add3A_32 : vector<1000x128xf32>
    %get3A_34 = arith.constant 0 : index
    %get3A_35 = arith.constant 0 : index
    %get3A_36 = vector.load %arg5[%get3A_34, %get3A_35] : memref<1x128xf32, #tpu.memory_space<vmem>>, vector<1x128xf32>
    %add3A_37 = vector.broadcast %get3A_36 : vector<1x128xf32> to vector<1000x128xf32>
    %add3A_38 = arith.addf %div3A_33, %add3A_37 : vector<1000x128xf32>
    %max3A_39 = arith.constant 0.000000e+00 : f32
    %max3A_40 = vector.broadcast %max3A_39 : f32 to vector<1000x128xf32>
    %max3A_41 = arith.maximumf %add3A_38, %max3A_40 : vector<1000x128xf32>
    %swap3A = arith.constant 0 : index
    %swap3A_42 = arith.constant 0 : index
    %swap3A_43 = vector.load %arg6[%swap3A, %swap3A_42] : memref<1000x128xf32, #tpu.memory_space<vmem>>, vector<1000x128xf32>
    tpu.vector_store %arg6[%swap3A, %swap3A_42], %max3A_41 {strides = array<i32>} : memref<1000x128xf32, #tpu.memory_space<vmem>>, vector<1000x128xf32>,
    return
  }
  func.func @transform_0(%arg0: i32) -> (i32, i32) {
    %c0_i32 = arith.constant 0 : i32
    %c0_i32_0 = arith.constant 0 : i32
    return %arg0, %c0_i32 : i32, i32
  }
  func.func @transform_1(%arg0: i32) -> (i32, i32) {
    %c0_i32 = arith.constant 0 : i32
    %c0_i32_0 = arith.constant 0 : i32
    return %arg0, %c0_i32 : i32, i32
  }
  func.func @transform_2(%arg0: i32) -> (i32, i32, i32) {
    %c0_i32 = arith.constant 0 : i32
    %c0_i32_0 = arith.constant 0 : i32
    %c0_i32_1 = arith.constant 0 : i32
    return %c0_i32, %arg0, %c0_i32_0 : i32, i32, i32
  }
  func.func @transform_3(%arg0: i32) -> (i32, i32) {
    %c0_i32 = arith.constant 0 : i32
    %c0_i32_0 = arith.constant 0 : i32
    return %arg0, %c0_i32 : i32, i32
  }
  func.func @transform_4(%arg0: i32) -> (i32, i32) {
    %c0_i32 = arith.constant 0 : i32
    %c0_i32_0 = arith.constant 0 : i32
    %c0_i32_1 = arith.constant 0 : i32
    return %c0_i32, %c0_i32_0 : i32, i32
  }
  func.func @transform_5(%arg0: i32) -> (i32, i32) {
    %c0_i32 = arith.constant 0 : i32
    %c0_i32_0 = arith.constant 0 : i32
    return %arg0, %c0_i32 : i32, i32
  }
}

module attributes {stable_mosaic.version = 14 : i64} {
  func.func @_tcp_body(%arg0: i32, %arg1: memref<1000x128xf32, #tpu.memory_space<vmem>>, %arg2: memref<1x1x1000xi32, #tpu.memory_space<vmem>>, %arg3: memref<16x128xf32, #tpu.memory_space<vmem>>, %arg4: memref<16x128xf32, #tpu.memory_space<vmem>>, %arg5: memref<16x128xf32, #tpu.memory_space<vmem>>) attributes {dimension_semantics = [#tpu.dimension_semantics<arbitrary>], iteration_bounds = array<i64: 10>, scalar_prefetch = 0 : i64, scratch_operands = 2 : i64, tpu.core_type = #tpu.core_type<tc>, window_params = [{transform_indices = @transform_0, window_bounds = array<i64: 1000, 128>}, {transform_indices = @transform_1, window_bounds = array<i64: 1, 1, 1000>}, {pipeline_mode = #tpu.pipeline_mode<synchronous>, transform_indices = @transform_2, window_bounds = array<i64: 16, 128>}]} {
    %eq3A = arith.constant 0 : i32
    %eq3A_0 = arith.cmpi eq, %arg0, %eq3A : i32
    %convert_element_type3A = arith.extui %eq3A_0 : i1 to i32
    %cond3A = arith.constant 0 : i32
    %cond3A_1 = arith.cmpi ne, %convert_element_type3A, %cond3A : i32
    scf.if %cond3A_1 {
      %broadcast_in_dim3A_37 = arith.constant 0.000000e+00 : f32
      %broadcast_in_dim3A_38 = vector.broadcast %broadcast_in_dim3A_37 : f32 to vector<16x128xf32>
      %swap3A_39 = arith.constant 0 : index
      %swap3A_40 = arith.constant 0 : index
      %swap3A_41 = vector.load %arg4[%swap3A_39, %swap3A_40] : memref<16x128xf32, #tpu.memory_space<vmem>>, vector<16x128xf32>
      tpu.vector_store %arg4[%swap3A_39, %swap3A_40], %broadcast_in_dim3A_38 {strides = array<i32>} : memref<16x128xf32, #tpu.memory_space<vmem>>, vector<16x128xf32>,
      %broadcast_in_dim3A_42 = arith.constant 0.000000e+00 : f32
      %broadcast_in_dim3A_43 = vector.broadcast %broadcast_in_dim3A_42 : f32 to vector<16x128xf32>
      %swap3A_44 = arith.constant 0 : index
      %swap3A_45 = arith.constant 0 : index
      %swap3A_46 = vector.load %arg5[%swap3A_44, %swap3A_45] : memref<16x128xf32, #tpu.memory_space<vmem>>, vector<16x128xf32>
      tpu.vector_store %arg5[%swap3A_44, %swap3A_45], %broadcast_in_dim3A_43 {strides = array<i32>} : memref<16x128xf32, #tpu.memory_space<vmem>>, vector<16x128xf32>,
    } else {
    }
    %get3A = arith.constant 0 : index
    %get3A_2 = arith.constant 0 : index
    %get3A_3 = arith.constant 0 : index
    %get3A_4 = vector.load %arg2[%get3A, %get3A_2, %get3A_3] : memref<1x1x1000xi32, #tpu.memory_space<vmem>>, vector<1x1x1000xi32>
    %get3A_5 = vector.shape_cast %get3A_4 : vector<1x1x1000xi32> to vector<1x1000xi32>
    %iota3A = tpu.iota {dimensions = array<i32: 0>} : vector<16x1000xi32>
    %broadcast_in_dim3A = vector.shape_cast %get3A_5 : vector<1x1000xi32> to vector<1x1000xi32>
    %broadcast_in_dim3A_6 = vector.broadcast %broadcast_in_dim3A : vector<1x1000xi32> to vector<16x1000xi32>
    %eq3A_7 = arith.cmpi eq, %broadcast_in_dim3A_6, %iota3A : vector<16x1000xi32>
    %convert_element_type3A_8 = arith.extui %eq3A_7 : vector<16x1000xi1> to vector<16x1000xi32>
    %convert_element_type3A_9 = arith.sitofp %convert_element_type3A_8 : vector<16x1000xi32> to vector<16x1000xf32>
    %get3A_10 = arith.constant 0 : index
    %get3A_11 = arith.constant 0 : index
    %get3A_12 = vector.load %arg4[%get3A_10, %get3A_11] : memref<16x128xf32, #tpu.memory_space<vmem>>, vector<16x128xf32>
    %get3A_13 = arith.constant 0 : index
    %get3A_14 = arith.constant 0 : index
    %get3A_15 = vector.load %arg1[%get3A_13, %get3A_14] : memref<1000x128xf32, #tpu.memory_space<vmem>>, vector<1000x128xf32>
    %dot_general3A = arith.constant dense<0.000000e+00> : vector<16x128xf32>
    %dot_general3A_16 = tpu.matmul %convert_element_type3A_9, %get3A_15, %dot_general3A {dimension_numbers = #tpu.dot_dimension_numbers<[1], [0], [0], [1], [0, 0, 1, 1], [], []>, transpose_lhs_hint = false} : vector<16x1000xf32>, vector<1000x128xf32>, vector<16x128xf32> -> vector<16x128xf32>
    %add3A = arith.addf %get3A_12, %dot_general3A_16 : vector<16x128xf32>
    %swap3A = arith.constant 0 : index
    %swap3A_17 = arith.constant 0 : index
    %swap3A_18 = vector.load %arg4[%swap3A, %swap3A_17] : memref<16x128xf32, #tpu.memory_space<vmem>>, vector<16x128xf32>
    tpu.vector_store %arg4[%swap3A, %swap3A_17], %add3A {strides = array<i32>} : memref<16x128xf32, #tpu.memory_space<vmem>>, vector<16x128xf32>,
    %get3A_19 = arith.constant 0 : index
    %get3A_20 = arith.constant 0 : index
    %get3A_21 = vector.load %arg5[%get3A_19, %get3A_20] : memref<16x128xf32, #tpu.memory_space<vmem>>, vector<16x128xf32>
    %reduce_sum3A = arith.constant dense<0.000000e+00> : vector<16xf32>
    %reduce_sum3A_22 = vector.multi_reduction <add>, %convert_element_type3A_9, %reduce_sum3A [1] : vector<16x1000xf32> to vector<16xf32>
    %broadcast_in_dim3A_23 = vector.shape_cast %reduce_sum3A_22 : vector<16xf32> to vector<16x1xf32>
    %broadcast_in_dim3A_24 = arith.constant 1.000000e+00 : f32
    %broadcast_in_dim3A_25 = vector.broadcast %broadcast_in_dim3A_24 : f32 to vector<1x128xf32>
    %mul3A = vector.broadcast %broadcast_in_dim3A_23 : vector<16x1xf32> to vector<16x128xf32>
    %mul3A_26 = vector.broadcast %broadcast_in_dim3A_25 : vector<1x128xf32> to vector<16x128xf32>
    %mul3A_27 = arith.mulf %mul3A, %mul3A_26 : vector<16x128xf32>
    %add3A_28 = arith.addf %get3A_21, %mul3A_27 : vector<16x128xf32>
    %swap3A_29 = arith.constant 0 : index
    %swap3A_30 = arith.constant 0 : index
    %swap3A_31 = vector.load %arg5[%swap3A_29, %swap3A_30] : memref<16x128xf32, #tpu.memory_space<vmem>>, vector<16x128xf32>
    tpu.vector_store %arg5[%swap3A_29, %swap3A_30], %add3A_28 {strides = array<i32>} : memref<16x128xf32, #tpu.memory_space<vmem>>, vector<16x128xf32>,
    %eq3A_32 = arith.constant 9 : i32
    %eq3A_33 = arith.cmpi eq, %arg0, %eq3A_32 : i32
    %convert_element_type3A_34 = arith.extui %eq3A_33 : i1 to i32
    %cond3A_35 = arith.constant 0 : i32
    %cond3A_36 = arith.cmpi ne, %convert_element_type3A_34, %cond3A_35 : i32
    scf.if %cond3A_36 {
      %get3A_37 = arith.constant 0 : index
      %get3A_38 = arith.constant 0 : index
      %get3A_39 = vector.load %arg4[%get3A_37, %get3A_38] : memref<16x128xf32, #tpu.memory_space<vmem>>, vector<16x128xf32>
      %get3A_40 = arith.constant 0 : index
      %get3A_41 = arith.constant 0 : index
      %get3A_42 = vector.load %arg5[%get3A_40, %get3A_41] : memref<16x128xf32, #tpu.memory_space<vmem>>, vector<16x128xf32>
      %max3A = arith.constant 1.000000e+00 : f32
      %max3A_43 = vector.broadcast %max3A : f32 to vector<16x128xf32>
      %max3A_44 = arith.maximumf %get3A_42, %max3A_43 : vector<16x128xf32>
      %div3A = arith.divf %get3A_39, %max3A_44 : vector<16x128xf32>
      %swap3A_45 = arith.constant 0 : index
      %swap3A_46 = arith.constant 0 : index
      %swap3A_47 = vector.load %arg3[%swap3A_45, %swap3A_46] : memref<16x128xf32, #tpu.memory_space<vmem>>, vector<16x128xf32>
      tpu.vector_store %arg3[%swap3A_45, %swap3A_46], %div3A {strides = array<i32>} : memref<16x128xf32, #tpu.memory_space<vmem>>, vector<16x128xf32>,
    } else {
    }
    return
  }
  func.func @transform_0(%arg0: i32) -> (i32, i32) {
    %c0_i32 = arith.constant 0 : i32
    %c0_i32_0 = arith.constant 0 : i32
    return %arg0, %c0_i32 : i32, i32
  }
  func.func @transform_1(%arg0: i32) -> (i32, i32, i32) {
    %c0_i32 = arith.constant 0 : i32
    %c0_i32_0 = arith.constant 0 : i32
    %c0_i32_1 = arith.constant 0 : i32
    return %arg0, %c0_i32, %c0_i32_0 : i32, i32, i32
  }
  func.func @transform_2(%arg0: i32) -> (i32, i32) {
    %c0_i32 = arith.constant 0 : i32
    %c0_i32_0 = arith.constant 0 : i32
    %c0_i32_1 = arith.constant 0 : i32
    return %c0_i32, %c0_i32_0 : i32, i32
  }
}

</mosaic_0001>

<sc_bundles>
// kernel: kernel.13.cloned.1.call-start
scs
__scs_entry_jumppad:
0x0: {  	(pc) =	sbr.rel $0x88, $3  }
0x1: {  	(tag) =	ssettag $0x0;
	lr =	simm.s32 $0x1  }
0x2: {  	[smem:$0x3F95] =	sst lr;
	_ =	strace $0xD0000000  }
0x3: {  	_ = 	snop  }
0x4: {  	_ = 	snop  }
0x5: {  	_ = 	snop  }
0x6: {  	_ = 	snop  }
0x7: {  	_ = 	snop  }
__scs_overlays_trampoline_lowered:
0x8: {  	[smem:$0x3FA4] =	sst s0  }
0x9: {  	[smem:$0x3FA5] =	sst s1  }
0xa: {  	[smem:$0x3FA6] =	sst s2  }
0xb: {  	[smem:$0x3FA7] =	sst s3  }
0xc: {  	[smem:$0x3FA8] =	sst s4  }
0xd: {  	[smem:$0x3FA9] =	sst s5  }
0xe: {  	[smem:$0x3FAA] =	sst s6  }
0xf: {  	[smem:$0x3FAB] =	sst s7  }
0x10: {  	[smem:$0x3FAC] =	sst s8  }
0x11: {  	[smem:$0x3FAD] =	sst s9;
	s0 =	simm.s32 @!p0 $0x0  }
0x12: {  	s1 =	sld [smem:$0x3F93];
	s0 =	simm.s32 @p0 $0x1  }
0x13: {  	[smem:$0x3FAE] =	sst s0;
	s0 =	simm.s32 @!p1 $0x0  }
0x14: {  	s2 =	sld [smem:$0x3F92];
	s0 =	simm.s32 @p1 $0x1  }
0x15: {  	[smem:$0x3FAF] =	sst s0;
	s0 =	simm.s32 @!p2 $0x0  }
0x16: {  	s3 =	sld [smem:$0x3FDB];
	s0 =	simm.s32 @p2 $0x1  }
0x17: {  	s4 =	simm.s32 $0x1BF5;
	[smem:$0x3FB1] =	sst s0  }
0x18: {  	s0 =	sld [smem:$0x3F94];
	_ =	swait.ge [sflag:s4], $0x0  }
0x19: {  	s7 =	sld [smem:$0x3F95]  }
0x1a: {  	s8 =	sadd.s32 $0xFFFFE003, lr  }
0x1b: {  	s9 =	sadd.s32 $0xFFFFFEF7, lr;
	s5 =	simm.s32 $0xFFFFFFFF;
	p2 =	slt.u32 s8, $0xFFFFF086  }
0x1c: {  	p1 =	slt.u32 s9, $0xF7A;
	s5 =	simm.s32 @!p2 $0x0  }
0x1d: {  	s5 =	simm.s32 @p1 $0x1;
	p0 =	seq.s32 s7, s2  }
0x1e: {  	s7 =	smul.u32 @!p0 $0xF7A, s2;
	p2 =	seq.s32 @!p0 s5, $0x0  }
0x1f: {  	s9 =	smul.u32 $0xF7A, s1;
	s8 =	simm.s32 @!p0 $0x1BF5;
	p2 =	por !p2, p0  }
0x20: {  	[sflag:s8] =	ssyncset.s32 @!p0 $0xFFFFF086;
	s6 =	sadd.s32 @!p0 s3, s7;
	s7 =	simm.s32 @!p0 $0x108  }
0x21: {  	s3 =	sadd.s32 s3, s9;
	s6 =	sadd.s32 @!p0 $0x88, s6;
	s7 =	simm.s32 @p2 $0x1082  }
0x22: {  	[simem:s7], [sflag:s8] =	dma.local @!p0 [hbm:s6], $0xF7A  }
0x23: {  	s9 =	sor.u32 $0xD0000000, s2;
	s6 =	simm.s32 $0x108;
	_ =	swait.ge @!p0 [sflag:s8], $0x0  }
0x24: {  	s3 =	sadd.s32 $0x88, s3;
	s6 =	simm.s32 @!p1 $0x1082;
	[sflag:s4] =	ssyncset.s32 $0xFFFFF086  }
0x25: {  	[simem:s6], [sflag:s4] =	dma.local [hbm:s3], $0xF7A  }
0x26: {  	[smem:$0x3F95] =	sst s1;
	(tag) =	ssettag s2;
	_ =	strace s9  }
0x27: {  	s1 =	sld [smem:$0x3FA5]  }
0x28: {  	s2 =	sld [smem:$0x3FA6]  }
0x29: {  	s4 =	sld [smem:$0x3FA8]  }
0x2a: {  	p0 =	seq.s32 s5, $0x0;
	s5 =	sld [smem:$0x3FA9]  }
0x2b: {  	s6 =	sld [smem:$0x3FAA]  }
0x2c: {  	s7 =	sld [smem:$0x3FAB]  }
0x2d: {  	s3 =	simm.s32 $0x108;
	s8 =	sld [smem:$0x3FAC]  }
0x2e: {  	s3 =	simm.s32 @!p0 $0x1082;
	s9 =	sld [smem:$0x3FAD]  }
0x2f: {  	lr =	sadd.s32 s0, s3;
	s0 =	sld [smem:$0x3FA4]  }
0x30: {  	s3 =	sld [smem:$0x3FA7]  }
0x31: {  	[smem:$0x3FB0] =	sst s10  }
0x32: {  	s10 =	sld [smem:$0x3FAE];
	_ =	sdelay $0x3  }
0x33: {  	p0 =	seq.s32 s10, $0x1;
	s10 =	sld [smem:$0x3FB0];
	_ =	sdelay $0x3  }
0x34: {  	[smem:$0x3FB0] =	sst s10  }
0x35: {  	s10 =	sld [smem:$0x3FAF];
	_ =	sdelay $0x3  }
0x36: {  	p1 =	seq.s32 s10, $0x1;
	s10 =	sld [smem:$0x3FB0];
	_ =	sdelay $0x3  }
0x37: {  	[smem:$0x3FB0] =	sst s10  }
0x38: {  	s10 =	sld [smem:$0x3FB1]  }
0x39: {  	_ = 	snop;
	(pc) =	sbr.ind lr, $3  }
0x3a: {  	_ = 	snop  }
0x3b: {  	_ = 	snop  }
0x3c: {  	p2 =	seq.s32 s10, $0x1;
	s10 =	sld [smem:$0x3FB0]  }
0x3d: {  	_ =	shalt  }
0x3e: {  	_ =	shalt  }
0x3f: {  	_ =	shalt  }
0x40: {  	_ =	shalt  }
0x41: {  	_ =	shalt  }
0x42: {  	_ =	shalt  }
0x43: {  	_ =	shalt  }
0x44: {  	_ =	shalt  }
0x45: {  	_ =	shalt  }
0x46: {  	_ =	shalt  }
0x47: {  	_ =	shalt  }
0x48: {  	_ =	shalt  }
0x49: {  	_ =	shalt  }
0x4a: {  	_ =	shalt  }
0x4b: {  	_ =	shalt  }
0x4c: {  	_ =	shalt  }
0x4d: {  	_ =	shalt  }
0x4e: {  	_ =	shalt  }
0x4f: {  	_ =	shalt  }
0x50: {  	_ =	shalt  }
0x51: {  	_ =	shalt  }
0x52: {  	_ =	shalt  }
0x53: {  	_ =	shalt  }
0x54: {  	_ =	shalt  }
0x55: {  	_ =	shalt  }
0x56: {  	_ =	shalt  }
0x57: {  	_ =	shalt  }
0x58: {  	_ =	shalt  }
0x59: {  	_ =	shalt  }
0x5a: {  	_ =	shalt  }
0x5b: {  	_ =	shalt  }
0x5c: {  	_ =	shalt  }
0x5d: {  	_ =	shalt  }
0x5e: {  	_ =	shalt  }
0x5f: {  	_ =	shalt  }
0x60: {  	_ =	shalt  }
0x61: {  	_ =	shalt  }
0x62: {  	_ =	shalt  }
0x63: {  	_ =	shalt  }
0x64: {  	_ =	shalt  }
0x65: {  	_ =	shalt  }
0x66: {  	_ =	shalt  }
0x67: {  	_ =	shalt  }
0x68: {  	_ =	shalt  }
0x69: {  	_ =	shalt  }
0x6a: {  	_ =	shalt  }
0x6b: {  	_ =	shalt  }
0x6c: {  	_ =	shalt  }
0x6d: {  	_ =	shalt  }
0x6e: {  	_ =	shalt  }
0x6f: {  	_ =	shalt  }
0x70: {  	_ =	shalt  }
0x71: {  	_ =	shalt  }
0x72: {  	_ =	shalt  }
0x73: {  	_ =	shalt  }
0x74: {  	_ =	shalt  }
0x75: {  	_ =	shalt  }
0x76: {  	_ =	shalt  }
0x77: {  	_ =	shalt  }
0x78: {  	_ =	shalt  }
0x79: {  	_ =	shalt  }
0x7a: {  	_ =	shalt  }
0x7b: {  	_ =	shalt  }
0x7c: {  	_ =	shalt  }
0x7d: {  	_ =	shalt  }
0x7e: {  	_ =	shalt  }
0x7f: {  	_ =	shalt  }
0x80: {  	_ =	shalt  }
0x81: {  	_ =	shalt  }
0x82: {  	_ =	shalt  }
0x83: {  	_ =	shalt  }
0x84: {  	_ =	shalt  }
0x85: {  	_ =	shalt  }
0x86: {  	_ =	shalt  }
0x87: {  	_ =	shalt  }
.Lfunc_end0:
.L_simem_size_0:
called_computation_lowered:
.L_overlay_start_0:
0x88: {  	s2 =	sld [smem:$0x3FD9]  }
0x89: {  	s3 =	sld [smem:$0x3FFE];
	_ =	sdelay $0x1  }
0x8a: {  	s1 =	srdreg.scid  }
0x8b: {  	s0 =	sand.u32 $0x1, s1  }
0x8c: {  	s17 =	sshll.u32 s0, $0xA;
	s2 =	sadd.s32 s3, s2  }
0x8d: {  	s2 =	sadd.s32 s2, s17  }
0x8e: {  	[smem:$0x3FBC] =	sst s2  }
0x8f: {  	_ = 	snop  }
0x90: {  	s2 =	sld [smem:$0x3FD0];
	(tm) =	ssettm $0x1  }
0x91: {  	s18 =	sld [smem:$0x3FFB];
	_ =	sdelay $0x3  }
0x92: {  	_ =	strace s18  }
0x93: {  	s3 =	sld [smem:$0x3FFC];
	_ =	sdelay $0x3  }
0x94: {  	_ =	strace s3  }
0x95: {  	s3 =	sld [smem:$0x3FFD];
	_ =	sdelay $0x3  }
0x96: {  	_ =	strace s3  }
0x97: {  	_ =	strace $0x8FFFFFFF  }
0x98: {  	s19 =	sld [smem:$0x3FDB];
	_ =	sdelay $0x1  }
0x99: {  	s4 =	simm.s32 $_scs_section_size  }
0x9a: {  	s5 =	simm.s32 $_size__tile_overlayer_lowered;
	s6 =	simm.s32 $_tile_overlayer_lowered  }
0x9b: {  	s22 =	simm.s32 $0x1BFF;
	s21 =	sshll.u32 s6, $0x1;
	s3 =	sadd.s32 s4, s19  }
0x9c: {  	s7 =	simm.s32 $0x0;
	s20 =	sshll.u32 s5, $0x1;
	s5 =	sadd.s32 s21, s3  }
0x9d: {  	[timem:s7], [sflag:s22] =	dma.local [hbm:s5], s20  }
0x9e: {  	_ =	swait.ge [sflag:s22], s20  }
0x9f: {  	s4 =	ssub.s32 $0x0, s20;
	[sflag:s22] =	ssyncset.done $0x0  }
0xa0: {  	[sflag:s22] =	ssyncadd.s32 s4;
	_ =	sdelay $0x1  }
0xa1: {  	s23 =	simm.s32 $0x1B8B  }
0xa2: {  	_ =	swait.ge [sflag:s23], $0x1  }
0xa3: {  	[sflag:s23] =	ssyncset.done $0x0  }
0xa4: {  	s25 =	simm.s32 $0x1B8E;
	s24 =	sld [smem:$0x3FFE];
	[sflag:s23] =	ssyncadd.s32 $0xFFFFFFFF  }
0xa5: {  	s26 =	simm.s32 $execute0_lowered;
	[smem:$0x3FD2] =	sst s25  }
0xa6: {  	s5 =	sshll.u32 s26, $0x1;
	_ =	strace $0x80000046;
	[dreg:$0x1] =	wrdreg $0xFFFFFFFF  }
0xa7: {  	s28 =	simm.s32 $_size_execute0_lowered;
	s3 =	sadd.s32 s3, s5;
	[dreg:$0x0] =	wrdreg $0x0  }
0xa8: {  	s5 =	sshll.u32 s28, $0x1;
	[dreg:$0x2] =	wrdreg s3  }
0xa9: {  	[dreg:$0x3] =	wrdreg s5  }
0xaa: {  	[dreg:$0x4] =	wrdreg $0xC0  }
0xab: {  	_ =	task [dreg:s7], $0x5FFFF  }
0xac: {  	[dreg:$0x1] =	wrdreg $0xFFFFFFFF  }
0xad: {  	[dreg:$0x0] =	wrdreg $0x60  }
0xae: {  	[dreg:$0x2] =	wrdreg s24  }
0xaf: {  	[dreg:$0x3] =	wrdreg s2  }
0xb0: {  	[dreg:$0x4] =	wrdreg $0x115200  }
0xb1: {  	[dreg:$0x5] =	wrdreg $0x9  }
0xb2: {  	_ =	task.clear_ibuf [dreg:s7], $0x6FFFF;
	_ =	strace $0x90000046  }
0xb3: {  	s29 =	simm.s32 $0x9;
	_ =	strace $0x80000048  }
0xb4: {  	_ =	swait.ge [sflag:s29], $0x1  }
0xb5: {  	[sflag:s29] =	ssyncadd.s32 $0xFFFFFFFF  }
0xb6: {  	_ =	strace $0x90000048  }
0xb7: {  	_ =	sfence  }
0xb8: {  	s30 =	sld [smem:$0x0];
	_ =	sdelay $0x2  }
0xb9: {  	s31 =	sshll.u32 s1, $0xD;
	s1 =	sshrl.u32 s1, $0x2  }
0xba: {  	s3 =	sand.u32 $0x4000, s31;
	s1 =	sadd.s32 s1, s30  }
0xbb: {  	s0 =	sor.u32 s3, s0;
	s1 =	sshll.u32 s1, $0x11  }
0xbc: {  	s0 =	sor.u32 s1, s0  }
0xbd: {  	s0 =	sadd.s32 $0x8F2B, s0  }
0xbe: {  	[sflag:s0] =	ssyncadd.remote.s32 $0x1  }
0xbf: {  	_ =	sfence.sel $0xFFFF  }
0xc0: {  	[dreg:$0x0] =	wrdreg $0xFFFFFFFF;
	(pc) =	sbr.abs _section_cstart, $3  }
0xc1: {  	[dreg:$0x1] =	wrdreg $0xFFFFFFFF  }
0xc2: {  	_ =	task.clear_ibuf [dreg:s7], $0x2FFFF;
	_ =	strace $0x9FFFFFFF  }
0xc3: {  	(tm) =	ssettm $0x7FFFFFFF  }
tec
execute0_lowered:
.L_overlay_start_1:
0x0: {  	(tag) =	ssettag $0x1  }
0x1: {  	s0 =	rddreg [dreg:$0x0]  }
0x2: {  	s2 =	rddreg [dreg:$0x2];
	s4 =	simm.s32 $0x0  }
0x3: {  	[smem:$0x7FF] =	sst s4;
	s6 =	sadd.s32 $0x8E200, s0  }
0x4: {  	s25 =	sadd.s32 $0x8E27D, s0;
	_ =	strace $0x80000047;
	[dreg:$0x4] =	wrdreg s6  }
0x5: {  	s26 =	sadd.s32 $0x8E5E8, s0;
	[dreg:$0x5] =	wrdreg s25  }
0x6: {  	s30 =	sadd.s32 $0x8E665, s0;
	[dreg:$0x6] =	wrdreg s26  }
0x7: {  	s31 =	sadd.s32 $0x8E9D0, s0;
	[dreg:$0x7] =	wrdreg s30  }
0x8: {  	s10 =	sadd.s32 $0x8EA4D, s0;
	[dreg:$0x8] =	wrdreg s31  }
0x9: {  	s11 =	sadd.s32 $0x8EDB8, s0;
	[dreg:$0x9] =	wrdreg s10  }
0xa: {  	s12 =	sadd.s32 $0x8EE35, s0;
	[dreg:$0xa] =	wrdreg s11  }
0xb: {  	s13 =	sadd.s32 $0x8F1A0, s0;
	[dreg:$0xb] =	wrdreg s12  }
0xc: {  	s14 =	sadd.s32 $0x8F21D, s0;
	[dreg:$0xc] =	wrdreg s13  }
0xd: {  	s1 =	srdreg.scid;
	s15 =	sadd.s32 $0x8F588, s0;
	[dreg:$0xd] =	wrdreg s14  }
0xe: {  	s9 =	stileid.u32;
	s16 =	sadd.s32 $0x8F605, s0;
	[dreg:$0xe] =	wrdreg s15  }
0xf: {  	s1 =	sand.u32 $0x1, s1;
	s17 =	sadd.s32 $0x8F970, s0;
	[dreg:$0xf] =	wrdreg s16  }
0x10: {  	s7 =	smul.u32 $0xC800, s9;
	s18 =	sadd.s32 $0x8F9ED, s0;
	[dreg:$0x10] =	wrdreg s17  }
0x11: {  	s19 =	sadd.s32 $0x8FD58, s0;
	s21 =	smul.u32 $0x1D4C0, s9;
	[dreg:$0x11] =	wrdreg s18  }
0x12: {  	s20 =	sadd.s32 $0x8FDD5, s0;
	s22 =	sadd.s32 $0x90140, s0;
	[dreg:$0x12] =	wrdreg s19  }
0x13: {  	s23 =	sadd.s32 $0x901BD, s0;
	s9 =	smul.u32 $0x32000, s9;
	[dreg:$0x13] =	wrdreg s20  }
0x14: {  	s24 =	sadd.s32 $0x90528, s0;
	s3 =	smul.u32 $0x13880, s1;
	[dreg:$0x14] =	wrdreg s22  }
0x15: {  	s5 =	smul.u32 $0xC8000, s1;
	s1 =	ssub.s32 $0x2, s1;
	[dreg:$0x15] =	wrdreg s23  }
0x16: {  	s6 =	sadd.s32 $0x5600, s0;
	[dreg:$0x16] =	wrdreg s24;
	s10 =	simm.s32 $0x4  }
0x17: {  	s11 =	simm.s32 $0x2;
	s12 =	simm.s32 $0xB120;
	s13 =	simm.s32 $0xA0  }
0x18: {  	s14 =	simm.s32 $0x1;
	s15 =	simm.s32 $0x3;
	s16 =	simm.s32 $0x0  }
0x19: {  	s8 =	sshrl.u32 s1, $0x1;
	s25 =	sshrl.u32 s21, $0x3;
	s30 =	sadd.s32 s7, s2  }
0x1a: {  	s31 =	sshrl.u32 s9, $0x2;
	s9 =	simm.s32 $0x2710;
	s3 =	sadd.s32 s3, s0  }
0x1b: {  	s5 =	sadd.s32 s7, s5;
	s1 =	ssub.s32 s1, s8;
	s28 =	sadd.s32 s6, s25  }
0x1c: {  	s5 =	sshrl.u32 s5, $0x3;
	s29 =	sadd.s32 $0x90A00, s3;
	s1 =	smax.u32 s1, $0x1  }
0x1d: {  	v0 =	vlaneseq.u32;
	s5 =	sadd.s32 s5, s0;
	s0 =	sadd.s32 $0x905A5, s0;
	[dreg:$0x19] =	wrdreg s1  }
0x1e: {  	v3 =	vmul.u32 $0x50, v0;
	s3 =	sadd.s32 $0x78, s28;
	[dreg:$0x17] =	wrdreg s0;
	s26 =	sadd.s32 $0xB7C00, s5  }
0x1f: {  	v4 =	vimm.f32 $1.000000000e+00;
	v0 =	vimm.f32 $0.0e+00;
	s1 =	sshrl.u32 s30, $0x3;
	s0 =	sadd.s32 s31, s2;
	[dreg:$0x18] =	wrdreg s26  }
0x20: {  	v1 =	vadd.s32 $0x40, v3;
	v2 =	vadd.s32 $0x41, v3;
	v3 =	vadd.s32 $0x42, v3;
	s5 =	sadd.s32 $0x3200, s0;
	s7 =	sadd.s32 $0x6400, s0;
	s8 =	sadd.s32 $0x9600, s0  }
.LBB2_1:
0x21: {  	s17 =	rddreg [dreg:$0x4]  }
0x22: {  	[tilespmem:s4], [sflag:$0x2] =	stream.linear.gather [hbm4b:s17+s4], $0x3E8, $0x38;
	[tilespmem:$0x1DD20] =	vst v63  }
0x23: {  	s20 =	rddreg [dreg:$0x5]  }
0x24: {  	[tilespmem:s9], [sflag:$0x2] =	stream.linear.gather [hbm4b:s20+s4], $0x3E8, $0x38;
	[tilespmem:$0x1DD20] =	vst v63  }
0x25: {  	s22 =	rddreg [dreg:$0x6];
	s18 =	simm.s32 $0x3E8  }
0x26: {  	[tilespmem:s18], [sflag:$0x2] =	stream.linear.gather [hbm4b:s22+s4], $0x3E8, $0x38;
	[tilespmem:$0x1DD20] =	vst v63  }
0x27: {  	s23 =	rddreg [dreg:$0x7];
	s24 =	simm.s32 $0x2AF8  }
0x28: {  	[tilespmem:s24], [sflag:$0x2] =	stream.linear.gather [hbm4b:s23+s4], $0x3E8, $0x38;
	[tilespmem:$0x1DD20] =	vst v63  }
0x29: {  	s25 =	rddreg [dreg:$0x8];
	s26 =	simm.s32 $0x7D0  }
0x2a: {  	[tilespmem:s26], [sflag:$0x2] =	stream.linear.gather [hbm4b:s25+s4], $0x3E8, $0x38;
	[tilespmem:$0x1DD20] =	vst v63  }
0x2b: {  	s30 =	rddreg [dreg:$0x9];
	s31 =	simm.s32 $0x2EE0  }
0x2c: {  	[tilespmem:s31], [sflag:$0x2] =	stream.linear.gather [hbm4b:s30+s4], $0x3E8, $0x38;
	[tilespmem:$0x1DD20] =	vst v63  }
0x2d: {  	s19 =	simm.s32 $0xBB8;
	s18 =	rddreg [dreg:$0xa]  }
0x2e: {  	[tilespmem:s19], [sflag:$0x2] =	stream.linear.gather [hbm4b:s18+s4], $0x3E8, $0x38;
	[tilespmem:$0x1DD20] =	vst v63  }
0x2f: {  	s20 =	rddreg [dreg:$0xb];
	s22 =	simm.s32 $0x32C8  }
0x30: {  	[tilespmem:s22], [sflag:$0x2] =	stream.linear.gather [hbm4b:s20+s4], $0x3E8, $0x38;
	[tilespmem:$0x1DD20] =	vst v63  }
0x31: {  	s23 =	rddreg [dreg:$0xc];
	s24 =	simm.s32 $0xFA0  }
0x32: {  	[tilespmem:s24], [sflag:$0x2] =	stream.linear.gather [hbm4b:s23+s4], $0x3E8, $0x38;
	[tilespmem:$0x1DD20] =	vst v63  }
0x33: {  	s25 =	rddreg [dreg:$0xd];
	s26 =	simm.s32 $0x36B0  }
0x34: {  	[tilespmem:s26], [sflag:$0x2] =	stream.linear.gather [hbm4b:s25+s4], $0x3E8, $0x38;
	[tilespmem:$0x1DD20] =	vst v63  }
0x35: {  	s30 =	rddreg [dreg:$0xe];
	s31 =	simm.s32 $0x1388  }
0x36: {  	[tilespmem:s31], [sflag:$0x2] =	stream.linear.gather [hbm4b:s30+s4], $0x3E8, $0x38;
	[tilespmem:$0x1DD20] =	vst v63  }
0x37: {  	s18 =	rddreg [dreg:$0xf];
	s19 =	simm.s32 $0x3A98  }
0x38: {  	[tilespmem:s19], [sflag:$0x2] =	stream.linear.gather [hbm4b:s18+s4], $0x3E8, $0x38;
	[tilespmem:$0x1DD20] =	vst v63  }
0x39: {  	s20 =	rddreg [dreg:$0x10];
	s22 =	simm.s32 $0x1770  }
0x3a: {  	[tilespmem:s22], [sflag:$0x2] =	stream.linear.gather [hbm4b:s20+s4], $0x3E8, $0x38;
	[tilespmem:$0x1DD20] =	vst v63  }
0x3b: {  	s23 =	rddreg [dreg:$0x11];
	s24 =	simm.s32 $0x3E80  }
0x3c: {  	[tilespmem:s24], [sflag:$0x2] =	stream.linear.gather [hbm4b:s23+s4], $0x3E8, $0x38;
	[tilespmem:$0x1DD20] =	vst v63  }
0x3d: {  	s25 =	rddreg [dreg:$0x12];
	s26 =	simm.s32 $0x1B58  }
0x3e: {  	[tilespmem:s26], [sflag:$0x2] =	stream.linear.gather [hbm4b:s25+s4], $0x3E8, $0x38;
	[tilespmem:$0x1DD20] =	vst v63  }
0x3f: {  	s30 =	rddreg [dreg:$0x13];
	s31 =	simm.s32 $0x4268  }
0x40: {  	[tilespmem:s31], [sflag:$0x2] =	stream.linear.gather [hbm4b:s30+s4], $0x3E8, $0x38;
	[tilespmem:$0x1DD20] =	vst v63  }
0x41: {  	s18 =	rddreg [dreg:$0x14];
	s19 =	simm.s32 $0x1F40  }
0x42: {  	[tilespmem:s19], [sflag:$0x2] =	stream.linear.gather [hbm4b:s18+s4], $0x3E8, $0x38;
	[tilespmem:$0x1DD20] =	vst v63  }
0x43: {  	s20 =	rddreg [dreg:$0x15];
	s22 =	simm.s32 $0x4650  }
0x44: {  	[tilespmem:s22], [sflag:$0x2] =	stream.linear.gather [hbm4b:s20+s4], $0x3E8, $0x38;
	[tilespmem:$0x1DD20] =	vst v63  }
0x45: {  	s23 =	rddreg [dreg:$0x16];
	s24 =	simm.s32 $0x2328  }
0x46: {  	[tilespmem:s24], [sflag:$0x2] =	stream.linear.gather [hbm4b:s23+s4], $0x3E8, $0x38;
	[tilespmem:$0x1DD20] =	vst v63  }
0x47: {  	s25 =	rddreg [dreg:$0x17];
	s26 =	simm.s32 $0x4A38  }
0x48: {  	[tilespmem:s26], [sflag:$0x2] =	stream.linear.gather [hbm4b:s25+s4], $0x3E8, $0x38;
	[tilespmem:$0x1DD20] =	vst v63  }
0x49: {  	s30 =	rddreg [dreg:$0x1];
	s31 =	simm.s32 $0x60E0  }
0x4a: {  	[tilespmem:s31], [sflag:$0x4] =	stream.linear.gather [hbm4b:s30+s4], $0x40, $0x38;
	[tilespmem:$0x1DD20] =	vst v63  }
0x4b: {  	_ =	swait.ge [sflag:s10], $0x40  }
0x4c: {  	[sflag:s10] =	ssyncset.done $0x0  }
0x4d: {  	[sflag:s10] =	ssyncadd.s32 $0xFFFFFFC0  }
0x4e: {  	_ =	swait.ge [sflag:s11], $0x3E8  }
0x4f: {  	[sflag:s11] =	ssyncset.done $0x0  }
0x50: {  	[sflag:s11] =	ssyncadd.s32 $0xFFFFFC18  }
0x51: {  	_ =	swait.ge [sflag:s11], $0x3E8  }
0x52: {  	[sflag:s11] =	ssyncset.done $0x0  }
0x53: {  	[sflag:s11] =	ssyncadd.s32 $0xFFFFFC18  }
0x54: {  	_ =	swait.ge [sflag:s11], $0x3E8  }
0x55: {  	[sflag:s11] =	ssyncset.done $0x0  }
0x56: {  	[sflag:s11] =	ssyncadd.s32 $0xFFFFFC18  }
0x57: {  	_ =	swait.ge [sflag:s11], $0x3E8  }
0x58: {  	[sflag:s11] =	ssyncset.done $0x0  }
0x59: {  	[sflag:s11] =	ssyncadd.s32 $0xFFFFFC18  }
0x5a: {  	_ =	swait.ge [sflag:s11], $0x3E8  }
0x5b: {  	[sflag:s11] =	ssyncset.done $0x0  }
0x5c: {  	[sflag:s11] =	ssyncadd.s32 $0xFFFFFC18  }
0x5d: {  	_ =	swait.ge [sflag:s11], $0x3E8  }
0x5e: {  	[sflag:s11] =	ssyncset.done $0x0  }
0x5f: {  	[sflag:s11] =	ssyncadd.s32 $0xFFFFFC18  }
0x60: {  	_ =	swait.ge [sflag:s11], $0x3E8  }
0x61: {  	[sflag:s11] =	ssyncset.done $0x0  }
0x62: {  	[sflag:s11] =	ssyncadd.s32 $0xFFFFFC18  }
0x63: {  	_ =	swait.ge [sflag:s11], $0x3E8  }
0x64: {  	[sflag:s11] =	ssyncset.done $0x0  }
0x65: {  	[sflag:s11] =	ssyncadd.s32 $0xFFFFFC18  }
0x66: {  	_ =	swait.ge [sflag:s11], $0x3E8  }
0x67: {  	[sflag:s11] =	ssyncset.done $0x0  }
0x68: {  	[sflag:s11] =	ssyncadd.s32 $0xFFFFFC18  }
0x69: {  	_ =	swait.ge [sflag:s11], $0x3E8  }
0x6a: {  	[sflag:s11] =	ssyncset.done $0x0  }
0x6b: {  	[sflag:s11] =	ssyncadd.s32 $0xFFFFFC18  }
0x6c: {  	_ =	swait.ge [sflag:s11], $0x3E8  }
0x6d: {  	[sflag:s11] =	ssyncset.done $0x0  }
0x6e: {  	[sflag:s11] =	ssyncadd.s32 $0xFFFFFC18  }
0x6f: {  	_ =	swait.ge [sflag:s11], $0x3E8  }
0x70: {  	[sflag:s11] =	ssyncset.done $0x0  }
0x71: {  	[sflag:s11] =	ssyncadd.s32 $0xFFFFFC18  }
0x72: {  	_ =	swait.ge [sflag:s11], $0x3E8  }
0x73: {  	[sflag:s11] =	ssyncset.done $0x0  }
0x74: {  	[sflag:s11] =	ssyncadd.s32 $0xFFFFFC18  }
0x75: {  	_ =	swait.ge [sflag:s11], $0x3E8  }
0x76: {  	[sflag:s11] =	ssyncset.done $0x0  }
0x77: {  	[sflag:s11] =	ssyncadd.s32 $0xFFFFFC18  }
0x78: {  	_ =	swait.ge [sflag:s11], $0x3E8  }
0x79: {  	[sflag:s11] =	ssyncset.done $0x0  }
0x7a: {  	[sflag:s11] =	ssyncadd.s32 $0xFFFFFC18  }
0x7b: {  	_ =	swait.ge [sflag:s11], $0x3E8  }
0x7c: {  	[sflag:s11] =	ssyncset.done $0x0  }
0x7d: {  	[sflag:s11] =	ssyncadd.s32 $0xFFFFFC18  }
0x7e: {  	_ =	swait.ge [sflag:s11], $0x3E8  }
0x7f: {  	[sflag:s11] =	ssyncset.done $0x0  }
0x80: {  	[sflag:s11] =	ssyncadd.s32 $0xFFFFFC18  }
0x81: {  	_ =	swait.ge [sflag:s11], $0x3E8  }
0x82: {  	[sflag:s11] =	ssyncset.done $0x0  }
0x83: {  	[sflag:s11] =	ssyncadd.s32 $0xFFFFFC18  }
0x84: {  	_ =	swait.ge [sflag:s11], $0x3E8  }
0x85: {  	[sflag:s11] =	ssyncset.done $0x0  }
0x86: {  	[sflag:s11] =	ssyncadd.s32 $0xFFFFFC18  }
0x87: {  	_ =	swait.ge [sflag:s11], $0x3E8  }
0x88: {  	[sflag:s11] =	ssyncset.done $0x0  }
0x89: {  	s17 =	simm.s32 $0x40;
	s18 =	simm.s32 $0x240;
	[sflag:s11] =	ssyncadd.s32 $0xFFFFFC18  }
.LBB2_2:
0x8a: {  	p0 =	sne.s32 s18, $0xC7C0;
	[tilespmem:s17+$0xB120] =	vst v0;
	s19 =	smov.u32 s18;
	s18 =	sadd.s32 $0x140, s18  }
.Ltmp0:
0x8b: {  	[tilespmem:s17+$0xB110] =	vst v0;
	(pc) =	sbr.rel @p0 .LBB2_2-.Ltmp0, $4  }
0x8c: {  	[tilespmem:s17+$0xB100] =	vst v0  }
0x8d: {  	[tilespmem:s17+$0xB0E0] =	vst v0  }
0x8e: {  	[tilespmem:s17+$0xB0F0] =	vst v0  }
0x8f: {  	s17 =	sshra.s32 s19, $0x2  }
0x90: {  	[tilespmem:s17+$0xB120] =	vst v0  }
0x91: {  	[tilespmem:s17+$0xB110] =	vst v0  }
0x92: {  	[tilespmem:s17+$0xB100] =	vst v0  }
0x93: {  	[tilespmem:s17+$0xB0E0] =	vst v0  }
0x94: {  	[tilespmem:s17+$0xB0F0] =	vst v0;
	s18 =	simm.s32 $0x140;
	s17 =	simm.s32 $0x0  }
.LBB2_4:
0x95: {  	p0 =	sne.s32 s18, $0xC6C0;
	[tilespmem:s17+$0xE360] =	vst v0;
	s19 =	smov.u32 s18;
	s18 =	sadd.s32 $0x140, s18  }
.Ltmp1:
0x96: {  	[tilespmem:s17+$0xE350] =	vst v0;
	(pc) =	sbr.rel @p0 .LBB2_4-.Ltmp1, $4  }
0x97: {  	[tilespmem:s17+$0xE340] =	vst v0  }
0x98: {  	[tilespmem:s17+$0xE320] =	vst v0  }
0x99: {  	[tilespmem:s17+$0xE330] =	vst v0  }
0x9a: {  	s17 =	sshra.s32 s19, $0x2  }
0x9b: {  	[tilespmem:s17+$0xE360] =	vst v0  }
0x9c: {  	[tilespmem:s17+$0xE350] =	vst v0  }
0x9d: {  	[tilespmem:s17+$0xE340] =	vst v0  }
0x9e: {  	[tilespmem:s17+$0xE320] =	vst v0  }
0x9f: {  	[tilespmem:s17+$0xE330] =	vst v0  }
0xa0: {  	[spmem:s0] =	stream.linear.scatter [tilespmem:s12], [sflag:$0x4], $0x3200, $0x38;
	[tilespmem:$0x1DD20] =	vst v63  }
0xa1: {  	_ =	swait.ge [sflag:s10], $0x3200  }
0xa2: {  	[sflag:s10] =	ssyncset.done $0x0  }
0xa3: {  	[sflag:s10] =	ssyncadd.s32 $0xFFFFCE00  }
0xa4: {  	[spmem:s5] =	stream.linear.scatter [tilespmem:s12], [sflag:$0x4], $0x3200, $0x38;
	[tilespmem:$0x1DD20] =	vst v63  }
0xa5: {  	_ =	swait.ge [sflag:s10], $0x3200  }
0xa6: {  	[sflag:s10] =	ssyncset.done $0x0  }
0xa7: {  	[sflag:s10] =	ssyncadd.s32 $0xFFFFCE00  }
0xa8: {  	[spmem:s7] =	stream.linear.scatter [tilespmem:s12], [sflag:$0x4], $0x3200, $0x38;
	[tilespmem:$0x1DD20] =	vst v63  }
0xa9: {  	_ =	swait.ge [sflag:s10], $0x3200  }
0xaa: {  	[sflag:s10] =	ssyncset.done $0x0  }
0xab: {  	[sflag:s10] =	ssyncadd.s32 $0xFFFFCE00  }
0xac: {  	[spmem:s8] =	stream.linear.scatter [tilespmem:s12], [sflag:$0x4], $0x3200, $0x38;
	[tilespmem:$0x1DD20] =	vst v63  }
0xad: {  	_ =	swait.ge [sflag:s10], $0x3200  }
0xae: {  	[sflag:s10] =	ssyncset.done $0x0  }
0xaf: {  	[sflag:s10] =	ssyncadd.s32 $0xFFFFCE00  }
0xb0: {  	[bflag:$0x0] =	sbarrier.arrive $0xFFFF  }
0xb1: {  	v5 =	vld [tilespmem:$0x60E0]  }
0xb2: {  	v6 =	vld [tilespmem:$0x60F0]  }
0xb3: {  	s19 =	simm.s32 $0x0;
	s17 =	simm.s32 $0x4E20;
	v7 =	vld [tilespmem:$0x6100]  }
0xb4: {  	v8 =	vld [tilespmem:$0x6110];
	[tilespmem:s17], [sflag:$0x4] =	stream.linear.gather [hbm4b:s28+s19], $0x3C0, $0x38  }
0xb5: {  	_ =	swait.ge [sflag:s10], $0x3C0  }
0xb6: {  	[sflag:s10] =	ssyncset.done $0x0  }
0xb7: {  	s18 =	simm.s32 $0x51E0;
	[sflag:s10] =	ssyncadd.s32 $0xFFFFFC40  }
0xb8: {  	[tilespmem:s18], [sflag:$0x2] =	stream.linear.gather [hbm4b:s3+s19], $0x3C0, $0x38;
	[tilespmem:$0x1DD20] =	vst v63  }
0xb9: {  	s31 =	simm.s32 $0x6120;
	p0 =	por $0x0, $0x0  }
0xba: {  	[tilespmem:s31], [sflag:$0x1] =	stream.indirect.gather [hbm4b:s29+s13], $0x40, s17, s13, $0xb8;
	[tilespmem:$0x1DD20] =	vst v63  }
.LBB2_6:
0xbb: {  	s18 =	sadd.s32 $0x1, s19;
	p1 =	seq.s32 s19, $0x7C  }
0xbc: {  	s20 =	smul.u32 @!p1 $0xCD, s18;
	_ =	sdelay $0x1  }
0xbd: {  	s22 =	sshrl.u32 @!p1 s20, $0xA  }
0xbe: {  	s26 =	smul.u32 $0xCD, s19;
	s22 =	sand.u32 @!p1 $0x3F, s22  }
0xbf: {  	s22 =	smul.u32 @!p1 $0x5, s22  }
0xc0: {  	s24 =	simm.s32 @!p1 $0x2  }
0xc1: {  	s25 =	sand.u32 @!p1 $0x1, s18;
	s23 =	sadd.s32 $0x19A, s26;
	s22 =	ssub.s32 @!p1 s18, s22  }
0xc2: {  	_ =	swait.ge @!p1 [sflag:s24], $0x3C0;
	p2 =	seq.s32 @!p1 s25, $0x1;
	s22 =	sand.u32 @!p1 $0xFF, s22  }
0xc3: {  	s25 =	simm.s32 @!p1 $0xA0;
	s23 =	sshrl.u32 s23, $0xA;
	s22 =	smul.u32 @!p1 $0xF00, s22  }
0xc4: {  	[sflag:s24] =	ssyncset.done @!p1 $0x0;
	p2 =	por !p2, p1;
	s23 =	sand.u32 $0x3F, s23  }
0xc5: {  	[sflag:s24] =	ssyncadd.s32 @!p1 $0xFFFFFC40;
	s24 =	simm.s32 @!p1 $0x8920;
	s22 =	sshrl.u32 @!p1 s22, $0x2  }
0xc6: {  	s23 =	smul.u32 $0x5, s23;
	s24 =	simm.s32 @p2 $0x6120;
	s22 =	sadd.s32 @!p1 $0x4E20, s22  }
0xc7: {  	[tilespmem:s24], [sflag:$0x1] =	stream.indirect.gather @!p1 [hbm4b:s29+s25], $0x40, s22, s25, $0xb8;
	[tilespmem:$0x1DD20] =	vst v63  }
0xc8: {  	p2 =	sgt.u32 @!p1 s19, $0x7A;
	s22 =	sadd.s32 $0x2, s19  }
0xc9: {  	p1 =	por p1, p2;
	s23 =	ssub.s32 s22, s23  }
0xca: {  	s22 =	smul.u32 @!p1 $0x3C0, s22;
	s23 =	sand.u32 $0xFF, s23  }
0xcb: {  	s23 =	smul.u32 @!p1 $0xF00, s23  }
0xcc: {  	s30 =	smulhi.u32 $0xCCCCCCCD, s19;
	s22 =	sadd.s32 @!p1 s21, s22  }
0xcd: {  	s24 =	simm.s32 @!p1 $0x0;
	s22 =	sshrl.u32 @!p1 s22, $0x3;
	s23 =	sshrl.u32 @!p1 s23, $0x2  }
0xce: {  	p2 =	slt.u32 @!p1 s19, $0x2;
	s22 =	sadd.s32 @!p1 s6, s22;
	s23 =	sadd.s32 @!p1 $0x4E20, s23  }
0xcf: {  	v9 =	vmov s17;
	[tilespmem:s23], [sflag:$0x2] =	stream.linear.gather @!p1 [hbm4b:s22+s24], $0x3C0, $0x38;
	[tilespmem:$0x1DD20] =	vst v63  }
0xd0: {  	p1 =	por p1, !p2;
	s22 =	sshrl.u32 s30, $0x2  }
0xd1: {  	_ =	swait.ge @p1 [sflag:s15], $0x3200;
	s23 =	smul.u32 $0xFFFFB500, s22  }
0xd2: {  	[sflag:s15] =	ssyncset.done @p1 $0x0  }
0xd3: {  	[sflag:s15] =	ssyncadd.s32 @p1 $0xFFFFCE00;
	s22 =	sshra.s32 s23, $0x2  }
0xd4: {  	v10 =	vld.idx.msk [tilespmem:v9+s22+$0x0 ss:$0x1], $0xffff  }
0xd5: {  	v11 =	vld.idx.msk [tilespmem:v9+s22+$0xA0 ss:$0x1], $0xffff  }
0xd6: {  	v12 =	vld.idx.msk [tilespmem:v9+s22+$0x1E0 ss:$0x1], $0xffff  }
0xd7: {  	v13 =	vld.idx.msk [tilespmem:v9+s22+$0x140 ss:$0x1], $0xffff;
	_ =	sdelay $0x1  }
0xd8: {  	v14 =	vld.idx.msk [tilespmem:v9+s22+$0x280 ss:$0x1], $0xffff;
	_ =	sdelay $0x1  }
0xd9: {  	v15 =	vld.idx.msk [tilespmem:v9+s22+$0x320 ss:$0x1], $0xffff  }
0xda: {  	v13 =	vmul.f32 v13, v5;
	v12 =	vmul.f32 v12, v6;
	v10 =	vld.idx.msk [tilespmem:v10+s4+$0x0], $0xffff  }
0xdb: {  	v16 =	vld.idx.msk [tilespmem:v11+s9+$0x0], $0xffff  }
0xdc: {  	v11 =	vadd.f32 v12, v13;
	v12 =	vmul.f32 v14, v7;
	_ =	sdelay $0x1  }
0xdd: {  	v11 =	vadd.f32 v12, v11;
	v12 =	vmul.f32 v15, v8;
	_ =	sdelay $0x1  }
0xde: {  	v11 =	vadd.f32 v12, v11;
	v10 =	vadd.f32 v16, v10;
	_ =	sdelay $0x1  }
0xdf: {  	v10 =	vadd.f32 v10, v11;
	_ =	sdelay $0x1  }
0xe0: {  	v12 =	vmul.f32 $2.000000030e-01, v10;
	_ =	sdelay $0x1  }
0xe1: {  	v10 =	vmax.f32 v10, v12  }
0xe2: {  	s20 =	sshrl.u32 s26, $0xA;
	v10 =	vmul.f32 $1.442695020e+00, v10  }
0xe3: {  	s31 =	simm.s32 $0x0;
	s20 =	sand.u32 $0x3F, s20;
	s24 =	sand.u32 $0x1, s19  }
0xe4: {  	s20 =	smul.u32 $0x5, s20;
	v12 =	vmov s31;
	(erf) = vpow2.f32 v10;
	v10 =	vmov s24  }
0xe5: {  	v12 =	vmul.u32 $0x50, v12;
	v10 =	vmul.u32 $0x3200, v10  }
0xe6: {  	s30 =	ssub.s32 s19, s20  }
0xe7: {  	s19 =	sand.u32 $0xFF, s30;
	s22 =	simm.s32 $0x1;
	v12 =	vadd.s32 v10, v12  }
0xe8: {  	s19 =	smul.u32 $0xF00, s19;
	s22 =	simm.s32 @!p0 $0x0;
	v12 =	vbroadcast v12, $0x0  }
0xe9: {  	s26 =	smul.u32 $0xC800, s22  }
0xea: {  	s22 =	smul.u32 $0xA000, s22;
	v13 =	vadd.s32 v1, v12  }
0xeb: {  	s25 =	simm.s32 $0x10;
	v14 =	vadd.s32 v2, v12  }
0xec: {  	s19 =	sshrl.u32 s19, $0x2;
	s22 =	sshrl.u32 s22, $0x2;
	s31 =	sshrl.u32 s26, $0x2;
	v12 =	vadd.s32 v3, v12  }
0xed: {  	s19 =	sadd.s32 $0x4EC0, s19;
	s22 =	sadd.s32 $0x61A0, s22;
	s20 =	sadd.s32 $0xB1C0, s31;
	v15 =	vpop (erf)  }
.LBB2_7:
0xee: {  	p1 =	sne.s32 s25, $0x90  }
0xef: {  	[tilespmem:v13+s12+$0x0] =	vst.idx.msk $0xffff, v15;
	s23 =	sadd.s32 $0x40, s23;
	s26 =	smov.u32 s25;
	s25 =	sadd.s32 $0x10, s25  }
0xf0: {  	[tilespmem:v14+s12+$0x0] =	vst.idx.msk $0xffff, v11  }
0xf1: {  	s30 =	sshra.s32 s23, $0x2;
	[tilespmem:v12+s12+$0x0] =	vst.idx.msk $0xffff, v4  }
0xf2: {  	v11 =	vld.idx.msk [tilespmem:v9+s30+$0x1E0 ss:$0x1], $0xffff  }
0xf3: {  	v12 =	vld.idx.msk [tilespmem:v9+s30+$0x0 ss:$0x1], $0xffff  }
0xf4: {  	v13 =	vld.idx.msk [tilespmem:v9+s30+$0xA0 ss:$0x1], $0xffff  }
0xf5: {  	v14 =	vld.idx.msk [tilespmem:v9+s30+$0x140 ss:$0x1], $0xffff;
	_ =	sdelay $0x1  }
0xf6: {  	v15 =	vld.idx.msk [tilespmem:v9+s30+$0x280 ss:$0x1], $0xffff;
	_ =	sdelay $0x1  }
0xf7: {  	v16 =	vld.idx.msk [tilespmem:v9+s30+$0x320 ss:$0x1], $0xffff;
	_ =	sdelay $0x1  }
0xf8: {  	v11 =	vmul.f32 v11, v6;
	v14 =	vmul.f32 v14, v5;
	v12 =	vld.idx.msk [tilespmem:v12+s4+$0x0], $0xffff  }
0xf9: {  	v13 =	vld.idx.msk [tilespmem:v13+s9+$0x0], $0xffff  }
0xfa: {  	v11 =	vadd.f32 v11, v14;
	v14 =	vmul.f32 v15, v7;
	_ =	sdelay $0x1  }
0xfb: {  	v11 =	vadd.f32 v14, v11;
	v14 =	vmul.f32 v16, v8;
	_ =	sdelay $0x1  }
0xfc: {  	v11 =	vadd.f32 v14, v11  }
0xfd: {  	v12 =	vadd.f32 v13, v12;
	_ =	sdelay $0x1  }
0xfe: {  	v12 =	vadd.f32 v12, v11;
	_ =	sdelay $0x1  }
0xff: {  	v13 =	vmul.f32 $2.000000030e-01, v12;
	_ =	sdelay $0x1  }
0x100: {  	v12 =	vmax.f32 v12, v13  }
0x101: {  	v13 =	vmov s26;
	v12 =	vmul.f32 $1.442695020e+00, v12  }
0x102: {  	v13 =	vmul.u32 $0x50, v13  }
0x103: {  	(erf) = vpow2.f32 v12  }
0x104: {  	v12 =	vadd.s32 v10, v13  }
0x105: {  	v12 =	vbroadcast v12, $0x0;
	_ =	sdelay $0x1  }
0x106: {  	v13 =	vadd.s32 v1, v12  }
.Ltmp2:
0x107: {  	v14 =	vadd.s32 v2, v12;
	(pc) =	sbr.rel @p1 .LBB2_7-.Ltmp2, $2  }
0x108: {  	v12 =	vadd.s32 v3, v12;
	_ =	sdelay $0x2  }
0x109: {  	v15 =	vpop (erf)  }
0x10a: {  	s23 =	simm.s32 $0x0  }
0x10b: {  	s31 =	simm.s32 $0x3;
	v9 =	vmov s23  }
0x10c: {  	v17 =	vmov s31;
	v9 =	vmul.u32 $0x50, v9  }
0x10d: {  	v17 =	vmul.u32 $0x50, v17  }
0x10e: {  	s26 =	simm.s32 $0x1;
	[tilespmem:v13+s12+$0x0] =	vst.idx.msk $0xffff, v15;
	v9 =	vbroadcast v9, $0x0  }
0x10f: {  	v13 =	vor.u32 $0x40, v10;
	v16 =	vmov s26;
	[tilespmem:v14+s12+$0x0] =	vst.idx.msk $0xffff, v11;
	v11 =	vbroadcast v17, $0x0  }
0x110: {  	v16 =	vmul.u32 $0x50, v16;
	[tilespmem:v12+s12+$0x0] =	vst.idx.msk $0xffff, v4;
	v9 =	vadd.s32 v9, v13  }
0x111: {  	_ =	swait.ge [sflag:s14], $0x2800;
	v11 =	vadd.s32 v11, v13  }
0x112: {  	s25 =	simm.s32 $0x2;
	v10 =	vbroadcast v16, $0x0;
	[sflag:s14] =	ssyncset.done $0x0  }
0x113: {  	v12 =	vmov s25;
	[sflag:s14] =	ssyncadd.s32 $0xFFFFD800  }
0x114: {  	v12 =	vmul.u32 $0x50, v12;
	v10 =	vadd.s32 v10, v13;
	v17 =	vld [tilespmem:s22+$0xFFFFFFC0]  }
0x115: {  	v14 =	vld.idx.msk [tilespmem:v9+s12+$0x0], $0xffff  }
0x116: {  	v12 =	vbroadcast v12, $0x0;
	v16 =	vld.idx.msk [tilespmem:v11+s12+$0x0], $0xffff  }
0x117: {  	v11 =	vld [tilespmem:s22+$0x40]  }
0x118: {  	v9 =	vadd.s32 v12, v13;
	v12 =	vld [tilespmem:s22+$0xFFFFFF80]  }
0x119: {  	v15 =	vld.idx.msk [tilespmem:v10+s12+$0x0], $0xffff  }
0x11a: {  	s31 =	simm.s32 $0x5  }
0x11b: {  	v19 =	vmov s31  }
0x11c: {  	s25 =	simm.s32 $0x6;
	v19 =	vmul.u32 $0x50, v19;
	v11 =	vmul.f32 v11, v16  }
0x11d: {  	v20 =	vmov s25;
	v18 =	vld [tilespmem:s22+$0x0];
	v12 =	vmul.f32 v12, v14  }
0x11e: {  	v20 =	vmul.u32 $0x50, v20;
	v19 =	vbroadcast v19, $0x0;
	v10 =	vld.idx.msk [tilespmem:v9+s12+$0x0], $0xffff;
	v17 =	vmul.f32 v17, v15;
	[tilespmem:s20+$0x50] =	vst v11  }
0x11f: {  	s25 =	simm.s32 $0x7;
	[tilespmem:s20+$0xFFFFFF60] =	vst v12;
	v12 =	vld [tilespmem:s22+$0x50]  }
0x120: {  	v19 =	vadd.s32 v19, v13;
	v11 =	vbroadcast v20, $0x0;
	v20 =	vmov s25;
	[tilespmem:s20+$0xFFFFFFB0] =	vst v17;
	v21 =	vld [tilespmem:s22+$0xFFFFFF90]  }
0x121: {  	s26 =	simm.s32 $0x4;
	v17 =	vmul.u32 $0x50, v20;
	v20 =	vld [tilespmem:s22+$0xFFFFFFD0]  }
0x122: {  	s23 =	sadd.s32 $0x100, s22;
	v9 =	vmov s26  }
0x123: {  	v23 =	vld [tilespmem:s23+$0xFFFFFF80];
	v9 =	vmul.u32 $0x50, v9;
	v18 =	vmul.f32 v18, v10  }
0x124: {  	v24 =	vld [tilespmem:s23+$0xFFFFFFC0];
	v17 =	vbroadcast v17, $0x0;
	v22 =	vmul.f32 v12, v16  }
0x125: {  	v9 =	vbroadcast v9, $0x0;
	[tilespmem:s20+$0x0] =	vst v18;
	v12 =	vld.idx.msk [tilespmem:v19+s12+$0x0], $0xffff;
	v19 =	vmul.f32 v21, v14  }
0x126: {  	v17 =	vadd.s32 v17, v13;
	v18 =	vld [tilespmem:s22+$0x10];
	v20 =	vmul.f32 v20, v15;
	[tilespmem:s20+$0x60] =	vst v22  }
0x127: {  	v9 =	vadd.s32 v9, v13;
	[tilespmem:s20+$0xFFFFFF70] =	vst v19;
	v19 =	vld [tilespmem:s22+$0x60]  }
0x128: {  	[tilespmem:s20+$0xFFFFFFC0] =	vst v20;
	v22 =	vld [tilespmem:s23+$0x40]  }
0x129: {  	v11 =	vadd.s32 v11, v13;
	v20 =	vld [tilespmem:s22+$0xFFFFFFE0]  }
0x12a: {  	v21 =	vld [tilespmem:s22+$0xFFFFFFA0]  }
0x12b: {  	v17 =	vld.idx.msk [tilespmem:v17+s12+$0x0], $0xffff  }
0x12c: {  	s26 =	simm.s32 $0x8;
	v9 =	vld.idx.msk [tilespmem:v9+s12+$0x0], $0xffff;
	v19 =	vmul.f32 v19, v16  }
0x12d: {  	v28 =	vld [tilespmem:s23+$0x0];
	v25 =	vmov s26;
	v18 =	vmul.f32 v18, v10  }
0x12e: {  	s31 =	simm.s32 $0x9;
	s26 =	simm.s32 $0xA;
	v25 =	vmul.u32 $0x50, v25;
	v11 =	vld.idx.msk [tilespmem:v11+s12+$0x0], $0xffff;
	v20 =	vmul.f32 v20, v15;
	[tilespmem:s20+$0x70] =	vst v19  }
0x12f: {  	v26 =	vmov s26;
	[tilespmem:s20+$0x10] =	vst v18;
	v21 =	vmul.f32 v21, v14;
	v19 =	vmov s31;
	v18 =	vld [tilespmem:s22+$0x70]  }
0x130: {  	s24 =	smul.u32 $0xC800, s24;
	v25 =	vbroadcast v25, $0x0;
	v22 =	vmul.f32 v22, v17;
	[tilespmem:s20+$0xFFFFFFD0] =	vst v20;
	v27 =	vmul.u32 $0x50, v19;
	v19 =	vld [tilespmem:s22+$0x20]  }
0x131: {  	s25 =	sadd.s32 $0x140, s20;
	v29 =	vmul.u32 $0x50, v26;
	v30 =	vmul.f32 v23, v9;
	[tilespmem:s20+$0xFFFFFF80] =	vst v21;
	v20 =	vld [tilespmem:s22+$0xFFFFFFF0]  }
0x132: {  	s24 =	sshrl.u32 s24, $0x2;
	v24 =	vmul.f32 v24, v12;
	v23 =	vadd.s32 v25, v13;
	[tilespmem:s25+$0x50] =	vst v22;
	v21 =	vld [tilespmem:s22+$0xFFFFFFB0];
	v26 =	vbroadcast v27, $0x0  }
0x133: {  	s30 =	simm.s32 $0xB;
	s24 =	sadd.s32 $0xB120, s24;
	s26 =	simm.s32 $0xC;
	v25 =	vmul.f32 v28, v11;
	[tilespmem:s25+$0xFFFFFF60] =	vst v30;
	v22 =	vld [tilespmem:s23+$0x50];
	v27 =	vbroadcast v29, $0x0  }
.LBB2_9:
0x134: {  	p1 =	slt.u32 s26, $0x9C;
	v26 =	vadd.s32 v26, v13;
	v28 =	vmov s30;
	v29 =	vld [tilespmem:s23+$0xFFFFFF90];
	[tilespmem:s25+$0xFFFFFFB0] =	vst v24;
	v18 =	vmul.f32 v18, v16;
	v16 =	vmovc v17  }
0x135: {  	v17 =	vadd.s32 v27, v13;
	v24 =	vmul.u32 $0x50, v28;
	v27 =	vld [tilespmem:s23+$0xFFFFFFD0];
	[tilespmem:s25+$0x0] =	vst v25;
	v19 =	vmul.f32 v19, v10  }
0x136: {  	v25 =	vld [tilespmem:s23+$0x10];
	v20 =	vmul.f32 v20, v15;
	[tilespmem:s20+$0x80] =	vst v18;
	v15 =	vmov v12  }
0x137: {  	v18 =	vbroadcast v24, $0x0;
	v21 =	vmul.f32 v21, v14;
	[tilespmem:s20+$0x20] =	vst v19;
	v14 =	vmov v9;
	v9 =	vld.idx.msk [tilespmem:v23+s12+$0x0], $0xffff  }
0x138: {  	v19 =	vmul.f32 v22, v16;
	[tilespmem:s20+$0xFFFFFFE0] =	vst v20;
	v20 =	vld [tilespmem:s22+$0x30];
	s22 =	smov.u32 s23  }
0x139: {  	v12 =	vld.idx.msk [tilespmem:v26+s12+$0x0], $0xffff;
	v18 =	vadd.s32 v18, v13;
	v22 =	vmul.f32 v29, v14;
	[tilespmem:s20+$0xFFFFFF90] =	vst v21  }
0x13a: {  	v21 =	vld.idx.msk [tilespmem:v17+s12+$0x0], $0xffff;
	v17 =	vmul.f32 v27, v15;
	[tilespmem:s25+$0x60] =	vst v19  }
0x13b: {  	[tilespmem:s25+$0xFFFFFF70] =	vst v22;
	v19 =	vmul.f32 v25, v11;
	v22 =	vld [tilespmem:s23+$0x60]  }
0x13c: {  	v23 =	vld [tilespmem:s23+$0xFFFFFFA0];
	[tilespmem:s25+$0xFFFFFFC0] =	vst v17  }
0x13d: {  	v24 =	vld [tilespmem:s23+$0xFFFFFFE0];
	[tilespmem:s25+$0x10] =	vst v19;
	v19 =	vmul.f32 v20, v10;
	v10 =	vmov v11  }
0x13e: {  	s23 =	sadd.s32 $0x100, s23;
	v17 =	vld.idx.msk [tilespmem:v18+s12+$0x0], $0xffff  }
0x13f: {  	v20 =	vld [tilespmem:s23+$0x40];
	[tilespmem:s20+$0x30] =	vst v19;
	s20 =	smov.u32 s25  }
0x140: {  	v11 =	vmov v21;
	v25 =	vld [tilespmem:s23+$0xFFFFFF80];
	v18 =	vmul.f32 v22, v16  }
0x141: {  	v19 =	vmov s26;
	v21 =	vld [tilespmem:s23+$0xFFFFFFC0];
	v22 =	vmul.f32 v23, v14  }
0x142: {  	s30 =	sadd.s32 $0x1, s26;
	s31 =	sadd.s32 $0x2, s26;
	v19 =	vmul.u32 $0x50, v19;
	v28 =	vld [tilespmem:s23+$0x0];
	v23 =	vmul.f32 v24, v15;
	[tilespmem:s25+$0x70] =	vst v18  }
.Ltmp3:
0x143: {  	v26 =	vmov s31;
	v24 =	vmov s30;
	[tilespmem:s25+$0xFFFFFF80] =	vst v22;
	v18 =	vld [tilespmem:s22+$0x70];
	(pc) =	sbr.rel @p1 .LBB2_9-.Ltmp3, $4  }
0x144: {  	v22 =	vbroadcast v19, $0x0;
	v24 =	vmul.u32 $0x50, v24;
	v27 =	vmul.f32 v20, v17;
	[tilespmem:s25+$0xFFFFFFD0] =	vst v23;
	v19 =	vld [tilespmem:s22+$0x20]  }
0x145: {  	v29 =	vmul.u32 $0x50, v26;
	s25 =	sadd.s32 $0x140, s25;
	v25 =	vmul.f32 v25, v9;
	v20 =	vld [tilespmem:s22+$0xFFFFFFF0]  }
0x146: {  	v23 =	vadd.s32 v22, v13;
	v26 =	vbroadcast v24, $0x0;
	v24 =	vmul.f32 v21, v12;
	[tilespmem:s25+$0x50] =	vst v27;
	v21 =	vld [tilespmem:s22+$0xFFFFFFB0]  }
0x147: {  	s30 =	sadd.s32 $0x3, s26;
	s26 =	sadd.s32 $0x4, s26;
	v27 =	vbroadcast v29, $0x0;
	[tilespmem:s25+$0xFFFFFF60] =	vst v25;
	v25 =	vmul.f32 v28, v11;
	v22 =	vld [tilespmem:s23+$0x50]  }
0x148: {  	v28 =	vmov s30  }
0x149: {  	v28 =	vmul.u32 $0x50, v28;
	_ =	sdelay $0x1  }
0x14a: {  	v26 =	vadd.s32 v26, v13;
	v28 =	vbroadcast v28, $0x0  }
0x14b: {  	v23 =	vld.idx.msk [tilespmem:v23+s12+$0x0], $0xffff;
	s26 =	sadd.s32 $0x100, s23  }
0x14c: {  	v29 =	vld [tilespmem:s26+$0xFFFFFFC0];
	v63 =	vadd.s32 v28, v13  }
0x14d: {  	v27 =	vadd.s32 v27, v13;
	v30 =	vld [tilespmem:s26+$0xFFFFFF80]  }
0x14e: {  	v31 =	vld [tilespmem:s26+$0x0]  }
0x14f: {  	v26 =	vld.idx.msk [tilespmem:v26+s12+$0x0], $0xffff  }
0x150: {  	[tilespmem:s25+$0xFFFFFFB0] =	vst v24;
	v16 =	vmul.f32 v18, v16;
	v28 =	vld [tilespmem:s26+$0x40]  }
0x151: {  	[tilespmem:s25+$0x0] =	vst v25;
	v19 =	vmul.f32 v19, v10;
	v13 =	vld.idx.msk [tilespmem:v63+s12+$0x0], $0xffff  }
0x152: {  	v15 =	vmul.f32 v20, v15;
	[tilespmem:s20+$0x80] =	vst v16;
	v27 =	vld.idx.msk [tilespmem:v27+s12+$0x0], $0xffff  }
0x153: {  	v32 =	vld [tilespmem:s23+$0xFFFFFF90];
	[tilespmem:s20+$0x20] =	vst v19;
	v33 =	vmul.f32 v22, v17  }
0x154: {  	v34 =	vld [tilespmem:s23+$0xFFFFFFD0];
	[tilespmem:s20+$0xFFFFFFE0] =	vst v15;
	v16 =	vmul.f32 v30, v23  }
0x155: {  	s31 =	sadd.s32 $0x140, s25;
	v36 =	vld [tilespmem:s23+$0x10];
	[tilespmem:s25+$0x60] =	vst v33;
	v37 =	vmul.f32 v29, v26  }
0x156: {  	v38 =	vld [tilespmem:s22+$0x30];
	[tilespmem:s31+$0xFFFFFF60] =	vst v16;
	v35 =	vmul.f32 v28, v13  }
0x157: {  	v42 =	vld [tilespmem:s26+$0xFFFFFF90];
	v39 =	vmul.f32 v31, v27;
	[tilespmem:s31+$0xFFFFFFB0] =	vst v37  }
0x158: {  	v20 =	vmul.f32 v32, v9;
	v41 =	vld [tilespmem:s26+$0xFFFFFFD0];
	[tilespmem:s31+$0x50] =	vst v35  }
0x159: {  	v15 =	vmul.f32 v34, v12;
	[tilespmem:s31+$0x0] =	vst v39;
	v40 =	vld [tilespmem:s26+$0x50]  }
0x15a: {  	[tilespmem:s25+$0xFFFFFF70] =	vst v20;
	v43 =	vmul.f32 v36, v11;
	v44 =	vld [tilespmem:s26+$0x10]  }
0x15b: {  	v45 =	vld [tilespmem:s23+$0x60];
	[tilespmem:s25+$0xFFFFFFC0] =	vst v15;
	v10 =	vmul.f32 v38, v10  }
0x15c: {  	v14 =	vmul.f32 v21, v14;
	v47 =	vld [tilespmem:s23+$0xFFFFFFA0];
	[tilespmem:s25+$0x10] =	vst v43;
	v21 =	vmul.f32 v42, v23  }
0x15d: {  	v15 =	vld [tilespmem:s23+$0xFFFFFFE0];
	[tilespmem:s20+$0x30] =	vst v10;
	v10 =	vmul.f32 v41, v26  }
0x15e: {  	v48 =	vld [tilespmem:s23+$0x20];
	[tilespmem:s31+$0xFFFFFF70] =	vst v21;
	v46 =	vmul.f32 v40, v13  }
0x15f: {  	v49 =	vmul.f32 v44, v27;
	[tilespmem:s31+$0xFFFFFFC0] =	vst v10  }
0x160: {  	v10 =	vmul.f32 v45, v17;
	v51 =	vld [tilespmem:s26+$0xFFFFFFE0];
	[tilespmem:s31+$0x60] =	vst v46  }
0x161: {  	v52 =	vmul.f32 v47, v9;
	[tilespmem:s31+$0x10] =	vst v49;
	v50 =	vld [tilespmem:s26+$0x60]  }
0x162: {  	v15 =	vmul.f32 v15, v12;
	[tilespmem:s25+$0x70] =	vst v10;
	v10 =	vld [tilespmem:s26+$0x20]  }
0x163: {  	v54 =	vmul.f32 v48, v11;
	[tilespmem:s25+$0xFFFFFF80] =	vst v52;
	v21 =	vld [tilespmem:s26+$0xFFFFFFA0]  }
0x164: {  	[tilespmem:s25+$0xFFFFFFD0] =	vst v15;
	v57 =	vld [tilespmem:s23+$0xFFFFFFB0]  }
0x165: {  	v55 =	vld [tilespmem:s23+$0xFFFFFFF0];
	[tilespmem:s25+$0x20] =	vst v54;
	v58 =	vmul.f32 v51, v26  }
0x166: {  	[tilespmem:s20+$0xFFFFFF90] =	vst v14;
	v59 =	vld [tilespmem:s23+$0x30];
	v56 =	vmul.f32 v50, v13  }
0x167: {  	v53 =	vld [tilespmem:s23+$0x70];
	v10 =	vmul.f32 v10, v27;
	[tilespmem:s31+$0xFFFFFFD0] =	vst v58  }
0x168: {  	v21 =	vmul.f32 v21, v23;
	v61 =	vld [tilespmem:s26+$0xFFFFFFF0];
	[tilespmem:s31+$0x70] =	vst v56  }
0x169: {  	v9 =	vmul.f32 v57, v9;
	[tilespmem:s31+$0x20] =	vst v10;
	v16 =	vld [tilespmem:s26+$0x70]  }
0x16a: {  	v62 =	vmul.f32 v55, v12;
	[tilespmem:s31+$0xFFFFFF80] =	vst v21;
	v10 =	vld [tilespmem:s26+$0x30]  }
0x16b: {  	v11 =	vmul.f32 v59, v11;
	[tilespmem:s25+$0xFFFFFF90] =	vst v9;
	v63 =	vld [tilespmem:s26+$0xFFFFFFB0]  }
0x16c: {  	[tilespmem:s25+$0xFFFFFFE0] =	vst v62;
	v60 =	vmul.f32 v53, v17  }
0x16d: {  	[tilespmem:s25+$0x30] =	vst v11;
	v11 =	vmul.f32 v61, v26  }
0x16e: {  	[tilespmem:s25+$0x80] =	vst v60;
	v9 =	vmul.f32 v16, v13  }
0x16f: {  	p1 =	sne.s32 s18, $0x7D;
	v10 =	vmul.f32 v10, v27;
	[tilespmem:s31+$0xFFFFFFE0] =	vst v11  }
.Ltmp4:
0x170: {  	[tilespmem:s31+$0x80] =	vst v9;
	v9 =	vmul.f32 v63, v23;
	(pc) =	sbr.rel @p1 .LBB2_6-.Ltmp4, $4  }
0x171: {  	[tilespmem:s31+$0x30] =	vst v10  }
0x172: {  	[tilespmem:s31+$0xFFFFFF90] =	vst v9  }
0x173: {  	[spmem:s2] =	stream.indirect.scatter.add.f32 [tilespmem:s24], [sflag:$0x3], $0x50, s19, s13, $0xb8;
	[tilespmem:$0x1DD20] =	vst v63  }
0x174: {  	s17 =	sadd.s32 $0x3C0, s17;
	p0 =	por !p0, !p0;
	s19 =	smov.u32 s18  }
0x175: {  	_ =	swait.ge [sflag:s15], $0x3200  }
0x176: {  	[sflag:s15] =	ssyncset.done $0x0  }
0x177: {  	[sflag:s15] =	ssyncadd.s32 $0xFFFFCE00  }
0x178: {  	_ =	swait.ge [sflag:s15], $0x3200  }
0x179: {  	[sflag:s15] =	ssyncset.done $0x0  }
0x17a: {  	s17 =	stileid.u32;
	[sflag:s15] =	ssyncadd.s32 $0xFFFFCE00  }
0x17b: {  	s17 =	sshll.u32 s17, $0x6;
	[bflag:$0x0] =	sbarrier.arrive $0xFFFF  }
0x17c: {  	s17 =	sor.u32 $0x1C04, s17;
	s18 =	rddreg [dreg:$0x18]  }
0x17d: {  	[hbm:s18], [sflag:s17] =	dma.local [spmem:s1], $0x1900  }
0x17e: {  	_ =	swait.ge [sflag:s10], $0x1900  }
0x17f: {  	s16 =	sadd.s32 $0x1, s16;
	s31 =	rddreg [dreg:$0x19]  }
0x180: {  	p0 =	sne.s32 s16, s31  }
.Ltmp5:
0x181: {  	_ = 	snop;
	(pc) =	sbr.rel @p0 .LBB2_1-.Ltmp5, $3  }
0x182: {  	_ =	sdelay $0x1  }
0x183: {  	[sflag:s10] =	ssyncset.done $0x0  }
0x184: {  	[sflag:s10] =	ssyncadd.s32 $0xFFFFE700  }
0x185: {  	_ =	sfence.sel $0x180000  }
0x186: {  	[bflag:$0x0] =	sbarrier.arrive $0xFFFF  }
0x187: {  	_ =	strace $0x90000047  }
0x188: {  	s0 =	stileid.u32;
	[bflag:$0x2] =	sbarrier.arrive $0xFFFF  }
0x189: {  	p0 =	sne.s32 s0, $0x0;
	s0 =	rddreg [dreg:$0x3]  }
0x18a: {  	s0 =	sadd.s32 @!p0 $0x100000, s0  }
0x18b: {  	[sflag:s0] =	ssyncadd.tile.s32 @!p0 $0x1;
	_ =	shalt  }
.Lfunc_end2:
_tile_overlayer_lowered:
.L_overlay_start_2:
0x18c: {  	(tag) =	ssettag $0x2  }
0x18d: {  	s0 =	rddreg [dreg:$0x0];
	s2 =	stileid.u32  }
0x18e: {  	s1 =	rddreg [dreg:$0x1];
	p0 =	sne.s32 s2, $0x0  }
0x18f: {  	s3 =	rddreg [dreg:$0x2];
	[bflag:$0x3] =	sbarrier.arrive $0xFFFF;
	s2 =	simm.s32 @!p0 $0x1C04  }
0x190: {  	[timem:s3], [sflag:s2] =	dma.local @!p0 [hbm:s0], s1  }
0x191: {  	s0 =	simm.s32 @!p0 $0x4  }
0x192: {  	_ =	swait.ge @!p0 [sflag:s0], s1  }
0x193: {  	s1 =	ssub.s32 @!p0 $0x0, s1;
	[sflag:s0] =	ssyncset.done @!p0 $0x0  }
0x194: {  	[sflag:s0] =	ssyncadd.s32 @!p0 s1  }
0x195: {  	[bflag:$0x3] =	sbarrier.arrive $0xFFFF  }
0x196: {  	_ =	shalt  }

// kernel: kernel.16.cloned.1.call-start
scs
__scs_entry_jumppad:
0x0: {  	(pc) =	sbr.rel $0x88, $3  }
0x1: {  	(tag) =	ssettag $0x0;
	lr =	simm.s32 $0x1  }
0x2: {  	[smem:$0x3F95] =	sst lr;
	_ =	strace $0xD0000000  }
0x3: {  	_ = 	snop  }
0x4: {  	_ = 	snop  }
0x5: {  	_ = 	snop  }
0x6: {  	_ = 	snop  }
0x7: {  	_ = 	snop  }
__scs_overlays_trampoline_lowered:
0x8: {  	[smem:$0x3FA4] =	sst s0  }
0x9: {  	[smem:$0x3FA5] =	sst s1  }
0xa: {  	[smem:$0x3FA6] =	sst s2  }
0xb: {  	[smem:$0x3FA7] =	sst s3  }
0xc: {  	[smem:$0x3FA8] =	sst s4  }
0xd: {  	[smem:$0x3FA9] =	sst s5  }
0xe: {  	[smem:$0x3FAA] =	sst s6  }
0xf: {  	[smem:$0x3FAB] =	sst s7  }
0x10: {  	[smem:$0x3FAC] =	sst s8  }
0x11: {  	[smem:$0x3FAD] =	sst s9;
	s0 =	simm.s32 @!p0 $0x0  }
0x12: {  	s1 =	sld [smem:$0x3F93];
	s0 =	simm.s32 @p0 $0x1  }
0x13: {  	[smem:$0x3FAE] =	sst s0;
	s0 =	simm.s32 @!p1 $0x0  }
0x14: {  	s2 =	sld [smem:$0x3F92];
	s0 =	simm.s32 @p1 $0x1  }
0x15: {  	[smem:$0x3FAF] =	sst s0;
	s0 =	simm.s32 @!p2 $0x0  }
0x16: {  	s3 =	sld [smem:$0x3FDB];
	s0 =	simm.s32 @p2 $0x1  }
0x17: {  	s4 =	simm.s32 $0x1BF5;
	[smem:$0x3FB1] =	sst s0  }
0x18: {  	s0 =	sld [smem:$0x3F94];
	_ =	swait.ge [sflag:s4], $0x0  }
0x19: {  	s7 =	sld [smem:$0x3F95]  }
0x1a: {  	s8 =	sadd.s32 $0xFFFFE003, lr  }
0x1b: {  	s9 =	sadd.s32 $0xFFFFFEF7, lr;
	s5 =	simm.s32 $0xFFFFFFFF;
	p2 =	slt.u32 s8, $0xFFFFF086  }
0x1c: {  	p1 =	slt.u32 s9, $0xF7A;
	s5 =	simm.s32 @!p2 $0x0  }
0x1d: {  	s5 =	simm.s32 @p1 $0x1;
	p0 =	seq.s32 s7, s2  }
0x1e: {  	s7 =	smul.u32 @!p0 $0xF7A, s2;
	p2 =	seq.s32 @!p0 s5, $0x0  }
0x1f: {  	s9 =	smul.u32 $0xF7A, s1;
	s8 =	simm.s32 @!p0 $0x1BF5;
	p2 =	por !p2, p0  }
0x20: {  	[sflag:s8] =	ssyncset.s32 @!p0 $0xFFFFF086;
	s6 =	sadd.s32 @!p0 s3, s7;
	s7 =	simm.s32 @!p0 $0x108  }
0x21: {  	s3 =	sadd.s32 s3, s9;
	s6 =	sadd.s32 @!p0 $0x88, s6;
	s7 =	simm.s32 @p2 $0x1082  }
0x22: {  	[simem:s7], [sflag:s8] =	dma.local @!p0 [hbm:s6], $0xF7A  }
0x23: {  	s9 =	sor.u32 $0xD0000000, s2;
	s6 =	simm.s32 $0x108;
	_ =	swait.ge @!p0 [sflag:s8], $0x0  }
0x24: {  	s3 =	sadd.s32 $0x88, s3;
	s6 =	simm.s32 @!p1 $0x1082;
	[sflag:s4] =	ssyncset.s32 $0xFFFFF086  }
0x25: {  	[simem:s6], [sflag:s4] =	dma.local [hbm:s3], $0xF7A  }
0x26: {  	[smem:$0x3F95] =	sst s1;
	(tag) =	ssettag s2;
	_ =	strace s9  }
0x27: {  	s1 =	sld [smem:$0x3FA5]  }
0x28: {  	s2 =	sld [smem:$0x3FA6]  }
0x29: {  	s4 =	sld [smem:$0x3FA8]  }
0x2a: {  	p0 =	seq.s32 s5, $0x0;
	s5 =	sld [smem:$0x3FA9]  }
0x2b: {  	s6 =	sld [smem:$0x3FAA]  }
0x2c: {  	s7 =	sld [smem:$0x3FAB]  }
0x2d: {  	s3 =	simm.s32 $0x108;
	s8 =	sld [smem:$0x3FAC]  }
0x2e: {  	s3 =	simm.s32 @!p0 $0x1082;
	s9 =	sld [smem:$0x3FAD]  }
0x2f: {  	lr =	sadd.s32 s0, s3;
	s0 =	sld [smem:$0x3FA4]  }
0x30: {  	s3 =	sld [smem:$0x3FA7]  }
0x31: {  	[smem:$0x3FB0] =	sst s10  }
0x32: {  	s10 =	sld [smem:$0x3FAE];
	_ =	sdelay $0x3  }
0x33: {  	p0 =	seq.s32 s10, $0x1;
	s10 =	sld [smem:$0x3FB0];
	_ =	sdelay $0x3  }
0x34: {  	[smem:$0x3FB0] =	sst s10  }
0x35: {  	s10 =	sld [smem:$0x3FAF];
	_ =	sdelay $0x3  }
0x36: {  	p1 =	seq.s32 s10, $0x1;
	s10 =	sld [smem:$0x3FB0];
	_ =	sdelay $0x3  }
0x37: {  	[smem:$0x3FB0] =	sst s10  }
0x38: {  	s10 =	sld [smem:$0x3FB1]  }
0x39: {  	_ = 	snop;
	(pc) =	sbr.ind lr, $3  }
0x3a: {  	_ = 	snop  }
0x3b: {  	_ = 	snop  }
0x3c: {  	p2 =	seq.s32 s10, $0x1;
	s10 =	sld [smem:$0x3FB0]  }
0x3d: {  	_ =	shalt  }
0x3e: {  	_ =	shalt  }
0x3f: {  	_ =	shalt  }
0x40: {  	_ =	shalt  }
0x41: {  	_ =	shalt  }
0x42: {  	_ =	shalt  }
0x43: {  	_ =	shalt  }
0x44: {  	_ =	shalt  }
0x45: {  	_ =	shalt  }
0x46: {  	_ =	shalt  }
0x47: {  	_ =	shalt  }
0x48: {  	_ =	shalt  }
0x49: {  	_ =	shalt  }
0x4a: {  	_ =	shalt  }
0x4b: {  	_ =	shalt  }
0x4c: {  	_ =	shalt  }
0x4d: {  	_ =	shalt  }
0x4e: {  	_ =	shalt  }
0x4f: {  	_ =	shalt  }
0x50: {  	_ =	shalt  }
0x51: {  	_ =	shalt  }
0x52: {  	_ =	shalt  }
0x53: {  	_ =	shalt  }
0x54: {  	_ =	shalt  }
0x55: {  	_ =	shalt  }
0x56: {  	_ =	shalt  }
0x57: {  	_ =	shalt  }
0x58: {  	_ =	shalt  }
0x59: {  	_ =	shalt  }
0x5a: {  	_ =	shalt  }
0x5b: {  	_ =	shalt  }
0x5c: {  	_ =	shalt  }
0x5d: {  	_ =	shalt  }
0x5e: {  	_ =	shalt  }
0x5f: {  	_ =	shalt  }
0x60: {  	_ =	shalt  }
0x61: {  	_ =	shalt  }
0x62: {  	_ =	shalt  }
0x63: {  	_ =	shalt  }
0x64: {  	_ =	shalt  }
0x65: {  	_ =	shalt  }
0x66: {  	_ =	shalt  }
0x67: {  	_ =	shalt  }
0x68: {  	_ =	shalt  }
0x69: {  	_ =	shalt  }
0x6a: {  	_ =	shalt  }
0x6b: {  	_ =	shalt  }
0x6c: {  	_ =	shalt  }
0x6d: {  	_ =	shalt  }
0x6e: {  	_ =	shalt  }
0x6f: {  	_ =	shalt  }
0x70: {  	_ =	shalt  }
0x71: {  	_ =	shalt  }
0x72: {  	_ =	shalt  }
0x73: {  	_ =	shalt  }
0x74: {  	_ =	shalt  }
0x75: {  	_ =	shalt  }
0x76: {  	_ =	shalt  }
0x77: {  	_ =	shalt  }
0x78: {  	_ =	shalt  }
0x79: {  	_ =	shalt  }
0x7a: {  	_ =	shalt  }
0x7b: {  	_ =	shalt  }
0x7c: {  	_ =	shalt  }
0x7d: {  	_ =	shalt  }
0x7e: {  	_ =	shalt  }
0x7f: {  	_ =	shalt  }
0x80: {  	_ =	shalt  }
0x81: {  	_ =	shalt  }
0x82: {  	_ =	shalt  }
0x83: {  	_ =	shalt  }
0x84: {  	_ =	shalt  }
0x85: {  	_ =	shalt  }
0x86: {  	_ =	shalt  }
0x87: {  	_ =	shalt  }
.Lfunc_end0:
.L_simem_size_0:
called_computation.1_lowered:
.L_overlay_start_0:
0x88: {  	s2 =	sld [smem:$0x3FD9]  }
0x89: {  	s3 =	sld [smem:$0x3FFE];
	_ =	sdelay $0x1  }
0x8a: {  	s1 =	srdreg.scid  }
0x8b: {  	s0 =	sand.u32 $0x1, s1  }
0x8c: {  	s16 =	sshll.u32 s0, $0xA;
	s2 =	sadd.s32 s3, s2  }
0x8d: {  	s2 =	sadd.s32 s2, s16  }
0x8e: {  	[smem:$0x3FBC] =	sst s2  }
0x8f: {  	_ = 	snop  }
0x90: {  	(tm) =	ssettm $0x1  }
0x91: {  	s17 =	sld [smem:$0x3FFB];
	_ =	sdelay $0x3  }
0x92: {  	_ =	strace s17  }
0x93: {  	s2 =	sld [smem:$0x3FFC];
	_ =	sdelay $0x3  }
0x94: {  	_ =	strace s2  }
0x95: {  	s2 =	sld [smem:$0x3FFD];
	_ =	sdelay $0x3  }
0x96: {  	_ =	strace s2  }
0x97: {  	_ =	strace $0x8FFFFFFF  }
0x98: {  	s18 =	sld [smem:$0x3FDB];
	_ =	sdelay $0x1  }
0x99: {  	s19 =	simm.s32 $_scs_section_size  }
0x9a: {  	s4 =	simm.s32 $_size__tile_overlayer_lowered;
	s5 =	simm.s32 $_tile_overlayer_lowered  }
0x9b: {  	s22 =	simm.s32 $0x1BFF;
	s21 =	sshll.u32 s5, $0x1;
	s2 =	sadd.s32 s19, s18  }
0x9c: {  	s6 =	simm.s32 $0x0;
	s20 =	sshll.u32 s4, $0x1;
	s4 =	sadd.s32 s21, s2  }
0x9d: {  	[timem:s6], [sflag:s22] =	dma.local [hbm:s4], s20  }
0x9e: {  	_ =	swait.ge [sflag:s22], s20  }
0x9f: {  	s3 =	ssub.s32 $0x0, s20;
	[sflag:s22] =	ssyncset.done $0x0  }
0xa0: {  	[sflag:s22] =	ssyncadd.s32 s3;
	_ =	sdelay $0x1  }
0xa1: {  	s23 =	simm.s32 $0x1B8B  }
0xa2: {  	_ =	swait.ge [sflag:s23], $0x1  }
0xa3: {  	[sflag:s23] =	ssyncset.done $0x0  }
0xa4: {  	s25 =	simm.s32 $0x1B8E;
	s24 =	sld [smem:$0x3FFE];
	[sflag:s23] =	ssyncadd.s32 $0xFFFFFFFF  }
0xa5: {  	s26 =	simm.s32 $execute0_lowered;
	[smem:$0x3FD2] =	sst s25  }
0xa6: {  	s4 =	sshll.u32 s26, $0x1;
	_ =	strace $0x80000049;
	[dreg:$0x1] =	wrdreg $0xFFFFFFFF  }
0xa7: {  	s28 =	simm.s32 $_size_execute0_lowered;
	s2 =	sadd.s32 s2, s4;
	[dreg:$0x0] =	wrdreg $0x0  }
0xa8: {  	s4 =	sshll.u32 s28, $0x1;
	[dreg:$0x2] =	wrdreg s2  }
0xa9: {  	[dreg:$0x3] =	wrdreg s4  }
0xaa: {  	[dreg:$0x4] =	wrdreg $0xC0  }
0xab: {  	_ =	task [dreg:s6], $0x5FFFF  }
0xac: {  	[dreg:$0x1] =	wrdreg $0xFFFFFFFF  }
0xad: {  	[dreg:$0x0] =	wrdreg $0x60  }
0xae: {  	[dreg:$0x2] =	wrdreg s24  }
0xaf: {  	[dreg:$0x3] =	wrdreg $0x115200  }
0xb0: {  	[dreg:$0x4] =	wrdreg $0x9  }
0xb1: {  	_ =	task.clear_ibuf [dreg:s6], $0x5FFFF;
	_ =	strace $0x90000049  }
0xb2: {  	s29 =	simm.s32 $0x9;
	_ =	strace $0x8000004B  }
0xb3: {  	_ =	swait.ge [sflag:s29], $0x1  }
0xb4: {  	[sflag:s29] =	ssyncadd.s32 $0xFFFFFFFF  }
0xb5: {  	_ =	strace $0x9000004B  }
0xb6: {  	_ =	sfence  }
0xb7: {  	s30 =	sld [smem:$0x0];
	_ =	sdelay $0x2  }
0xb8: {  	s31 =	sshll.u32 s1, $0xD;
	s1 =	sshrl.u32 s1, $0x2  }
0xb9: {  	s3 =	sand.u32 $0x4000, s31;
	s1 =	sadd.s32 s1, s30  }
0xba: {  	s0 =	sor.u32 s3, s0;
	s1 =	sshll.u32 s1, $0x11  }
0xbb: {  	s0 =	sor.u32 s1, s0  }
0xbc: {  	s0 =	sadd.s32 $0x8F2B, s0  }
0xbd: {  	[sflag:s0] =	ssyncadd.remote.s32 $0x1  }
0xbe: {  	_ =	sfence.sel $0xFFFF  }
0xbf: {  	[dreg:$0x0] =	wrdreg $0xFFFFFFFF;
	(pc) =	sbr.abs _section_cstart, $3  }
0xc0: {  	[dreg:$0x1] =	wrdreg $0xFFFFFFFF  }
0xc1: {  	_ =	task.clear_ibuf [dreg:s6], $0x2FFFF;
	_ =	strace $0x9FFFFFFF  }
0xc2: {  	(tm) =	ssettm $0x7FFFFFFF  }
0xc3: {  	_ =	shalt  }
tec
execute0_lowered:
.L_overlay_start_1:
0x0: {  	(tag) =	ssettag $0x1  }
0x1: {  	s0 =	rddreg [dreg:$0x0]  }
0x2: {  	s1 =	rddreg [dreg:$0x1];
	s3 =	simm.s32 $0x0  }
0x3: {  	[smem:$0x7FF] =	sst s3;
	s7 =	sadd.s32 $0xB5400, s0  }
0x4: {  	s10 =	sadd.s32 $0xE9C00, s0;
	_ =	strace $0x8000004A;
	[dreg:$0x3] =	wrdreg s7  }
0x5: {  	s25 =	sadd.s32 $0xB547D, s0;
	[dreg:$0x4] =	wrdreg s10  }
0x6: {  	s26 =	sadd.s32 $0xB57E8, s0;
	[dreg:$0x5] =	wrdreg s25  }
0x7: {  	s30 =	sadd.s32 $0xB5865, s0;
	[dreg:$0x6] =	wrdreg s26  }
0x8: {  	s31 =	sadd.s32 $0xB5BD0, s0;
	[dreg:$0x7] =	wrdreg s30  }
0x9: {  	s11 =	sadd.s32 $0xB5FB8, s0;
	[dreg:$0x8] =	wrdreg s31  }
0xa: {  	s12 =	sadd.s32 $0xB6035, s0;
	[dreg:$0xa] =	wrdreg s11  }
0xb: {  	s2 =	srdreg.scid;
	s13 =	sadd.s32 $0xB63A0, s0;
	[dreg:$0xb] =	wrdreg s12  }
0xc: {  	s9 =	stileid.u32;
	s14 =	sadd.s32 $0xB641D, s0;
	[dreg:$0xc] =	wrdreg s13  }
0xd: {  	s2 =	sand.u32 $0x1, s2;
	s15 =	sadd.s32 $0xB6788, s0;
	[dreg:$0xd] =	wrdreg s14  }
0xe: {  	s6 =	smul.u32 $0xC800, s9;
	s16 =	sadd.s32 $0xB6805, s0;
	[dreg:$0xe] =	wrdreg s15  }
0xf: {  	s17 =	sadd.s32 $0xB6B70, s0;
	s18 =	sadd.s32 $0xB6BED, s0;
	[dreg:$0xf] =	wrdreg s16  }
0x10: {  	s19 =	sadd.s32 $0xB6F58, s0;
	s21 =	smul.u32 $0x1D4C0, s9;
	[dreg:$0x10] =	wrdreg s17  }
0x11: {  	s20 =	sadd.s32 $0xB6FD5, s0;
	s9 =	smul.u32 $0x32000, s9;
	[dreg:$0x11] =	wrdreg s18  }
0x12: {  	s22 =	sadd.s32 $0xB7340, s0;
	s4 =	smul.u32 $0x13880, s2;
	[dreg:$0x12] =	wrdreg s19  }
0x13: {  	s23 =	sadd.s32 $0xB73BD, s0;
	s5 =	smul.u32 $0xC8000, s2;
	[dreg:$0x13] =	wrdreg s20  }
0x14: {  	s2 =	ssub.s32 $0x2, s2;
	s10 =	sadd.s32 $0xB5C4D, s0;
	[dreg:$0x14] =	wrdreg s22  }
0x15: {  	[dreg:$0x15] =	wrdreg s23;
	s11 =	simm.s32 $0x2;
	s12 =	simm.s32 $0xB120  }
0x16: {  	s13 =	simm.s32 $0xA0;
	s14 =	simm.s32 $0x1;
	s15 =	simm.s32 $0x3  }
0x17: {  	s16 =	simm.s32 $0x0;
	s8 =	sshrl.u32 s2, $0x1;
	[dreg:$0x9] =	wrdreg s10  }
0x18: {  	s25 =	sshrl.u32 s21, $0x3;
	s30 =	sadd.s32 s6, s1;
	s31 =	sshrl.u32 s9, $0x2  }
0x19: {  	s9 =	simm.s32 $0x2710;
	s10 =	simm.s32 $0x4;
	s4 =	sadd.s32 s4, s0  }
0x1a: {  	s24 =	sadd.s32 s6, s5;
	s5 =	sadd.s32 $0x5600, s0;
	s2 =	ssub.s32 s2, s8  }
0x1b: {  	s7 =	sshrl.u32 s24, $0x3;
	s24 =	sadd.s32 $0xB7728, s0;
	s28 =	sadd.s32 s5, s25  }
0x1c: {  	s29 =	sadd.s32 $0xB7C00, s4;
	s2 =	smax.u32 s2, $0x1;
	[dreg:$0x16] =	wrdreg s24  }
0x1d: {  	v0 =	vlaneseq.u32;
	s7 =	sadd.s32 s7, s0;
	s0 =	sadd.s32 $0xB77A5, s0;
	[dreg:$0x19] =	wrdreg s2  }
0x1e: {  	v3 =	vmul.u32 $0x50, v0;
	s2 =	sshrl.u32 s30, $0x3;
	[dreg:$0x17] =	wrdreg s0;
	s26 =	sadd.s32 $0xE9E00, s7  }
0x1f: {  	v4 =	vimm.f32 $1.000000000e+00;
	v0 =	vimm.f32 $0.0e+00;
	s4 =	sadd.s32 $0x78, s28;
	s0 =	sadd.s32 s31, s1;
	[dreg:$0x18] =	wrdreg s26  }
0x20: {  	v1 =	vadd.s32 $0x40, v3;
	v2 =	vadd.s32 $0x41, v3;
	v3 =	vadd.s32 $0x42, v3;
	s6 =	sadd.s32 $0x3200, s0;
	s7 =	sadd.s32 $0x6400, s0;
	s8 =	sadd.s32 $0x9600, s0  }
.LBB2_1:
0x21: {  	s17 =	rddreg [dreg:$0x3]  }
0x22: {  	[tilespmem:s3], [sflag:$0x2] =	stream.linear.gather [hbm4b:s17+s3], $0x3E8, $0x38;
	[tilespmem:$0x1DD20] =	vst v63  }
0x23: {  	s20 =	rddreg [dreg:$0x5]  }
0x24: {  	[tilespmem:s9], [sflag:$0x2] =	stream.linear.gather [hbm4b:s20+s3], $0x3E8, $0x38;
	[tilespmem:$0x1DD20] =	vst v63  }
0x25: {  	s22 =	rddreg [dreg:$0x6];
	s18 =	simm.s32 $0x3E8  }
0x26: {  	[tilespmem:s18], [sflag:$0x2] =	stream.linear.gather [hbm4b:s22+s3], $0x3E8, $0x38;
	[tilespmem:$0x1DD20] =	vst v63  }
0x27: {  	s23 =	rddreg [dreg:$0x7];
	s24 =	simm.s32 $0x2AF8  }
0x28: {  	[tilespmem:s24], [sflag:$0x2] =	stream.linear.gather [hbm4b:s23+s3], $0x3E8, $0x38;
	[tilespmem:$0x1DD20] =	vst v63  }
0x29: {  	s25 =	rddreg [dreg:$0x8];
	s26 =	simm.s32 $0x7D0  }
0x2a: {  	[tilespmem:s26], [sflag:$0x2] =	stream.linear.gather [hbm4b:s25+s3], $0x3E8, $0x38;
	[tilespmem:$0x1DD20] =	vst v63  }
0x2b: {  	s30 =	rddreg [dreg:$0x9];
	s31 =	simm.s32 $0x2EE0  }
0x2c: {  	[tilespmem:s31], [sflag:$0x2] =	stream.linear.gather [hbm4b:s30+s3], $0x3E8, $0x38;
	[tilespmem:$0x1DD20] =	vst v63  }
0x2d: {  	s19 =	simm.s32 $0xBB8;
	s18 =	rddreg [dreg:$0xa]  }
0x2e: {  	[tilespmem:s19], [sflag:$0x2] =	stream.linear.gather [hbm4b:s18+s3], $0x3E8, $0x38;
	[tilespmem:$0x1DD20] =	vst v63  }
0x2f: {  	s20 =	rddreg [dreg:$0xb];
	s22 =	simm.s32 $0x32C8  }
0x30: {  	[tilespmem:s22], [sflag:$0x2] =	stream.linear.gather [hbm4b:s20+s3], $0x3E8, $0x38;
	[tilespmem:$0x1DD20] =	vst v63  }
0x31: {  	s23 =	rddreg [dreg:$0xc];
	s24 =	simm.s32 $0xFA0  }
0x32: {  	[tilespmem:s24], [sflag:$0x2] =	stream.linear.gather [hbm4b:s23+s3], $0x3E8, $0x38;
	[tilespmem:$0x1DD20] =	vst v63  }
0x33: {  	s25 =	rddreg [dreg:$0xd];
	s26 =	simm.s32 $0x36B0  }
0x34: {  	[tilespmem:s26], [sflag:$0x2] =	stream.linear.gather [hbm4b:s25+s3], $0x3E8, $0x38;
	[tilespmem:$0x1DD20] =	vst v63  }
0x35: {  	s30 =	rddreg [dreg:$0xe];
	s31 =	simm.s32 $0x1388  }
0x36: {  	[tilespmem:s31], [sflag:$0x2] =	stream.linear.gather [hbm4b:s30+s3], $0x3E8, $0x38;
	[tilespmem:$0x1DD20] =	vst v63  }
0x37: {  	s18 =	rddreg [dreg:$0xf];
	s19 =	simm.s32 $0x3A98  }
0x38: {  	[tilespmem:s19], [sflag:$0x2] =	stream.linear.gather [hbm4b:s18+s3], $0x3E8, $0x38;
	[tilespmem:$0x1DD20] =	vst v63  }
0x39: {  	s20 =	rddreg [dreg:$0x10];
	s22 =	simm.s32 $0x1770  }
0x3a: {  	[tilespmem:s22], [sflag:$0x2] =	stream.linear.gather [hbm4b:s20+s3], $0x3E8, $0x38;
	[tilespmem:$0x1DD20] =	vst v63  }
0x3b: {  	s23 =	rddreg [dreg:$0x11];
	s24 =	simm.s32 $0x3E80  }
0x3c: {  	[tilespmem:s24], [sflag:$0x2] =	stream.linear.gather [hbm4b:s23+s3], $0x3E8, $0x38;
	[tilespmem:$0x1DD20] =	vst v63  }
0x3d: {  	s25 =	rddreg [dreg:$0x12];
	s26 =	simm.s32 $0x1B58  }
0x3e: {  	[tilespmem:s26], [sflag:$0x2] =	stream.linear.gather [hbm4b:s25+s3], $0x3E8, $0x38;
	[tilespmem:$0x1DD20] =	vst v63  }
0x3f: {  	s30 =	rddreg [dreg:$0x13];
	s31 =	simm.s32 $0x4268  }
0x40: {  	[tilespmem:s31], [sflag:$0x2] =	stream.linear.gather [hbm4b:s30+s3], $0x3E8, $0x38;
	[tilespmem:$0x1DD20] =	vst v63  }
0x41: {  	s18 =	rddreg [dreg:$0x14];
	s19 =	simm.s32 $0x1F40  }
0x42: {  	[tilespmem:s19], [sflag:$0x2] =	stream.linear.gather [hbm4b:s18+s3], $0x3E8, $0x38;
	[tilespmem:$0x1DD20] =	vst v63  }
0x43: {  	s20 =	rddreg [dreg:$0x15];
	s22 =	simm.s32 $0x4650  }
0x44: {  	[tilespmem:s22], [sflag:$0x2] =	stream.linear.gather [hbm4b:s20+s3], $0x3E8, $0x38;
	[tilespmem:$0x1DD20] =	vst v63  }
0x45: {  	s23 =	rddreg [dreg:$0x16];
	s24 =	simm.s32 $0x2328  }
0x46: {  	[tilespmem:s24], [sflag:$0x2] =	stream.linear.gather [hbm4b:s23+s3], $0x3E8, $0x38;
	[tilespmem:$0x1DD20] =	vst v63  }
0x47: {  	s25 =	rddreg [dreg:$0x17];
	s26 =	simm.s32 $0x4A38  }
0x48: {  	[tilespmem:s26], [sflag:$0x2] =	stream.linear.gather [hbm4b:s25+s3], $0x3E8, $0x38;
	[tilespmem:$0x1DD20] =	vst v63  }
0x49: {  	s30 =	rddreg [dreg:$0x4];
	s31 =	simm.s32 $0x60E0  }
0x4a: {  	[tilespmem:s31], [sflag:$0x4] =	stream.linear.gather [hbm4b:s30+s3], $0x40, $0x38;
	[tilespmem:$0x1DD20] =	vst v63  }
0x4b: {  	_ =	swait.ge [sflag:s10], $0x40  }
0x4c: {  	[sflag:s10] =	ssyncset.done $0x0  }
0x4d: {  	[sflag:s10] =	ssyncadd.s32 $0xFFFFFFC0  }
0x4e: {  	_ =	swait.ge [sflag:s11], $0x3E8  }
0x4f: {  	[sflag:s11] =	ssyncset.done $0x0  }
0x50: {  	[sflag:s11] =	ssyncadd.s32 $0xFFFFFC18  }
0x51: {  	_ =	swait.ge [sflag:s11], $0x3E8  }
0x52: {  	[sflag:s11] =	ssyncset.done $0x0  }
0x53: {  	[sflag:s11] =	ssyncadd.s32 $0xFFFFFC18  }
0x54: {  	_ =	swait.ge [sflag:s11], $0x3E8  }
0x55: {  	[sflag:s11] =	ssyncset.done $0x0  }
0x56: {  	[sflag:s11] =	ssyncadd.s32 $0xFFFFFC18  }
0x57: {  	_ =	swait.ge [sflag:s11], $0x3E8  }
0x58: {  	[sflag:s11] =	ssyncset.done $0x0  }
0x59: {  	[sflag:s11] =	ssyncadd.s32 $0xFFFFFC18  }
0x5a: {  	_ =	swait.ge [sflag:s11], $0x3E8  }
0x5b: {  	[sflag:s11] =	ssyncset.done $0x0  }
0x5c: {  	[sflag:s11] =	ssyncadd.s32 $0xFFFFFC18  }
0x5d: {  	_ =	swait.ge [sflag:s11], $0x3E8  }
0x5e: {  	[sflag:s11] =	ssyncset.done $0x0  }
0x5f: {  	[sflag:s11] =	ssyncadd.s32 $0xFFFFFC18  }
0x60: {  	_ =	swait.ge [sflag:s11], $0x3E8  }
0x61: {  	[sflag:s11] =	ssyncset.done $0x0  }
0x62: {  	[sflag:s11] =	ssyncadd.s32 $0xFFFFFC18  }
0x63: {  	_ =	swait.ge [sflag:s11], $0x3E8  }
0x64: {  	[sflag:s11] =	ssyncset.done $0x0  }
0x65: {  	[sflag:s11] =	ssyncadd.s32 $0xFFFFFC18  }
0x66: {  	_ =	swait.ge [sflag:s11], $0x3E8  }
0x67: {  	[sflag:s11] =	ssyncset.done $0x0  }
0x68: {  	[sflag:s11] =	ssyncadd.s32 $0xFFFFFC18  }
0x69: {  	_ =	swait.ge [sflag:s11], $0x3E8  }
0x6a: {  	[sflag:s11] =	ssyncset.done $0x0  }
0x6b: {  	[sflag:s11] =	ssyncadd.s32 $0xFFFFFC18  }
0x6c: {  	_ =	swait.ge [sflag:s11], $0x3E8  }
0x6d: {  	[sflag:s11] =	ssyncset.done $0x0  }
0x6e: {  	[sflag:s11] =	ssyncadd.s32 $0xFFFFFC18  }
0x6f: {  	_ =	swait.ge [sflag:s11], $0x3E8  }
0x70: {  	[sflag:s11] =	ssyncset.done $0x0  }
0x71: {  	[sflag:s11] =	ssyncadd.s32 $0xFFFFFC18  }
0x72: {  	_ =	swait.ge [sflag:s11], $0x3E8  }
0x73: {  	[sflag:s11] =	ssyncset.done $0x0  }
0x74: {  	[sflag:s11] =	ssyncadd.s32 $0xFFFFFC18  }
0x75: {  	_ =	swait.ge [sflag:s11], $0x3E8  }
0x76: {  	[sflag:s11] =	ssyncset.done $0x0  }
0x77: {  	[sflag:s11] =	ssyncadd.s32 $0xFFFFFC18  }
0x78: {  	_ =	swait.ge [sflag:s11], $0x3E8  }
0x79: {  	[sflag:s11] =	ssyncset.done $0x0  }
0x7a: {  	[sflag:s11] =	ssyncadd.s32 $0xFFFFFC18  }
0x7b: {  	_ =	swait.ge [sflag:s11], $0x3E8  }
0x7c: {  	[sflag:s11] =	ssyncset.done $0x0  }
0x7d: {  	[sflag:s11] =	ssyncadd.s32 $0xFFFFFC18  }
0x7e: {  	_ =	swait.ge [sflag:s11], $0x3E8  }
0x7f: {  	[sflag:s11] =	ssyncset.done $0x0  }
0x80: {  	[sflag:s11] =	ssyncadd.s32 $0xFFFFFC18  }
0x81: {  	_ =	swait.ge [sflag:s11], $0x3E8  }
0x82: {  	[sflag:s11] =	ssyncset.done $0x0  }
0x83: {  	[sflag:s11] =	ssyncadd.s32 $0xFFFFFC18  }
0x84: {  	_ =	swait.ge [sflag:s11], $0x3E8  }
0x85: {  	[sflag:s11] =	ssyncset.done $0x0  }
0x86: {  	[sflag:s11] =	ssyncadd.s32 $0xFFFFFC18  }
0x87: {  	_ =	swait.ge [sflag:s11], $0x3E8  }
0x88: {  	[sflag:s11] =	ssyncset.done $0x0  }
0x89: {  	s17 =	simm.s32 $0x40;
	s18 =	simm.s32 $0x240;
	[sflag:s11] =	ssyncadd.s32 $0xFFFFFC18  }
.LBB2_2:
0x8a: {  	p0 =	sne.s32 s18, $0xC7C0;
	[tilespmem:s17+$0xB120] =	vst v0;
	s19 =	smov.u32 s18;
	s18 =	sadd.s32 $0x140, s18  }
.Ltmp0:
0x8b: {  	[tilespmem:s17+$0xB110] =	vst v0;
	(pc) =	sbr.rel @p0 .LBB2_2-.Ltmp0, $4  }
0x8c: {  	[tilespmem:s17+$0xB100] =	vst v0  }
0x8d: {  	[tilespmem:s17+$0xB0E0] =	vst v0  }
0x8e: {  	[tilespmem:s17+$0xB0F0] =	vst v0  }
0x8f: {  	s17 =	sshra.s32 s19, $0x2  }
0x90: {  	[tilespmem:s17+$0xB120] =	vst v0  }
0x91: {  	[tilespmem:s17+$0xB110] =	vst v0  }
0x92: {  	[tilespmem:s17+$0xB100] =	vst v0  }
0x93: {  	[tilespmem:s17+$0xB0E0] =	vst v0  }
0x94: {  	[tilespmem:s17+$0xB0F0] =	vst v0;
	s18 =	simm.s32 $0x140;
	s17 =	simm.s32 $0x0  }
.LBB2_4:
0x95: {  	p0 =	sne.s32 s18, $0xC6C0;
	[tilespmem:s17+$0xE360] =	vst v0;
	s19 =	smov.u32 s18;
	s18 =	sadd.s32 $0x140, s18  }
.Ltmp1:
0x96: {  	[tilespmem:s17+$0xE350] =	vst v0;
	(pc) =	sbr.rel @p0 .LBB2_4-.Ltmp1, $4  }
0x97: {  	[tilespmem:s17+$0xE340] =	vst v0  }
0x98: {  	[tilespmem:s17+$0xE320] =	vst v0  }
0x99: {  	[tilespmem:s17+$0xE330] =	vst v0  }
0x9a: {  	s17 =	sshra.s32 s19, $0x2  }
0x9b: {  	[tilespmem:s17+$0xE360] =	vst v0  }
0x9c: {  	[tilespmem:s17+$0xE350] =	vst v0  }
0x9d: {  	[tilespmem:s17+$0xE340] =	vst v0  }
0x9e: {  	[tilespmem:s17+$0xE320] =	vst v0  }
0x9f: {  	[tilespmem:s17+$0xE330] =	vst v0  }
0xa0: {  	[spmem:s0] =	stream.linear.scatter [tilespmem:s12], [sflag:$0x4], $0x3200, $0x38;
	[tilespmem:$0x1DD20] =	vst v63  }
0xa1: {  	_ =	swait.ge [sflag:s10], $0x3200  }
0xa2: {  	[sflag:s10] =	ssyncset.done $0x0  }
0xa3: {  	[sflag:s10] =	ssyncadd.s32 $0xFFFFCE00  }
0xa4: {  	[spmem:s6] =	stream.linear.scatter [tilespmem:s12], [sflag:$0x4], $0x3200, $0x38;
	[tilespmem:$0x1DD20] =	vst v63  }
0xa5: {  	_ =	swait.ge [sflag:s10], $0x3200  }
0xa6: {  	[sflag:s10] =	ssyncset.done $0x0  }
0xa7: {  	[sflag:s10] =	ssyncadd.s32 $0xFFFFCE00  }
0xa8: {  	[spmem:s7] =	stream.linear.scatter [tilespmem:s12], [sflag:$0x4], $0x3200, $0x38;
	[tilespmem:$0x1DD20] =	vst v63  }
0xa9: {  	_ =	swait.ge [sflag:s10], $0x3200  }
0xaa: {  	[sflag:s10] =	ssyncset.done $0x0  }
0xab: {  	[sflag:s10] =	ssyncadd.s32 $0xFFFFCE00  }
0xac: {  	[spmem:s8] =	stream.linear.scatter [tilespmem:s12], [sflag:$0x4], $0x3200, $0x38;
	[tilespmem:$0x1DD20] =	vst v63  }
0xad: {  	_ =	swait.ge [sflag:s10], $0x3200  }
0xae: {  	[sflag:s10] =	ssyncset.done $0x0  }
0xaf: {  	[sflag:s10] =	ssyncadd.s32 $0xFFFFCE00  }
0xb0: {  	[bflag:$0x0] =	sbarrier.arrive $0xFFFF  }
0xb1: {  	v5 =	vld [tilespmem:$0x60E0]  }
0xb2: {  	v6 =	vld [tilespmem:$0x60F0]  }
0xb3: {  	s19 =	simm.s32 $0x0;
	s17 =	simm.s32 $0x4E20;
	v7 =	vld [tilespmem:$0x6100]  }
0xb4: {  	v8 =	vld [tilespmem:$0x6110];
	[tilespmem:s17], [sflag:$0x4] =	stream.linear.gather [hbm4b:s28+s19], $0x3C0, $0x38  }
0xb5: {  	_ =	swait.ge [sflag:s10], $0x3C0  }
0xb6: {  	[sflag:s10] =	ssyncset.done $0x0  }
0xb7: {  	s18 =	simm.s32 $0x51E0;
	[sflag:s10] =	ssyncadd.s32 $0xFFFFFC40  }
0xb8: {  	[tilespmem:s18], [sflag:$0x2] =	stream.linear.gather [hbm4b:s4+s19], $0x3C0, $0x38;
	[tilespmem:$0x1DD20] =	vst v63  }
0xb9: {  	s31 =	simm.s32 $0x6120;
	p0 =	por $0x0, $0x0  }
0xba: {  	[tilespmem:s31], [sflag:$0x1] =	stream.indirect.gather [hbm4b:s29+s13], $0x40, s17, s13, $0xb8;
	[tilespmem:$0x1DD20] =	vst v63  }
.LBB2_6:
0xbb: {  	s18 =	sadd.s32 $0x1, s19;
	p1 =	seq.s32 s19, $0x7C  }
0xbc: {  	s20 =	smul.u32 @!p1 $0xCD, s18;
	_ =	sdelay $0x1  }
0xbd: {  	s22 =	sshrl.u32 @!p1 s20, $0xA  }
0xbe: {  	s26 =	smul.u32 $0xCD, s19;
	s22 =	sand.u32 @!p1 $0x3F, s22  }
0xbf: {  	s22 =	smul.u32 @!p1 $0x5, s22  }
0xc0: {  	s24 =	simm.s32 @!p1 $0x2  }
0xc1: {  	s25 =	sand.u32 @!p1 $0x1, s18;
	s23 =	sadd.s32 $0x19A, s26;
	s22 =	ssub.s32 @!p1 s18, s22  }
0xc2: {  	_ =	swait.ge @!p1 [sflag:s24], $0x3C0;
	p2 =	seq.s32 @!p1 s25, $0x1;
	s22 =	sand.u32 @!p1 $0xFF, s22  }
0xc3: {  	s25 =	simm.s32 @!p1 $0xA0;
	s23 =	sshrl.u32 s23, $0xA;
	s22 =	smul.u32 @!p1 $0xF00, s22  }
0xc4: {  	[sflag:s24] =	ssyncset.done @!p1 $0x0;
	p2 =	por !p2, p1;
	s23 =	sand.u32 $0x3F, s23  }
0xc5: {  	[sflag:s24] =	ssyncadd.s32 @!p1 $0xFFFFFC40;
	s24 =	simm.s32 @!p1 $0x8920;
	s22 =	sshrl.u32 @!p1 s22, $0x2  }
0xc6: {  	s23 =	smul.u32 $0x5, s23;
	s24 =	simm.s32 @p2 $0x6120;
	s22 =	sadd.s32 @!p1 $0x4E20, s22  }
0xc7: {  	[tilespmem:s24], [sflag:$0x1] =	stream.indirect.gather @!p1 [hbm4b:s29+s25], $0x40, s22, s25, $0xb8;
	[tilespmem:$0x1DD20] =	vst v63  }
0xc8: {  	p2 =	sgt.u32 @!p1 s19, $0x7A;
	s22 =	sadd.s32 $0x2, s19  }
0xc9: {  	p1 =	por p1, p2;
	s23 =	ssub.s32 s22, s23  }
0xca: {  	s22 =	smul.u32 @!p1 $0x3C0, s22;
	s23 =	sand.u32 $0xFF, s23  }
0xcb: {  	s23 =	smul.u32 @!p1 $0xF00, s23  }
0xcc: {  	s30 =	smulhi.u32 $0xCCCCCCCD, s19;
	s22 =	sadd.s32 @!p1 s21, s22  }
0xcd: {  	s24 =	simm.s32 @!p1 $0x0;
	s22 =	sshrl.u32 @!p1 s22, $0x3;
	s23 =	sshrl.u32 @!p1 s23, $0x2  }
0xce: {  	p2 =	slt.u32 @!p1 s19, $0x2;
	s22 =	sadd.s32 @!p1 s5, s22;
	s23 =	sadd.s32 @!p1 $0x4E20, s23  }
0xcf: {  	v9 =	vmov s17;
	[tilespmem:s23], [sflag:$0x2] =	stream.linear.gather @!p1 [hbm4b:s22+s24], $0x3C0, $0x38;
	[tilespmem:$0x1DD20] =	vst v63  }
0xd0: {  	p1 =	por p1, !p2;
	s22 =	sshrl.u32 s30, $0x2  }
0xd1: {  	_ =	swait.ge @p1 [sflag:s15], $0x3200;
	s23 =	smul.u32 $0xFFFFB500, s22  }
0xd2: {  	[sflag:s15] =	ssyncset.done @p1 $0x0  }
0xd3: {  	[sflag:s15] =	ssyncadd.s32 @p1 $0xFFFFCE00;
	s22 =	sshra.s32 s23, $0x2  }
0xd4: {  	v10 =	vld.idx.msk [tilespmem:v9+s22+$0x0 ss:$0x1], $0xffff  }
0xd5: {  	v11 =	vld.idx.msk [tilespmem:v9+s22+$0xA0 ss:$0x1], $0xffff  }
0xd6: {  	v12 =	vld.idx.msk [tilespmem:v9+s22+$0x1E0 ss:$0x1], $0xffff  }
0xd7: {  	v13 =	vld.idx.msk [tilespmem:v9+s22+$0x140 ss:$0x1], $0xffff;
	_ =	sdelay $0x1  }
0xd8: {  	v14 =	vld.idx.msk [tilespmem:v9+s22+$0x280 ss:$0x1], $0xffff;
	_ =	sdelay $0x1  }
0xd9: {  	v15 =	vld.idx.msk [tilespmem:v9+s22+$0x320 ss:$0x1], $0xffff  }
0xda: {  	v13 =	vmul.f32 v13, v5;
	v12 =	vmul.f32 v12, v6;
	v10 =	vld.idx.msk [tilespmem:v10+s3+$0x0], $0xffff  }
0xdb: {  	v16 =	vld.idx.msk [tilespmem:v11+s9+$0x0], $0xffff  }
0xdc: {  	v11 =	vadd.f32 v12, v13;
	v12 =	vmul.f32 v14, v7;
	_ =	sdelay $0x1  }
0xdd: {  	v11 =	vadd.f32 v12, v11;
	v12 =	vmul.f32 v15, v8;
	_ =	sdelay $0x1  }
0xde: {  	v11 =	vadd.f32 v12, v11;
	v10 =	vadd.f32 v16, v10;
	_ =	sdelay $0x1  }
0xdf: {  	v10 =	vadd.f32 v10, v11;
	_ =	sdelay $0x1  }
0xe0: {  	v12 =	vmul.f32 $2.000000030e-01, v10;
	_ =	sdelay $0x1  }
0xe1: {  	v10 =	vmax.f32 v10, v12  }
0xe2: {  	s20 =	sshrl.u32 s26, $0xA;
	v10 =	vmul.f32 $1.442695020e+00, v10  }
0xe3: {  	s31 =	simm.s32 $0x0;
	s20 =	sand.u32 $0x3F, s20;
	s24 =	sand.u32 $0x1, s19  }
0xe4: {  	s20 =	smul.u32 $0x5, s20;
	v12 =	vmov s31;
	(erf) = vpow2.f32 v10;
	v10 =	vmov s24  }
0xe5: {  	v12 =	vmul.u32 $0x50, v12;
	v10 =	vmul.u32 $0x3200, v10  }
0xe6: {  	s30 =	ssub.s32 s19, s20  }
0xe7: {  	s19 =	sand.u32 $0xFF, s30;
	s22 =	simm.s32 $0x1;
	v12 =	vadd.s32 v10, v12  }
0xe8: {  	s19 =	smul.u32 $0xF00, s19;
	s22 =	simm.s32 @!p0 $0x0;
	v12 =	vbroadcast v12, $0x0  }
0xe9: {  	s26 =	smul.u32 $0xC800, s22  }
0xea: {  	s22 =	smul.u32 $0xA000, s22;
	v13 =	vadd.s32 v1, v12  }
0xeb: {  	s25 =	simm.s32 $0x10;
	v14 =	vadd.s32 v2, v12  }
0xec: {  	s19 =	sshrl.u32 s19, $0x2;
	s22 =	sshrl.u32 s22, $0x2;
	s31 =	sshrl.u32 s26, $0x2;
	v12 =	vadd.s32 v3, v12  }
0xed: {  	s19 =	sadd.s32 $0x4EC0, s19;
	s22 =	sadd.s32 $0x61A0, s22;
	s20 =	sadd.s32 $0xB1C0, s31;
	v15 =	vpop (erf)  }
.LBB2_7:
0xee: {  	p1 =	sne.s32 s25, $0x90  }
0xef: {  	[tilespmem:v13+s12+$0x0] =	vst.idx.msk $0xffff, v15;
	s23 =	sadd.s32 $0x40, s23;
	s26 =	smov.u32 s25;
	s25 =	sadd.s32 $0x10, s25  }
0xf0: {  	[tilespmem:v14+s12+$0x0] =	vst.idx.msk $0xffff, v11  }
0xf1: {  	s30 =	sshra.s32 s23, $0x2;
	[tilespmem:v12+s12+$0x0] =	vst.idx.msk $0xffff, v4  }
0xf2: {  	v11 =	vld.idx.msk [tilespmem:v9+s30+$0x1E0 ss:$0x1], $0xffff  }
0xf3: {  	v12 =	vld.idx.msk [tilespmem:v9+s30+$0x0 ss:$0x1], $0xffff  }
0xf4: {  	v13 =	vld.idx.msk [tilespmem:v9+s30+$0xA0 ss:$0x1], $0xffff  }
0xf5: {  	v14 =	vld.idx.msk [tilespmem:v9+s30+$0x140 ss:$0x1], $0xffff;
	_ =	sdelay $0x1  }
0xf6: {  	v15 =	vld.idx.msk [tilespmem:v9+s30+$0x280 ss:$0x1], $0xffff;
	_ =	sdelay $0x1  }
0xf7: {  	v16 =	vld.idx.msk [tilespmem:v9+s30+$0x320 ss:$0x1], $0xffff;
	_ =	sdelay $0x1  }
0xf8: {  	v11 =	vmul.f32 v11, v6;
	v14 =	vmul.f32 v14, v5;
	v12 =	vld.idx.msk [tilespmem:v12+s3+$0x0], $0xffff  }
0xf9: {  	v13 =	vld.idx.msk [tilespmem:v13+s9+$0x0], $0xffff  }
0xfa: {  	v11 =	vadd.f32 v11, v14;
	v14 =	vmul.f32 v15, v7;
	_ =	sdelay $0x1  }
0xfb: {  	v11 =	vadd.f32 v14, v11;
	v14 =	vmul.f32 v16, v8;
	_ =	sdelay $0x1  }
0xfc: {  	v11 =	vadd.f32 v14, v11  }
0xfd: {  	v12 =	vadd.f32 v13, v12;
	_ =	sdelay $0x1  }
0xfe: {  	v12 =	vadd.f32 v12, v11;
	_ =	sdelay $0x1  }
0xff: {  	v13 =	vmul.f32 $2.000000030e-01, v12;
	_ =	sdelay $0x1  }
0x100: {  	v12 =	vmax.f32 v12, v13  }
0x101: {  	v13 =	vmov s26;
	v12 =	vmul.f32 $1.442695020e+00, v12  }
0x102: {  	v13 =	vmul.u32 $0x50, v13  }
0x103: {  	(erf) = vpow2.f32 v12  }
0x104: {  	v12 =	vadd.s32 v10, v13  }
0x105: {  	v12 =	vbroadcast v12, $0x0;
	_ =	sdelay $0x1  }
0x106: {  	v13 =	vadd.s32 v1, v12  }
.Ltmp2:
0x107: {  	v14 =	vadd.s32 v2, v12;
	(pc) =	sbr.rel @p1 .LBB2_7-.Ltmp2, $2  }
0x108: {  	v12 =	vadd.s32 v3, v12;
	_ =	sdelay $0x2  }
0x109: {  	v15 =	vpop (erf)  }
0x10a: {  	s23 =	simm.s32 $0x0  }
0x10b: {  	s31 =	simm.s32 $0x3;
	v9 =	vmov s23  }
0x10c: {  	v17 =	vmov s31;
	v9 =	vmul.u32 $0x50, v9  }
0x10d: {  	v17 =	vmul.u32 $0x50, v17  }
0x10e: {  	s26 =	simm.s32 $0x1;
	[tilespmem:v13+s12+$0x0] =	vst.idx.msk $0xffff, v15;
	v9 =	vbroadcast v9, $0x0  }
0x10f: {  	v13 =	vor.u32 $0x40, v10;
	v16 =	vmov s26;
	[tilespmem:v14+s12+$0x0] =	vst.idx.msk $0xffff, v11;
	v11 =	vbroadcast v17, $0x0  }
0x110: {  	v16 =	vmul.u32 $0x50, v16;
	[tilespmem:v12+s12+$0x0] =	vst.idx.msk $0xffff, v4;
	v9 =	vadd.s32 v9, v13  }
0x111: {  	_ =	swait.ge [sflag:s14], $0x2800;
	v11 =	vadd.s32 v11, v13  }
0x112: {  	s25 =	simm.s32 $0x2;
	v10 =	vbroadcast v16, $0x0;
	[sflag:s14] =	ssyncset.done $0x0  }
0x113: {  	v12 =	vmov s25;
	[sflag:s14] =	ssyncadd.s32 $0xFFFFD800  }
0x114: {  	v12 =	vmul.u32 $0x50, v12;
	v10 =	vadd.s32 v10, v13;
	v17 =	vld [tilespmem:s22+$0xFFFFFFC0]  }
0x115: {  	v14 =	vld.idx.msk [tilespmem:v9+s12+$0x0], $0xffff  }
0x116: {  	v12 =	vbroadcast v12, $0x0;
	v16 =	vld.idx.msk [tilespmem:v11+s12+$0x0], $0xffff  }
0x117: {  	v11 =	vld [tilespmem:s22+$0x40]  }
0x118: {  	v9 =	vadd.s32 v12, v13;
	v12 =	vld [tilespmem:s22+$0xFFFFFF80]  }
0x119: {  	v15 =	vld.idx.msk [tilespmem:v10+s12+$0x0], $0xffff  }
0x11a: {  	s31 =	simm.s32 $0x5  }
0x11b: {  	v19 =	vmov s31  }
0x11c: {  	s25 =	simm.s32 $0x6;
	v19 =	vmul.u32 $0x50, v19;
	v11 =	vmul.f32 v11, v16  }
0x11d: {  	v20 =	vmov s25;
	v18 =	vld [tilespmem:s22+$0x0];
	v12 =	vmul.f32 v12, v14  }
0x11e: {  	v20 =	vmul.u32 $0x50, v20;
	v19 =	vbroadcast v19, $0x0;
	v10 =	vld.idx.msk [tilespmem:v9+s12+$0x0], $0xffff;
	v17 =	vmul.f32 v17, v15;
	[tilespmem:s20+$0x50] =	vst v11  }
0x11f: {  	s25 =	simm.s32 $0x7;
	[tilespmem:s20+$0xFFFFFF60] =	vst v12;
	v12 =	vld [tilespmem:s22+$0x50]  }
0x120: {  	v19 =	vadd.s32 v19, v13;
	v11 =	vbroadcast v20, $0x0;
	v20 =	vmov s25;
	[tilespmem:s20+$0xFFFFFFB0] =	vst v17;
	v21 =	vld [tilespmem:s22+$0xFFFFFF90]  }
0x121: {  	s26 =	simm.s32 $0x4;
	v17 =	vmul.u32 $0x50, v20;
	v20 =	vld [tilespmem:s22+$0xFFFFFFD0]  }
0x122: {  	s23 =	sadd.s32 $0x100, s22;
	v9 =	vmov s26  }
0x123: {  	v23 =	vld [tilespmem:s23+$0xFFFFFF80];
	v9 =	vmul.u32 $0x50, v9;
	v18 =	vmul.f32 v18, v10  }
0x124: {  	v24 =	vld [tilespmem:s23+$0xFFFFFFC0];
	v17 =	vbroadcast v17, $0x0;
	v22 =	vmul.f32 v12, v16  }
0x125: {  	v9 =	vbroadcast v9, $0x0;
	[tilespmem:s20+$0x0] =	vst v18;
	v12 =	vld.idx.msk [tilespmem:v19+s12+$0x0], $0xffff;
	v19 =	vmul.f32 v21, v14  }
0x126: {  	v17 =	vadd.s32 v17, v13;
	v18 =	vld [tilespmem:s22+$0x10];
	v20 =	vmul.f32 v20, v15;
	[tilespmem:s20+$0x60] =	vst v22  }
0x127: {  	v9 =	vadd.s32 v9, v13;
	[tilespmem:s20+$0xFFFFFF70] =	vst v19;
	v19 =	vld [tilespmem:s22+$0x60]  }
0x128: {  	[tilespmem:s20+$0xFFFFFFC0] =	vst v20;
	v22 =	vld [tilespmem:s23+$0x40]  }
0x129: {  	v11 =	vadd.s32 v11, v13;
	v20 =	vld [tilespmem:s22+$0xFFFFFFE0]  }
0x12a: {  	v21 =	vld [tilespmem:s22+$0xFFFFFFA0]  }
0x12b: {  	v17 =	vld.idx.msk [tilespmem:v17+s12+$0x0], $0xffff  }
0x12c: {  	s26 =	simm.s32 $0x8;
	v9 =	vld.idx.msk [tilespmem:v9+s12+$0x0], $0xffff;
	v19 =	vmul.f32 v19, v16  }
0x12d: {  	v28 =	vld [tilespmem:s23+$0x0];
	v25 =	vmov s26;
	v18 =	vmul.f32 v18, v10  }
0x12e: {  	s31 =	simm.s32 $0x9;
	s26 =	simm.s32 $0xA;
	v25 =	vmul.u32 $0x50, v25;
	v11 =	vld.idx.msk [tilespmem:v11+s12+$0x0], $0xffff;
	v20 =	vmul.f32 v20, v15;
	[tilespmem:s20+$0x70] =	vst v19  }
0x12f: {  	v26 =	vmov s26;
	[tilespmem:s20+$0x10] =	vst v18;
	v21 =	vmul.f32 v21, v14;
	v19 =	vmov s31;
	v18 =	vld [tilespmem:s22+$0x70]  }
0x130: {  	s24 =	smul.u32 $0xC800, s24;
	v25 =	vbroadcast v25, $0x0;
	v22 =	vmul.f32 v22, v17;
	[tilespmem:s20+$0xFFFFFFD0] =	vst v20;
	v27 =	vmul.u32 $0x50, v19;
	v19 =	vld [tilespmem:s22+$0x20]  }
0x131: {  	s25 =	sadd.s32 $0x140, s20;
	v29 =	vmul.u32 $0x50, v26;
	v30 =	vmul.f32 v23, v9;
	[tilespmem:s20+$0xFFFFFF80] =	vst v21;
	v20 =	vld [tilespmem:s22+$0xFFFFFFF0]  }
0x132: {  	s24 =	sshrl.u32 s24, $0x2;
	v24 =	vmul.f32 v24, v12;
	v23 =	vadd.s32 v25, v13;
	[tilespmem:s25+$0x50] =	vst v22;
	v21 =	vld [tilespmem:s22+$0xFFFFFFB0];
	v26 =	vbroadcast v27, $0x0  }
0x133: {  	s30 =	simm.s32 $0xB;
	s24 =	sadd.s32 $0xB120, s24;
	s26 =	simm.s32 $0xC;
	v25 =	vmul.f32 v28, v11;
	[tilespmem:s25+$0xFFFFFF60] =	vst v30;
	v22 =	vld [tilespmem:s23+$0x50];
	v27 =	vbroadcast v29, $0x0  }
.LBB2_9:
0x134: {  	p1 =	slt.u32 s26, $0x9C;
	v26 =	vadd.s32 v26, v13;
	v28 =	vmov s30;
	v29 =	vld [tilespmem:s23+$0xFFFFFF90];
	[tilespmem:s25+$0xFFFFFFB0] =	vst v24;
	v18 =	vmul.f32 v18, v16;
	v16 =	vmovc v17  }
0x135: {  	v17 =	vadd.s32 v27, v13;
	v24 =	vmul.u32 $0x50, v28;
	v27 =	vld [tilespmem:s23+$0xFFFFFFD0];
	[tilespmem:s25+$0x0] =	vst v25;
	v19 =	vmul.f32 v19, v10  }
0x136: {  	v25 =	vld [tilespmem:s23+$0x10];
	v20 =	vmul.f32 v20, v15;
	[tilespmem:s20+$0x80] =	vst v18;
	v15 =	vmov v12  }
0x137: {  	v18 =	vbroadcast v24, $0x0;
	v21 =	vmul.f32 v21, v14;
	[tilespmem:s20+$0x20] =	vst v19;
	v14 =	vmov v9;
	v9 =	vld.idx.msk [tilespmem:v23+s12+$0x0], $0xffff  }
0x138: {  	v19 =	vmul.f32 v22, v16;
	[tilespmem:s20+$0xFFFFFFE0] =	vst v20;
	v20 =	vld [tilespmem:s22+$0x30];
	s22 =	smov.u32 s23  }
0x139: {  	v12 =	vld.idx.msk [tilespmem:v26+s12+$0x0], $0xffff;
	v18 =	vadd.s32 v18, v13;
	v22 =	vmul.f32 v29, v14;
	[tilespmem:s20+$0xFFFFFF90] =	vst v21  }
0x13a: {  	v21 =	vld.idx.msk [tilespmem:v17+s12+$0x0], $0xffff;
	v17 =	vmul.f32 v27, v15;
	[tilespmem:s25+$0x60] =	vst v19  }
0x13b: {  	[tilespmem:s25+$0xFFFFFF70] =	vst v22;
	v19 =	vmul.f32 v25, v11;
	v22 =	vld [tilespmem:s23+$0x60]  }
0x13c: {  	v23 =	vld [tilespmem:s23+$0xFFFFFFA0];
	[tilespmem:s25+$0xFFFFFFC0] =	vst v17  }
0x13d: {  	v24 =	vld [tilespmem:s23+$0xFFFFFFE0];
	[tilespmem:s25+$0x10] =	vst v19;
	v19 =	vmul.f32 v20, v10;
	v10 =	vmov v11  }
0x13e: {  	s23 =	sadd.s32 $0x100, s23;
	v17 =	vld.idx.msk [tilespmem:v18+s12+$0x0], $0xffff  }
0x13f: {  	v20 =	vld [tilespmem:s23+$0x40];
	[tilespmem:s20+$0x30] =	vst v19;
	s20 =	smov.u32 s25  }
0x140: {  	v11 =	vmov v21;
	v25 =	vld [tilespmem:s23+$0xFFFFFF80];
	v18 =	vmul.f32 v22, v16  }
0x141: {  	v19 =	vmov s26;
	v21 =	vld [tilespmem:s23+$0xFFFFFFC0];
	v22 =	vmul.f32 v23, v14  }
0x142: {  	s30 =	sadd.s32 $0x1, s26;
	s31 =	sadd.s32 $0x2, s26;
	v19 =	vmul.u32 $0x50, v19;
	v28 =	vld [tilespmem:s23+$0x0];
	v23 =	vmul.f32 v24, v15;
	[tilespmem:s25+$0x70] =	vst v18  }
.Ltmp3:
0x143: {  	v26 =	vmov s31;
	v24 =	vmov s30;
	[tilespmem:s25+$0xFFFFFF80] =	vst v22;
	v18 =	vld [tilespmem:s22+$0x70];
	(pc) =	sbr.rel @p1 .LBB2_9-.Ltmp3, $4  }
0x144: {  	v22 =	vbroadcast v19, $0x0;
	v24 =	vmul.u32 $0x50, v24;
	v27 =	vmul.f32 v20, v17;
	[tilespmem:s25+$0xFFFFFFD0] =	vst v23;
	v19 =	vld [tilespmem:s22+$0x20]  }
0x145: {  	v29 =	vmul.u32 $0x50, v26;
	s25 =	sadd.s32 $0x140, s25;
	v25 =	vmul.f32 v25, v9;
	v20 =	vld [tilespmem:s22+$0xFFFFFFF0]  }
0x146: {  	v23 =	vadd.s32 v22, v13;
	v26 =	vbroadcast v24, $0x0;
	v24 =	vmul.f32 v21, v12;
	[tilespmem:s25+$0x50] =	vst v27;
	v21 =	vld [tilespmem:s22+$0xFFFFFFB0]  }
0x147: {  	s30 =	sadd.s32 $0x3, s26;
	s26 =	sadd.s32 $0x4, s26;
	v27 =	vbroadcast v29, $0x0;
	[tilespmem:s25+$0xFFFFFF60] =	vst v25;
	v25 =	vmul.f32 v28, v11;
	v22 =	vld [tilespmem:s23+$0x50]  }
0x148: {  	v28 =	vmov s30  }
0x149: {  	v28 =	vmul.u32 $0x50, v28;
	_ =	sdelay $0x1  }
0x14a: {  	v26 =	vadd.s32 v26, v13;
	v28 =	vbroadcast v28, $0x0  }
0x14b: {  	v23 =	vld.idx.msk [tilespmem:v23+s12+$0x0], $0xffff;
	s26 =	sadd.s32 $0x100, s23  }
0x14c: {  	v29 =	vld [tilespmem:s26+$0xFFFFFFC0];
	v63 =	vadd.s32 v28, v13  }
0x14d: {  	v27 =	vadd.s32 v27, v13;
	v30 =	vld [tilespmem:s26+$0xFFFFFF80]  }
0x14e: {  	v31 =	vld [tilespmem:s26+$0x0]  }
0x14f: {  	v26 =	vld.idx.msk [tilespmem:v26+s12+$0x0], $0xffff  }
0x150: {  	[tilespmem:s25+$0xFFFFFFB0] =	vst v24;
	v16 =	vmul.f32 v18, v16;
	v28 =	vld [tilespmem:s26+$0x40]  }
0x151: {  	[tilespmem:s25+$0x0] =	vst v25;
	v19 =	vmul.f32 v19, v10;
	v13 =	vld.idx.msk [tilespmem:v63+s12+$0x0], $0xffff  }
0x152: {  	v15 =	vmul.f32 v20, v15;
	[tilespmem:s20+$0x80] =	vst v16;
	v27 =	vld.idx.msk [tilespmem:v27+s12+$0x0], $0xffff  }
0x153: {  	v32 =	vld [tilespmem:s23+$0xFFFFFF90];
	[tilespmem:s20+$0x20] =	vst v19;
	v33 =	vmul.f32 v22, v17  }
0x154: {  	v34 =	vld [tilespmem:s23+$0xFFFFFFD0];
	[tilespmem:s20+$0xFFFFFFE0] =	vst v15;
	v16 =	vmul.f32 v30, v23  }
0x155: {  	s31 =	sadd.s32 $0x140, s25;
	v36 =	vld [tilespmem:s23+$0x10];
	[tilespmem:s25+$0x60] =	vst v33;
	v37 =	vmul.f32 v29, v26  }
0x156: {  	v38 =	vld [tilespmem:s22+$0x30];
	[tilespmem:s31+$0xFFFFFF60] =	vst v16;
	v35 =	vmul.f32 v28, v13  }
0x157: {  	v42 =	vld [tilespmem:s26+$0xFFFFFF90];
	v39 =	vmul.f32 v31, v27;
	[tilespmem:s31+$0xFFFFFFB0] =	vst v37  }
0x158: {  	v20 =	vmul.f32 v32, v9;
	v41 =	vld [tilespmem:s26+$0xFFFFFFD0];
	[tilespmem:s31+$0x50] =	vst v35  }
0x159: {  	v15 =	vmul.f32 v34, v12;
	[tilespmem:s31+$0x0] =	vst v39;
	v40 =	vld [tilespmem:s26+$0x50]  }
0x15a: {  	[tilespmem:s25+$0xFFFFFF70] =	vst v20;
	v43 =	vmul.f32 v36, v11;
	v44 =	vld [tilespmem:s26+$0x10]  }
0x15b: {  	v45 =	vld [tilespmem:s23+$0x60];
	[tilespmem:s25+$0xFFFFFFC0] =	vst v15;
	v10 =	vmul.f32 v38, v10  }
0x15c: {  	v14 =	vmul.f32 v21, v14;
	v47 =	vld [tilespmem:s23+$0xFFFFFFA0];
	[tilespmem:s25+$0x10] =	vst v43;
	v21 =	vmul.f32 v42, v23  }
0x15d: {  	v15 =	vld [tilespmem:s23+$0xFFFFFFE0];
	[tilespmem:s20+$0x30] =	vst v10;
	v10 =	vmul.f32 v41, v26  }
0x15e: {  	v48 =	vld [tilespmem:s23+$0x20];
	[tilespmem:s31+$0xFFFFFF70] =	vst v21;
	v46 =	vmul.f32 v40, v13  }
0x15f: {  	v49 =	vmul.f32 v44, v27;
	[tilespmem:s31+$0xFFFFFFC0] =	vst v10  }
0x160: {  	v10 =	vmul.f32 v45, v17;
	v51 =	vld [tilespmem:s26+$0xFFFFFFE0];
	[tilespmem:s31+$0x60] =	vst v46  }
0x161: {  	v52 =	vmul.f32 v47, v9;
	[tilespmem:s31+$0x10] =	vst v49;
	v50 =	vld [tilespmem:s26+$0x60]  }
0x162: {  	v15 =	vmul.f32 v15, v12;
	[tilespmem:s25+$0x70] =	vst v10;
	v10 =	vld [tilespmem:s26+$0x20]  }
0x163: {  	v54 =	vmul.f32 v48, v11;
	[tilespmem:s25+$0xFFFFFF80] =	vst v52;
	v21 =	vld [tilespmem:s26+$0xFFFFFFA0]  }
0x164: {  	[tilespmem:s25+$0xFFFFFFD0] =	vst v15;
	v57 =	vld [tilespmem:s23+$0xFFFFFFB0]  }
0x165: {  	v55 =	vld [tilespmem:s23+$0xFFFFFFF0];
	[tilespmem:s25+$0x20] =	vst v54;
	v58 =	vmul.f32 v51, v26  }
0x166: {  	[tilespmem:s20+$0xFFFFFF90] =	vst v14;
	v59 =	vld [tilespmem:s23+$0x30];
	v56 =	vmul.f32 v50, v13  }
0x167: {  	v53 =	vld [tilespmem:s23+$0x70];
	v10 =	vmul.f32 v10, v27;
	[tilespmem:s31+$0xFFFFFFD0] =	vst v58  }
0x168: {  	v21 =	vmul.f32 v21, v23;
	v61 =	vld [tilespmem:s26+$0xFFFFFFF0];
	[tilespmem:s31+$0x70] =	vst v56  }
0x169: {  	v9 =	vmul.f32 v57, v9;
	[tilespmem:s31+$0x20] =	vst v10;
	v16 =	vld [tilespmem:s26+$0x70]  }
0x16a: {  	v62 =	vmul.f32 v55, v12;
	[tilespmem:s31+$0xFFFFFF80] =	vst v21;
	v10 =	vld [tilespmem:s26+$0x30]  }
0x16b: {  	v11 =	vmul.f32 v59, v11;
	[tilespmem:s25+$0xFFFFFF90] =	vst v9;
	v63 =	vld [tilespmem:s26+$0xFFFFFFB0]  }
0x16c: {  	[tilespmem:s25+$0xFFFFFFE0] =	vst v62;
	v60 =	vmul.f32 v53, v17  }
0x16d: {  	[tilespmem:s25+$0x30] =	vst v11;
	v11 =	vmul.f32 v61, v26  }
0x16e: {  	[tilespmem:s25+$0x80] =	vst v60;
	v9 =	vmul.f32 v16, v13  }
0x16f: {  	p1 =	sne.s32 s18, $0x7D;
	v10 =	vmul.f32 v10, v27;
	[tilespmem:s31+$0xFFFFFFE0] =	vst v11  }
.Ltmp4:
0x170: {  	[tilespmem:s31+$0x80] =	vst v9;
	v9 =	vmul.f32 v63, v23;
	(pc) =	sbr.rel @p1 .LBB2_6-.Ltmp4, $4  }
0x171: {  	[tilespmem:s31+$0x30] =	vst v10  }
0x172: {  	[tilespmem:s31+$0xFFFFFF90] =	vst v9  }
0x173: {  	[spmem:s1] =	stream.indirect.scatter.add.f32 [tilespmem:s24], [sflag:$0x3], $0x50, s19, s13, $0xb8;
	[tilespmem:$0x1DD20] =	vst v63  }
0x174: {  	s17 =	sadd.s32 $0x3C0, s17;
	p0 =	por !p0, !p0;
	s19 =	smov.u32 s18  }
0x175: {  	_ =	swait.ge [sflag:s15], $0x3200  }
0x176: {  	[sflag:s15] =	ssyncset.done $0x0  }
0x177: {  	[sflag:s15] =	ssyncadd.s32 $0xFFFFCE00  }
0x178: {  	_ =	swait.ge [sflag:s15], $0x3200  }
0x179: {  	[sflag:s15] =	ssyncset.done $0x0  }
0x17a: {  	s17 =	stileid.u32;
	[sflag:s15] =	ssyncadd.s32 $0xFFFFCE00  }
0x17b: {  	s17 =	sshll.u32 s17, $0x6;
	[bflag:$0x0] =	sbarrier.arrive $0xFFFF  }
0x17c: {  	s17 =	sor.u32 $0x1C04, s17;
	s18 =	rddreg [dreg:$0x18]  }
0x17d: {  	[hbm:s18], [sflag:s17] =	dma.local [spmem:s2], $0x1900  }
0x17e: {  	_ =	swait.ge [sflag:s10], $0x1900  }
0x17f: {  	s16 =	sadd.s32 $0x1, s16;
	s31 =	rddreg [dreg:$0x19]  }
0x180: {  	p0 =	sne.s32 s16, s31  }
.Ltmp5:
0x181: {  	_ = 	snop;
	(pc) =	sbr.rel @p0 .LBB2_1-.Ltmp5, $3  }
0x182: {  	_ =	sdelay $0x1  }
0x183: {  	[sflag:s10] =	ssyncset.done $0x0  }
0x184: {  	[sflag:s10] =	ssyncadd.s32 $0xFFFFE700  }
0x185: {  	_ =	sfence.sel $0x180000  }
0x186: {  	[bflag:$0x0] =	sbarrier.arrive $0xFFFF  }
0x187: {  	_ =	strace $0x9000004A  }
0x188: {  	s0 =	stileid.u32;
	[bflag:$0x2] =	sbarrier.arrive $0xFFFF  }
0x189: {  	p0 =	sne.s32 s0, $0x0;
	s0 =	rddreg [dreg:$0x2]  }
0x18a: {  	s0 =	sadd.s32 @!p0 $0x100000, s0  }
0x18b: {  	[sflag:s0] =	ssyncadd.tile.s32 @!p0 $0x1;
	_ =	shalt  }
.Lfunc_end2:
_tile_overlayer_lowered:
.L_overlay_start_2:
0x18c: {  	(tag) =	ssettag $0x2  }
0x18d: {  	s0 =	rddreg [dreg:$0x0];
	s2 =	stileid.u32  }
0x18e: {  	s1 =	rddreg [dreg:$0x1];
	p0 =	sne.s32 s2, $0x0  }
0x18f: {  	s3 =	rddreg [dreg:$0x2];
	[bflag:$0x3] =	sbarrier.arrive $0xFFFF;
	s2 =	simm.s32 @!p0 $0x1C04  }
0x190: {  	[timem:s3], [sflag:s2] =	dma.local @!p0 [hbm:s0], s1  }
0x191: {  	s0 =	simm.s32 @!p0 $0x4  }
0x192: {  	_ =	swait.ge @!p0 [sflag:s0], s1  }
0x193: {  	s1 =	ssub.s32 @!p0 $0x0, s1;
	[sflag:s0] =	ssyncset.done @!p0 $0x0  }
0x194: {  	[sflag:s0] =	ssyncadd.s32 @!p0 s1  }
0x195: {  	[bflag:$0x3] =	sbarrier.arrive $0xFFFF  }
0x196: {  	_ =	shalt  }

// kernel: kernel.19.cloned.1.call-start
scs
__scs_entry_jumppad:
0x0: {  	(pc) =	sbr.rel $0x88, $3  }
0x1: {  	(tag) =	ssettag $0x0;
	lr =	simm.s32 $0x1  }
0x2: {  	[smem:$0x3F95] =	sst lr;
	_ =	strace $0xD0000000  }
0x3: {  	_ = 	snop  }
0x4: {  	_ = 	snop  }
0x5: {  	_ = 	snop  }
0x6: {  	_ = 	snop  }
0x7: {  	_ = 	snop  }
__scs_overlays_trampoline_lowered:
0x8: {  	[smem:$0x3FA4] =	sst s0  }
0x9: {  	[smem:$0x3FA5] =	sst s1  }
0xa: {  	[smem:$0x3FA6] =	sst s2  }
0xb: {  	[smem:$0x3FA7] =	sst s3  }
0xc: {  	[smem:$0x3FA8] =	sst s4  }
0xd: {  	[smem:$0x3FA9] =	sst s5  }
0xe: {  	[smem:$0x3FAA] =	sst s6  }
0xf: {  	[smem:$0x3FAB] =	sst s7  }
0x10: {  	[smem:$0x3FAC] =	sst s8  }
0x11: {  	[smem:$0x3FAD] =	sst s9;
	s0 =	simm.s32 @!p0 $0x0  }
0x12: {  	s1 =	sld [smem:$0x3F93];
	s0 =	simm.s32 @p0 $0x1  }
0x13: {  	[smem:$0x3FAE] =	sst s0;
	s0 =	simm.s32 @!p1 $0x0  }
0x14: {  	s2 =	sld [smem:$0x3F92];
	s0 =	simm.s32 @p1 $0x1  }
0x15: {  	[smem:$0x3FAF] =	sst s0;
	s0 =	simm.s32 @!p2 $0x0  }
0x16: {  	s3 =	sld [smem:$0x3FDB];
	s0 =	simm.s32 @p2 $0x1  }
0x17: {  	s4 =	simm.s32 $0x1BF5;
	[smem:$0x3FB1] =	sst s0  }
0x18: {  	s0 =	sld [smem:$0x3F94];
	_ =	swait.ge [sflag:s4], $0x0  }
0x19: {  	s7 =	sld [smem:$0x3F95]  }
0x1a: {  	s8 =	sadd.s32 $0xFFFFE003, lr  }
0x1b: {  	s9 =	sadd.s32 $0xFFFFFEF7, lr;
	s5 =	simm.s32 $0xFFFFFFFF;
	p2 =	slt.u32 s8, $0xFFFFF086  }
0x1c: {  	p1 =	slt.u32 s9, $0xF7A;
	s5 =	simm.s32 @!p2 $0x0  }
0x1d: {  	s5 =	simm.s32 @p1 $0x1;
	p0 =	seq.s32 s7, s2  }
0x1e: {  	s7 =	smul.u32 @!p0 $0xF7A, s2;
	p2 =	seq.s32 @!p0 s5, $0x0  }
0x1f: {  	s9 =	smul.u32 $0xF7A, s1;
	s8 =	simm.s32 @!p0 $0x1BF5;
	p2 =	por !p2, p0  }
0x20: {  	[sflag:s8] =	ssyncset.s32 @!p0 $0xFFFFF086;
	s6 =	sadd.s32 @!p0 s3, s7;
	s7 =	simm.s32 @!p0 $0x108  }
0x21: {  	s3 =	sadd.s32 s3, s9;
	s6 =	sadd.s32 @!p0 $0x88, s6;
	s7 =	simm.s32 @p2 $0x1082  }
0x22: {  	[simem:s7], [sflag:s8] =	dma.local @!p0 [hbm:s6], $0xF7A  }
0x23: {  	s9 =	sor.u32 $0xD0000000, s2;
	s6 =	simm.s32 $0x108;
	_ =	swait.ge @!p0 [sflag:s8], $0x0  }
0x24: {  	s3 =	sadd.s32 $0x88, s3;
	s6 =	simm.s32 @!p1 $0x1082;
	[sflag:s4] =	ssyncset.s32 $0xFFFFF086  }
0x25: {  	[simem:s6], [sflag:s4] =	dma.local [hbm:s3], $0xF7A  }
0x26: {  	[smem:$0x3F95] =	sst s1;
	(tag) =	ssettag s2;
	_ =	strace s9  }
0x27: {  	s1 =	sld [smem:$0x3FA5]  }
0x28: {  	s2 =	sld [smem:$0x3FA6]  }
0x29: {  	s4 =	sld [smem:$0x3FA8]  }
0x2a: {  	p0 =	seq.s32 s5, $0x0;
	s5 =	sld [smem:$0x3FA9]  }
0x2b: {  	s6 =	sld [smem:$0x3FAA]  }
0x2c: {  	s7 =	sld [smem:$0x3FAB]  }
0x2d: {  	s3 =	simm.s32 $0x108;
	s8 =	sld [smem:$0x3FAC]  }
0x2e: {  	s3 =	simm.s32 @!p0 $0x1082;
	s9 =	sld [smem:$0x3FAD]  }
0x2f: {  	lr =	sadd.s32 s0, s3;
	s0 =	sld [smem:$0x3FA4]  }
0x30: {  	s3 =	sld [smem:$0x3FA7]  }
0x31: {  	[smem:$0x3FB0] =	sst s10  }
0x32: {  	s10 =	sld [smem:$0x3FAE];
	_ =	sdelay $0x3  }
0x33: {  	p0 =	seq.s32 s10, $0x1;
	s10 =	sld [smem:$0x3FB0];
	_ =	sdelay $0x3  }
0x34: {  	[smem:$0x3FB0] =	sst s10  }
0x35: {  	s10 =	sld [smem:$0x3FAF];
	_ =	sdelay $0x3  }
0x36: {  	p1 =	seq.s32 s10, $0x1;
	s10 =	sld [smem:$0x3FB0];
	_ =	sdelay $0x3  }
0x37: {  	[smem:$0x3FB0] =	sst s10  }
0x38: {  	s10 =	sld [smem:$0x3FB1]  }
0x39: {  	_ = 	snop;
	(pc) =	sbr.ind lr, $3  }
0x3a: {  	_ = 	snop  }
0x3b: {  	_ = 	snop  }
0x3c: {  	p2 =	seq.s32 s10, $0x1;
	s10 =	sld [smem:$0x3FB0]  }
0x3d: {  	_ =	shalt  }
0x3e: {  	_ =	shalt  }
0x3f: {  	_ =	shalt  }
0x40: {  	_ =	shalt  }
0x41: {  	_ =	shalt  }
0x42: {  	_ =	shalt  }
0x43: {  	_ =	shalt  }
0x44: {  	_ =	shalt  }
0x45: {  	_ =	shalt  }
0x46: {  	_ =	shalt  }
0x47: {  	_ =	shalt  }
0x48: {  	_ =	shalt  }
0x49: {  	_ =	shalt  }
0x4a: {  	_ =	shalt  }
0x4b: {  	_ =	shalt  }
0x4c: {  	_ =	shalt  }
0x4d: {  	_ =	shalt  }
0x4e: {  	_ =	shalt  }
0x4f: {  	_ =	shalt  }
0x50: {  	_ =	shalt  }
0x51: {  	_ =	shalt  }
0x52: {  	_ =	shalt  }
0x53: {  	_ =	shalt  }
0x54: {  	_ =	shalt  }
0x55: {  	_ =	shalt  }
0x56: {  	_ =	shalt  }
0x57: {  	_ =	shalt  }
0x58: {  	_ =	shalt  }
0x59: {  	_ =	shalt  }
0x5a: {  	_ =	shalt  }
0x5b: {  	_ =	shalt  }
0x5c: {  	_ =	shalt  }
0x5d: {  	_ =	shalt  }
0x5e: {  	_ =	shalt  }
0x5f: {  	_ =	shalt  }
0x60: {  	_ =	shalt  }
0x61: {  	_ =	shalt  }
0x62: {  	_ =	shalt  }
0x63: {  	_ =	shalt  }
0x64: {  	_ =	shalt  }
0x65: {  	_ =	shalt  }
0x66: {  	_ =	shalt  }
0x67: {  	_ =	shalt  }
0x68: {  	_ =	shalt  }
0x69: {  	_ =	shalt  }
0x6a: {  	_ =	shalt  }
0x6b: {  	_ =	shalt  }
0x6c: {  	_ =	shalt  }
0x6d: {  	_ =	shalt  }
0x6e: {  	_ =	shalt  }
0x6f: {  	_ =	shalt  }
0x70: {  	_ =	shalt  }
0x71: {  	_ =	shalt  }
0x72: {  	_ =	shalt  }
0x73: {  	_ =	shalt  }
0x74: {  	_ =	shalt  }
0x75: {  	_ =	shalt  }
0x76: {  	_ =	shalt  }
0x77: {  	_ =	shalt  }
0x78: {  	_ =	shalt  }
0x79: {  	_ =	shalt  }
0x7a: {  	_ =	shalt  }
0x7b: {  	_ =	shalt  }
0x7c: {  	_ =	shalt  }
0x7d: {  	_ =	shalt  }
0x7e: {  	_ =	shalt  }
0x7f: {  	_ =	shalt  }
0x80: {  	_ =	shalt  }
0x81: {  	_ =	shalt  }
0x82: {  	_ =	shalt  }
0x83: {  	_ =	shalt  }
0x84: {  	_ =	shalt  }
0x85: {  	_ =	shalt  }
0x86: {  	_ =	shalt  }
0x87: {  	_ =	shalt  }
.Lfunc_end0:
.L_simem_size_0:
called_computation.2_lowered:
.L_overlay_start_0:
0x88: {  	s2 =	sld [smem:$0x3FD9]  }
0x89: {  	s3 =	sld [smem:$0x3FFE];
	_ =	sdelay $0x1  }
0x8a: {  	s1 =	srdreg.scid  }
0x8b: {  	s0 =	sand.u32 $0x1, s1  }
0x8c: {  	s17 =	sshll.u32 s0, $0xA;
	s2 =	sadd.s32 s3, s2  }
0x8d: {  	s2 =	sadd.s32 s2, s17  }
0x8e: {  	[smem:$0x3FBC] =	sst s2  }
0x8f: {  	_ = 	snop  }
0x90: {  	s2 =	sld [smem:$0x3FD0];
	(tm) =	ssettm $0x1  }
0x91: {  	s18 =	sld [smem:$0x3FFB];
	_ =	sdelay $0x3  }
0x92: {  	_ =	strace s18  }
0x93: {  	s3 =	sld [smem:$0x3FFC];
	_ =	sdelay $0x3  }
0x94: {  	_ =	strace s3  }
0x95: {  	s3 =	sld [smem:$0x3FFD];
	_ =	sdelay $0x3  }
0x96: {  	_ =	strace s3  }
0x97: {  	_ =	strace $0x8FFFFFFF  }
0x98: {  	s19 =	sld [smem:$0x3FDB];
	_ =	sdelay $0x1  }
0x99: {  	s4 =	simm.s32 $_scs_section_size  }
0x9a: {  	s5 =	simm.s32 $_size__tile_overlayer_lowered;
	s6 =	simm.s32 $_tile_overlayer_lowered  }
0x9b: {  	s22 =	simm.s32 $0x1BFF;
	s21 =	sshll.u32 s6, $0x1;
	s3 =	sadd.s32 s4, s19  }
0x9c: {  	s7 =	simm.s32 $0x0;
	s20 =	sshll.u32 s5, $0x1;
	s5 =	sadd.s32 s21, s3  }
0x9d: {  	[timem:s7], [sflag:s22] =	dma.local [hbm:s5], s20  }
0x9e: {  	_ =	swait.ge [sflag:s22], s20  }
0x9f: {  	s4 =	ssub.s32 $0x0, s20;
	[sflag:s22] =	ssyncset.done $0x0  }
0xa0: {  	[sflag:s22] =	ssyncadd.s32 s4;
	_ =	sdelay $0x1  }
0xa1: {  	s23 =	simm.s32 $0x1B8B  }
0xa2: {  	_ =	swait.ge [sflag:s23], $0x1  }
0xa3: {  	[sflag:s23] =	ssyncset.done $0x0  }
0xa4: {  	s25 =	simm.s32 $0x1B8E;
	s24 =	sld [smem:$0x3FFE];
	[sflag:s23] =	ssyncadd.s32 $0xFFFFFFFF  }
0xa5: {  	s26 =	simm.s32 $execute0_lowered;
	[smem:$0x3FD2] =	sst s25  }
0xa6: {  	s5 =	sshll.u32 s26, $0x1;
	_ =	strace $0x8000004C;
	[dreg:$0x1] =	wrdreg $0xFFFFFFFF  }
0xa7: {  	s28 =	simm.s32 $_size_execute0_lowered;
	s3 =	sadd.s32 s3, s5;
	[dreg:$0x0] =	wrdreg $0x0  }
0xa8: {  	s5 =	sshll.u32 s28, $0x1;
	[dreg:$0x2] =	wrdreg s3  }
0xa9: {  	[dreg:$0x3] =	wrdreg s5  }
0xaa: {  	[dreg:$0x4] =	wrdreg $0xC0  }
0xab: {  	_ =	task [dreg:s7], $0x5FFFF  }
0xac: {  	[dreg:$0x1] =	wrdreg $0xFFFFFFFF  }
0xad: {  	[dreg:$0x0] =	wrdreg $0x60  }
0xae: {  	[dreg:$0x2] =	wrdreg s24  }
0xaf: {  	[dreg:$0x3] =	wrdreg s2  }
0xb0: {  	[dreg:$0x4] =	wrdreg $0x115200  }
0xb1: {  	[dreg:$0x5] =	wrdreg $0x9  }
0xb2: {  	_ =	task.clear_ibuf [dreg:s7], $0x6FFFF;
	_ =	strace $0x9000004C  }
0xb3: {  	s29 =	simm.s32 $0x9;
	_ =	strace $0x8000004E  }
0xb4: {  	_ =	swait.ge [sflag:s29], $0x1  }
0xb5: {  	[sflag:s29] =	ssyncadd.s32 $0xFFFFFFFF  }
0xb6: {  	_ =	strace $0x9000004E  }
0xb7: {  	_ =	sfence  }
0xb8: {  	s30 =	sld [smem:$0x0];
	_ =	sdelay $0x2  }
0xb9: {  	s31 =	sshll.u32 s1, $0xD;
	s1 =	sshrl.u32 s1, $0x2  }
0xba: {  	s3 =	sand.u32 $0x4000, s31;
	s1 =	sadd.s32 s1, s30  }
0xbb: {  	s0 =	sor.u32 s3, s0;
	s1 =	sshll.u32 s1, $0x11  }
0xbc: {  	s0 =	sor.u32 s1, s0  }
0xbd: {  	s0 =	sadd.s32 $0x8F2B, s0  }
0xbe: {  	[sflag:s0] =	ssyncadd.remote.s32 $0x1  }
0xbf: {  	_ =	sfence.sel $0xFFFF  }
0xc0: {  	[dreg:$0x0] =	wrdreg $0xFFFFFFFF;
	(pc) =	sbr.abs _section_cstart, $3  }
0xc1: {  	[dreg:$0x1] =	wrdreg $0xFFFFFFFF  }
0xc2: {  	_ =	task.clear_ibuf [dreg:s7], $0x2FFFF;
	_ =	strace $0x9FFFFFFF  }
0xc3: {  	(tm) =	ssettm $0x7FFFFFFF  }
tec
execute0_lowered:
.L_overlay_start_1:
0x0: {  	(tag) =	ssettag $0x1  }
0x1: {  	s0 =	rddreg [dreg:$0x0]  }
0x2: {  	s2 =	rddreg [dreg:$0x2];
	s4 =	simm.s32 $0x0  }
0x3: {  	[smem:$0x7FF] =	sst s4;
	s6 =	sadd.s32 $0xB5400, s0  }
0x4: {  	s25 =	sadd.s32 $0xB547D, s0;
	_ =	strace $0x8000004D;
	[dreg:$0x4] =	wrdreg s6  }
0x5: {  	s26 =	sadd.s32 $0xB57E8, s0;
	[dreg:$0x5] =	wrdreg s25  }
0x6: {  	s30 =	sadd.s32 $0xB5865, s0;
	[dreg:$0x6] =	wrdreg s26  }
0x7: {  	s31 =	sadd.s32 $0xB5BD0, s0;
	[dreg:$0x7] =	wrdreg s30  }
0x8: {  	s10 =	sadd.s32 $0xB5C4D, s0;
	[dreg:$0x8] =	wrdreg s31  }
0x9: {  	s11 =	sadd.s32 $0xB5FB8, s0;
	[dreg:$0x9] =	wrdreg s10  }
0xa: {  	s12 =	sadd.s32 $0xB6035, s0;
	[dreg:$0xa] =	wrdreg s11  }
0xb: {  	s13 =	sadd.s32 $0xB63A0, s0;
	[dreg:$0xb] =	wrdreg s12  }
0xc: {  	s14 =	sadd.s32 $0xB641D, s0;
	[dreg:$0xc] =	wrdreg s13  }
0xd: {  	s1 =	srdreg.scid;
	s15 =	sadd.s32 $0xB6788, s0;
	[dreg:$0xd] =	wrdreg s14  }
0xe: {  	s9 =	stileid.u32;
	s16 =	sadd.s32 $0xB6805, s0;
	[dreg:$0xe] =	wrdreg s15  }
0xf: {  	s1 =	sand.u32 $0x1, s1;
	s17 =	sadd.s32 $0xB6B70, s0;
	[dreg:$0xf] =	wrdreg s16  }
0x10: {  	s7 =	smul.u32 $0xC800, s9;
	s18 =	sadd.s32 $0xB6BED, s0;
	[dreg:$0x10] =	wrdreg s17  }
0x11: {  	s19 =	sadd.s32 $0xB6F58, s0;
	s21 =	smul.u32 $0x1D4C0, s9;
	[dreg:$0x11] =	wrdreg s18  }
0x12: {  	s20 =	sadd.s32 $0xB6FD5, s0;
	s22 =	sadd.s32 $0xB7340, s0;
	[dreg:$0x12] =	wrdreg s19  }
0x13: {  	s23 =	sadd.s32 $0xB73BD, s0;
	s9 =	smul.u32 $0x32000, s9;
	[dreg:$0x13] =	wrdreg s20  }
0x14: {  	s24 =	sadd.s32 $0xB7728, s0;
	s3 =	smul.u32 $0x13880, s1;
	[dreg:$0x14] =	wrdreg s22  }
0x15: {  	s5 =	smul.u32 $0xC8000, s1;
	s1 =	ssub.s32 $0x2, s1;
	[dreg:$0x15] =	wrdreg s23  }
0x16: {  	s6 =	sadd.s32 $0x5600, s0;
	[dreg:$0x16] =	wrdreg s24;
	s10 =	simm.s32 $0x4  }
0x17: {  	s11 =	simm.s32 $0x2;
	s12 =	simm.s32 $0xB120;
	s13 =	simm.s32 $0xA0  }
0x18: {  	s14 =	simm.s32 $0x1;
	s15 =	simm.s32 $0x3;
	s16 =	simm.s32 $0x0  }
0x19: {  	s8 =	sshrl.u32 s1, $0x1;
	s25 =	sshrl.u32 s21, $0x3;
	s30 =	sadd.s32 s7, s2  }
0x1a: {  	s31 =	sshrl.u32 s9, $0x2;
	s9 =	simm.s32 $0x2710;
	s3 =	sadd.s32 s3, s0  }
0x1b: {  	s5 =	sadd.s32 s7, s5;
	s1 =	ssub.s32 s1, s8;
	s28 =	sadd.s32 s6, s25  }
0x1c: {  	s5 =	sshrl.u32 s5, $0x3;
	s29 =	sadd.s32 $0xB7C00, s3;
	s1 =	smax.u32 s1, $0x1  }
0x1d: {  	v0 =	vlaneseq.u32;
	s5 =	sadd.s32 s5, s0;
	s0 =	sadd.s32 $0xB77A5, s0;
	[dreg:$0x19] =	wrdreg s1  }
0x1e: {  	v3 =	vmul.u32 $0x50, v0;
	s3 =	sadd.s32 $0x78, s28;
	[dreg:$0x17] =	wrdreg s0;
	s26 =	sadd.s32 $0xDEE00, s5  }
0x1f: {  	v4 =	vimm.f32 $1.000000000e+00;
	v0 =	vimm.f32 $0.0e+00;
	s1 =	sshrl.u32 s30, $0x3;
	s0 =	sadd.s32 s31, s2;
	[dreg:$0x18] =	wrdreg s26  }
0x20: {  	v1 =	vadd.s32 $0x40, v3;
	v2 =	vadd.s32 $0x41, v3;
	v3 =	vadd.s32 $0x42, v3;
	s5 =	sadd.s32 $0x3200, s0;
	s7 =	sadd.s32 $0x6400, s0;
	s8 =	sadd.s32 $0x9600, s0  }
.LBB2_1:
0x21: {  	s17 =	rddreg [dreg:$0x4]  }
0x22: {  	[tilespmem:s4], [sflag:$0x2] =	stream.linear.gather [hbm4b:s17+s4], $0x3E8, $0x38;
	[tilespmem:$0x1DD20] =	vst v63  }
0x23: {  	s20 =	rddreg [dreg:$0x5]  }
0x24: {  	[tilespmem:s9], [sflag:$0x2] =	stream.linear.gather [hbm4b:s20+s4], $0x3E8, $0x38;
	[tilespmem:$0x1DD20] =	vst v63  }
0x25: {  	s22 =	rddreg [dreg:$0x6];
	s18 =	simm.s32 $0x3E8  }
0x26: {  	[tilespmem:s18], [sflag:$0x2] =	stream.linear.gather [hbm4b:s22+s4], $0x3E8, $0x38;
	[tilespmem:$0x1DD20] =	vst v63  }
0x27: {  	s23 =	rddreg [dreg:$0x7];
	s24 =	simm.s32 $0x2AF8  }
0x28: {  	[tilespmem:s24], [sflag:$0x2] =	stream.linear.gather [hbm4b:s23+s4], $0x3E8, $0x38;
	[tilespmem:$0x1DD20] =	vst v63  }
0x29: {  	s25 =	rddreg [dreg:$0x8];
	s26 =	simm.s32 $0x7D0  }
0x2a: {  	[tilespmem:s26], [sflag:$0x2] =	stream.linear.gather [hbm4b:s25+s4], $0x3E8, $0x38;
	[tilespmem:$0x1DD20] =	vst v63  }
0x2b: {  	s30 =	rddreg [dreg:$0x9];
	s31 =	simm.s32 $0x2EE0  }
0x2c: {  	[tilespmem:s31], [sflag:$0x2] =	stream.linear.gather [hbm4b:s30+s4], $0x3E8, $0x38;
	[tilespmem:$0x1DD20] =	vst v63  }
0x2d: {  	s19 =	simm.s32 $0xBB8;
	s18 =	rddreg [dreg:$0xa]  }
0x2e: {  	[tilespmem:s19], [sflag:$0x2] =	stream.linear.gather [hbm4b:s18+s4], $0x3E8, $0x38;
	[tilespmem:$0x1DD20] =	vst v63  }
0x2f: {  	s20 =	rddreg [dreg:$0xb];
	s22 =	simm.s32 $0x32C8  }
0x30: {  	[tilespmem:s22], [sflag:$0x2] =	stream.linear.gather [hbm4b:s20+s4], $0x3E8, $0x38;
	[tilespmem:$0x1DD20] =	vst v63  }
0x31: {  	s23 =	rddreg [dreg:$0xc];
	s24 =	simm.s32 $0xFA0  }
0x32: {  	[tilespmem:s24], [sflag:$0x2] =	stream.linear.gather [hbm4b:s23+s4], $0x3E8, $0x38;
	[tilespmem:$0x1DD20] =	vst v63  }
0x33: {  	s25 =	rddreg [dreg:$0xd];
	s26 =	simm.s32 $0x36B0  }
0x34: {  	[tilespmem:s26], [sflag:$0x2] =	stream.linear.gather [hbm4b:s25+s4], $0x3E8, $0x38;
	[tilespmem:$0x1DD20] =	vst v63  }
0x35: {  	s30 =	rddreg [dreg:$0xe];
	s31 =	simm.s32 $0x1388  }
0x36: {  	[tilespmem:s31], [sflag:$0x2] =	stream.linear.gather [hbm4b:s30+s4], $0x3E8, $0x38;
	[tilespmem:$0x1DD20] =	vst v63  }
0x37: {  	s18 =	rddreg [dreg:$0xf];
	s19 =	simm.s32 $0x3A98  }
0x38: {  	[tilespmem:s19], [sflag:$0x2] =	stream.linear.gather [hbm4b:s18+s4], $0x3E8, $0x38;
	[tilespmem:$0x1DD20] =	vst v63  }
0x39: {  	s20 =	rddreg [dreg:$0x10];
	s22 =	simm.s32 $0x1770  }
0x3a: {  	[tilespmem:s22], [sflag:$0x2] =	stream.linear.gather [hbm4b:s20+s4], $0x3E8, $0x38;
	[tilespmem:$0x1DD20] =	vst v63  }
0x3b: {  	s23 =	rddreg [dreg:$0x11];
	s24 =	simm.s32 $0x3E80  }
0x3c: {  	[tilespmem:s24], [sflag:$0x2] =	stream.linear.gather [hbm4b:s23+s4], $0x3E8, $0x38;
	[tilespmem:$0x1DD20] =	vst v63  }
0x3d: {  	s25 =	rddreg [dreg:$0x12];
	s26 =	simm.s32 $0x1B58  }
0x3e: {  	[tilespmem:s26], [sflag:$0x2] =	stream.linear.gather [hbm4b:s25+s4], $0x3E8, $0x38;
	[tilespmem:$0x1DD20] =	vst v63  }
0x3f: {  	s30 =	rddreg [dreg:$0x13];
	s31 =	simm.s32 $0x4268  }
0x40: {  	[tilespmem:s31], [sflag:$0x2] =	stream.linear.gather [hbm4b:s30+s4], $0x3E8, $0x38;
	[tilespmem:$0x1DD20] =	vst v63  }
0x41: {  	s18 =	rddreg [dreg:$0x14];
	s19 =	simm.s32 $0x1F40  }
0x42: {  	[tilespmem:s19], [sflag:$0x2] =	stream.linear.gather [hbm4b:s18+s4], $0x3E8, $0x38;
	[tilespmem:$0x1DD20] =	vst v63  }
0x43: {  	s20 =	rddreg [dreg:$0x15];
	s22 =	simm.s32 $0x4650  }
0x44: {  	[tilespmem:s22], [sflag:$0x2] =	stream.linear.gather [hbm4b:s20+s4], $0x3E8, $0x38;
	[tilespmem:$0x1DD20] =	vst v63  }
0x45: {  	s23 =	rddreg [dreg:$0x16];
	s24 =	simm.s32 $0x2328  }
0x46: {  	[tilespmem:s24], [sflag:$0x2] =	stream.linear.gather [hbm4b:s23+s4], $0x3E8, $0x38;
	[tilespmem:$0x1DD20] =	vst v63  }
0x47: {  	s25 =	rddreg [dreg:$0x17];
	s26 =	simm.s32 $0x4A38  }
0x48: {  	[tilespmem:s26], [sflag:$0x2] =	stream.linear.gather [hbm4b:s25+s4], $0x3E8, $0x38;
	[tilespmem:$0x1DD20] =	vst v63  }
0x49: {  	s30 =	rddreg [dreg:$0x1];
	s31 =	simm.s32 $0x60E0  }
0x4a: {  	[tilespmem:s31], [sflag:$0x4] =	stream.linear.gather [hbm4b:s30+s4], $0x40, $0x38;
	[tilespmem:$0x1DD20] =	vst v63  }
0x4b: {  	_ =	swait.ge [sflag:s10], $0x40  }
0x4c: {  	[sflag:s10] =	ssyncset.done $0x0  }
0x4d: {  	[sflag:s10] =	ssyncadd.s32 $0xFFFFFFC0  }
0x4e: {  	_ =	swait.ge [sflag:s11], $0x3E8  }
0x4f: {  	[sflag:s11] =	ssyncset.done $0x0  }
0x50: {  	[sflag:s11] =	ssyncadd.s32 $0xFFFFFC18  }
0x51: {  	_ =	swait.ge [sflag:s11], $0x3E8  }
0x52: {  	[sflag:s11] =	ssyncset.done $0x0  }
0x53: {  	[sflag:s11] =	ssyncadd.s32 $0xFFFFFC18  }
0x54: {  	_ =	swait.ge [sflag:s11], $0x3E8  }
0x55: {  	[sflag:s11] =	ssyncset.done $0x0  }
0x56: {  	[sflag:s11] =	ssyncadd.s32 $0xFFFFFC18  }
0x57: {  	_ =	swait.ge [sflag:s11], $0x3E8  }
0x58: {  	[sflag:s11] =	ssyncset.done $0x0  }
0x59: {  	[sflag:s11] =	ssyncadd.s32 $0xFFFFFC18  }
0x5a: {  	_ =	swait.ge [sflag:s11], $0x3E8  }
0x5b: {  	[sflag:s11] =	ssyncset.done $0x0  }
0x5c: {  	[sflag:s11] =	ssyncadd.s32 $0xFFFFFC18  }
0x5d: {  	_ =	swait.ge [sflag:s11], $0x3E8  }
0x5e: {  	[sflag:s11] =	ssyncset.done $0x0  }
0x5f: {  	[sflag:s11] =	ssyncadd.s32 $0xFFFFFC18  }
0x60: {  	_ =	swait.ge [sflag:s11], $0x3E8  }
0x61: {  	[sflag:s11] =	ssyncset.done $0x0  }
0x62: {  	[sflag:s11] =	ssyncadd.s32 $0xFFFFFC18  }
0x63: {  	_ =	swait.ge [sflag:s11], $0x3E8  }
0x64: {  	[sflag:s11] =	ssyncset.done $0x0  }
0x65: {  	[sflag:s11] =	ssyncadd.s32 $0xFFFFFC18  }
0x66: {  	_ =	swait.ge [sflag:s11], $0x3E8  }
0x67: {  	[sflag:s11] =	ssyncset.done $0x0  }
0x68: {  	[sflag:s11] =	ssyncadd.s32 $0xFFFFFC18  }
0x69: {  	_ =	swait.ge [sflag:s11], $0x3E8  }
0x6a: {  	[sflag:s11] =	ssyncset.done $0x0  }
0x6b: {  	[sflag:s11] =	ssyncadd.s32 $0xFFFFFC18  }
0x6c: {  	_ =	swait.ge [sflag:s11], $0x3E8  }
0x6d: {  	[sflag:s11] =	ssyncset.done $0x0  }
0x6e: {  	[sflag:s11] =	ssyncadd.s32 $0xFFFFFC18  }
0x6f: {  	_ =	swait.ge [sflag:s11], $0x3E8  }
0x70: {  	[sflag:s11] =	ssyncset.done $0x0  }
0x71: {  	[sflag:s11] =	ssyncadd.s32 $0xFFFFFC18  }
0x72: {  	_ =	swait.ge [sflag:s11], $0x3E8  }
0x73: {  	[sflag:s11] =	ssyncset.done $0x0  }
0x74: {  	[sflag:s11] =	ssyncadd.s32 $0xFFFFFC18  }
0x75: {  	_ =	swait.ge [sflag:s11], $0x3E8  }
0x76: {  	[sflag:s11] =	ssyncset.done $0x0  }
0x77: {  	[sflag:s11] =	ssyncadd.s32 $0xFFFFFC18  }
0x78: {  	_ =	swait.ge [sflag:s11], $0x3E8  }
0x79: {  	[sflag:s11] =	ssyncset.done $0x0  }
0x7a: {  	[sflag:s11] =	ssyncadd.s32 $0xFFFFFC18  }
0x7b: {  	_ =	swait.ge [sflag:s11], $0x3E8  }
0x7c: {  	[sflag:s11] =	ssyncset.done $0x0  }
0x7d: {  	[sflag:s11] =	ssyncadd.s32 $0xFFFFFC18  }
0x7e: {  	_ =	swait.ge [sflag:s11], $0x3E8  }
0x7f: {  	[sflag:s11] =	ssyncset.done $0x0  }
0x80: {  	[sflag:s11] =	ssyncadd.s32 $0xFFFFFC18  }
0x81: {  	_ =	swait.ge [sflag:s11], $0x3E8  }
0x82: {  	[sflag:s11] =	ssyncset.done $0x0  }
0x83: {  	[sflag:s11] =	ssyncadd.s32 $0xFFFFFC18  }
0x84: {  	_ =	swait.ge [sflag:s11], $0x3E8  }
0x85: {  	[sflag:s11] =	ssyncset.done $0x0  }
0x86: {  	[sflag:s11] =	ssyncadd.s32 $0xFFFFFC18  }
0x87: {  	_ =	swait.ge [sflag:s11], $0x3E8  }
0x88: {  	[sflag:s11] =	ssyncset.done $0x0  }
0x89: {  	s17 =	simm.s32 $0x40;
	s18 =	simm.s32 $0x240;
	[sflag:s11] =	ssyncadd.s32 $0xFFFFFC18  }
.LBB2_2:
0x8a: {  	p0 =	sne.s32 s18, $0xC7C0;
	[tilespmem:s17+$0xB120] =	vst v0;
	s19 =	smov.u32 s18;
	s18 =	sadd.s32 $0x140, s18  }
.Ltmp0:
0x8b: {  	[tilespmem:s17+$0xB110] =	vst v0;
	(pc) =	sbr.rel @p0 .LBB2_2-.Ltmp0, $4  }
0x8c: {  	[tilespmem:s17+$0xB100] =	vst v0  }
0x8d: {  	[tilespmem:s17+$0xB0E0] =	vst v0  }
0x8e: {  	[tilespmem:s17+$0xB0F0] =	vst v0  }
0x8f: {  	s17 =	sshra.s32 s19, $0x2  }
0x90: {  	[tilespmem:s17+$0xB120] =	vst v0  }
0x91: {  	[tilespmem:s17+$0xB110] =	vst v0  }
0x92: {  	[tilespmem:s17+$0xB100] =	vst v0  }
0x93: {  	[tilespmem:s17+$0xB0E0] =	vst v0  }
0x94: {  	[tilespmem:s17+$0xB0F0] =	vst v0;
	s18 =	simm.s32 $0x140;
	s17 =	simm.s32 $0x0  }
.LBB2_4:
0x95: {  	p0 =	sne.s32 s18, $0xC6C0;
	[tilespmem:s17+$0xE360] =	vst v0;
	s19 =	smov.u32 s18;
	s18 =	sadd.s32 $0x140, s18  }
.Ltmp1:
0x96: {  	[tilespmem:s17+$0xE350] =	vst v0;
	(pc) =	sbr.rel @p0 .LBB2_4-.Ltmp1, $4  }
0x97: {  	[tilespmem:s17+$0xE340] =	vst v0  }
0x98: {  	[tilespmem:s17+$0xE320] =	vst v0  }
0x99: {  	[tilespmem:s17+$0xE330] =	vst v0  }
0x9a: {  	s17 =	sshra.s32 s19, $0x2  }
0x9b: {  	[tilespmem:s17+$0xE360] =	vst v0  }
0x9c: {  	[tilespmem:s17+$0xE350] =	vst v0  }
0x9d: {  	[tilespmem:s17+$0xE340] =	vst v0  }
0x9e: {  	[tilespmem:s17+$0xE320] =	vst v0  }
0x9f: {  	[tilespmem:s17+$0xE330] =	vst v0  }
0xa0: {  	[spmem:s0] =	stream.linear.scatter [tilespmem:s12], [sflag:$0x4], $0x3200, $0x38;
	[tilespmem:$0x1DD20] =	vst v63  }
0xa1: {  	_ =	swait.ge [sflag:s10], $0x3200  }
0xa2: {  	[sflag:s10] =	ssyncset.done $0x0  }
0xa3: {  	[sflag:s10] =	ssyncadd.s32 $0xFFFFCE00  }
0xa4: {  	[spmem:s5] =	stream.linear.scatter [tilespmem:s12], [sflag:$0x4], $0x3200, $0x38;
	[tilespmem:$0x1DD20] =	vst v63  }
0xa5: {  	_ =	swait.ge [sflag:s10], $0x3200  }
0xa6: {  	[sflag:s10] =	ssyncset.done $0x0  }
0xa7: {  	[sflag:s10] =	ssyncadd.s32 $0xFFFFCE00  }
0xa8: {  	[spmem:s7] =	stream.linear.scatter [tilespmem:s12], [sflag:$0x4], $0x3200, $0x38;
	[tilespmem:$0x1DD20] =	vst v63  }
0xa9: {  	_ =	swait.ge [sflag:s10], $0x3200  }
0xaa: {  	[sflag:s10] =	ssyncset.done $0x0  }
0xab: {  	[sflag:s10] =	ssyncadd.s32 $0xFFFFCE00  }
0xac: {  	[spmem:s8] =	stream.linear.scatter [tilespmem:s12], [sflag:$0x4], $0x3200, $0x38;
	[tilespmem:$0x1DD20] =	vst v63  }
0xad: {  	_ =	swait.ge [sflag:s10], $0x3200  }
0xae: {  	[sflag:s10] =	ssyncset.done $0x0  }
0xaf: {  	[sflag:s10] =	ssyncadd.s32 $0xFFFFCE00  }
0xb0: {  	[bflag:$0x0] =	sbarrier.arrive $0xFFFF  }
0xb1: {  	v5 =	vld [tilespmem:$0x60E0]  }
0xb2: {  	v6 =	vld [tilespmem:$0x60F0]  }
0xb3: {  	s19 =	simm.s32 $0x0;
	s17 =	simm.s32 $0x4E20;
	v7 =	vld [tilespmem:$0x6100]  }
0xb4: {  	v8 =	vld [tilespmem:$0x6110];
	[tilespmem:s17], [sflag:$0x4] =	stream.linear.gather [hbm4b:s28+s19], $0x3C0, $0x38  }
0xb5: {  	_ =	swait.ge [sflag:s10], $0x3C0  }
0xb6: {  	[sflag:s10] =	ssyncset.done $0x0  }
0xb7: {  	s18 =	simm.s32 $0x51E0;
	[sflag:s10] =	ssyncadd.s32 $0xFFFFFC40  }
0xb8: {  	[tilespmem:s18], [sflag:$0x2] =	stream.linear.gather [hbm4b:s3+s19], $0x3C0, $0x38;
	[tilespmem:$0x1DD20] =	vst v63  }
0xb9: {  	s31 =	simm.s32 $0x6120;
	p0 =	por $0x0, $0x0  }
0xba: {  	[tilespmem:s31], [sflag:$0x1] =	stream.indirect.gather [hbm4b:s29+s13], $0x40, s17, s13, $0xb8;
	[tilespmem:$0x1DD20] =	vst v63  }
.LBB2_6:
0xbb: {  	s18 =	sadd.s32 $0x1, s19;
	p1 =	seq.s32 s19, $0x7C  }
0xbc: {  	s20 =	smul.u32 @!p1 $0xCD, s18;
	_ =	sdelay $0x1  }
0xbd: {  	s22 =	sshrl.u32 @!p1 s20, $0xA  }
0xbe: {  	s26 =	smul.u32 $0xCD, s19;
	s22 =	sand.u32 @!p1 $0x3F, s22  }
0xbf: {  	s22 =	smul.u32 @!p1 $0x5, s22  }
0xc0: {  	s24 =	simm.s32 @!p1 $0x2  }
0xc1: {  	s25 =	sand.u32 @!p1 $0x1, s18;
	s23 =	sadd.s32 $0x19A, s26;
	s22 =	ssub.s32 @!p1 s18, s22  }
0xc2: {  	_ =	swait.ge @!p1 [sflag:s24], $0x3C0;
	p2 =	seq.s32 @!p1 s25, $0x1;
	s22 =	sand.u32 @!p1 $0xFF, s22  }
0xc3: {  	s25 =	simm.s32 @!p1 $0xA0;
	s23 =	sshrl.u32 s23, $0xA;
	s22 =	smul.u32 @!p1 $0xF00, s22  }
0xc4: {  	[sflag:s24] =	ssyncset.done @!p1 $0x0;
	p2 =	por !p2, p1;
	s23 =	sand.u32 $0x3F, s23  }
0xc5: {  	[sflag:s24] =	ssyncadd.s32 @!p1 $0xFFFFFC40;
	s24 =	simm.s32 @!p1 $0x8920;
	s22 =	sshrl.u32 @!p1 s22, $0x2  }
0xc6: {  	s23 =	smul.u32 $0x5, s23;
	s24 =	simm.s32 @p2 $0x6120;
	s22 =	sadd.s32 @!p1 $0x4E20, s22  }
0xc7: {  	[tilespmem:s24], [sflag:$0x1] =	stream.indirect.gather @!p1 [hbm4b:s29+s25], $0x40, s22, s25, $0xb8;
	[tilespmem:$0x1DD20] =	vst v63  }
0xc8: {  	p2 =	sgt.u32 @!p1 s19, $0x7A;
	s22 =	sadd.s32 $0x2, s19  }
0xc9: {  	p1 =	por p1, p2;
	s23 =	ssub.s32 s22, s23  }
0xca: {  	s22 =	smul.u32 @!p1 $0x3C0, s22;
	s23 =	sand.u32 $0xFF, s23  }
0xcb: {  	s23 =	smul.u32 @!p1 $0xF00, s23  }
0xcc: {  	s30 =	smulhi.u32 $0xCCCCCCCD, s19;
	s22 =	sadd.s32 @!p1 s21, s22  }
0xcd: {  	s24 =	simm.s32 @!p1 $0x0;
	s22 =	sshrl.u32 @!p1 s22, $0x3;
	s23 =	sshrl.u32 @!p1 s23, $0x2  }
0xce: {  	p2 =	slt.u32 @!p1 s19, $0x2;
	s22 =	sadd.s32 @!p1 s6, s22;
	s23 =	sadd.s32 @!p1 $0x4E20, s23  }
0xcf: {  	v9 =	vmov s17;
	[tilespmem:s23], [sflag:$0x2] =	stream.linear.gather @!p1 [hbm4b:s22+s24], $0x3C0, $0x38;
	[tilespmem:$0x1DD20] =	vst v63  }
0xd0: {  	p1 =	por p1, !p2;
	s22 =	sshrl.u32 s30, $0x2  }
0xd1: {  	_ =	swait.ge @p1 [sflag:s15], $0x3200;
	s23 =	smul.u32 $0xFFFFB500, s22  }
0xd2: {  	[sflag:s15] =	ssyncset.done @p1 $0x0  }
0xd3: {  	[sflag:s15] =	ssyncadd.s32 @p1 $0xFFFFCE00;
	s22 =	sshra.s32 s23, $0x2  }
0xd4: {  	v10 =	vld.idx.msk [tilespmem:v9+s22+$0x0 ss:$0x1], $0xffff  }
0xd5: {  	v11 =	vld.idx.msk [tilespmem:v9+s22+$0xA0 ss:$0x1], $0xffff  }
0xd6: {  	v12 =	vld.idx.msk [tilespmem:v9+s22+$0x1E0 ss:$0x1], $0xffff  }
0xd7: {  	v13 =	vld.idx.msk [tilespmem:v9+s22+$0x140 ss:$0x1], $0xffff;
	_ =	sdelay $0x1  }
0xd8: {  	v14 =	vld.idx.msk [tilespmem:v9+s22+$0x280 ss:$0x1], $0xffff;
	_ =	sdelay $0x1  }
0xd9: {  	v15 =	vld.idx.msk [tilespmem:v9+s22+$0x320 ss:$0x1], $0xffff  }
0xda: {  	v13 =	vmul.f32 v13, v5;
	v12 =	vmul.f32 v12, v6;
	v10 =	vld.idx.msk [tilespmem:v10+s4+$0x0], $0xffff  }
0xdb: {  	v16 =	vld.idx.msk [tilespmem:v11+s9+$0x0], $0xffff  }
0xdc: {  	v11 =	vadd.f32 v12, v13;
	v12 =	vmul.f32 v14, v7;
	_ =	sdelay $0x1  }
0xdd: {  	v11 =	vadd.f32 v12, v11;
	v12 =	vmul.f32 v15, v8;
	_ =	sdelay $0x1  }
0xde: {  	v11 =	vadd.f32 v12, v11;
	v10 =	vadd.f32 v16, v10;
	_ =	sdelay $0x1  }
0xdf: {  	v10 =	vadd.f32 v10, v11;
	_ =	sdelay $0x1  }
0xe0: {  	v12 =	vmul.f32 $2.000000030e-01, v10;
	_ =	sdelay $0x1  }
0xe1: {  	v10 =	vmax.f32 v10, v12  }
0xe2: {  	s20 =	sshrl.u32 s26, $0xA;
	v10 =	vmul.f32 $1.442695020e+00, v10  }
0xe3: {  	s31 =	simm.s32 $0x0;
	s20 =	sand.u32 $0x3F, s20;
	s24 =	sand.u32 $0x1, s19  }
0xe4: {  	s20 =	smul.u32 $0x5, s20;
	v12 =	vmov s31;
	(erf) = vpow2.f32 v10;
	v10 =	vmov s24  }
0xe5: {  	v12 =	vmul.u32 $0x50, v12;
	v10 =	vmul.u32 $0x3200, v10  }
0xe6: {  	s30 =	ssub.s32 s19, s20  }
0xe7: {  	s19 =	sand.u32 $0xFF, s30;
	s22 =	simm.s32 $0x1;
	v12 =	vadd.s32 v10, v12  }
0xe8: {  	s19 =	smul.u32 $0xF00, s19;
	s22 =	simm.s32 @!p0 $0x0;
	v12 =	vbroadcast v12, $0x0  }
0xe9: {  	s26 =	smul.u32 $0xC800, s22  }
0xea: {  	s22 =	smul.u32 $0xA000, s22;
	v13 =	vadd.s32 v1, v12  }
0xeb: {  	s25 =	simm.s32 $0x10;
	v14 =	vadd.s32 v2, v12  }
0xec: {  	s19 =	sshrl.u32 s19, $0x2;
	s22 =	sshrl.u32 s22, $0x2;
	s31 =	sshrl.u32 s26, $0x2;
	v12 =	vadd.s32 v3, v12  }
0xed: {  	s19 =	sadd.s32 $0x4EC0, s19;
	s22 =	sadd.s32 $0x61A0, s22;
	s20 =	sadd.s32 $0xB1C0, s31;
	v15 =	vpop (erf)  }
.LBB2_7:
0xee: {  	p1 =	sne.s32 s25, $0x90  }
0xef: {  	[tilespmem:v13+s12+$0x0] =	vst.idx.msk $0xffff, v15;
	s23 =	sadd.s32 $0x40, s23;
	s26 =	smov.u32 s25;
	s25 =	sadd.s32 $0x10, s25  }
0xf0: {  	[tilespmem:v14+s12+$0x0] =	vst.idx.msk $0xffff, v11  }
0xf1: {  	s30 =	sshra.s32 s23, $0x2;
	[tilespmem:v12+s12+$0x0] =	vst.idx.msk $0xffff, v4  }
0xf2: {  	v11 =	vld.idx.msk [tilespmem:v9+s30+$0x1E0 ss:$0x1], $0xffff  }
0xf3: {  	v12 =	vld.idx.msk [tilespmem:v9+s30+$0x0 ss:$0x1], $0xffff  }
0xf4: {  	v13 =	vld.idx.msk [tilespmem:v9+s30+$0xA0 ss:$0x1], $0xffff  }
0xf5: {  	v14 =	vld.idx.msk [tilespmem:v9+s30+$0x140 ss:$0x1], $0xffff;
	_ =	sdelay $0x1  }
0xf6: {  	v15 =	vld.idx.msk [tilespmem:v9+s30+$0x280 ss:$0x1], $0xffff;
	_ =	sdelay $0x1  }
0xf7: {  	v16 =	vld.idx.msk [tilespmem:v9+s30+$0x320 ss:$0x1], $0xffff;
	_ =	sdelay $0x1  }
0xf8: {  	v11 =	vmul.f32 v11, v6;
	v14 =	vmul.f32 v14, v5;
	v12 =	vld.idx.msk [tilespmem:v12+s4+$0x0], $0xffff  }
0xf9: {  	v13 =	vld.idx.msk [tilespmem:v13+s9+$0x0], $0xffff  }
0xfa: {  	v11 =	vadd.f32 v11, v14;
	v14 =	vmul.f32 v15, v7;
	_ =	sdelay $0x1  }
0xfb: {  	v11 =	vadd.f32 v14, v11;
	v14 =	vmul.f32 v16, v8;
	_ =	sdelay $0x1  }
0xfc: {  	v11 =	vadd.f32 v14, v11  }
0xfd: {  	v12 =	vadd.f32 v13, v12;
	_ =	sdelay $0x1  }
0xfe: {  	v12 =	vadd.f32 v12, v11;
	_ =	sdelay $0x1  }
0xff: {  	v13 =	vmul.f32 $2.000000030e-01, v12;
	_ =	sdelay $0x1  }
0x100: {  	v12 =	vmax.f32 v12, v13  }
0x101: {  	v13 =	vmov s26;
	v12 =	vmul.f32 $1.442695020e+00, v12  }
0x102: {  	v13 =	vmul.u32 $0x50, v13  }
0x103: {  	(erf) = vpow2.f32 v12  }
0x104: {  	v12 =	vadd.s32 v10, v13  }
0x105: {  	v12 =	vbroadcast v12, $0x0;
	_ =	sdelay $0x1  }
0x106: {  	v13 =	vadd.s32 v1, v12  }
.Ltmp2:
0x107: {  	v14 =	vadd.s32 v2, v12;
	(pc) =	sbr.rel @p1 .LBB2_7-.Ltmp2, $2  }
0x108: {  	v12 =	vadd.s32 v3, v12;
	_ =	sdelay $0x2  }
0x109: {  	v15 =	vpop (erf)  }
0x10a: {  	s23 =	simm.s32 $0x0  }
0x10b: {  	s31 =	simm.s32 $0x3;
	v9 =	vmov s23  }
0x10c: {  	v17 =	vmov s31;
	v9 =	vmul.u32 $0x50, v9  }
0x10d: {  	v17 =	vmul.u32 $0x50, v17  }
0x10e: {  	s26 =	simm.s32 $0x1;
	[tilespmem:v13+s12+$0x0] =	vst.idx.msk $0xffff, v15;
	v9 =	vbroadcast v9, $0x0  }
0x10f: {  	v13 =	vor.u32 $0x40, v10;
	v16 =	vmov s26;
	[tilespmem:v14+s12+$0x0] =	vst.idx.msk $0xffff, v11;
	v11 =	vbroadcast v17, $0x0  }
0x110: {  	v16 =	vmul.u32 $0x50, v16;
	[tilespmem:v12+s12+$0x0] =	vst.idx.msk $0xffff, v4;
	v9 =	vadd.s32 v9, v13  }
0x111: {  	_ =	swait.ge [sflag:s14], $0x2800;
	v11 =	vadd.s32 v11, v13  }
0x112: {  	s25 =	simm.s32 $0x2;
	v10 =	vbroadcast v16, $0x0;
	[sflag:s14] =	ssyncset.done $0x0  }
0x113: {  	v12 =	vmov s25;
	[sflag:s14] =	ssyncadd.s32 $0xFFFFD800  }
0x114: {  	v12 =	vmul.u32 $0x50, v12;
	v10 =	vadd.s32 v10, v13;
	v17 =	vld [tilespmem:s22+$0xFFFFFFC0]  }
0x115: {  	v14 =	vld.idx.msk [tilespmem:v9+s12+$0x0], $0xffff  }
0x116: {  	v12 =	vbroadcast v12, $0x0;
	v16 =	vld.idx.msk [tilespmem:v11+s12+$0x0], $0xffff  }
0x117: {  	v11 =	vld [tilespmem:s22+$0x40]  }
0x118: {  	v9 =	vadd.s32 v12, v13;
	v12 =	vld [tilespmem:s22+$0xFFFFFF80]  }
0x119: {  	v15 =	vld.idx.msk [tilespmem:v10+s12+$0x0], $0xffff  }
0x11a: {  	s31 =	simm.s32 $0x5  }
0x11b: {  	v19 =	vmov s31  }
0x11c: {  	s25 =	simm.s32 $0x6;
	v19 =	vmul.u32 $0x50, v19;
	v11 =	vmul.f32 v11, v16  }
0x11d: {  	v20 =	vmov s25;
	v18 =	vld [tilespmem:s22+$0x0];
	v12 =	vmul.f32 v12, v14  }
0x11e: {  	v20 =	vmul.u32 $0x50, v20;
	v19 =	vbroadcast v19, $0x0;
	v10 =	vld.idx.msk [tilespmem:v9+s12+$0x0], $0xffff;
	v17 =	vmul.f32 v17, v15;
	[tilespmem:s20+$0x50] =	vst v11  }
0x11f: {  	s25 =	simm.s32 $0x7;
	[tilespmem:s20+$0xFFFFFF60] =	vst v12;
	v12 =	vld [tilespmem:s22+$0x50]  }
0x120: {  	v19 =	vadd.s32 v19, v13;
	v11 =	vbroadcast v20, $0x0;
	v20 =	vmov s25;
	[tilespmem:s20+$0xFFFFFFB0] =	vst v17;
	v21 =	vld [tilespmem:s22+$0xFFFFFF90]  }
0x121: {  	s26 =	simm.s32 $0x4;
	v17 =	vmul.u32 $0x50, v20;
	v20 =	vld [tilespmem:s22+$0xFFFFFFD0]  }
0x122: {  	s23 =	sadd.s32 $0x100, s22;
	v9 =	vmov s26  }
0x123: {  	v23 =	vld [tilespmem:s23+$0xFFFFFF80];
	v9 =	vmul.u32 $0x50, v9;
	v18 =	vmul.f32 v18, v10  }
0x124: {  	v24 =	vld [tilespmem:s23+$0xFFFFFFC0];
	v17 =	vbroadcast v17, $0x0;
	v22 =	vmul.f32 v12, v16  }
0x125: {  	v9 =	vbroadcast v9, $0x0;
	[tilespmem:s20+$0x0] =	vst v18;
	v12 =	vld.idx.msk [tilespmem:v19+s12+$0x0], $0xffff;
	v19 =	vmul.f32 v21, v14  }
0x126: {  	v17 =	vadd.s32 v17, v13;
	v18 =	vld [tilespmem:s22+$0x10];
	v20 =	vmul.f32 v20, v15;
	[tilespmem:s20+$0x60] =	vst v22  }
0x127: {  	v9 =	vadd.s32 v9, v13;
	[tilespmem:s20+$0xFFFFFF70] =	vst v19;
	v19 =	vld [tilespmem:s22+$0x60]  }
0x128: {  	[tilespmem:s20+$0xFFFFFFC0] =	vst v20;
	v22 =	vld [tilespmem:s23+$0x40]  }
0x129: {  	v11 =	vadd.s32 v11, v13;
	v20 =	vld [tilespmem:s22+$0xFFFFFFE0]  }
0x12a: {  	v21 =	vld [tilespmem:s22+$0xFFFFFFA0]  }
0x12b: {  	v17 =	vld.idx.msk [tilespmem:v17+s12+$0x0], $0xffff  }
0x12c: {  	s26 =	simm.s32 $0x8;
	v9 =	vld.idx.msk [tilespmem:v9+s12+$0x0], $0xffff;
	v19 =	vmul.f32 v19, v16  }
0x12d: {  	v28 =	vld [tilespmem:s23+$0x0];
	v25 =	vmov s26;
	v18 =	vmul.f32 v18, v10  }
0x12e: {  	s31 =	simm.s32 $0x9;
	s26 =	simm.s32 $0xA;
	v25 =	vmul.u32 $0x50, v25;
	v11 =	vld.idx.msk [tilespmem:v11+s12+$0x0], $0xffff;
	v20 =	vmul.f32 v20, v15;
	[tilespmem:s20+$0x70] =	vst v19  }
0x12f: {  	v26 =	vmov s26;
	[tilespmem:s20+$0x10] =	vst v18;
	v21 =	vmul.f32 v21, v14;
	v19 =	vmov s31;
	v18 =	vld [tilespmem:s22+$0x70]  }
0x130: {  	s24 =	smul.u32 $0xC800, s24;
	v25 =	vbroadcast v25, $0x0;
	v22 =	vmul.f32 v22, v17;
	[tilespmem:s20+$0xFFFFFFD0] =	vst v20;
	v27 =	vmul.u32 $0x50, v19;
	v19 =	vld [tilespmem:s22+$0x20]  }
0x131: {  	s25 =	sadd.s32 $0x140, s20;
	v29 =	vmul.u32 $0x50, v26;
	v30 =	vmul.f32 v23, v9;
	[tilespmem:s20+$0xFFFFFF80] =	vst v21;
	v20 =	vld [tilespmem:s22+$0xFFFFFFF0]  }
0x132: {  	s24 =	sshrl.u32 s24, $0x2;
	v24 =	vmul.f32 v24, v12;
	v23 =	vadd.s32 v25, v13;
	[tilespmem:s25+$0x50] =	vst v22;
	v21 =	vld [tilespmem:s22+$0xFFFFFFB0];
	v26 =	vbroadcast v27, $0x0  }
0x133: {  	s30 =	simm.s32 $0xB;
	s24 =	sadd.s32 $0xB120, s24;
	s26 =	simm.s32 $0xC;
	v25 =	vmul.f32 v28, v11;
	[tilespmem:s25+$0xFFFFFF60] =	vst v30;
	v22 =	vld [tilespmem:s23+$0x50];
	v27 =	vbroadcast v29, $0x0  }
.LBB2_9:
0x134: {  	p1 =	slt.u32 s26, $0x9C;
	v26 =	vadd.s32 v26, v13;
	v28 =	vmov s30;
	v29 =	vld [tilespmem:s23+$0xFFFFFF90];
	[tilespmem:s25+$0xFFFFFFB0] =	vst v24;
	v18 =	vmul.f32 v18, v16;
	v16 =	vmovc v17  }
0x135: {  	v17 =	vadd.s32 v27, v13;
	v24 =	vmul.u32 $0x50, v28;
	v27 =	vld [tilespmem:s23+$0xFFFFFFD0];
	[tilespmem:s25+$0x0] =	vst v25;
	v19 =	vmul.f32 v19, v10  }
0x136: {  	v25 =	vld [tilespmem:s23+$0x10];
	v20 =	vmul.f32 v20, v15;
	[tilespmem:s20+$0x80] =	vst v18;
	v15 =	vmov v12  }
0x137: {  	v18 =	vbroadcast v24, $0x0;
	v21 =	vmul.f32 v21, v14;
	[tilespmem:s20+$0x20] =	vst v19;
	v14 =	vmov v9;
	v9 =	vld.idx.msk [tilespmem:v23+s12+$0x0], $0xffff  }
0x138: {  	v19 =	vmul.f32 v22, v16;
	[tilespmem:s20+$0xFFFFFFE0] =	vst v20;
	v20 =	vld [tilespmem:s22+$0x30];
	s22 =	smov.u32 s23  }
0x139: {  	v12 =	vld.idx.msk [tilespmem:v26+s12+$0x0], $0xffff;
	v18 =	vadd.s32 v18, v13;
	v22 =	vmul.f32 v29, v14;
	[tilespmem:s20+$0xFFFFFF90] =	vst v21  }
0x13a: {  	v21 =	vld.idx.msk [tilespmem:v17+s12+$0x0], $0xffff;
	v17 =	vmul.f32 v27, v15;
	[tilespmem:s25+$0x60] =	vst v19  }
0x13b: {  	[tilespmem:s25+$0xFFFFFF70] =	vst v22;
	v19 =	vmul.f32 v25, v11;
	v22 =	vld [tilespmem:s23+$0x60]  }
0x13c: {  	v23 =	vld [tilespmem:s23+$0xFFFFFFA0];
	[tilespmem:s25+$0xFFFFFFC0] =	vst v17  }
0x13d: {  	v24 =	vld [tilespmem:s23+$0xFFFFFFE0];
	[tilespmem:s25+$0x10] =	vst v19;
	v19 =	vmul.f32 v20, v10;
	v10 =	vmov v11  }
0x13e: {  	s23 =	sadd.s32 $0x100, s23;
	v17 =	vld.idx.msk [tilespmem:v18+s12+$0x0], $0xffff  }
0x13f: {  	v20 =	vld [tilespmem:s23+$0x40];
	[tilespmem:s20+$0x30] =	vst v19;
	s20 =	smov.u32 s25  }
0x140: {  	v11 =	vmov v21;
	v25 =	vld [tilespmem:s23+$0xFFFFFF80];
	v18 =	vmul.f32 v22, v16  }
0x141: {  	v19 =	vmov s26;
	v21 =	vld [tilespmem:s23+$0xFFFFFFC0];
	v22 =	vmul.f32 v23, v14  }
0x142: {  	s30 =	sadd.s32 $0x1, s26;
	s31 =	sadd.s32 $0x2, s26;
	v19 =	vmul.u32 $0x50, v19;
	v28 =	vld [tilespmem:s23+$0x0];
	v23 =	vmul.f32 v24, v15;
	[tilespmem:s25+$0x70] =	vst v18  }
.Ltmp3:
0x143: {  	v26 =	vmov s31;
	v24 =	vmov s30;
	[tilespmem:s25+$0xFFFFFF80] =	vst v22;
	v18 =	vld [tilespmem:s22+$0x70];
	(pc) =	sbr.rel @p1 .LBB2_9-.Ltmp3, $4  }
0x144: {  	v22 =	vbroadcast v19, $0x0;
	v24 =	vmul.u32 $0x50, v24;
	v27 =	vmul.f32 v20, v17;
	[tilespmem:s25+$0xFFFFFFD0] =	vst v23;
	v19 =	vld [tilespmem:s22+$0x20]  }
0x145: {  	v29 =	vmul.u32 $0x50, v26;
	s25 =	sadd.s32 $0x140, s25;
	v25 =	vmul.f32 v25, v9;
	v20 =	vld [tilespmem:s22+$0xFFFFFFF0]  }
0x146: {  	v23 =	vadd.s32 v22, v13;
	v26 =	vbroadcast v24, $0x0;
	v24 =	vmul.f32 v21, v12;
	[tilespmem:s25+$0x50] =	vst v27;
	v21 =	vld [tilespmem:s22+$0xFFFFFFB0]  }
0x147: {  	s30 =	sadd.s32 $0x3, s26;
	s26 =	sadd.s32 $0x4, s26;
	v27 =	vbroadcast v29, $0x0;
	[tilespmem:s25+$0xFFFFFF60] =	vst v25;
	v25 =	vmul.f32 v28, v11;
	v22 =	vld [tilespmem:s23+$0x50]  }
0x148: {  	v28 =	vmov s30  }
0x149: {  	v28 =	vmul.u32 $0x50, v28;
	_ =	sdelay $0x1  }
0x14a: {  	v26 =	vadd.s32 v26, v13;
	v28 =	vbroadcast v28, $0x0  }
0x14b: {  	v23 =	vld.idx.msk [tilespmem:v23+s12+$0x0], $0xffff;
	s26 =	sadd.s32 $0x100, s23  }
0x14c: {  	v29 =	vld [tilespmem:s26+$0xFFFFFFC0];
	v63 =	vadd.s32 v28, v13  }
0x14d: {  	v27 =	vadd.s32 v27, v13;
	v30 =	vld [tilespmem:s26+$0xFFFFFF80]  }
0x14e: {  	v31 =	vld [tilespmem:s26+$0x0]  }
0x14f: {  	v26 =	vld.idx.msk [tilespmem:v26+s12+$0x0], $0xffff  }
0x150: {  	[tilespmem:s25+$0xFFFFFFB0] =	vst v24;
	v16 =	vmul.f32 v18, v16;
	v28 =	vld [tilespmem:s26+$0x40]  }
0x151: {  	[tilespmem:s25+$0x0] =	vst v25;
	v19 =	vmul.f32 v19, v10;
	v13 =	vld.idx.msk [tilespmem:v63+s12+$0x0], $0xffff  }
0x152: {  	v15 =	vmul.f32 v20, v15;
	[tilespmem:s20+$0x80] =	vst v16;
	v27 =	vld.idx.msk [tilespmem:v27+s12+$0x0], $0xffff  }
0x153: {  	v32 =	vld [tilespmem:s23+$0xFFFFFF90];
	[tilespmem:s20+$0x20] =	vst v19;
	v33 =	vmul.f32 v22, v17  }
0x154: {  	v34 =	vld [tilespmem:s23+$0xFFFFFFD0];
	[tilespmem:s20+$0xFFFFFFE0] =	vst v15;
	v16 =	vmul.f32 v30, v23  }
0x155: {  	s31 =	sadd.s32 $0x140, s25;
	v36 =	vld [tilespmem:s23+$0x10];
	[tilespmem:s25+$0x60] =	vst v33;
	v37 =	vmul.f32 v29, v26  }
0x156: {  	v38 =	vld [tilespmem:s22+$0x30];
	[tilespmem:s31+$0xFFFFFF60] =	vst v16;
	v35 =	vmul.f32 v28, v13  }
0x157: {  	v42 =	vld [tilespmem:s26+$0xFFFFFF90];
	v39 =	vmul.f32 v31, v27;
	[tilespmem:s31+$0xFFFFFFB0] =	vst v37  }
0x158: {  	v20 =	vmul.f32 v32, v9;
	v41 =	vld [tilespmem:s26+$0xFFFFFFD0];
	[tilespmem:s31+$0x50] =	vst v35  }
0x159: {  	v15 =	vmul.f32 v34, v12;
	[tilespmem:s31+$0x0] =	vst v39;
	v40 =	vld [tilespmem:s26+$0x50]  }
0x15a: {  	[tilespmem:s25+$0xFFFFFF70] =	vst v20;
	v43 =	vmul.f32 v36, v11;
	v44 =	vld [tilespmem:s26+$0x10]  }
0x15b: {  	v45 =	vld [tilespmem:s23+$0x60];
	[tilespmem:s25+$0xFFFFFFC0] =	vst v15;
	v10 =	vmul.f32 v38, v10  }
0x15c: {  	v14 =	vmul.f32 v21, v14;
	v47 =	vld [tilespmem:s23+$0xFFFFFFA0];
	[tilespmem:s25+$0x10] =	vst v43;
	v21 =	vmul.f32 v42, v23  }
0x15d: {  	v15 =	vld [tilespmem:s23+$0xFFFFFFE0];
	[tilespmem:s20+$0x30] =	vst v10;
	v10 =	vmul.f32 v41, v26  }
0x15e: {  	v48 =	vld [tilespmem:s23+$0x20];
	[tilespmem:s31+$0xFFFFFF70] =	vst v21;
	v46 =	vmul.f32 v40, v13  }
0x15f: {  	v49 =	vmul.f32 v44, v27;
	[tilespmem:s31+$0xFFFFFFC0] =	vst v10  }
0x160: {  	v10 =	vmul.f32 v45, v17;
	v51 =	vld [tilespmem:s26+$0xFFFFFFE0];
	[tilespmem:s31+$0x60] =	vst v46  }
0x161: {  	v52 =	vmul.f32 v47, v9;
	[tilespmem:s31+$0x10] =	vst v49;
	v50 =	vld [tilespmem:s26+$0x60]  }
0x162: {  	v15 =	vmul.f32 v15, v12;
	[tilespmem:s25+$0x70] =	vst v10;
	v10 =	vld [tilespmem:s26+$0x20]  }
0x163: {  	v54 =	vmul.f32 v48, v11;
	[tilespmem:s25+$0xFFFFFF80] =	vst v52;
	v21 =	vld [tilespmem:s26+$0xFFFFFFA0]  }
0x164: {  	[tilespmem:s25+$0xFFFFFFD0] =	vst v15;
	v57 =	vld [tilespmem:s23+$0xFFFFFFB0]  }
0x165: {  	v55 =	vld [tilespmem:s23+$0xFFFFFFF0];
	[tilespmem:s25+$0x20] =	vst v54;
	v58 =	vmul.f32 v51, v26  }
0x166: {  	[tilespmem:s20+$0xFFFFFF90] =	vst v14;
	v59 =	vld [tilespmem:s23+$0x30];
	v56 =	vmul.f32 v50, v13  }
0x167: {  	v53 =	vld [tilespmem:s23+$0x70];
	v10 =	vmul.f32 v10, v27;
	[tilespmem:s31+$0xFFFFFFD0] =	vst v58  }
0x168: {  	v21 =	vmul.f32 v21, v23;
	v61 =	vld [tilespmem:s26+$0xFFFFFFF0];
	[tilespmem:s31+$0x70] =	vst v56  }
0x169: {  	v9 =	vmul.f32 v57, v9;
	[tilespmem:s31+$0x20] =	vst v10;
	v16 =	vld [tilespmem:s26+$0x70]  }
0x16a: {  	v62 =	vmul.f32 v55, v12;
	[tilespmem:s31+$0xFFFFFF80] =	vst v21;
	v10 =	vld [tilespmem:s26+$0x30]  }
0x16b: {  	v11 =	vmul.f32 v59, v11;
	[tilespmem:s25+$0xFFFFFF90] =	vst v9;
	v63 =	vld [tilespmem:s26+$0xFFFFFFB0]  }
0x16c: {  	[tilespmem:s25+$0xFFFFFFE0] =	vst v62;
	v60 =	vmul.f32 v53, v17  }
0x16d: {  	[tilespmem:s25+$0x30] =	vst v11;
	v11 =	vmul.f32 v61, v26  }
0x16e: {  	[tilespmem:s25+$0x80] =	vst v60;
	v9 =	vmul.f32 v16, v13  }
0x16f: {  	p1 =	sne.s32 s18, $0x7D;
	v10 =	vmul.f32 v10, v27;
	[tilespmem:s31+$0xFFFFFFE0] =	vst v11  }
.Ltmp4:
0x170: {  	[tilespmem:s31+$0x80] =	vst v9;
	v9 =	vmul.f32 v63, v23;
	(pc) =	sbr.rel @p1 .LBB2_6-.Ltmp4, $4  }
0x171: {  	[tilespmem:s31+$0x30] =	vst v10  }
0x172: {  	[tilespmem:s31+$0xFFFFFF90] =	vst v9  }
0x173: {  	[spmem:s2] =	stream.indirect.scatter.add.f32 [tilespmem:s24], [sflag:$0x3], $0x50, s19, s13, $0xb8;
	[tilespmem:$0x1DD20] =	vst v63  }
0x174: {  	s17 =	sadd.s32 $0x3C0, s17;
	p0 =	por !p0, !p0;
	s19 =	smov.u32 s18  }
0x175: {  	_ =	swait.ge [sflag:s15], $0x3200  }
0x176: {  	[sflag:s15] =	ssyncset.done $0x0  }
0x177: {  	[sflag:s15] =	ssyncadd.s32 $0xFFFFCE00  }
0x178: {  	_ =	swait.ge [sflag:s15], $0x3200  }
0x179: {  	[sflag:s15] =	ssyncset.done $0x0  }
0x17a: {  	s17 =	stileid.u32;
	[sflag:s15] =	ssyncadd.s32 $0xFFFFCE00  }
0x17b: {  	s17 =	sshll.u32 s17, $0x6;
	[bflag:$0x0] =	sbarrier.arrive $0xFFFF  }
0x17c: {  	s17 =	sor.u32 $0x1C04, s17;
	s18 =	rddreg [dreg:$0x18]  }
0x17d: {  	[hbm:s18], [sflag:s17] =	dma.local [spmem:s1], $0x1900  }
0x17e: {  	_ =	swait.ge [sflag:s10], $0x1900  }
0x17f: {  	s16 =	sadd.s32 $0x1, s16;
	s31 =	rddreg [dreg:$0x19]  }
0x180: {  	p0 =	sne.s32 s16, s31  }
.Ltmp5:
0x181: {  	_ = 	snop;
	(pc) =	sbr.rel @p0 .LBB2_1-.Ltmp5, $3  }
0x182: {  	_ =	sdelay $0x1  }
0x183: {  	[sflag:s10] =	ssyncset.done $0x0  }
0x184: {  	[sflag:s10] =	ssyncadd.s32 $0xFFFFE700  }
0x185: {  	_ =	sfence.sel $0x180000  }
0x186: {  	[bflag:$0x0] =	sbarrier.arrive $0xFFFF  }
0x187: {  	_ =	strace $0x9000004D  }
0x188: {  	s0 =	stileid.u32;
	[bflag:$0x2] =	sbarrier.arrive $0xFFFF  }
0x189: {  	p0 =	sne.s32 s0, $0x0;
	s0 =	rddreg [dreg:$0x3]  }
0x18a: {  	s0 =	sadd.s32 @!p0 $0x100000, s0  }
0x18b: {  	[sflag:s0] =	ssyncadd.tile.s32 @!p0 $0x1;
	_ =	shalt  }
.Lfunc_end2:
_tile_overlayer_lowered:
.L_overlay_start_2:
0x18c: {  	(tag) =	ssettag $0x2  }
0x18d: {  	s0 =	rddreg [dreg:$0x0];
	s2 =	stileid.u32  }
0x18e: {  	s1 =	rddreg [dreg:$0x1];
	p0 =	sne.s32 s2, $0x0  }
0x18f: {  	s3 =	rddreg [dreg:$0x2];
	[bflag:$0x3] =	sbarrier.arrive $0xFFFF;
	s2 =	simm.s32 @!p0 $0x1C04  }
0x190: {  	[timem:s3], [sflag:s2] =	dma.local @!p0 [hbm:s0], s1  }
0x191: {  	s0 =	simm.s32 @!p0 $0x4  }
0x192: {  	_ =	swait.ge @!p0 [sflag:s0], s1  }
0x193: {  	s1 =	ssub.s32 @!p0 $0x0, s1;
	[sflag:s0] =	ssyncset.done @!p0 $0x0  }
0x194: {  	[sflag:s0] =	ssyncadd.s32 @!p0 s1  }
0x195: {  	[bflag:$0x3] =	sbarrier.arrive $0xFFFF  }
0x196: {  	_ =	shalt  }

</sc_bundles>
